<compile_context>
chip_gen: v7x
topology: tpu7x:2x2x1
jax: 0.10.2.dev20260603
libtpu: 0.0.44.dev20260713+nightly
codegen_flags: <defaults>
</compile_context>

<pallas_src>
import functools
import jax
import jax.numpy as jnp
from jax import lax
from jax.experimental import pallas as pl
from jax.experimental.pallas import tpu as pltpu
from jax.experimental.pallas import tpu_sc as plsc

_B = 16384
_D = 64
_NC = 2
_NS = 16
_NW = _NC * _NS
_BPW = _B // _NW
_C = 128
_NCHUNK = _BPW // _C
_L = 16
_NG = _C // _L


def _sc_body(feat_hbm, lab_hbm, cent_hbm, out_hbm,
             lab_v, rows_v, feat_v, acc_v, gsem, fsem):
    wid = lax.axis_index("s") * _NC + lax.axis_index("c")
    base = wid * _BPW

    pltpu.sync_copy(lab_hbm.at[wid], lab_v)

    lane = lax.iota(jnp.int32, _L)

    def fire(k):
        buf = k % 2
        fdesc = pltpu.async_copy(
            feat_hbm.at[pl.ds(base + k * _C, _C)], feat_v.at[buf], fsem)

        def issue_group(g, _):
            labs = lab_v[pl.ds(k * _C + g * _L, _L)]
            for j in range(_L):
                r = jnp.sum(jnp.where(lane == j, labs, 0))
                pltpu.async_copy(
                    cent_hbm.at[r], rows_v.at[buf, g * _L + j], gsem)
            return 0

        lax.fori_loop(0, _NG, issue_group, 0)
        return fdesc

    def drain(k, fdesc):
        buf = k % 2
        pltpu.make_async_copy(
            cent_hbm.at[pl.ds(0, _C)], rows_v.at[buf], gsem).wait()
        fdesc.wait()

    def accumulate(k, accs):
        buf = k % 2

        def row_body(r, accs):
            a = list(accs)
            for c in range(_D // _L):
                f = feat_v[buf, r, pl.ds(c * _L, _L)]
                ce = rows_v[buf, r, pl.ds(c * _L, _L)]
                df = f - ce
                a[c] = a[c] + df * df
            return tuple(a)

        return lax.fori_loop(0, _C, row_body, accs)

    zero = jnp.zeros((_L,), jnp.float32)
    accs = (zero, zero, zero, zero)

    with jax.named_scope("fire01"):
        fdescs = [fire(0), fire(1)]
    for k in range(_NCHUNK):
        with jax.named_scope(f"drain{k}"):
            drain(k, fdescs[k])
        with jax.named_scope(f"acc{k}"):
            accs = accumulate(k, accs)
        if k + 2 < _NCHUNK:
            with jax.named_scope(f"fire{k+2}"):
                fdescs.append(fire(k + 2))

    acc_v[...] = (accs[0] + accs[1] + accs[2] + accs[3]) * jnp.float32(
        1.0 / (_B * _D))
    pltpu.sync_copy(acc_v, out_hbm.at[wid])


@jax.jit
def _center_loss_sc(features, labels_r, centers):
    mesh = plsc.VectorSubcoreMesh(
        core_axis_name="c", subcore_axis_name="s",
        num_cores=_NC, num_subcores=_NS,
    )
    partials = pl.kernel(
        _sc_body,
        out_type=jax.ShapeDtypeStruct((_NW, _L), jnp.float32),
        mesh=mesh,
        scratch_types=[
            pltpu.VMEM((_BPW,), jnp.int32),
            pltpu.VMEM((2, _C, _D), jnp.float32),
            pltpu.VMEM((2, _C, _D), jnp.float32),
            pltpu.VMEM((_L,), jnp.float32),
            pltpu.SemaphoreType.DMA,
            pltpu.SemaphoreType.DMA,
        ],
        compiler_params=pltpu.CompilerParams(
            needs_layout_passes=False,
            disable_bounds_checks=True,
            disable_semaphore_checks=True,
            skip_device_barrier=True,
        ),
    )(features, labels_r, centers)
    return jnp.sum(partials)


def kernel(features, labels, centers):
    labels_r = labels.astype(jnp.int32).reshape(_NW, _BPW)
    return _center_loss_sc(features, labels_r, centers)

# --- scband reference (transcript-rebuilt; emitter-appended) ---
"""Pipeline reference for scband-center-loss-24842090840616 (READ-ONLY COPY).

The authoritative reference and input builder live on the scoring server;
editing this copy changes nothing except your own understanding.
"""

import jax, jax.numpy as jnp
import numpy as np

NUM_CLASSES = 1000000
FEATURE_DIM = 64
BATCH = 16384

def setup_inputs(seed: int = 0) -> dict:
    key = jax.random.key(seed)
    k1, k2, k3 = jax.random.split(key, 3)
    features = jax.random.normal(k1, (BATCH, FEATURE_DIM), dtype=jnp.float32)
    labels = jax.random.randint(k2, (BATCH,), 0, NUM_CLASSES, dtype=jnp.int64)
    centers = jax.random.normal(k3, (NUM_CLASSES, FEATURE_DIM), dtype=jnp.float32)
    return {"features": features, "labels": labels, "centers": centers}

def reference(features, labels, centers):
    # centers_batch = self.centers[labels]  (gather)
    centers_batch = jnp.take(centers, labels, axis=0)
    # F.mse_loss with default reduction='mean'
    loss = jnp.mean((features - centers_batch) ** 2)
    return loss

if __name__ == "__main__":
    import jax
    _d = setup_inputs()
    print(jax.jit(kernel)(*tuple(_d.values())))

</pallas_src>

<mosaic_0001>
#map = affine_map<(d0, d1) -> (0, 0)>
module attributes {stable_mosaic.version = 14 : i64} {
  func.func @_sc_body(%arg0: i32, %arg1: i32, %arg2: memref<16384x64xf32, #tpu.memory_space<hbm>>, %arg3: memref<32x512xi32, #tpu.memory_space<hbm>>, %arg4: memref<1000000x64xf32, #tpu.memory_space<hbm>>, %arg5: memref<32x16xf32, #tpu.memory_space<hbm>>, %arg6: memref<512xi32, #tpu.memory_space<vmem>>, %arg7: memref<2x128x64xf32, #tpu.memory_space<vmem>>, %arg8: memref<2x128x64xf32, #tpu.memory_space<vmem>>, %arg9: memref<16xf32, #tpu.memory_space<vmem>>, %arg10: memref<!tpu.dma_semaphore, #tpu.memory_space<semaphore_mem>>, %arg11: memref<!tpu.dma_semaphore, #tpu.memory_space<semaphore_mem>>) attributes {dimension_semantics = [#tpu.dimension_semantics<core_parallel>, #tpu.dimension_semantics<subcore_parallel>], iteration_bounds = array<i64: 2, 16>, scalar_prefetch = 0 : i64, scratch_operands = 6 : i64, tpu.core_type = #tpu.core_type<sc_vector_subcore>, window_params = [{transform_indices = #map}, {transform_indices = #map}, {transform_indices = #map}, {transform_indices = #map}]} {
    %mul3A = arith.constant 2 : i32
    %mul3A_0 = arith.muli %arg1, %mul3A : i32
    %add3A = arith.addi %mul3A_0, %arg0 : i32
    %mul3A_1 = arith.constant 512 : i32
    %mul3A_2 = arith.muli %add3A, %mul3A_1 : i32
    "tpu.region"() ({
      %run_scoped3A = tpu.sem_alloc : memref<!tpu.dma_semaphore, #tpu.memory_space<semaphore_mem>>
      %dma_start3A_232 = arith.constant 0 : i32
      %dma_start3A_233 = tpu.memref_slice %arg3[%add3A, %dma_start3A_232] : memref<32x512xi32, #tpu.memory_space<hbm>> -> memref<1x512xi32, #tpu.memory_space<hbm>>
      %dma_start3A_234 = tpu.memref_squeeze %dma_start3A_233 : memref<1x512xi32, #tpu.memory_space<hbm>> -> memref<512xi32, #tpu.memory_space<hbm>>
      %dma_start3A_235 = arith.constant 0 : i32
      %dma_start3A_236 = tpu.memref_slice %arg3[%add3A, %dma_start3A_235] : memref<32x512xi32, #tpu.memory_space<hbm>> -> memref<1x512xi32, #tpu.memory_space<hbm>>
      %dma_start3A_237 = tpu.memref_squeeze %dma_start3A_236 : memref<1x512xi32, #tpu.memory_space<hbm>> -> memref<512xi32, #tpu.memory_space<hbm>>
      tpu.enqueue_dma source(%dma_start3A_237 : memref<512xi32, #tpu.memory_space<hbm>>) target(%arg6 : memref<512xi32, #tpu.memory_space<vmem>>) target_semaphore(%run_scoped3A : memref<!tpu.dma_semaphore, #tpu.memory_space<semaphore_mem>>)
      %dma_wait3A_238 = arith.constant 0 : i32
      %dma_wait3A_239 = tpu.memref_slice %arg3[%add3A, %dma_wait3A_238] : memref<32x512xi32, #tpu.memory_space<hbm>> -> memref<1x512xi32, #tpu.memory_space<hbm>>
      %dma_wait3A_240 = tpu.memref_squeeze %dma_wait3A_239 : memref<1x512xi32, #tpu.memory_space<hbm>> -> memref<512xi32, #tpu.memory_space<hbm>>
      %dma_wait3A_241 = arith.constant 0 : i32
      %dma_wait3A_242 = tpu.memref_slice %arg3[%add3A, %dma_wait3A_241] : memref<32x512xi32, #tpu.memory_space<hbm>> -> memref<1x512xi32, #tpu.memory_space<hbm>>
      %dma_wait3A_243 = tpu.memref_squeeze %dma_wait3A_242 : memref<1x512xi32, #tpu.memory_space<hbm>> -> memref<512xi32, #tpu.memory_space<hbm>>
      tpu.wait_dma2 semaphore(%run_scoped3A : memref<!tpu.dma_semaphore, #tpu.memory_space<semaphore_mem>>) src(%dma_wait3A_243 : memref<512xi32, #tpu.memory_space<hbm>>) dst(%arg6 : memref<512xi32, #tpu.memory_space<vmem>>)
      tpu.yield
    }) : () -> ()
    %iota3A = tpu.iota {dimensions = array<i32: 0>} : vector<16xi32>
    %broadcast_in_dim3A = arith.constant 0.000000e+00 : f32
    %broadcast_in_dim3A_3 = vector.broadcast %broadcast_in_dim3A : f32 to vector<16xf32>
    "tpu.trace_start"() <{level = 10 : i32, message = "fire01"}> : () -> ()
    %add3A_4 = arith.constant 0 : i32
    %add3A_5 = arith.addi %mul3A_2, %add3A_4 : i32
    %dma_start3A = arith.constant 0 : i32
    %dma_start3A_6 = arith.constant 0 : i32
    %dma_start3A_7 = arith.constant 0 : i32
    %dma_start3A_8 = tpu.memref_slice %arg8[%dma_start3A, %dma_start3A_6, %dma_start3A_7] : memref<2x128x64xf32, #tpu.memory_space<vmem>> -> memref<1x128x64xf32, #tpu.memory_space<vmem>>
    %dma_start3A_9 = tpu.memref_squeeze %dma_start3A_8 : memref<1x128x64xf32, #tpu.memory_space<vmem>> -> memref<128x64xf32, #tpu.memory_space<vmem>>
    %dma_start3A_10 = arith.constant 0 : i32
    %dma_start3A_11 = tpu.memref_slice %arg2[%add3A_5, %dma_start3A_10] : memref<16384x64xf32, #tpu.memory_space<hbm>> -> memref<128x64xf32, #tpu.memory_space<hbm>>
    %dma_start3A_12 = arith.constant 0 : i32
    %dma_start3A_13 = arith.constant 0 : i32
    %dma_start3A_14 = tpu.memref_slice %arg8[%dma_start3A, %dma_start3A_12, %dma_start3A_13] : memref<2x128x64xf32, #tpu.memory_space<vmem>> -> memref<1x128x64xf32, #tpu.memory_space<vmem>>
    %dma_start3A_15 = tpu.memref_squeeze %dma_start3A_14 : memref<1x128x64xf32, #tpu.memory_space<vmem>> -> memref<128x64xf32, #tpu.memory_space<vmem>>
    %dma_start3A_16 = arith.constant 0 : i32
    %dma_start3A_17 = tpu.memref_slice %arg2[%add3A_5, %dma_start3A_16] : memref<16384x64xf32, #tpu.memory_space<hbm>> -> memref<128x64xf32, #tpu.memory_space<hbm>>
    tpu.enqueue_dma source(%dma_start3A_17 : memref<128x64xf32, #tpu.memory_space<hbm>>) target(%dma_start3A_15 : memref<128x64xf32, #tpu.memory_space<vmem>>) target_semaphore(%arg11 : memref<!tpu.dma_semaphore, #tpu.memory_space<semaphore_mem>>)
    %scan3A = arith.constant 0 : i32
    %scan3A_18 = arith.constant 0 : i32
    %scan3A_19 = arith.constant 8 : i32
    %scan3A_20 = arith.addi %scan3A_18, %scan3A_19 : i32
    %scan3A_21 = arith.constant 1 : i32
    %scan3A_22 = scf.for %scan3A_232 = %scan3A_18 to %scan3A_20 step %scan3A_21 iter_args(%scan3A_233 = %scan3A) -> (i32)  : i32 {
      %mul3A_234 = arith.constant 16 : i32
      %mul3A_235 = arith.muli %scan3A_232, %mul3A_234 : i32
      %add3A_236 = arith.constant 0 : i32
      %add3A_237 = arith.addi %add3A_236, %mul3A_235 : i32
      %get3A = arith.index_cast %add3A_237 : i32 to index
      %get3A_238 = tpu.vector_load %arg6[%get3A] {strides = array<i32>} : memref<512xi32, #tpu.memory_space<vmem>>, vector<16xi32>,
      %eq3A = arith.constant 0 : i32
      %eq3A_239 = vector.broadcast %eq3A : i32 to vector<16xi32>
      %eq3A_240 = arith.cmpi eq, %iota3A, %eq3A_239 : vector<16xi32>
      %jit3A = arith.constant 0 : i32
      %broadcast_in_dim3A_241 = vector.broadcast %jit3A : i32 to vector<16xi32>
      %select_n3A = arith.select %eq3A_240, %get3A_238, %broadcast_in_dim3A_241 : vector<16xi1>, vector<16xi32>
      %reduce_sum3A = arith.constant true
      %reduce_sum3A_242 = vector.broadcast %reduce_sum3A : i1 to vector<16xi1>
      %reduce_sum3A_243 = tpu.scan <sum>, %select_n3A masked %reduce_sum3A_242 : vector<16xi32>, vector<16xi1> -> vector<16xi32>
      %reduce_sum3A_244 = vector.extract %reduce_sum3A_243[15] : i32 from vector<16xi32>
      %mul3A_245 = arith.constant 16 : i32
      %mul3A_246 = arith.muli %scan3A_232, %mul3A_245 : i32
      %add3A_247 = arith.constant 0 : i32
      %add3A_248 = arith.addi %mul3A_246, %add3A_247 : i32
      %dma_start3A_249 = arith.constant 0 : i32
      %dma_start3A_250 = arith.constant 0 : i32
      %dma_start3A_251 = tpu.memref_slice %arg7[%dma_start3A_249, %add3A_248, %dma_start3A_250] : memref<2x128x64xf32, #tpu.memory_space<vmem>> -> memref<1x1x64xf32, #tpu.memory_space<vmem>>
      %dma_start3A_252 = tpu.memref_squeeze %dma_start3A_251 : memref<1x1x64xf32, #tpu.memory_space<vmem>> -> memref<64xf32, #tpu.memory_space<vmem>>
      %dma_start3A_253 = arith.constant 0 : i32
      %dma_start3A_254 = tpu.memref_slice %arg4[%reduce_sum3A_244, %dma_start3A_253] : memref<1000000x64xf32, #tpu.memory_space<hbm>> -> memref<1x64xf32, #tpu.memory_space<hbm>>
      %dma_start3A_255 = tpu.memref_squeeze %dma_start3A_254 : memref<1x64xf32, #tpu.memory_space<hbm>> -> memref<64xf32, #tpu.memory_space<hbm>>
      %dma_start3A_256 = arith.constant 0 : i32
      %dma_start3A_257 = tpu.memref_slice %arg7[%dma_start3A_249, %add3A_248, %dma_start3A_256] : memref<2x128x64xf32, #tpu.memory_space<vmem>> -> memref<1x1x64xf32, #tpu.memory_space<vmem>>
      %dma_start3A_258 = tpu.memref_squeeze %dma_start3A_257 : memref<1x1x64xf32, #tpu.memory_space<vmem>> -> memref<64xf32, #tpu.memory_space<vmem>>
      %dma_start3A_259 = arith.constant 0 : i32
      %dma_start3A_260 = tpu.memref_slice %arg4[%reduce_sum3A_244, %dma_start3A_259] : memref<1000000x64xf32, #tpu.memory_space<hbm>> -> memref<1x64xf32, #tpu.memory_space<hbm>>
      %dma_start3A_261 = tpu.memref_squeeze %dma_start3A_260 : memref<1x64xf32, #tpu.memory_space<hbm>> -> memref<64xf32, #tpu.memory_space<hbm>>
      tpu.enqueue_dma source(%dma_start3A_261 : memref<64xf32, #tpu.memory_space<hbm>>) target(%dma_start3A_258 : memref<64xf32, #tpu.memory_space<vmem>>) target_semaphore(%arg10 : memref<!tpu.dma_semaphore, #tpu.memory_space<semaphore_mem>>)
      %eq3A_262 = arith.constant 1 : i32
      %eq3A_263 = vector.broadcast %eq3A_262 : i32 to vector<16xi32>
      %eq3A_264 = arith.cmpi eq, %iota3A, %eq3A_263 : vector<16xi32>
      %jit3A_265 = arith.constant 0 : i32
      %broadcast_in_dim3A_266 = vector.broadcast %jit3A_265 : i32 to vector<16xi32>
      %select_n3A_267 = arith.select %eq3A_264, %get3A_238, %broadcast_in_dim3A_266 : vector<16xi1>, vector<16xi32>
      %reduce_sum3A_268 = arith.constant true
      %reduce_sum3A_269 = vector.broadcast %reduce_sum3A_268 : i1 to vector<16xi1>
      %reduce_sum3A_270 = tpu.scan <sum>, %select_n3A_267 masked %reduce_sum3A_269 : vector<16xi32>, vector<16xi1> -> vector<16xi32>
      %reduce_sum3A_271 = vector.extract %reduce_sum3A_270[15] : i32 from vector<16xi32>
      %mul3A_272 = arith.constant 16 : i32
      %mul3A_273 = arith.muli %scan3A_232, %mul3A_272 : i32
      %add3A_274 = arith.constant 1 : i32
      %add3A_275 = arith.addi %mul3A_273, %add3A_274 : i32
      %dma_start3A_276 = arith.constant 0 : i32
      %dma_start3A_277 = arith.constant 0 : i32
      %dma_start3A_278 = tpu.memref_slice %arg7[%dma_start3A_276, %add3A_275, %dma_start3A_277] : memref<2x128x64xf32, #tpu.memory_space<vmem>> -> memref<1x1x64xf32, #tpu.memory_space<vmem>>
      %dma_start3A_279 = tpu.memref_squeeze %dma_start3A_278 : memref<1x1x64xf32, #tpu.memory_space<vmem>> -> memref<64xf32, #tpu.memory_space<vmem>>
      %dma_start3A_280 = arith.constant 0 : i32
      %dma_start3A_281 = tpu.memref_slice %arg4[%reduce_sum3A_271, %dma_start3A_280] : memref<1000000x64xf32, #tpu.memory_space<hbm>> -> memref<1x64xf32, #tpu.memory_space<hbm>>
      %dma_start3A_282 = tpu.memref_squeeze %dma_start3A_281 : memref<1x64xf32, #tpu.memory_space<hbm>> -> memref<64xf32, #tpu.memory_space<hbm>>
      %dma_start3A_283 = arith.constant 0 : i32
      %dma_start3A_284 = tpu.memref_slice %arg7[%dma_start3A_276, %add3A_275, %dma_start3A_283] : memref<2x128x64xf32, #tpu.memory_space<vmem>> -> memref<1x1x64xf32, #tpu.memory_space<vmem>>
      %dma_start3A_285 = tpu.memref_squeeze %dma_start3A_284 : memref<1x1x64xf32, #tpu.memory_space<vmem>> -> memref<64xf32, #tpu.memory_space<vmem>>
      %dma_start3A_286 = arith.constant 0 : i32
      %dma_start3A_287 = tpu.memref_slice %arg4[%reduce_sum3A_271, %dma_start3A_286] : memref<1000000x64xf32, #tpu.memory_space<hbm>> -> memref<1x64xf32, #tpu.memory_space<hbm>>
      %dma_start3A_288 = tpu.memref_squeeze %dma_start3A_287 : memref<1x64xf32, #tpu.memory_space<hbm>> -> memref<64xf32, #tpu.memory_space<hbm>>
      tpu.enqueue_dma source(%dma_start3A_288 : memref<64xf32, #tpu.memory_space<hbm>>) target(%dma_start3A_285 : memref<64xf32, #tpu.memory_space<vmem>>) target_semaphore(%arg10 : memref<!tpu.dma_semaphore, #tpu.memory_space<semaphore_mem>>)
      %eq3A_289 = arith.constant 2 : i32
      %eq3A_290 = vector.broadcast %eq3A_289 : i32 to vector<16xi32>
      %eq3A_291 = arith.cmpi eq, %iota3A, %eq3A_290 : vector<16xi32>
      %jit3A_292 = arith.constant 0 : i32
      %broadcast_in_dim3A_293 = vector.broadcast %jit3A_292 : i32 to vector<16xi32>
      %select_n3A_294 = arith.select %eq3A_291, %get3A_238, %broadcast_in_dim3A_293 : vector<16xi1>, vector<16xi32>
      %reduce_sum3A_295 = arith.constant true
      %reduce_sum3A_296 = vector.broadcast %reduce_sum3A_295 : i1 to vector<16xi1>
      %reduce_sum3A_297 = tpu.scan <sum>, %select_n3A_294 masked %reduce_sum3A_296 : vector<16xi32>, vector<16xi1> -> vector<16xi32>
      %reduce_sum3A_298 = vector.extract %reduce_sum3A_297[15] : i32 from vector<16xi32>
      %mul3A_299 = arith.constant 16 : i32
      %mul3A_300 = arith.muli %scan3A_232, %mul3A_299 : i32
      %add3A_301 = arith.constant 2 : i32
      %add3A_302 = arith.addi %mul3A_300, %add3A_301 : i32
      %dma_start3A_303 = arith.constant 0 : i32
      %dma_start3A_304 = arith.constant 0 : i32
      %dma_start3A_305 = tpu.memref_slice %arg7[%dma_start3A_303, %add3A_302, %dma_start3A_304] : memref<2x128x64xf32, #tpu.memory_space<vmem>> -> memref<1x1x64xf32, #tpu.memory_space<vmem>>
      %dma_start3A_306 = tpu.memref_squeeze %dma_start3A_305 : memref<1x1x64xf32, #tpu.memory_space<vmem>> -> memref<64xf32, #tpu.memory_space<vmem>>
      %dma_start3A_307 = arith.constant 0 : i32
      %dma_start3A_308 = tpu.memref_slice %arg4[%reduce_sum3A_298, %dma_start3A_307] : memref<1000000x64xf32, #tpu.memory_space<hbm>> -> memref<1x64xf32, #tpu.memory_space<hbm>>
      %dma_start3A_309 = tpu.memref_squeeze %dma_start3A_308 : memref<1x64xf32, #tpu.memory_space<hbm>> -> memref<64xf32, #tpu.memory_space<hbm>>
      %dma_start3A_310 = arith.constant 0 : i32
      %dma_start3A_311 = tpu.memref_slice %arg7[%dma_start3A_303, %add3A_302, %dma_start3A_310] : memref<2x128x64xf32, #tpu.memory_space<vmem>> -> memref<1x1x64xf32, #tpu.memory_space<vmem>>
      %dma_start3A_312 = tpu.memref_squeeze %dma_start3A_311 : memref<1x1x64xf32, #tpu.memory_space<vmem>> -> memref<64xf32, #tpu.memory_space<vmem>>
      %dma_start3A_313 = arith.constant 0 : i32
      %dma_start3A_314 = tpu.memref_slice %arg4[%reduce_sum3A_298, %dma_start3A_313] : memref<1000000x64xf32, #tpu.memory_space<hbm>> -> memref<1x64xf32, #tpu.memory_space<hbm>>
      %dma_start3A_315 = tpu.memref_squeeze %dma_start3A_314 : memref<1x64xf32, #tpu.memory_space<hbm>> -> memref<64xf32, #tpu.memory_space<hbm>>
      tpu.enqueue_dma source(%dma_start3A_315 : memref<64xf32, #tpu.memory_space<hbm>>) target(%dma_start3A_312 : memref<64xf32, #tpu.memory_space<vmem>>) target_semaphore(%arg10 : memref<!tpu.dma_semaphore, #tpu.memory_space<semaphore_mem>>)
      %eq3A_316 = arith.constant 3 : i32
      %eq3A_317 = vector.broadcast %eq3A_316 : i32 to vector<16xi32>
      %eq3A_318 = arith.cmpi eq, %iota3A, %eq3A_317 : vector<16xi32>
      %jit3A_319 = arith.constant 0 : i32
      %broadcast_in_dim3A_320 = vector.broadcast %jit3A_319 : i32 to vector<16xi32>
      %select_n3A_321 = arith.select %eq3A_318, %get3A_238, %broadcast_in_dim3A_320 : vector<16xi1>, vector<16xi32>
      %reduce_sum3A_322 = arith.constant true
      %reduce_sum3A_323 = vector.broadcast %reduce_sum3A_322 : i1 to vector<16xi1>
      %reduce_sum3A_324 = tpu.scan <sum>, %select_n3A_321 masked %reduce_sum3A_323 : vector<16xi32>, vector<16xi1> -> vector<16xi32>
      %reduce_sum3A_325 = vector.extract %reduce_sum3A_324[15] : i32 from vector<16xi32>
      %mul3A_326 = arith.constant 16 : i32
      %mul3A_327 = arith.muli %scan3A_232, %mul3A_326 : i32
      %add3A_328 = arith.constant 3 : i32
      %add3A_329 = arith.addi %mul3A_327, %add3A_328 : i32
      %dma_start3A_330 = arith.constant 0 : i32
      %dma_start3A_331 = arith.constant 0 : i32
      %dma_start3A_332 = tpu.memref_slice %arg7[%dma_start3A_330, %add3A_329, %dma_start3A_331] : memref<2x128x64xf32, #tpu.memory_space<vmem>> -> memref<1x1x64xf32, #tpu.memory_space<vmem>>
      %dma_start3A_333 = tpu.memref_squeeze %dma_start3A_332 : memref<1x1x64xf32, #tpu.memory_space<vmem>> -> memref<64xf32, #tpu.memory_space<vmem>>
      %dma_start3A_334 = arith.constant 0 : i32
      %dma_start3A_335 = tpu.memref_slice %arg4[%reduce_sum3A_325, %dma_start3A_334] : memref<1000000x64xf32, #tpu.memory_space<hbm>> -> memref<1x64xf32, #tpu.memory_space<hbm>>
      %dma_start3A_336 = tpu.memref_squeeze %dma_start3A_335 : memref<1x64xf32, #tpu.memory_space<hbm>> -> memref<64xf32, #tpu.memory_space<hbm>>
      %dma_start3A_337 = arith.constant 0 : i32
      %dma_start3A_338 = tpu.memref_slice %arg7[%dma_start3A_330, %add3A_329, %dma_start3A_337] : memref<2x128x64xf32, #tpu.memory_space<vmem>> -> memref<1x1x64xf32, #tpu.memory_space<vmem>>
      %dma_start3A_339 = tpu.memref_squeeze %dma_start3A_338 : memref<1x1x64xf32, #tpu.memory_space<vmem>> -> memref<64xf32, #tpu.memory_space<vmem>>
      %dma_start3A_340 = arith.constant 0 : i32
      %dma_start3A_341 = tpu.memref_slice %arg4[%reduce_sum3A_325, %dma_start3A_340] : memref<1000000x64xf32, #tpu.memory_space<hbm>> -> memref<1x64xf32, #tpu.memory_space<hbm>>
      %dma_start3A_342 = tpu.memref_squeeze %dma_start3A_341 : memref<1x64xf32, #tpu.memory_space<hbm>> -> memref<64xf32, #tpu.memory_space<hbm>>
      tpu.enqueue_dma source(%dma_start3A_342 : memref<64xf32, #tpu.memory_space<hbm>>) target(%dma_start3A_339 : memref<64xf32, #tpu.memory_space<vmem>>) target_semaphore(%arg10 : memref<!tpu.dma_semaphore, #tpu.memory_space<semaphore_mem>>)
      %eq3A_343 = arith.constant 4 : i32
      %eq3A_344 = vector.broadcast %eq3A_343 : i32 to vector<16xi32>
      %eq3A_345 = arith.cmpi eq, %iota3A, %eq3A_344 : vector<16xi32>
      %jit3A_346 = arith.constant 0 : i32
      %broadcast_in_dim3A_347 = vector.broadcast %jit3A_346 : i32 to vector<16xi32>
      %select_n3A_348 = arith.select %eq3A_345, %get3A_238, %broadcast_in_dim3A_347 : vector<16xi1>, vector<16xi32>
      %reduce_sum3A_349 = arith.constant true
      %reduce_sum3A_350 = vector.broadcast %reduce_sum3A_349 : i1 to vector<16xi1>
      %reduce_sum3A_351 = tpu.scan <sum>, %select_n3A_348 masked %reduce_sum3A_350 : vector<16xi32>, vector<16xi1> -> vector<16xi32>
      %reduce_sum3A_352 = vector.extract %reduce_sum3A_351[15] : i32 from vector<16xi32>
      %mul3A_353 = arith.constant 16 : i32
      %mul3A_354 = arith.muli %scan3A_232, %mul3A_353 : i32
      %add3A_355 = arith.constant 4 : i32
      %add3A_356 = arith.addi %mul3A_354, %add3A_355 : i32
      %dma_start3A_357 = arith.constant 0 : i32
      %dma_start3A_358 = arith.constant 0 : i32
      %dma_start3A_359 = tpu.memref_slice %arg7[%dma_start3A_357, %add3A_356, %dma_start3A_358] : memref<2x128x64xf32, #tpu.memory_space<vmem>> -> memref<1x1x64xf32, #tpu.memory_space<vmem>>
      %dma_start3A_360 = tpu.memref_squeeze %dma_start3A_359 : memref<1x1x64xf32, #tpu.memory_space<vmem>> -> memref<64xf32, #tpu.memory_space<vmem>>
      %dma_start3A_361 = arith.constant 0 : i32
      %dma_start3A_362 = tpu.memref_slice %arg4[%reduce_sum3A_352, %dma_start3A_361] : memref<1000000x64xf32, #tpu.memory_space<hbm>> -> memref<1x64xf32, #tpu.memory_space<hbm>>
      %dma_start3A_363 = tpu.memref_squeeze %dma_start3A_362 : memref<1x64xf32, #tpu.memory_space<hbm>> -> memref<64xf32, #tpu.memory_space<hbm>>
      %dma_start3A_364 = arith.constant 0 : i32
      %dma_start3A_365 = tpu.memref_slice %arg7[%dma_start3A_357, %add3A_356, %dma_start3A_364] : memref<2x128x64xf32, #tpu.memory_space<vmem>> -> memref<1x1x64xf32, #tpu.memory_space<vmem>>
      %dma_start3A_366 = tpu.memref_squeeze %dma_start3A_365 : memref<1x1x64xf32, #tpu.memory_space<vmem>> -> memref<64xf32, #tpu.memory_space<vmem>>
      %dma_start3A_367 = arith.constant 0 : i32
      %dma_start3A_368 = tpu.memref_slice %arg4[%reduce_sum3A_352, %dma_start3A_367] : memref<1000000x64xf32, #tpu.memory_space<hbm>> -> memref<1x64xf32, #tpu.memory_space<hbm>>
      %dma_start3A_369 = tpu.memref_squeeze %dma_start3A_368 : memref<1x64xf32, #tpu.memory_space<hbm>> -> memref<64xf32, #tpu.memory_space<hbm>>
      tpu.enqueue_dma source(%dma_start3A_369 : memref<64xf32, #tpu.memory_space<hbm>>) target(%dma_start3A_366 : memref<64xf32, #tpu.memory_space<vmem>>) target_semaphore(%arg10 : memref<!tpu.dma_semaphore, #tpu.memory_space<semaphore_mem>>)
      %eq3A_370 = arith.constant 5 : i32
      %eq3A_371 = vector.broadcast %eq3A_370 : i32 to vector<16xi32>
      %eq3A_372 = arith.cmpi eq, %iota3A, %eq3A_371 : vector<16xi32>
      %jit3A_373 = arith.constant 0 : i32
      %broadcast_in_dim3A_374 = vector.broadcast %jit3A_373 : i32 to vector<16xi32>
      %select_n3A_375 = arith.select %eq3A_372, %get3A_238, %broadcast_in_dim3A_374 : vector<16xi1>, vector<16xi32>
      %reduce_sum3A_376 = arith.constant true
      %reduce_sum3A_377 = vector.broadcast %reduce_sum3A_376 : i1 to vector<16xi1>
      %reduce_sum3A_378 = tpu.scan <sum>, %select_n3A_375 masked %reduce_sum3A_377 : vector<16xi32>, vector<16xi1> -> vector<16xi32>
      %reduce_sum3A_379 = vector.extract %reduce_sum3A_378[15] : i32 from vector<16xi32>
      %mul3A_380 = arith.constant 16 : i32
      %mul3A_381 = arith.muli %scan3A_232, %mul3A_380 : i32
      %add3A_382 = arith.constant 5 : i32
      %add3A_383 = arith.addi %mul3A_381, %add3A_382 : i32
      %dma_start3A_384 = arith.constant 0 : i32
      %dma_start3A_385 = arith.constant 0 : i32
      %dma_start3A_386 = tpu.memref_slice %arg7[%dma_start3A_384, %add3A_383, %dma_start3A_385] : memref<2x128x64xf32, #tpu.memory_space<vmem>> -> memref<1x1x64xf32, #tpu.memory_space<vmem>>
      %dma_start3A_387 = tpu.memref_squeeze %dma_start3A_386 : memref<1x1x64xf32, #tpu.memory_space<vmem>> -> memref<64xf32, #tpu.memory_space<vmem>>
      %dma_start3A_388 = arith.constant 0 : i32
      %dma_start3A_389 = tpu.memref_slice %arg4[%reduce_sum3A_379, %dma_start3A_388] : memref<1000000x64xf32, #tpu.memory_space<hbm>> -> memref<1x64xf32, #tpu.memory_space<hbm>>
      %dma_start3A_390 = tpu.memref_squeeze %dma_start3A_389 : memref<1x64xf32, #tpu.memory_space<hbm>> -> memref<64xf32, #tpu.memory_space<hbm>>
      %dma_start3A_391 = arith.constant 0 : i32
      %dma_start3A_392 = tpu.memref_slice %arg7[%dma_start3A_384, %add3A_383, %dma_start3A_391] : memref<2x128x64xf32, #tpu.memory_space<vmem>> -> memref<1x1x64xf32, #tpu.memory_space<vmem>>
      %dma_start3A_393 = tpu.memref_squeeze %dma_start3A_392 : memref<1x1x64xf32, #tpu.memory_space<vmem>> -> memref<64xf32, #tpu.memory_space<vmem>>
      %dma_start3A_394 = arith.constant 0 : i32
      %dma_start3A_395 = tpu.memref_slice %arg4[%reduce_sum3A_379, %dma_start3A_394] : memref<1000000x64xf32, #tpu.memory_space<hbm>> -> memref<1x64xf32, #tpu.memory_space<hbm>>
      %dma_start3A_396 = tpu.memref_squeeze %dma_start3A_395 : memref<1x64xf32, #tpu.memory_space<hbm>> -> memref<64xf32, #tpu.memory_space<hbm>>
      tpu.enqueue_dma source(%dma_start3A_396 : memref<64xf32, #tpu.memory_space<hbm>>) target(%dma_start3A_393 : memref<64xf32, #tpu.memory_space<vmem>>) target_semaphore(%arg10 : memref<!tpu.dma_semaphore, #tpu.memory_space<semaphore_mem>>)
      %eq3A_397 = arith.constant 6 : i32
      %eq3A_398 = vector.broadcast %eq3A_397 : i32 to vector<16xi32>
      %eq3A_399 = arith.cmpi eq, %iota3A, %eq3A_398 : vector<16xi32>
      %jit3A_400 = arith.constant 0 : i32
      %broadcast_in_dim3A_401 = vector.broadcast %jit3A_400 : i32 to vector<16xi32>
      %select_n3A_402 = arith.select %eq3A_399, %get3A_238, %broadcast_in_dim3A_401 : vector<16xi1>, vector<16xi32>
      %reduce_sum3A_403 = arith.constant true
      %reduce_sum3A_404 = vector.broadcast %reduce_sum3A_403 : i1 to vector<16xi1>
      %reduce_sum3A_405 = tpu.scan <sum>, %select_n3A_402 masked %reduce_sum3A_404 : vector<16xi32>, vector<16xi1> -> vector<16xi32>
      %reduce_sum3A_406 = vector.extract %reduce_sum3A_405[15] : i32 from vector<16xi32>
      %mul3A_407 = arith.constant 16 : i32
      %mul3A_408 = arith.muli %scan3A_232, %mul3A_407 : i32
      %add3A_409 = arith.constant 6 : i32
      %add3A_410 = arith.addi %mul3A_408, %add3A_409 : i32
      %dma_start3A_411 = arith.constant 0 : i32
      %dma_start3A_412 = arith.constant 0 : i32
      %dma_start3A_413 = tpu.memref_slice %arg7[%dma_start3A_411, %add3A_410, %dma_start3A_412] : memref<2x128x64xf32, #tpu.memory_space<vmem>> -> memref<1x1x64xf32, #tpu.memory_space<vmem>>
      %dma_start3A_414 = tpu.memref_squeeze %dma_start3A_413 : memref<1x1x64xf32, #tpu.memory_space<vmem>> -> memref<64xf32, #tpu.memory_space<vmem>>
      %dma_start3A_415 = arith.constant 0 : i32
      %dma_start3A_416 = tpu.memref_slice %arg4[%reduce_sum3A_406, %dma_start3A_415] : memref<1000000x64xf32, #tpu.memory_space<hbm>> -> memref<1x64xf32, #tpu.memory_space<hbm>>
      %dma_start3A_417 = tpu.memref_squeeze %dma_start3A_416 : memref<1x64xf32, #tpu.memory_space<hbm>> -> memref<64xf32, #tpu.memory_space<hbm>>
      %dma_start3A_418 = arith.constant 0 : i32
      %dma_start3A_419 = tpu.memref_slice %arg7[%dma_start3A_411, %add3A_410, %dma_start3A_418] : memref<2x128x64xf32, #tpu.memory_space<vmem>> -> memref<1x1x64xf32, #tpu.memory_space<vmem>>
      %dma_start3A_420 = tpu.memref_squeeze %dma_start3A_419 : memref<1x1x64xf32, #tpu.memory_space<vmem>> -> memref<64xf32, #tpu.memory_space<vmem>>
      %dma_start3A_421 = arith.constant 0 : i32
      %dma_start3A_422 = tpu.memref_slice %arg4[%reduce_sum3A_406, %dma_start3A_421] : memref<1000000x64xf32, #tpu.memory_space<hbm>> -> memref<1x64xf32, #tpu.memory_space<hbm>>
      %dma_start3A_423 = tpu.memref_squeeze %dma_start3A_422 : memref<1x64xf32, #tpu.memory_space<hbm>> -> memref<64xf32, #tpu.memory_space<hbm>>
      tpu.enqueue_dma source(%dma_start3A_423 : memref<64xf32, #tpu.memory_space<hbm>>) target(%dma_start3A_420 : memref<64xf32, #tpu.memory_space<vmem>>) target_semaphore(%arg10 : memref<!tpu.dma_semaphore, #tpu.memory_space<semaphore_mem>>)
      %eq3A_424 = arith.constant 7 : i32
      %eq3A_425 = vector.broadcast %eq3A_424 : i32 to vector<16xi32>
      %eq3A_426 = arith.cmpi eq, %iota3A, %eq3A_425 : vector<16xi32>
      %jit3A_427 = arith.constant 0 : i32
      %broadcast_in_dim3A_428 = vector.broadcast %jit3A_427 : i32 to vector<16xi32>
      %select_n3A_429 = arith.select %eq3A_426, %get3A_238, %broadcast_in_dim3A_428 : vector<16xi1>, vector<16xi32>
      %reduce_sum3A_430 = arith.constant true
      %reduce_sum3A_431 = vector.broadcast %reduce_sum3A_430 : i1 to vector<16xi1>
      %reduce_sum3A_432 = tpu.scan <sum>, %select_n3A_429 masked %reduce_sum3A_431 : vector<16xi32>, vector<16xi1> -> vector<16xi32>
      %reduce_sum3A_433 = vector.extract %reduce_sum3A_432[15] : i32 from vector<16xi32>
      %mul3A_434 = arith.constant 16 : i32
      %mul3A_435 = arith.muli %scan3A_232, %mul3A_434 : i32
      %add3A_436 = arith.constant 7 : i32
      %add3A_437 = arith.addi %mul3A_435, %add3A_436 : i32
      %dma_start3A_438 = arith.constant 0 : i32
      %dma_start3A_439 = arith.constant 0 : i32
      %dma_start3A_440 = tpu.memref_slice %arg7[%dma_start3A_438, %add3A_437, %dma_start3A_439] : memref<2x128x64xf32, #tpu.memory_space<vmem>> -> memref<1x1x64xf32, #tpu.memory_space<vmem>>
      %dma_start3A_441 = tpu.memref_squeeze %dma_start3A_440 : memref<1x1x64xf32, #tpu.memory_space<vmem>> -> memref<64xf32, #tpu.memory_space<vmem>>
      %dma_start3A_442 = arith.constant 0 : i32
      %dma_start3A_443 = tpu.memref_slice %arg4[%reduce_sum3A_433, %dma_start3A_442] : memref<1000000x64xf32, #tpu.memory_space<hbm>> -> memref<1x64xf32, #tpu.memory_space<hbm>>
      %dma_start3A_444 = tpu.memref_squeeze %dma_start3A_443 : memref<1x64xf32, #tpu.memory_space<hbm>> -> memref<64xf32, #tpu.memory_space<hbm>>
      %dma_start3A_445 = arith.constant 0 : i32
      %dma_start3A_446 = tpu.memref_slice %arg7[%dma_start3A_438, %add3A_437, %dma_start3A_445] : memref<2x128x64xf32, #tpu.memory_space<vmem>> -> memref<1x1x64xf32, #tpu.memory_space<vmem>>
      %dma_start3A_447 = tpu.memref_squeeze %dma_start3A_446 : memref<1x1x64xf32, #tpu.memory_space<vmem>> -> memref<64xf32, #tpu.memory_space<vmem>>
      %dma_start3A_448 = arith.constant 0 : i32
      %dma_start3A_449 = tpu.memref_slice %arg4[%reduce_sum3A_433, %dma_start3A_448] : memref<1000000x64xf32, #tpu.memory_space<hbm>> -> memref<1x64xf32, #tpu.memory_space<hbm>>
      %dma_start3A_450 = tpu.memref_squeeze %dma_start3A_449 : memref<1x64xf32, #tpu.memory_space<hbm>> -> memref<64xf32, #tpu.memory_space<hbm>>
      tpu.enqueue_dma source(%dma_start3A_450 : memref<64xf32, #tpu.memory_space<hbm>>) target(%dma_start3A_447 : memref<64xf32, #tpu.memory_space<vmem>>) target_semaphore(%arg10 : memref<!tpu.dma_semaphore, #tpu.memory_space<semaphore_mem>>)
      %eq3A_451 = arith.constant 8 : i32
      %eq3A_452 = vector.broadcast %eq3A_451 : i32 to vector<16xi32>
      %eq3A_453 = arith.cmpi eq, %iota3A, %eq3A_452 : vector<16xi32>
      %jit3A_454 = arith.constant 0 : i32
      %broadcast_in_dim3A_455 = vector.broadcast %jit3A_454 : i32 to vector<16xi32>
      %select_n3A_456 = arith.select %eq3A_453, %get3A_238, %broadcast_in_dim3A_455 : vector<16xi1>, vector<16xi32>
      %reduce_sum3A_457 = arith.constant true
      %reduce_sum3A_458 = vector.broadcast %reduce_sum3A_457 : i1 to vector<16xi1>
      %reduce_sum3A_459 = tpu.scan <sum>, %select_n3A_456 masked %reduce_sum3A_458 : vector<16xi32>, vector<16xi1> -> vector<16xi32>
      %reduce_sum3A_460 = vector.extract %reduce_sum3A_459[15] : i32 from vector<16xi32>
      %mul3A_461 = arith.constant 16 : i32
      %mul3A_462 = arith.muli %scan3A_232, %mul3A_461 : i32
      %add3A_463 = arith.constant 8 : i32
      %add3A_464 = arith.addi %mul3A_462, %add3A_463 : i32
      %dma_start3A_465 = arith.constant 0 : i32
      %dma_start3A_466 = arith.constant 0 : i32
      %dma_start3A_467 = tpu.memref_slice %arg7[%dma_start3A_465, %add3A_464, %dma_start3A_466] : memref<2x128x64xf32, #tpu.memory_space<vmem>> -> memref<1x1x64xf32, #tpu.memory_space<vmem>>
      %dma_start3A_468 = tpu.memref_squeeze %dma_start3A_467 : memref<1x1x64xf32, #tpu.memory_space<vmem>> -> memref<64xf32, #tpu.memory_space<vmem>>
      %dma_start3A_469 = arith.constant 0 : i32
      %dma_start3A_470 = tpu.memref_slice %arg4[%reduce_sum3A_460, %dma_start3A_469] : memref<1000000x64xf32, #tpu.memory_space<hbm>> -> memref<1x64xf32, #tpu.memory_space<hbm>>
      %dma_start3A_471 = tpu.memref_squeeze %dma_start3A_470 : memref<1x64xf32, #tpu.memory_space<hbm>> -> memref<64xf32, #tpu.memory_space<hbm>>
      %dma_start3A_472 = arith.constant 0 : i32
      %dma_start3A_473 = tpu.memref_slice %arg7[%dma_start3A_465, %add3A_464, %dma_start3A_472] : memref<2x128x64xf32, #tpu.memory_space<vmem>> -> memref<1x1x64xf32, #tpu.memory_space<vmem>>
      %dma_start3A_474 = tpu.memref_squeeze %dma_start3A_473 : memref<1x1x64xf32, #tpu.memory_space<vmem>> -> memref<64xf32, #tpu.memory_space<vmem>>
      %dma_start3A_475 = arith.constant 0 : i32
      %dma_start3A_476 = tpu.memref_slice %arg4[%reduce_sum3A_460, %dma_start3A_475] : memref<1000000x64xf32, #tpu.memory_space<hbm>> -> memref<1x64xf32, #tpu.memory_space<hbm>>
      %dma_start3A_477 = tpu.memref_squeeze %dma_start3A_476 : memref<1x64xf32, #tpu.memory_space<hbm>> -> memref<64xf32, #tpu.memory_space<hbm>>
      tpu.enqueue_dma source(%dma_start3A_477 : memref<64xf32, #tpu.memory_space<hbm>>) target(%dma_start3A_474 : memref<64xf32, #tpu.memory_space<vmem>>) target_semaphore(%arg10 : memref<!tpu.dma_semaphore, #tpu.memory_space<semaphore_mem>>)
      %eq3A_478 = arith.constant 9 : i32
      %eq3A_479 = vector.broadcast %eq3A_478 : i32 to vector<16xi32>
      %eq3A_480 = arith.cmpi eq, %iota3A, %eq3A_479 : vector<16xi32>
      %jit3A_481 = arith.constant 0 : i32
      %broadcast_in_dim3A_482 = vector.broadcast %jit3A_481 : i32 to vector<16xi32>
      %select_n3A_483 = arith.select %eq3A_480, %get3A_238, %broadcast_in_dim3A_482 : vector<16xi1>, vector<16xi32>
      %reduce_sum3A_484 = arith.constant true
      %reduce_sum3A_485 = vector.broadcast %reduce_sum3A_484 : i1 to vector<16xi1>
      %reduce_sum3A_486 = tpu.scan <sum>, %select_n3A_483 masked %reduce_sum3A_485 : vector<16xi32>, vector<16xi1> -> vector<16xi32>
      %reduce_sum3A_487 = vector.extract %reduce_sum3A_486[15] : i32 from vector<16xi32>
      %mul3A_488 = arith.constant 16 : i32
      %mul3A_489 = arith.muli %scan3A_232, %mul3A_488 : i32
      %add3A_490 = arith.constant 9 : i32
      %add3A_491 = arith.addi %mul3A_489, %add3A_490 : i32
      %dma_start3A_492 = arith.constant 0 : i32
      %dma_start3A_493 = arith.constant 0 : i32
      %dma_start3A_494 = tpu.memref_slice %arg7[%dma_start3A_492, %add3A_491, %dma_start3A_493] : memref<2x128x64xf32, #tpu.memory_space<vmem>> -> memref<1x1x64xf32, #tpu.memory_space<vmem>>
      %dma_start3A_495 = tpu.memref_squeeze %dma_start3A_494 : memref<1x1x64xf32, #tpu.memory_space<vmem>> -> memref<64xf32, #tpu.memory_space<vmem>>
      %dma_start3A_496 = arith.constant 0 : i32
      %dma_start3A_497 = tpu.memref_slice %arg4[%reduce_sum3A_487, %dma_start3A_496] : memref<1000000x64xf32, #tpu.memory_space<hbm>> -> memref<1x64xf32, #tpu.memory_space<hbm>>
      %dma_start3A_498 = tpu.memref_squeeze %dma_start3A_497 : memref<1x64xf32, #tpu.memory_space<hbm>> -> memref<64xf32, #tpu.memory_space<hbm>>
      %dma_start3A_499 = arith.constant 0 : i32
      %dma_start3A_500 = tpu.memref_slice %arg7[%dma_start3A_492, %add3A_491, %dma_start3A_499] : memref<2x128x64xf32, #tpu.memory_space<vmem>> -> memref<1x1x64xf32, #tpu.memory_space<vmem>>
      %dma_start3A_501 = tpu.memref_squeeze %dma_start3A_500 : memref<1x1x64xf32, #tpu.memory_space<vmem>> -> memref<64xf32, #tpu.memory_space<vmem>>
      %dma_start3A_502 = arith.constant 0 : i32
      %dma_start3A_503 = tpu.memref_slice %arg4[%reduce_sum3A_487, %dma_start3A_502] : memref<1000000x64xf32, #tpu.memory_space<hbm>> -> memref<1x64xf32, #tpu.memory_space<hbm>>
      %dma_start3A_504 = tpu.memref_squeeze %dma_start3A_503 : memref<1x64xf32, #tpu.memory_space<hbm>> -> memref<64xf32, #tpu.memory_space<hbm>>
      tpu.enqueue_dma source(%dma_start3A_504 : memref<64xf32, #tpu.memory_space<hbm>>) target(%dma_start3A_501 : memref<64xf32, #tpu.memory_space<vmem>>) target_semaphore(%arg10 : memref<!tpu.dma_semaphore, #tpu.memory_space<semaphore_mem>>)
      %eq3A_505 = arith.constant 10 : i32
      %eq3A_506 = vector.broadcast %eq3A_505 : i32 to vector<16xi32>
      %eq3A_507 = arith.cmpi eq, %iota3A, %eq3A_506 : vector<16xi32>
      %jit3A_508 = arith.constant 0 : i32
      %broadcast_in_dim3A_509 = vector.broadcast %jit3A_508 : i32 to vector<16xi32>
      %select_n3A_510 = arith.select %eq3A_507, %get3A_238, %broadcast_in_dim3A_509 : vector<16xi1>, vector<16xi32>
      %reduce_sum3A_511 = arith.constant true
      %reduce_sum3A_512 = vector.broadcast %reduce_sum3A_511 : i1 to vector<16xi1>
      %reduce_sum3A_513 = tpu.scan <sum>, %select_n3A_510 masked %reduce_sum3A_512 : vector<16xi32>, vector<16xi1> -> vector<16xi32>
      %reduce_sum3A_514 = vector.extract %reduce_sum3A_513[15] : i32 from vector<16xi32>
      %mul3A_515 = arith.constant 16 : i32
      %mul3A_516 = arith.muli %scan3A_232, %mul3A_515 : i32
      %add3A_517 = arith.constant 10 : i32
      %add3A_518 = arith.addi %mul3A_516, %add3A_517 : i32
      %dma_start3A_519 = arith.constant 0 : i32
      %dma_start3A_520 = arith.constant 0 : i32
      %dma_start3A_521 = tpu.memref_slice %arg7[%dma_start3A_519, %add3A_518, %dma_start3A_520] : memref<2x128x64xf32, #tpu.memory_space<vmem>> -> memref<1x1x64xf32, #tpu.memory_space<vmem>>
      %dma_start3A_522 = tpu.memref_squeeze %dma_start3A_521 : memref<1x1x64xf32, #tpu.memory_space<vmem>> -> memref<64xf32, #tpu.memory_space<vmem>>
      %dma_start3A_523 = arith.constant 0 : i32
      %dma_start3A_524 = tpu.memref_slice %arg4[%reduce_sum3A_514, %dma_start3A_523] : memref<1000000x64xf32, #tpu.memory_space<hbm>> -> memref<1x64xf32, #tpu.memory_space<hbm>>
      %dma_start3A_525 = tpu.memref_squeeze %dma_start3A_524 : memref<1x64xf32, #tpu.memory_space<hbm>> -> memref<64xf32, #tpu.memory_space<hbm>>
      %dma_start3A_526 = arith.constant 0 : i32
      %dma_start3A_527 = tpu.memref_slice %arg7[%dma_start3A_519, %add3A_518, %dma_start3A_526] : memref<2x128x64xf32, #tpu.memory_space<vmem>> -> memref<1x1x64xf32, #tpu.memory_space<vmem>>
      %dma_start3A_528 = tpu.memref_squeeze %dma_start3A_527 : memref<1x1x64xf32, #tpu.memory_space<vmem>> -> memref<64xf32, #tpu.memory_space<vmem>>
      %dma_start3A_529 = arith.constant 0 : i32
      %dma_start3A_530 = tpu.memref_slice %arg4[%reduce_sum3A_514, %dma_start3A_529] : memref<1000000x64xf32, #tpu.memory_space<hbm>> -> memref<1x64xf32, #tpu.memory_space<hbm>>
      %dma_start3A_531 = tpu.memref_squeeze %dma_start3A_530 : memref<1x64xf32, #tpu.memory_space<hbm>> -> memref<64xf32, #tpu.memory_space<hbm>>
      tpu.enqueue_dma source(%dma_start3A_531 : memref<64xf32, #tpu.memory_space<hbm>>) target(%dma_start3A_528 : memref<64xf32, #tpu.memory_space<vmem>>) target_semaphore(%arg10 : memref<!tpu.dma_semaphore, #tpu.memory_space<semaphore_mem>>)
      %eq3A_532 = arith.constant 11 : i32
      %eq3A_533 = vector.broadcast %eq3A_532 : i32 to vector<16xi32>
      %eq3A_534 = arith.cmpi eq, %iota3A, %eq3A_533 : vector<16xi32>
      %jit3A_535 = arith.constant 0 : i32
      %broadcast_in_dim3A_536 = vector.broadcast %jit3A_535 : i32 to vector<16xi32>
      %select_n3A_537 = arith.select %eq3A_534, %get3A_238, %broadcast_in_dim3A_536 : vector<16xi1>, vector<16xi32>
      %reduce_sum3A_538 = arith.constant true
      %reduce_sum3A_539 = vector.broadcast %reduce_sum3A_538 : i1 to vector<16xi1>
      %reduce_sum3A_540 = tpu.scan <sum>, %select_n3A_537 masked %reduce_sum3A_539 : vector<16xi32>, vector<16xi1> -> vector<16xi32>
      %reduce_sum3A_541 = vector.extract %reduce_sum3A_540[15] : i32 from vector<16xi32>
      %mul3A_542 = arith.constant 16 : i32
      %mul3A_543 = arith.muli %scan3A_232, %mul3A_542 : i32
      %add3A_544 = arith.constant 11 : i32
      %add3A_545 = arith.addi %mul3A_543, %add3A_544 : i32
      %dma_start3A_546 = arith.constant 0 : i32
      %dma_start3A_547 = arith.constant 0 : i32
      %dma_start3A_548 = tpu.memref_slice %arg7[%dma_start3A_546, %add3A_545, %dma_start3A_547] : memref<2x128x64xf32, #tpu.memory_space<vmem>> -> memref<1x1x64xf32, #tpu.memory_space<vmem>>
      %dma_start3A_549 = tpu.memref_squeeze %dma_start3A_548 : memref<1x1x64xf32, #tpu.memory_space<vmem>> -> memref<64xf32, #tpu.memory_space<vmem>>
      %dma_start3A_550 = arith.constant 0 : i32
      %dma_start3A_551 = tpu.memref_slice %arg4[%reduce_sum3A_541, %dma_start3A_550] : memref<1000000x64xf32, #tpu.memory_space<hbm>> -> memref<1x64xf32, #tpu.memory_space<hbm>>
      %dma_start3A_552 = tpu.memref_squeeze %dma_start3A_551 : memref<1x64xf32, #tpu.memory_space<hbm>> -> memref<64xf32, #tpu.memory_space<hbm>>
      %dma_start3A_553 = arith.constant 0 : i32
      %dma_start3A_554 = tpu.memref_slice %arg7[%dma_start3A_546, %add3A_545, %dma_start3A_553] : memref<2x128x64xf32, #tpu.memory_space<vmem>> -> memref<1x1x64xf32, #tpu.memory_space<vmem>>
      %dma_start3A_555 = tpu.memref_squeeze %dma_start3A_554 : memref<1x1x64xf32, #tpu.memory_space<vmem>> -> memref<64xf32, #tpu.memory_space<vmem>>
      %dma_start3A_556 = arith.constant 0 : i32
      %dma_start3A_557 = tpu.memref_slice %arg4[%reduce_sum3A_541, %dma_start3A_556] : memref<1000000x64xf32, #tpu.memory_space<hbm>> -> memref<1x64xf32, #tpu.memory_space<hbm>>
      %dma_start3A_558 = tpu.memref_squeeze %dma_start3A_557 : memref<1x64xf32, #tpu.memory_space<hbm>> -> memref<64xf32, #tpu.memory_space<hbm>>
      tpu.enqueue_dma source(%dma_start3A_558 : memref<64xf32, #tpu.memory_space<hbm>>) target(%dma_start3A_555 : memref<64xf32, #tpu.memory_space<vmem>>) target_semaphore(%arg10 : memref<!tpu.dma_semaphore, #tpu.memory_space<semaphore_mem>>)
      %eq3A_559 = arith.constant 12 : i32
      %eq3A_560 = vector.broadcast %eq3A_559 : i32 to vector<16xi32>
      %eq3A_561 = arith.cmpi eq, %iota3A, %eq3A_560 : vector<16xi32>
      %jit3A_562 = arith.constant 0 : i32
      %broadcast_in_dim3A_563 = vector.broadcast %jit3A_562 : i32 to vector<16xi32>
      %select_n3A_564 = arith.select %eq3A_561, %get3A_238, %broadcast_in_dim3A_563 : vector<16xi1>, vector<16xi32>
      %reduce_sum3A_565 = arith.constant true
      %reduce_sum3A_566 = vector.broadcast %reduce_sum3A_565 : i1 to vector<16xi1>
      %reduce_sum3A_567 = tpu.scan <sum>, %select_n3A_564 masked %reduce_sum3A_566 : vector<16xi32>, vector<16xi1> -> vector<16xi32>
      %reduce_sum3A_568 = vector.extract %reduce_sum3A_567[15] : i32 from vector<16xi32>
      %mul3A_569 = arith.constant 16 : i32
      %mul3A_570 = arith.muli %scan3A_232, %mul3A_569 : i32
      %add3A_571 = arith.constant 12 : i32
      %add3A_572 = arith.addi %mul3A_570, %add3A_571 : i32
      %dma_start3A_573 = arith.constant 0 : i32
      %dma_start3A_574 = arith.constant 0 : i32
      %dma_start3A_575 = tpu.memref_slice %arg7[%dma_start3A_573, %add3A_572, %dma_start3A_574] : memref<2x128x64xf32, #tpu.memory_space<vmem>> -> memref<1x1x64xf32, #tpu.memory_space<vmem>>
      %dma_start3A_576 = tpu.memref_squeeze %dma_start3A_575 : memref<1x1x64xf32, #tpu.memory_space<vmem>> -> memref<64xf32, #tpu.memory_space<vmem>>
      %dma_start3A_577 = arith.constant 0 : i32
      %dma_start3A_578 = tpu.memref_slice %arg4[%reduce_sum3A_568, %dma_start3A_577] : memref<1000000x64xf32, #tpu.memory_space<hbm>> -> memref<1x64xf32, #tpu.memory_space<hbm>>
      %dma_start3A_579 = tpu.memref_squeeze %dma_start3A_578 : memref<1x64xf32, #tpu.memory_space<hbm>> -> memref<64xf32, #tpu.memory_space<hbm>>
      %dma_start3A_580 = arith.constant 0 : i32
      %dma_start3A_581 = tpu.memref_slice %arg7[%dma_start3A_573, %add3A_572, %dma_start3A_580] : memref<2x128x64xf32, #tpu.memory_space<vmem>> -> memref<1x1x64xf32, #tpu.memory_space<vmem>>
      %dma_start3A_582 = tpu.memref_squeeze %dma_start3A_581 : memref<1x1x64xf32, #tpu.memory_space<vmem>> -> memref<64xf32, #tpu.memory_space<vmem>>
      %dma_start3A_583 = arith.constant 0 : i32
      %dma_start3A_584 = tpu.memref_slice %arg4[%reduce_sum3A_568, %dma_start3A_583] : memref<1000000x64xf32, #tpu.memory_space<hbm>> -> memref<1x64xf32, #tpu.memory_space<hbm>>
      %dma_start3A_585 = tpu.memref_squeeze %dma_start3A_584 : memref<1x64xf32, #tpu.memory_space<hbm>> -> memref<64xf32, #tpu.memory_space<hbm>>
      tpu.enqueue_dma source(%dma_start3A_585 : memref<64xf32, #tpu.memory_space<hbm>>) target(%dma_start3A_582 : memref<64xf32, #tpu.memory_space<vmem>>) target_semaphore(%arg10 : memref<!tpu.dma_semaphore, #tpu.memory_space<semaphore_mem>>)
      %eq3A_586 = arith.constant 13 : i32
      %eq3A_587 = vector.broadcast %eq3A_586 : i32 to vector<16xi32>
      %eq3A_588 = arith.cmpi eq, %iota3A, %eq3A_587 : vector<16xi32>
      %jit3A_589 = arith.constant 0 : i32
      %broadcast_in_dim3A_590 = vector.broadcast %jit3A_589 : i32 to vector<16xi32>
      %select_n3A_591 = arith.select %eq3A_588, %get3A_238, %broadcast_in_dim3A_590 : vector<16xi1>, vector<16xi32>
      %reduce_sum3A_592 = arith.constant true
      %reduce_sum3A_593 = vector.broadcast %reduce_sum3A_592 : i1 to vector<16xi1>
      %reduce_sum3A_594 = tpu.scan <sum>, %select_n3A_591 masked %reduce_sum3A_593 : vector<16xi32>, vector<16xi1> -> vector<16xi32>
      %reduce_sum3A_595 = vector.extract %reduce_sum3A_594[15] : i32 from vector<16xi32>
      %mul3A_596 = arith.constant 16 : i32
      %mul3A_597 = arith.muli %scan3A_232, %mul3A_596 : i32
      %add3A_598 = arith.constant 13 : i32
      %add3A_599 = arith.addi %mul3A_597, %add3A_598 : i32
      %dma_start3A_600 = arith.constant 0 : i32
      %dma_start3A_601 = arith.constant 0 : i32
      %dma_start3A_602 = tpu.memref_slice %arg7[%dma_start3A_600, %add3A_599, %dma_start3A_601] : memref<2x128x64xf32, #tpu.memory_space<vmem>> -> memref<1x1x64xf32, #tpu.memory_space<vmem>>
      %dma_start3A_603 = tpu.memref_squeeze %dma_start3A_602 : memref<1x1x64xf32, #tpu.memory_space<vmem>> -> memref<64xf32, #tpu.memory_space<vmem>>
      %dma_start3A_604 = arith.constant 0 : i32
      %dma_start3A_605 = tpu.memref_slice %arg4[%reduce_sum3A_595, %dma_start3A_604] : memref<1000000x64xf32, #tpu.memory_space<hbm>> -> memref<1x64xf32, #tpu.memory_space<hbm>>
      %dma_start3A_606 = tpu.memref_squeeze %dma_start3A_605 : memref<1x64xf32, #tpu.memory_space<hbm>> -> memref<64xf32, #tpu.memory_space<hbm>>
      %dma_start3A_607 = arith.constant 0 : i32
      %dma_start3A_608 = tpu.memref_slice %arg7[%dma_start3A_600, %add3A_599, %dma_start3A_607] : memref<2x128x64xf32, #tpu.memory_space<vmem>> -> memref<1x1x64xf32, #tpu.memory_space<vmem>>
      %dma_start3A_609 = tpu.memref_squeeze %dma_start3A_608 : memref<1x1x64xf32, #tpu.memory_space<vmem>> -> memref<64xf32, #tpu.memory_space<vmem>>
      %dma_start3A_610 = arith.constant 0 : i32
      %dma_start3A_611 = tpu.memref_slice %arg4[%reduce_sum3A_595, %dma_start3A_610] : memref<1000000x64xf32, #tpu.memory_space<hbm>> -> memref<1x64xf32, #tpu.memory_space<hbm>>
      %dma_start3A_612 = tpu.memref_squeeze %dma_start3A_611 : memref<1x64xf32, #tpu.memory_space<hbm>> -> memref<64xf32, #tpu.memory_space<hbm>>
      tpu.enqueue_dma source(%dma_start3A_612 : memref<64xf32, #tpu.memory_space<hbm>>) target(%dma_start3A_609 : memref<64xf32, #tpu.memory_space<vmem>>) target_semaphore(%arg10 : memref<!tpu.dma_semaphore, #tpu.memory_space<semaphore_mem>>)
      %eq3A_613 = arith.constant 14 : i32
      %eq3A_614 = vector.broadcast %eq3A_613 : i32 to vector<16xi32>
      %eq3A_615 = arith.cmpi eq, %iota3A, %eq3A_614 : vector<16xi32>
      %jit3A_616 = arith.constant 0 : i32
      %broadcast_in_dim3A_617 = vector.broadcast %jit3A_616 : i32 to vector<16xi32>
      %select_n3A_618 = arith.select %eq3A_615, %get3A_238, %broadcast_in_dim3A_617 : vector<16xi1>, vector<16xi32>
      %reduce_sum3A_619 = arith.constant true
      %reduce_sum3A_620 = vector.broadcast %reduce_sum3A_619 : i1 to vector<16xi1>
      %reduce_sum3A_621 = tpu.scan <sum>, %select_n3A_618 masked %reduce_sum3A_620 : vector<16xi32>, vector<16xi1> -> vector<16xi32>
      %reduce_sum3A_622 = vector.extract %reduce_sum3A_621[15] : i32 from vector<16xi32>
      %mul3A_623 = arith.constant 16 : i32
      %mul3A_624 = arith.muli %scan3A_232, %mul3A_623 : i32
      %add3A_625 = arith.constant 14 : i32
      %add3A_626 = arith.addi %mul3A_624, %add3A_625 : i32
      %dma_start3A_627 = arith.constant 0 : i32
      %dma_start3A_628 = arith.constant 0 : i32
      %dma_start3A_629 = tpu.memref_slice %arg7[%dma_start3A_627, %add3A_626, %dma_start3A_628] : memref<2x128x64xf32, #tpu.memory_space<vmem>> -> memref<1x1x64xf32, #tpu.memory_space<vmem>>
      %dma_start3A_630 = tpu.memref_squeeze %dma_start3A_629 : memref<1x1x64xf32, #tpu.memory_space<vmem>> -> memref<64xf32, #tpu.memory_space<vmem>>
      %dma_start3A_631 = arith.constant 0 : i32
      %dma_start3A_632 = tpu.memref_slice %arg4[%reduce_sum3A_622, %dma_start3A_631] : memref<1000000x64xf32, #tpu.memory_space<hbm>> -> memref<1x64xf32, #tpu.memory_space<hbm>>
      %dma_start3A_633 = tpu.memref_squeeze %dma_start3A_632 : memref<1x64xf32, #tpu.memory_space<hbm>> -> memref<64xf32, #tpu.memory_space<hbm>>
      %dma_start3A_634 = arith.constant 0 : i32
      %dma_start3A_635 = tpu.memref_slice %arg7[%dma_start3A_627, %add3A_626, %dma_start3A_634] : memref<2x128x64xf32, #tpu.memory_space<vmem>> -> memref<1x1x64xf32, #tpu.memory_space<vmem>>
      %dma_start3A_636 = tpu.memref_squeeze %dma_start3A_635 : memref<1x1x64xf32, #tpu.memory_space<vmem>> -> memref<64xf32, #tpu.memory_space<vmem>>
      %dma_start3A_637 = arith.constant 0 : i32
      %dma_start3A_638 = tpu.memref_slice %arg4[%reduce_sum3A_622, %dma_start3A_637] : memref<1000000x64xf32, #tpu.memory_space<hbm>> -> memref<1x64xf32, #tpu.memory_space<hbm>>
      %dma_start3A_639 = tpu.memref_squeeze %dma_start3A_638 : memref<1x64xf32, #tpu.memory_space<hbm>> -> memref<64xf32, #tpu.memory_space<hbm>>
      tpu.enqueue_dma source(%dma_start3A_639 : memref<64xf32, #tpu.memory_space<hbm>>) target(%dma_start3A_636 : memref<64xf32, #tpu.memory_space<vmem>>) target_semaphore(%arg10 : memref<!tpu.dma_semaphore, #tpu.memory_space<semaphore_mem>>)
      %eq3A_640 = arith.constant 15 : i32
      %eq3A_641 = vector.broadcast %eq3A_640 : i32 to vector<16xi32>
      %eq3A_642 = arith.cmpi eq, %iota3A, %eq3A_641 : vector<16xi32>
      %jit3A_643 = arith.constant 0 : i32
      %broadcast_in_dim3A_644 = vector.broadcast %jit3A_643 : i32 to vector<16xi32>
      %select_n3A_645 = arith.select %eq3A_642, %get3A_238, %broadcast_in_dim3A_644 : vector<16xi1>, vector<16xi32>
      %reduce_sum3A_646 = arith.constant true
      %reduce_sum3A_647 = vector.broadcast %reduce_sum3A_646 : i1 to vector<16xi1>
      %reduce_sum3A_648 = tpu.scan <sum>, %select_n3A_645 masked %reduce_sum3A_647 : vector<16xi32>, vector<16xi1> -> vector<16xi32>
      %reduce_sum3A_649 = vector.extract %reduce_sum3A_648[15] : i32 from vector<16xi32>
      %mul3A_650 = arith.constant 16 : i32
      %mul3A_651 = arith.muli %scan3A_232, %mul3A_650 : i32
      %add3A_652 = arith.constant 15 : i32
      %add3A_653 = arith.addi %mul3A_651, %add3A_652 : i32
      %dma_start3A_654 = arith.constant 0 : i32
      %dma_start3A_655 = arith.constant 0 : i32
      %dma_start3A_656 = tpu.memref_slice %arg7[%dma_start3A_654, %add3A_653, %dma_start3A_655] : memref<2x128x64xf32, #tpu.memory_space<vmem>> -> memref<1x1x64xf32, #tpu.memory_space<vmem>>
      %dma_start3A_657 = tpu.memref_squeeze %dma_start3A_656 : memref<1x1x64xf32, #tpu.memory_space<vmem>> -> memref<64xf32, #tpu.memory_space<vmem>>
      %dma_start3A_658 = arith.constant 0 : i32
      %dma_start3A_659 = tpu.memref_slice %arg4[%reduce_sum3A_649, %dma_start3A_658] : memref<1000000x64xf32, #tpu.memory_space<hbm>> -> memref<1x64xf32, #tpu.memory_space<hbm>>
      %dma_start3A_660 = tpu.memref_squeeze %dma_start3A_659 : memref<1x64xf32, #tpu.memory_space<hbm>> -> memref<64xf32, #tpu.memory_space<hbm>>
      %dma_start3A_661 = arith.constant 0 : i32
      %dma_start3A_662 = tpu.memref_slice %arg7[%dma_start3A_654, %add3A_653, %dma_start3A_661] : memref<2x128x64xf32, #tpu.memory_space<vmem>> -> memref<1x1x64xf32, #tpu.memory_space<vmem>>
      %dma_start3A_663 = tpu.memref_squeeze %dma_start3A_662 : memref<1x1x64xf32, #tpu.memory_space<vmem>> -> memref<64xf32, #tpu.memory_space<vmem>>
      %dma_start3A_664 = arith.constant 0 : i32
      %dma_start3A_665 = tpu.memref_slice %arg4[%reduce_sum3A_649, %dma_start3A_664] : memref<1000000x64xf32, #tpu.memory_space<hbm>> -> memref<1x64xf32, #tpu.memory_space<hbm>>
      %dma_start3A_666 = tpu.memref_squeeze %dma_start3A_665 : memref<1x64xf32, #tpu.memory_space<hbm>> -> memref<64xf32, #tpu.memory_space<hbm>>
      tpu.enqueue_dma source(%dma_start3A_666 : memref<64xf32, #tpu.memory_space<hbm>>) target(%dma_start3A_663 : memref<64xf32, #tpu.memory_space<vmem>>) target_semaphore(%arg10 : memref<!tpu.dma_semaphore, #tpu.memory_space<semaphore_mem>>)
      %scan3A_667 = arith.constant 0 : i32
      scf.yield %scan3A_667 : i32
    }
    %scan3A_23 = arith.constant 8 : i32
    %add3A_24 = arith.constant 128 : i32
    %add3A_25 = arith.addi %mul3A_2, %add3A_24 : i32
    %dma_start3A_26 = arith.constant 1 : i32
    %dma_start3A_27 = arith.constant 0 : i32
    %dma_start3A_28 = arith.constant 0 : i32
    %dma_start3A_29 = tpu.memref_slice %arg8[%dma_start3A_26, %dma_start3A_27, %dma_start3A_28] : memref<2x128x64xf32, #tpu.memory_space<vmem>> -> memref<1x128x64xf32, #tpu.memory_space<vmem>>
    %dma_start3A_30 = tpu.memref_squeeze %dma_start3A_29 : memref<1x128x64xf32, #tpu.memory_space<vmem>> -> memref<128x64xf32, #tpu.memory_space<vmem>>
    %dma_start3A_31 = arith.constant 0 : i32
    %dma_start3A_32 = tpu.memref_slice %arg2[%add3A_25, %dma_start3A_31] : memref<16384x64xf32, #tpu.memory_space<hbm>> -> memref<128x64xf32, #tpu.memory_space<hbm>>
    %dma_start3A_33 = arith.constant 0 : i32
    %dma_start3A_34 = arith.constant 0 : i32
    %dma_start3A_35 = tpu.memref_slice %arg8[%dma_start3A_26, %dma_start3A_33, %dma_start3A_34] : memref<2x128x64xf32, #tpu.memory_space<vmem>> -> memref<1x128x64xf32, #tpu.memory_space<vmem>>
    %dma_start3A_36 = tpu.memref_squeeze %dma_start3A_35 : memref<1x128x64xf32, #tpu.memory_space<vmem>> -> memref<128x64xf32, #tpu.memory_space<vmem>>
    %dma_start3A_37 = arith.constant 0 : i32
    %dma_start3A_38 = tpu.memref_slice %arg2[%add3A_25, %dma_start3A_37] : memref<16384x64xf32, #tpu.memory_space<hbm>> -> memref<128x64xf32, #tpu.memory_space<hbm>>
    tpu.enqueue_dma source(%dma_start3A_38 : memref<128x64xf32, #tpu.memory_space<hbm>>) target(%dma_start3A_36 : memref<128x64xf32, #tpu.memory_space<vmem>>) target_semaphore(%arg11 : memref<!tpu.dma_semaphore, #tpu.memory_space<semaphore_mem>>)
    %scan3A_39 = arith.constant 0 : i32
    %scan3A_40 = arith.constant 0 : i32
    %scan3A_41 = arith.constant 8 : i32
    %scan3A_42 = arith.addi %scan3A_40, %scan3A_41 : i32
    %scan3A_43 = arith.constant 1 : i32
    %scan3A_44 = scf.for %scan3A_232 = %scan3A_40 to %scan3A_42 step %scan3A_43 iter_args(%scan3A_233 = %scan3A_39) -> (i32)  : i32 {
      %mul3A_234 = arith.constant 16 : i32
      %mul3A_235 = arith.muli %scan3A_232, %mul3A_234 : i32
      %add3A_236 = arith.constant 128 : i32
      %add3A_237 = arith.addi %add3A_236, %mul3A_235 : i32
      %get3A = arith.index_cast %add3A_237 : i32 to index
      %get3A_238 = tpu.vector_load %arg6[%get3A] {strides = array<i32>} : memref<512xi32, #tpu.memory_space<vmem>>, vector<16xi32>,
      %eq3A = arith.constant 0 : i32
      %eq3A_239 = vector.broadcast %eq3A : i32 to vector<16xi32>
      %eq3A_240 = arith.cmpi eq, %iota3A, %eq3A_239 : vector<16xi32>
      %jit3A = arith.constant 0 : i32
      %broadcast_in_dim3A_241 = vector.broadcast %jit3A : i32 to vector<16xi32>
      %select_n3A = arith.select %eq3A_240, %get3A_238, %broadcast_in_dim3A_241 : vector<16xi1>, vector<16xi32>
      %reduce_sum3A = arith.constant true
      %reduce_sum3A_242 = vector.broadcast %reduce_sum3A : i1 to vector<16xi1>
      %reduce_sum3A_243 = tpu.scan <sum>, %select_n3A masked %reduce_sum3A_242 : vector<16xi32>, vector<16xi1> -> vector<16xi32>
      %reduce_sum3A_244 = vector.extract %reduce_sum3A_243[15] : i32 from vector<16xi32>
      %mul3A_245 = arith.constant 16 : i32
      %mul3A_246 = arith.muli %scan3A_232, %mul3A_245 : i32
      %add3A_247 = arith.constant 0 : i32
      %add3A_248 = arith.addi %mul3A_246, %add3A_247 : i32
      %dma_start3A_249 = arith.constant 1 : i32
      %dma_start3A_250 = arith.constant 0 : i32
      %dma_start3A_251 = tpu.memref_slice %arg7[%dma_start3A_249, %add3A_248, %dma_start3A_250] : memref<2x128x64xf32, #tpu.memory_space<vmem>> -> memref<1x1x64xf32, #tpu.memory_space<vmem>>
      %dma_start3A_252 = tpu.memref_squeeze %dma_start3A_251 : memref<1x1x64xf32, #tpu.memory_space<vmem>> -> memref<64xf32, #tpu.memory_space<vmem>>
      %dma_start3A_253 = arith.constant 0 : i32
      %dma_start3A_254 = tpu.memref_slice %arg4[%reduce_sum3A_244, %dma_start3A_253] : memref<1000000x64xf32, #tpu.memory_space<hbm>> -> memref<1x64xf32, #tpu.memory_space<hbm>>
      %dma_start3A_255 = tpu.memref_squeeze %dma_start3A_254 : memref<1x64xf32, #tpu.memory_space<hbm>> -> memref<64xf32, #tpu.memory_space<hbm>>
      %dma_start3A_256 = arith.constant 0 : i32
      %dma_start3A_257 = tpu.memref_slice %arg7[%dma_start3A_249, %add3A_248, %dma_start3A_256] : memref<2x128x64xf32, #tpu.memory_space<vmem>> -> memref<1x1x64xf32, #tpu.memory_space<vmem>>
      %dma_start3A_258 = tpu.memref_squeeze %dma_start3A_257 : memref<1x1x64xf32, #tpu.memory_space<vmem>> -> memref<64xf32, #tpu.memory_space<vmem>>
      %dma_start3A_259 = arith.constant 0 : i32
      %dma_start3A_260 = tpu.memref_slice %arg4[%reduce_sum3A_244, %dma_start3A_259] : memref<1000000x64xf32, #tpu.memory_space<hbm>> -> memref<1x64xf32, #tpu.memory_space<hbm>>
      %dma_start3A_261 = tpu.memref_squeeze %dma_start3A_260 : memref<1x64xf32, #tpu.memory_space<hbm>> -> memref<64xf32, #tpu.memory_space<hbm>>
      tpu.enqueue_dma source(%dma_start3A_261 : memref<64xf32, #tpu.memory_space<hbm>>) target(%dma_start3A_258 : memref<64xf32, #tpu.memory_space<vmem>>) target_semaphore(%arg10 : memref<!tpu.dma_semaphore, #tpu.memory_space<semaphore_mem>>)
      %eq3A_262 = arith.constant 1 : i32
      %eq3A_263 = vector.broadcast %eq3A_262 : i32 to vector<16xi32>
      %eq3A_264 = arith.cmpi eq, %iota3A, %eq3A_263 : vector<16xi32>
      %jit3A_265 = arith.constant 0 : i32
      %broadcast_in_dim3A_266 = vector.broadcast %jit3A_265 : i32 to vector<16xi32>
      %select_n3A_267 = arith.select %eq3A_264, %get3A_238, %broadcast_in_dim3A_266 : vector<16xi1>, vector<16xi32>
      %reduce_sum3A_268 = arith.constant true
      %reduce_sum3A_269 = vector.broadcast %reduce_sum3A_268 : i1 to vector<16xi1>
      %reduce_sum3A_270 = tpu.scan <sum>, %select_n3A_267 masked %reduce_sum3A_269 : vector<16xi32>, vector<16xi1> -> vector<16xi32>
      %reduce_sum3A_271 = vector.extract %reduce_sum3A_270[15] : i32 from vector<16xi32>
      %mul3A_272 = arith.constant 16 : i32
      %mul3A_273 = arith.muli %scan3A_232, %mul3A_272 : i32
      %add3A_274 = arith.constant 1 : i32
      %add3A_275 = arith.addi %mul3A_273, %add3A_274 : i32
      %dma_start3A_276 = arith.constant 1 : i32
      %dma_start3A_277 = arith.constant 0 : i32
      %dma_start3A_278 = tpu.memref_slice %arg7[%dma_start3A_276, %add3A_275, %dma_start3A_277] : memref<2x128x64xf32, #tpu.memory_space<vmem>> -> memref<1x1x64xf32, #tpu.memory_space<vmem>>
      %dma_start3A_279 = tpu.memref_squeeze %dma_start3A_278 : memref<1x1x64xf32, #tpu.memory_space<vmem>> -> memref<64xf32, #tpu.memory_space<vmem>>
      %dma_start3A_280 = arith.constant 0 : i32
      %dma_start3A_281 = tpu.memref_slice %arg4[%reduce_sum3A_271, %dma_start3A_280] : memref<1000000x64xf32, #tpu.memory_space<hbm>> -> memref<1x64xf32, #tpu.memory_space<hbm>>
      %dma_start3A_282 = tpu.memref_squeeze %dma_start3A_281 : memref<1x64xf32, #tpu.memory_space<hbm>> -> memref<64xf32, #tpu.memory_space<hbm>>
      %dma_start3A_283 = arith.constant 0 : i32
      %dma_start3A_284 = tpu.memref_slice %arg7[%dma_start3A_276, %add3A_275, %dma_start3A_283] : memref<2x128x64xf32, #tpu.memory_space<vmem>> -> memref<1x1x64xf32, #tpu.memory_space<vmem>>
      %dma_start3A_285 = tpu.memref_squeeze %dma_start3A_284 : memref<1x1x64xf32, #tpu.memory_space<vmem>> -> memref<64xf32, #tpu.memory_space<vmem>>
      %dma_start3A_286 = arith.constant 0 : i32
      %dma_start3A_287 = tpu.memref_slice %arg4[%reduce_sum3A_271, %dma_start3A_286] : memref<1000000x64xf32, #tpu.memory_space<hbm>> -> memref<1x64xf32, #tpu.memory_space<hbm>>
      %dma_start3A_288 = tpu.memref_squeeze %dma_start3A_287 : memref<1x64xf32, #tpu.memory_space<hbm>> -> memref<64xf32, #tpu.memory_space<hbm>>
      tpu.enqueue_dma source(%dma_start3A_288 : memref<64xf32, #tpu.memory_space<hbm>>) target(%dma_start3A_285 : memref<64xf32, #tpu.memory_space<vmem>>) target_semaphore(%arg10 : memref<!tpu.dma_semaphore, #tpu.memory_space<semaphore_mem>>)
      %eq3A_289 = arith.constant 2 : i32
      %eq3A_290 = vector.broadcast %eq3A_289 : i32 to vector<16xi32>
      %eq3A_291 = arith.cmpi eq, %iota3A, %eq3A_290 : vector<16xi32>
      %jit3A_292 = arith.constant 0 : i32
      %broadcast_in_dim3A_293 = vector.broadcast %jit3A_292 : i32 to vector<16xi32>
      %select_n3A_294 = arith.select %eq3A_291, %get3A_238, %broadcast_in_dim3A_293 : vector<16xi1>, vector<16xi32>
      %reduce_sum3A_295 = arith.constant true
      %reduce_sum3A_296 = vector.broadcast %reduce_sum3A_295 : i1 to vector<16xi1>
      %reduce_sum3A_297 = tpu.scan <sum>, %select_n3A_294 masked %reduce_sum3A_296 : vector<16xi32>, vector<16xi1> -> vector<16xi32>
      %reduce_sum3A_298 = vector.extract %reduce_sum3A_297[15] : i32 from vector<16xi32>
      %mul3A_299 = arith.constant 16 : i32
      %mul3A_300 = arith.muli %scan3A_232, %mul3A_299 : i32
      %add3A_301 = arith.constant 2 : i32
      %add3A_302 = arith.addi %mul3A_300, %add3A_301 : i32
      %dma_start3A_303 = arith.constant 1 : i32
      %dma_start3A_304 = arith.constant 0 : i32
      %dma_start3A_305 = tpu.memref_slice %arg7[%dma_start3A_303, %add3A_302, %dma_start3A_304] : memref<2x128x64xf32, #tpu.memory_space<vmem>> -> memref<1x1x64xf32, #tpu.memory_space<vmem>>
      %dma_start3A_306 = tpu.memref_squeeze %dma_start3A_305 : memref<1x1x64xf32, #tpu.memory_space<vmem>> -> memref<64xf32, #tpu.memory_space<vmem>>
      %dma_start3A_307 = arith.constant 0 : i32
      %dma_start3A_308 = tpu.memref_slice %arg4[%reduce_sum3A_298, %dma_start3A_307] : memref<1000000x64xf32, #tpu.memory_space<hbm>> -> memref<1x64xf32, #tpu.memory_space<hbm>>
      %dma_start3A_309 = tpu.memref_squeeze %dma_start3A_308 : memref<1x64xf32, #tpu.memory_space<hbm>> -> memref<64xf32, #tpu.memory_space<hbm>>
      %dma_start3A_310 = arith.constant 0 : i32
      %dma_start3A_311 = tpu.memref_slice %arg7[%dma_start3A_303, %add3A_302, %dma_start3A_310] : memref<2x128x64xf32, #tpu.memory_space<vmem>> -> memref<1x1x64xf32, #tpu.memory_space<vmem>>
      %dma_start3A_312 = tpu.memref_squeeze %dma_start3A_311 : memref<1x1x64xf32, #tpu.memory_space<vmem>> -> memref<64xf32, #tpu.memory_space<vmem>>
      %dma_start3A_313 = arith.constant 0 : i32
      %dma_start3A_314 = tpu.memref_slice %arg4[%reduce_sum3A_298, %dma_start3A_313] : memref<1000000x64xf32, #tpu.memory_space<hbm>> -> memref<1x64xf32, #tpu.memory_space<hbm>>
      %dma_start3A_315 = tpu.memref_squeeze %dma_start3A_314 : memref<1x64xf32, #tpu.memory_space<hbm>> -> memref<64xf32, #tpu.memory_space<hbm>>
      tpu.enqueue_dma source(%dma_start3A_315 : memref<64xf32, #tpu.memory_space<hbm>>) target(%dma_start3A_312 : memref<64xf32, #tpu.memory_space<vmem>>) target_semaphore(%arg10 : memref<!tpu.dma_semaphore, #tpu.memory_space<semaphore_mem>>)
      %eq3A_316 = arith.constant 3 : i32
      %eq3A_317 = vector.broadcast %eq3A_316 : i32 to vector<16xi32>
      %eq3A_318 = arith.cmpi eq, %iota3A, %eq3A_317 : vector<16xi32>
      %jit3A_319 = arith.constant 0 : i32
      %broadcast_in_dim3A_320 = vector.broadcast %jit3A_319 : i32 to vector<16xi32>
      %select_n3A_321 = arith.select %eq3A_318, %get3A_238, %broadcast_in_dim3A_320 : vector<16xi1>, vector<16xi32>
      %reduce_sum3A_322 = arith.constant true
      %reduce_sum3A_323 = vector.broadcast %reduce_sum3A_322 : i1 to vector<16xi1>
      %reduce_sum3A_324 = tpu.scan <sum>, %select_n3A_321 masked %reduce_sum3A_323 : vector<16xi32>, vector<16xi1> -> vector<16xi32>
      %reduce_sum3A_325 = vector.extract %reduce_sum3A_324[15] : i32 from vector<16xi32>
      %mul3A_326 = arith.constant 16 : i32
      %mul3A_327 = arith.muli %scan3A_232, %mul3A_326 : i32
      %add3A_328 = arith.constant 3 : i32
      %add3A_329 = arith.addi %mul3A_327, %add3A_328 : i32
      %dma_start3A_330 = arith.constant 1 : i32
      %dma_start3A_331 = arith.constant 0 : i32
      %dma_start3A_332 = tpu.memref_slice %arg7[%dma_start3A_330, %add3A_329, %dma_start3A_331] : memref<2x128x64xf32, #tpu.memory_space<vmem>> -> memref<1x1x64xf32, #tpu.memory_space<vmem>>
      %dma_start3A_333 = tpu.memref_squeeze %dma_start3A_332 : memref<1x1x64xf32, #tpu.memory_space<vmem>> -> memref<64xf32, #tpu.memory_space<vmem>>
      %dma_start3A_334 = arith.constant 0 : i32
      %dma_start3A_335 = tpu.memref_slice %arg4[%reduce_sum3A_325, %dma_start3A_334] : memref<1000000x64xf32, #tpu.memory_space<hbm>> -> memref<1x64xf32, #tpu.memory_space<hbm>>
      %dma_start3A_336 = tpu.memref_squeeze %dma_start3A_335 : memref<1x64xf32, #tpu.memory_space<hbm>> -> memref<64xf32, #tpu.memory_space<hbm>>
      %dma_start3A_337 = arith.constant 0 : i32
      %dma_start3A_338 = tpu.memref_slice %arg7[%dma_start3A_330, %add3A_329, %dma_start3A_337] : memref<2x128x64xf32, #tpu.memory_space<vmem>> -> memref<1x1x64xf32, #tpu.memory_space<vmem>>
      %dma_start3A_339 = tpu.memref_squeeze %dma_start3A_338 : memref<1x1x64xf32, #tpu.memory_space<vmem>> -> memref<64xf32, #tpu.memory_space<vmem>>
      %dma_start3A_340 = arith.constant 0 : i32
      %dma_start3A_341 = tpu.memref_slice %arg4[%reduce_sum3A_325, %dma_start3A_340] : memref<1000000x64xf32, #tpu.memory_space<hbm>> -> memref<1x64xf32, #tpu.memory_space<hbm>>
      %dma_start3A_342 = tpu.memref_squeeze %dma_start3A_341 : memref<1x64xf32, #tpu.memory_space<hbm>> -> memref<64xf32, #tpu.memory_space<hbm>>
      tpu.enqueue_dma source(%dma_start3A_342 : memref<64xf32, #tpu.memory_space<hbm>>) target(%dma_start3A_339 : memref<64xf32, #tpu.memory_space<vmem>>) target_semaphore(%arg10 : memref<!tpu.dma_semaphore, #tpu.memory_space<semaphore_mem>>)
      %eq3A_343 = arith.constant 4 : i32
      %eq3A_344 = vector.broadcast %eq3A_343 : i32 to vector<16xi32>
      %eq3A_345 = arith.cmpi eq, %iota3A, %eq3A_344 : vector<16xi32>
      %jit3A_346 = arith.constant 0 : i32
      %broadcast_in_dim3A_347 = vector.broadcast %jit3A_346 : i32 to vector<16xi32>
      %select_n3A_348 = arith.select %eq3A_345, %get3A_238, %broadcast_in_dim3A_347 : vector<16xi1>, vector<16xi32>
      %reduce_sum3A_349 = arith.constant true
      %reduce_sum3A_350 = vector.broadcast %reduce_sum3A_349 : i1 to vector<16xi1>
      %reduce_sum3A_351 = tpu.scan <sum>, %select_n3A_348 masked %reduce_sum3A_350 : vector<16xi32>, vector<16xi1> -> vector<16xi32>
      %reduce_sum3A_352 = vector.extract %reduce_sum3A_351[15] : i32 from vector<16xi32>
      %mul3A_353 = arith.constant 16 : i32
      %mul3A_354 = arith.muli %scan3A_232, %mul3A_353 : i32
      %add3A_355 = arith.constant 4 : i32
      %add3A_356 = arith.addi %mul3A_354, %add3A_355 : i32
      %dma_start3A_357 = arith.constant 1 : i32
      %dma_start3A_358 = arith.constant 0 : i32
      %dma_start3A_359 = tpu.memref_slice %arg7[%dma_start3A_357, %add3A_356, %dma_start3A_358] : memref<2x128x64xf32, #tpu.memory_space<vmem>> -> memref<1x1x64xf32, #tpu.memory_space<vmem>>
      %dma_start3A_360 = tpu.memref_squeeze %dma_start3A_359 : memref<1x1x64xf32, #tpu.memory_space<vmem>> -> memref<64xf32, #tpu.memory_space<vmem>>
      %dma_start3A_361 = arith.constant 0 : i32
      %dma_start3A_362 = tpu.memref_slice %arg4[%reduce_sum3A_352, %dma_start3A_361] : memref<1000000x64xf32, #tpu.memory_space<hbm>> -> memref<1x64xf32, #tpu.memory_space<hbm>>
      %dma_start3A_363 = tpu.memref_squeeze %dma_start3A_362 : memref<1x64xf32, #tpu.memory_space<hbm>> -> memref<64xf32, #tpu.memory_space<hbm>>
      %dma_start3A_364 = arith.constant 0 : i32
      %dma_start3A_365 = tpu.memref_slice %arg7[%dma_start3A_357, %add3A_356, %dma_start3A_364] : memref<2x128x64xf32, #tpu.memory_space<vmem>> -> memref<1x1x64xf32, #tpu.memory_space<vmem>>
      %dma_start3A_366 = tpu.memref_squeeze %dma_start3A_365 : memref<1x1x64xf32, #tpu.memory_space<vmem>> -> memref<64xf32, #tpu.memory_space<vmem>>
      %dma_start3A_367 = arith.constant 0 : i32
      %dma_start3A_368 = tpu.memref_slice %arg4[%reduce_sum3A_352, %dma_start3A_367] : memref<1000000x64xf32, #tpu.memory_space<hbm>> -> memref<1x64xf32, #tpu.memory_space<hbm>>
      %dma_start3A_369 = tpu.memref_squeeze %dma_start3A_368 : memref<1x64xf32, #tpu.memory_space<hbm>> -> memref<64xf32, #tpu.memory_space<hbm>>
      tpu.enqueue_dma source(%dma_start3A_369 : memref<64xf32, #tpu.memory_space<hbm>>) target(%dma_start3A_366 : memref<64xf32, #tpu.memory_space<vmem>>) target_semaphore(%arg10 : memref<!tpu.dma_semaphore, #tpu.memory_space<semaphore_mem>>)
      %eq3A_370 = arith.constant 5 : i32
      %eq3A_371 = vector.broadcast %eq3A_370 : i32 to vector<16xi32>
      %eq3A_372 = arith.cmpi eq, %iota3A, %eq3A_371 : vector<16xi32>
      %jit3A_373 = arith.constant 0 : i32
      %broadcast_in_dim3A_374 = vector.broadcast %jit3A_373 : i32 to vector<16xi32>
      %select_n3A_375 = arith.select %eq3A_372, %get3A_238, %broadcast_in_dim3A_374 : vector<16xi1>, vector<16xi32>
      %reduce_sum3A_376 = arith.constant true
      %reduce_sum3A_377 = vector.broadcast %reduce_sum3A_376 : i1 to vector<16xi1>
      %reduce_sum3A_378 = tpu.scan <sum>, %select_n3A_375 masked %reduce_sum3A_377 : vector<16xi32>, vector<16xi1> -> vector<16xi32>
      %reduce_sum3A_379 = vector.extract %reduce_sum3A_378[15] : i32 from vector<16xi32>
      %mul3A_380 = arith.constant 16 : i32
      %mul3A_381 = arith.muli %scan3A_232, %mul3A_380 : i32
      %add3A_382 = arith.constant 5 : i32
      %add3A_383 = arith.addi %mul3A_381, %add3A_382 : i32
      %dma_start3A_384 = arith.constant 1 : i32
      %dma_start3A_385 = arith.constant 0 : i32
      %dma_start3A_386 = tpu.memref_slice %arg7[%dma_start3A_384, %add3A_383, %dma_start3A_385] : memref<2x128x64xf32, #tpu.memory_space<vmem>> -> memref<1x1x64xf32, #tpu.memory_space<vmem>>
      %dma_start3A_387 = tpu.memref_squeeze %dma_start3A_386 : memref<1x1x64xf32, #tpu.memory_space<vmem>> -> memref<64xf32, #tpu.memory_space<vmem>>
      %dma_start3A_388 = arith.constant 0 : i32
      %dma_start3A_389 = tpu.memref_slice %arg4[%reduce_sum3A_379, %dma_start3A_388] : memref<1000000x64xf32, #tpu.memory_space<hbm>> -> memref<1x64xf32, #tpu.memory_space<hbm>>
      %dma_start3A_390 = tpu.memref_squeeze %dma_start3A_389 : memref<1x64xf32, #tpu.memory_space<hbm>> -> memref<64xf32, #tpu.memory_space<hbm>>
      %dma_start3A_391 = arith.constant 0 : i32
      %dma_start3A_392 = tpu.memref_slice %arg7[%dma_start3A_384, %add3A_383, %dma_start3A_391] : memref<2x128x64xf32, #tpu.memory_space<vmem>> -> memref<1x1x64xf32, #tpu.memory_space<vmem>>
      %dma_start3A_393 = tpu.memref_squeeze %dma_start3A_392 : memref<1x1x64xf32, #tpu.memory_space<vmem>> -> memref<64xf32, #tpu.memory_space<vmem>>
      %dma_start3A_394 = arith.constant 0 : i32
      %dma_start3A_395 = tpu.memref_slice %arg4[%reduce_sum3A_379, %dma_start3A_394] : memref<1000000x64xf32, #tpu.memory_space<hbm>> -> memref<1x64xf32, #tpu.memory_space<hbm>>
      %dma_start3A_396 = tpu.memref_squeeze %dma_start3A_395 : memref<1x64xf32, #tpu.memory_space<hbm>> -> memref<64xf32, #tpu.memory_space<hbm>>
      tpu.enqueue_dma source(%dma_start3A_396 : memref<64xf32, #tpu.memory_space<hbm>>) target(%dma_start3A_393 : memref<64xf32, #tpu.memory_space<vmem>>) target_semaphore(%arg10 : memref<!tpu.dma_semaphore, #tpu.memory_space<semaphore_mem>>)
      %eq3A_397 = arith.constant 6 : i32
      %eq3A_398 = vector.broadcast %eq3A_397 : i32 to vector<16xi32>
      %eq3A_399 = arith.cmpi eq, %iota3A, %eq3A_398 : vector<16xi32>
      %jit3A_400 = arith.constant 0 : i32
      %broadcast_in_dim3A_401 = vector.broadcast %jit3A_400 : i32 to vector<16xi32>
      %select_n3A_402 = arith.select %eq3A_399, %get3A_238, %broadcast_in_dim3A_401 : vector<16xi1>, vector<16xi32>
      %reduce_sum3A_403 = arith.constant true
      %reduce_sum3A_404 = vector.broadcast %reduce_sum3A_403 : i1 to vector<16xi1>
      %reduce_sum3A_405 = tpu.scan <sum>, %select_n3A_402 masked %reduce_sum3A_404 : vector<16xi32>, vector<16xi1> -> vector<16xi32>
      %reduce_sum3A_406 = vector.extract %reduce_sum3A_405[15] : i32 from vector<16xi32>
      %mul3A_407 = arith.constant 16 : i32
      %mul3A_408 = arith.muli %scan3A_232, %mul3A_407 : i32
      %add3A_409 = arith.constant 6 : i32
      %add3A_410 = arith.addi %mul3A_408, %add3A_409 : i32
      %dma_start3A_411 = arith.constant 1 : i32
      %dma_start3A_412 = arith.constant 0 : i32
      %dma_start3A_413 = tpu.memref_slice %arg7[%dma_start3A_411, %add3A_410, %dma_start3A_412] : memref<2x128x64xf32, #tpu.memory_space<vmem>> -> memref<1x1x64xf32, #tpu.memory_space<vmem>>
      %dma_start3A_414 = tpu.memref_squeeze %dma_start3A_413 : memref<1x1x64xf32, #tpu.memory_space<vmem>> -> memref<64xf32, #tpu.memory_space<vmem>>
      %dma_start3A_415 = arith.constant 0 : i32
      %dma_start3A_416 = tpu.memref_slice %arg4[%reduce_sum3A_406, %dma_start3A_415] : memref<1000000x64xf32, #tpu.memory_space<hbm>> -> memref<1x64xf32, #tpu.memory_space<hbm>>
      %dma_start3A_417 = tpu.memref_squeeze %dma_start3A_416 : memref<1x64xf32, #tpu.memory_space<hbm>> -> memref<64xf32, #tpu.memory_space<hbm>>
      %dma_start3A_418 = arith.constant 0 : i32
      %dma_start3A_419 = tpu.memref_slice %arg7[%dma_start3A_411, %add3A_410, %dma_start3A_418] : memref<2x128x64xf32, #tpu.memory_space<vmem>> -> memref<1x1x64xf32, #tpu.memory_space<vmem>>
      %dma_start3A_420 = tpu.memref_squeeze %dma_start3A_419 : memref<1x1x64xf32, #tpu.memory_space<vmem>> -> memref<64xf32, #tpu.memory_space<vmem>>
      %dma_start3A_421 = arith.constant 0 : i32
      %dma_start3A_422 = tpu.memref_slice %arg4[%reduce_sum3A_406, %dma_start3A_421] : memref<1000000x64xf32, #tpu.memory_space<hbm>> -> memref<1x64xf32, #tpu.memory_space<hbm>>
      %dma_start3A_423 = tpu.memref_squeeze %dma_start3A_422 : memref<1x64xf32, #tpu.memory_space<hbm>> -> memref<64xf32, #tpu.memory_space<hbm>>
      tpu.enqueue_dma source(%dma_start3A_423 : memref<64xf32, #tpu.memory_space<hbm>>) target(%dma_start3A_420 : memref<64xf32, #tpu.memory_space<vmem>>) target_semaphore(%arg10 : memref<!tpu.dma_semaphore, #tpu.memory_space<semaphore_mem>>)
      %eq3A_424 = arith.constant 7 : i32
      %eq3A_425 = vector.broadcast %eq3A_424 : i32 to vector<16xi32>
      %eq3A_426 = arith.cmpi eq, %iota3A, %eq3A_425 : vector<16xi32>
      %jit3A_427 = arith.constant 0 : i32
      %broadcast_in_dim3A_428 = vector.broadcast %jit3A_427 : i32 to vector<16xi32>
      %select_n3A_429 = arith.select %eq3A_426, %get3A_238, %broadcast_in_dim3A_428 : vector<16xi1>, vector<16xi32>
      %reduce_sum3A_430 = arith.constant true
      %reduce_sum3A_431 = vector.broadcast %reduce_sum3A_430 : i1 to vector<16xi1>
      %reduce_sum3A_432 = tpu.scan <sum>, %select_n3A_429 masked %reduce_sum3A_431 : vector<16xi32>, vector<16xi1> -> vector<16xi32>
      %reduce_sum3A_433 = vector.extract %reduce_sum3A_432[15] : i32 from vector<16xi32>
      %mul3A_434 = arith.constant 16 : i32
      %mul3A_435 = arith.muli %scan3A_232, %mul3A_434 : i32
      %add3A_436 = arith.constant 7 : i32
      %add3A_437 = arith.addi %mul3A_435, %add3A_436 : i32
      %dma_start3A_438 = arith.constant 1 : i32
      %dma_start3A_439 = arith.constant 0 : i32
      %dma_start3A_440 = tpu.memref_slice %arg7[%dma_start3A_438, %add3A_437, %dma_start3A_439] : memref<2x128x64xf32, #tpu.memory_space<vmem>> -> memref<1x1x64xf32, #tpu.memory_space<vmem>>
      %dma_start3A_441 = tpu.memref_squeeze %dma_start3A_440 : memref<1x1x64xf32, #tpu.memory_space<vmem>> -> memref<64xf32, #tpu.memory_space<vmem>>
      %dma_start3A_442 = arith.constant 0 : i32
      %dma_start3A_443 = tpu.memref_slice %arg4[%reduce_sum3A_433, %dma_start3A_442] : memref<1000000x64xf32, #tpu.memory_space<hbm>> -> memref<1x64xf32, #tpu.memory_space<hbm>>
      %dma_start3A_444 = tpu.memref_squeeze %dma_start3A_443 : memref<1x64xf32, #tpu.memory_space<hbm>> -> memref<64xf32, #tpu.memory_space<hbm>>
      %dma_start3A_445 = arith.constant 0 : i32
      %dma_start3A_446 = tpu.memref_slice %arg7[%dma_start3A_438, %add3A_437, %dma_start3A_445] : memref<2x128x64xf32, #tpu.memory_space<vmem>> -> memref<1x1x64xf32, #tpu.memory_space<vmem>>
      %dma_start3A_447 = tpu.memref_squeeze %dma_start3A_446 : memref<1x1x64xf32, #tpu.memory_space<vmem>> -> memref<64xf32, #tpu.memory_space<vmem>>
      %dma_start3A_448 = arith.constant 0 : i32
      %dma_start3A_449 = tpu.memref_slice %arg4[%reduce_sum3A_433, %dma_start3A_448] : memref<1000000x64xf32, #tpu.memory_space<hbm>> -> memref<1x64xf32, #tpu.memory_space<hbm>>
      %dma_start3A_450 = tpu.memref_squeeze %dma_start3A_449 : memref<1x64xf32, #tpu.memory_space<hbm>> -> memref<64xf32, #tpu.memory_space<hbm>>
      tpu.enqueue_dma source(%dma_start3A_450 : memref<64xf32, #tpu.memory_space<hbm>>) target(%dma_start3A_447 : memref<64xf32, #tpu.memory_space<vmem>>) target_semaphore(%arg10 : memref<!tpu.dma_semaphore, #tpu.memory_space<semaphore_mem>>)
      %eq3A_451 = arith.constant 8 : i32
      %eq3A_452 = vector.broadcast %eq3A_451 : i32 to vector<16xi32>
      %eq3A_453 = arith.cmpi eq, %iota3A, %eq3A_452 : vector<16xi32>
      %jit3A_454 = arith.constant 0 : i32
      %broadcast_in_dim3A_455 = vector.broadcast %jit3A_454 : i32 to vector<16xi32>
      %select_n3A_456 = arith.select %eq3A_453, %get3A_238, %broadcast_in_dim3A_455 : vector<16xi1>, vector<16xi32>
      %reduce_sum3A_457 = arith.constant true
      %reduce_sum3A_458 = vector.broadcast %reduce_sum3A_457 : i1 to vector<16xi1>
      %reduce_sum3A_459 = tpu.scan <sum>, %select_n3A_456 masked %reduce_sum3A_458 : vector<16xi32>, vector<16xi1> -> vector<16xi32>
      %reduce_sum3A_460 = vector.extract %reduce_sum3A_459[15] : i32 from vector<16xi32>
      %mul3A_461 = arith.constant 16 : i32
      %mul3A_462 = arith.muli %scan3A_232, %mul3A_461 : i32
      %add3A_463 = arith.constant 8 : i32
      %add3A_464 = arith.addi %mul3A_462, %add3A_463 : i32
      %dma_start3A_465 = arith.constant 1 : i32
      %dma_start3A_466 = arith.constant 0 : i32
      %dma_start3A_467 = tpu.memref_slice %arg7[%dma_start3A_465, %add3A_464, %dma_start3A_466] : memref<2x128x64xf32, #tpu.memory_space<vmem>> -> memref<1x1x64xf32, #tpu.memory_space<vmem>>
      %dma_start3A_468 = tpu.memref_squeeze %dma_start3A_467 : memref<1x1x64xf32, #tpu.memory_space<vmem>> -> memref<64xf32, #tpu.memory_space<vmem>>
      %dma_start3A_469 = arith.constant 0 : i32
      %dma_start3A_470 = tpu.memref_slice %arg4[%reduce_sum3A_460, %dma_start3A_469] : memref<1000000x64xf32, #tpu.memory_space<hbm>> -> memref<1x64xf32, #tpu.memory_space<hbm>>
      %dma_start3A_471 = tpu.memref_squeeze %dma_start3A_470 : memref<1x64xf32, #tpu.memory_space<hbm>> -> memref<64xf32, #tpu.memory_space<hbm>>
      %dma_start3A_472 = arith.constant 0 : i32
      %dma_start3A_473 = tpu.memref_slice %arg7[%dma_start3A_465, %add3A_464, %dma_start3A_472] : memref<2x128x64xf32, #tpu.memory_space<vmem>> -> memref<1x1x64xf32, #tpu.memory_space<vmem>>
      %dma_start3A_474 = tpu.memref_squeeze %dma_start3A_473 : memref<1x1x64xf32, #tpu.memory_space<vmem>> -> memref<64xf32, #tpu.memory_space<vmem>>
      %dma_start3A_475 = arith.constant 0 : i32
      %dma_start3A_476 = tpu.memref_slice %arg4[%reduce_sum3A_460, %dma_start3A_475] : memref<1000000x64xf32, #tpu.memory_space<hbm>> -> memref<1x64xf32, #tpu.memory_space<hbm>>
      %dma_start3A_477 = tpu.memref_squeeze %dma_start3A_476 : memref<1x64xf32, #tpu.memory_space<hbm>> -> memref<64xf32, #tpu.memory_space<hbm>>
      tpu.enqueue_dma source(%dma_start3A_477 : memref<64xf32, #tpu.memory_space<hbm>>) target(%dma_start3A_474 : memref<64xf32, #tpu.memory_space<vmem>>) target_semaphore(%arg10 : memref<!tpu.dma_semaphore, #tpu.memory_space<semaphore_mem>>)
      %eq3A_478 = arith.constant 9 : i32
      %eq3A_479 = vector.broadcast %eq3A_478 : i32 to vector<16xi32>
      %eq3A_480 = arith.cmpi eq, %iota3A, %eq3A_479 : vector<16xi32>
      %jit3A_481 = arith.constant 0 : i32
      %broadcast_in_dim3A_482 = vector.broadcast %jit3A_481 : i32 to vector<16xi32>
      %select_n3A_483 = arith.select %eq3A_480, %get3A_238, %broadcast_in_dim3A_482 : vector<16xi1>, vector<16xi32>
      %reduce_sum3A_484 = arith.constant true
      %reduce_sum3A_485 = vector.broadcast %reduce_sum3A_484 : i1 to vector<16xi1>
      %reduce_sum3A_486 = tpu.scan <sum>, %select_n3A_483 masked %reduce_sum3A_485 : vector<16xi32>, vector<16xi1> -> vector<16xi32>
      %reduce_sum3A_487 = vector.extract %reduce_sum3A_486[15] : i32 from vector<16xi32>
      %mul3A_488 = arith.constant 16 : i32
      %mul3A_489 = arith.muli %scan3A_232, %mul3A_488 : i32
      %add3A_490 = arith.constant 9 : i32
      %add3A_491 = arith.addi %mul3A_489, %add3A_490 : i32
      %dma_start3A_492 = arith.constant 1 : i32
      %dma_start3A_493 = arith.constant 0 : i32
      %dma_start3A_494 = tpu.memref_slice %arg7[%dma_start3A_492, %add3A_491, %dma_start3A_493] : memref<2x128x64xf32, #tpu.memory_space<vmem>> -> memref<1x1x64xf32, #tpu.memory_space<vmem>>
      %dma_start3A_495 = tpu.memref_squeeze %dma_start3A_494 : memref<1x1x64xf32, #tpu.memory_space<vmem>> -> memref<64xf32, #tpu.memory_space<vmem>>
      %dma_start3A_496 = arith.constant 0 : i32
      %dma_start3A_497 = tpu.memref_slice %arg4[%reduce_sum3A_487, %dma_start3A_496] : memref<1000000x64xf32, #tpu.memory_space<hbm>> -> memref<1x64xf32, #tpu.memory_space<hbm>>
      %dma_start3A_498 = tpu.memref_squeeze %dma_start3A_497 : memref<1x64xf32, #tpu.memory_space<hbm>> -> memref<64xf32, #tpu.memory_space<hbm>>
      %dma_start3A_499 = arith.constant 0 : i32
      %dma_start3A_500 = tpu.memref_slice %arg7[%dma_start3A_492, %add3A_491, %dma_start3A_499] : memref<2x128x64xf32, #tpu.memory_space<vmem>> -> memref<1x1x64xf32, #tpu.memory_space<vmem>>
      %dma_start3A_501 = tpu.memref_squeeze %dma_start3A_500 : memref<1x1x64xf32, #tpu.memory_space<vmem>> -> memref<64xf32, #tpu.memory_space<vmem>>
      %dma_start3A_502 = arith.constant 0 : i32
      %dma_start3A_503 = tpu.memref_slice %arg4[%reduce_sum3A_487, %dma_start3A_502] : memref<1000000x64xf32, #tpu.memory_space<hbm>> -> memref<1x64xf32, #tpu.memory_space<hbm>>
      %dma_start3A_504 = tpu.memref_squeeze %dma_start3A_503 : memref<1x64xf32, #tpu.memory_space<hbm>> -> memref<64xf32, #tpu.memory_space<hbm>>
      tpu.enqueue_dma source(%dma_start3A_504 : memref<64xf32, #tpu.memory_space<hbm>>) target(%dma_start3A_501 : memref<64xf32, #tpu.memory_space<vmem>>) target_semaphore(%arg10 : memref<!tpu.dma_semaphore, #tpu.memory_space<semaphore_mem>>)
      %eq3A_505 = arith.constant 10 : i32
      %eq3A_506 = vector.broadcast %eq3A_505 : i32 to vector<16xi32>
      %eq3A_507 = arith.cmpi eq, %iota3A, %eq3A_506 : vector<16xi32>
      %jit3A_508 = arith.constant 0 : i32
      %broadcast_in_dim3A_509 = vector.broadcast %jit3A_508 : i32 to vector<16xi32>
      %select_n3A_510 = arith.select %eq3A_507, %get3A_238, %broadcast_in_dim3A_509 : vector<16xi1>, vector<16xi32>
      %reduce_sum3A_511 = arith.constant true
      %reduce_sum3A_512 = vector.broadcast %reduce_sum3A_511 : i1 to vector<16xi1>
      %reduce_sum3A_513 = tpu.scan <sum>, %select_n3A_510 masked %reduce_sum3A_512 : vector<16xi32>, vector<16xi1> -> vector<16xi32>
      %reduce_sum3A_514 = vector.extract %reduce_sum3A_513[15] : i32 from vector<16xi32>
      %mul3A_515 = arith.constant 16 : i32
      %mul3A_516 = arith.muli %scan3A_232, %mul3A_515 : i32
      %add3A_517 = arith.constant 10 : i32
      %add3A_518 = arith.addi %mul3A_516, %add3A_517 : i32
      %dma_start3A_519 = arith.constant 1 : i32
      %dma_start3A_520 = arith.constant 0 : i32
      %dma_start3A_521 = tpu.memref_slice %arg7[%dma_start3A_519, %add3A_518, %dma_start3A_520] : memref<2x128x64xf32, #tpu.memory_space<vmem>> -> memref<1x1x64xf32, #tpu.memory_space<vmem>>
      %dma_start3A_522 = tpu.memref_squeeze %dma_start3A_521 : memref<1x1x64xf32, #tpu.memory_space<vmem>> -> memref<64xf32, #tpu.memory_space<vmem>>
      %dma_start3A_523 = arith.constant 0 : i32
      %dma_start3A_524 = tpu.memref_slice %arg4[%reduce_sum3A_514, %dma_start3A_523] : memref<1000000x64xf32, #tpu.memory_space<hbm>> -> memref<1x64xf32, #tpu.memory_space<hbm>>
      %dma_start3A_525 = tpu.memref_squeeze %dma_start3A_524 : memref<1x64xf32, #tpu.memory_space<hbm>> -> memref<64xf32, #tpu.memory_space<hbm>>
      %dma_start3A_526 = arith.constant 0 : i32
      %dma_start3A_527 = tpu.memref_slice %arg7[%dma_start3A_519, %add3A_518, %dma_start3A_526] : memref<2x128x64xf32, #tpu.memory_space<vmem>> -> memref<1x1x64xf32, #tpu.memory_space<vmem>>
      %dma_start3A_528 = tpu.memref_squeeze %dma_start3A_527 : memref<1x1x64xf32, #tpu.memory_space<vmem>> -> memref<64xf32, #tpu.memory_space<vmem>>
      %dma_start3A_529 = arith.constant 0 : i32
      %dma_start3A_530 = tpu.memref_slice %arg4[%reduce_sum3A_514, %dma_start3A_529] : memref<1000000x64xf32, #tpu.memory_space<hbm>> -> memref<1x64xf32, #tpu.memory_space<hbm>>
      %dma_start3A_531 = tpu.memref_squeeze %dma_start3A_530 : memref<1x64xf32, #tpu.memory_space<hbm>> -> memref<64xf32, #tpu.memory_space<hbm>>
      tpu.enqueue_dma source(%dma_start3A_531 : memref<64xf32, #tpu.memory_space<hbm>>) target(%dma_start3A_528 : memref<64xf32, #tpu.memory_space<vmem>>) target_semaphore(%arg10 : memref<!tpu.dma_semaphore, #tpu.memory_space<semaphore_mem>>)
      %eq3A_532 = arith.constant 11 : i32
      %eq3A_533 = vector.broadcast %eq3A_532 : i32 to vector<16xi32>
      %eq3A_534 = arith.cmpi eq, %iota3A, %eq3A_533 : vector<16xi32>
      %jit3A_535 = arith.constant 0 : i32
      %broadcast_in_dim3A_536 = vector.broadcast %jit3A_535 : i32 to vector<16xi32>
      %select_n3A_537 = arith.select %eq3A_534, %get3A_238, %broadcast_in_dim3A_536 : vector<16xi1>, vector<16xi32>
      %reduce_sum3A_538 = arith.constant true
      %reduce_sum3A_539 = vector.broadcast %reduce_sum3A_538 : i1 to vector<16xi1>
      %reduce_sum3A_540 = tpu.scan <sum>, %select_n3A_537 masked %reduce_sum3A_539 : vector<16xi32>, vector<16xi1> -> vector<16xi32>
      %reduce_sum3A_541 = vector.extract %reduce_sum3A_540[15] : i32 from vector<16xi32>
      %mul3A_542 = arith.constant 16 : i32
      %mul3A_543 = arith.muli %scan3A_232, %mul3A_542 : i32
      %add3A_544 = arith.constant 11 : i32
      %add3A_545 = arith.addi %mul3A_543, %add3A_544 : i32
      %dma_start3A_546 = arith.constant 1 : i32
      %dma_start3A_547 = arith.constant 0 : i32
      %dma_start3A_548 = tpu.memref_slice %arg7[%dma_start3A_546, %add3A_545, %dma_start3A_547] : memref<2x128x64xf32, #tpu.memory_space<vmem>> -> memref<1x1x64xf32, #tpu.memory_space<vmem>>
      %dma_start3A_549 = tpu.memref_squeeze %dma_start3A_548 : memref<1x1x64xf32, #tpu.memory_space<vmem>> -> memref<64xf32, #tpu.memory_space<vmem>>
      %dma_start3A_550 = arith.constant 0 : i32
      %dma_start3A_551 = tpu.memref_slice %arg4[%reduce_sum3A_541, %dma_start3A_550] : memref<1000000x64xf32, #tpu.memory_space<hbm>> -> memref<1x64xf32, #tpu.memory_space<hbm>>
      %dma_start3A_552 = tpu.memref_squeeze %dma_start3A_551 : memref<1x64xf32, #tpu.memory_space<hbm>> -> memref<64xf32, #tpu.memory_space<hbm>>
      %dma_start3A_553 = arith.constant 0 : i32
      %dma_start3A_554 = tpu.memref_slice %arg7[%dma_start3A_546, %add3A_545, %dma_start3A_553] : memref<2x128x64xf32, #tpu.memory_space<vmem>> -> memref<1x1x64xf32, #tpu.memory_space<vmem>>
      %dma_start3A_555 = tpu.memref_squeeze %dma_start3A_554 : memref<1x1x64xf32, #tpu.memory_space<vmem>> -> memref<64xf32, #tpu.memory_space<vmem>>
      %dma_start3A_556 = arith.constant 0 : i32
      %dma_start3A_557 = tpu.memref_slice %arg4[%reduce_sum3A_541, %dma_start3A_556] : memref<1000000x64xf32, #tpu.memory_space<hbm>> -> memref<1x64xf32, #tpu.memory_space<hbm>>
      %dma_start3A_558 = tpu.memref_squeeze %dma_start3A_557 : memref<1x64xf32, #tpu.memory_space<hbm>> -> memref<64xf32, #tpu.memory_space<hbm>>
      tpu.enqueue_dma source(%dma_start3A_558 : memref<64xf32, #tpu.memory_space<hbm>>) target(%dma_start3A_555 : memref<64xf32, #tpu.memory_space<vmem>>) target_semaphore(%arg10 : memref<!tpu.dma_semaphore, #tpu.memory_space<semaphore_mem>>)
      %eq3A_559 = arith.constant 12 : i32
      %eq3A_560 = vector.broadcast %eq3A_559 : i32 to vector<16xi32>
      %eq3A_561 = arith.cmpi eq, %iota3A, %eq3A_560 : vector<16xi32>
      %jit3A_562 = arith.constant 0 : i32
      %broadcast_in_dim3A_563 = vector.broadcast %jit3A_562 : i32 to vector<16xi32>
      %select_n3A_564 = arith.select %eq3A_561, %get3A_238, %broadcast_in_dim3A_563 : vector<16xi1>, vector<16xi32>
      %reduce_sum3A_565 = arith.constant true
      %reduce_sum3A_566 = vector.broadcast %reduce_sum3A_565 : i1 to vector<16xi1>
      %reduce_sum3A_567 = tpu.scan <sum>, %select_n3A_564 masked %reduce_sum3A_566 : vector<16xi32>, vector<16xi1> -> vector<16xi32>
      %reduce_sum3A_568 = vector.extract %reduce_sum3A_567[15] : i32 from vector<16xi32>
      %mul3A_569 = arith.constant 16 : i32
      %mul3A_570 = arith.muli %scan3A_232, %mul3A_569 : i32
      %add3A_571 = arith.constant 12 : i32
      %add3A_572 = arith.addi %mul3A_570, %add3A_571 : i32
      %dma_start3A_573 = arith.constant 1 : i32
      %dma_start3A_574 = arith.constant 0 : i32
      %dma_start3A_575 = tpu.memref_slice %arg7[%dma_start3A_573, %add3A_572, %dma_start3A_574] : memref<2x128x64xf32, #tpu.memory_space<vmem>> -> memref<1x1x64xf32, #tpu.memory_space<vmem>>
      %dma_start3A_576 = tpu.memref_squeeze %dma_start3A_575 : memref<1x1x64xf32, #tpu.memory_space<vmem>> -> memref<64xf32, #tpu.memory_space<vmem>>
      %dma_start3A_577 = arith.constant 0 : i32
      %dma_start3A_578 = tpu.memref_slice %arg4[%reduce_sum3A_568, %dma_start3A_577] : memref<1000000x64xf32, #tpu.memory_space<hbm>> -> memref<1x64xf32, #tpu.memory_space<hbm>>
      %dma_start3A_579 = tpu.memref_squeeze %dma_start3A_578 : memref<1x64xf32, #tpu.memory_space<hbm>> -> memref<64xf32, #tpu.memory_space<hbm>>
      %dma_start3A_580 = arith.constant 0 : i32
      %dma_start3A_581 = tpu.memref_slice %arg7[%dma_start3A_573, %add3A_572, %dma_start3A_580] : memref<2x128x64xf32, #tpu.memory_space<vmem>> -> memref<1x1x64xf32, #tpu.memory_space<vmem>>
      %dma_start3A_582 = tpu.memref_squeeze %dma_start3A_581 : memref<1x1x64xf32, #tpu.memory_space<vmem>> -> memref<64xf32, #tpu.memory_space<vmem>>
      %dma_start3A_583 = arith.constant 0 : i32
      %dma_start3A_584 = tpu.memref_slice %arg4[%reduce_sum3A_568, %dma_start3A_583] : memref<1000000x64xf32, #tpu.memory_space<hbm>> -> memref<1x64xf32, #tpu.memory_space<hbm>>
      %dma_start3A_585 = tpu.memref_squeeze %dma_start3A_584 : memref<1x64xf32, #tpu.memory_space<hbm>> -> memref<64xf32, #tpu.memory_space<hbm>>
      tpu.enqueue_dma source(%dma_start3A_585 : memref<64xf32, #tpu.memory_space<hbm>>) target(%dma_start3A_582 : memref<64xf32, #tpu.memory_space<vmem>>) target_semaphore(%arg10 : memref<!tpu.dma_semaphore, #tpu.memory_space<semaphore_mem>>)
      %eq3A_586 = arith.constant 13 : i32
      %eq3A_587 = vector.broadcast %eq3A_586 : i32 to vector<16xi32>
      %eq3A_588 = arith.cmpi eq, %iota3A, %eq3A_587 : vector<16xi32>
      %jit3A_589 = arith.constant 0 : i32
      %broadcast_in_dim3A_590 = vector.broadcast %jit3A_589 : i32 to vector<16xi32>
      %select_n3A_591 = arith.select %eq3A_588, %get3A_238, %broadcast_in_dim3A_590 : vector<16xi1>, vector<16xi32>
      %reduce_sum3A_592 = arith.constant true
      %reduce_sum3A_593 = vector.broadcast %reduce_sum3A_592 : i1 to vector<16xi1>
      %reduce_sum3A_594 = tpu.scan <sum>, %select_n3A_591 masked %reduce_sum3A_593 : vector<16xi32>, vector<16xi1> -> vector<16xi32>
      %reduce_sum3A_595 = vector.extract %reduce_sum3A_594[15] : i32 from vector<16xi32>
      %mul3A_596 = arith.constant 16 : i32
      %mul3A_597 = arith.muli %scan3A_232, %mul3A_596 : i32
      %add3A_598 = arith.constant 13 : i32
      %add3A_599 = arith.addi %mul3A_597, %add3A_598 : i32
      %dma_start3A_600 = arith.constant 1 : i32
      %dma_start3A_601 = arith.constant 0 : i32
      %dma_start3A_602 = tpu.memref_slice %arg7[%dma_start3A_600, %add3A_599, %dma_start3A_601] : memref<2x128x64xf32, #tpu.memory_space<vmem>> -> memref<1x1x64xf32, #tpu.memory_space<vmem>>
      %dma_start3A_603 = tpu.memref_squeeze %dma_start3A_602 : memref<1x1x64xf32, #tpu.memory_space<vmem>> -> memref<64xf32, #tpu.memory_space<vmem>>
      %dma_start3A_604 = arith.constant 0 : i32
      %dma_start3A_605 = tpu.memref_slice %arg4[%reduce_sum3A_595, %dma_start3A_604] : memref<1000000x64xf32, #tpu.memory_space<hbm>> -> memref<1x64xf32, #tpu.memory_space<hbm>>
      %dma_start3A_606 = tpu.memref_squeeze %dma_start3A_605 : memref<1x64xf32, #tpu.memory_space<hbm>> -> memref<64xf32, #tpu.memory_space<hbm>>
      %dma_start3A_607 = arith.constant 0 : i32
      %dma_start3A_608 = tpu.memref_slice %arg7[%dma_start3A_600, %add3A_599, %dma_start3A_607] : memref<2x128x64xf32, #tpu.memory_space<vmem>> -> memref<1x1x64xf32, #tpu.memory_space<vmem>>
      %dma_start3A_609 = tpu.memref_squeeze %dma_start3A_608 : memref<1x1x64xf32, #tpu.memory_space<vmem>> -> memref<64xf32, #tpu.memory_space<vmem>>
      %dma_start3A_610 = arith.constant 0 : i32
      %dma_start3A_611 = tpu.memref_slice %arg4[%reduce_sum3A_595, %dma_start3A_610] : memref<1000000x64xf32, #tpu.memory_space<hbm>> -> memref<1x64xf32, #tpu.memory_space<hbm>>
      %dma_start3A_612 = tpu.memref_squeeze %dma_start3A_611 : memref<1x64xf32, #tpu.memory_space<hbm>> -> memref<64xf32, #tpu.memory_space<hbm>>
      tpu.enqueue_dma source(%dma_start3A_612 : memref<64xf32, #tpu.memory_space<hbm>>) target(%dma_start3A_609 : memref<64xf32, #tpu.memory_space<vmem>>) target_semaphore(%arg10 : memref<!tpu.dma_semaphore, #tpu.memory_space<semaphore_mem>>)
      %eq3A_613 = arith.constant 14 : i32
      %eq3A_614 = vector.broadcast %eq3A_613 : i32 to vector<16xi32>
      %eq3A_615 = arith.cmpi eq, %iota3A, %eq3A_614 : vector<16xi32>
      %jit3A_616 = arith.constant 0 : i32
      %broadcast_in_dim3A_617 = vector.broadcast %jit3A_616 : i32 to vector<16xi32>
      %select_n3A_618 = arith.select %eq3A_615, %get3A_238, %broadcast_in_dim3A_617 : vector<16xi1>, vector<16xi32>
      %reduce_sum3A_619 = arith.constant true
      %reduce_sum3A_620 = vector.broadcast %reduce_sum3A_619 : i1 to vector<16xi1>
      %reduce_sum3A_621 = tpu.scan <sum>, %select_n3A_618 masked %reduce_sum3A_620 : vector<16xi32>, vector<16xi1> -> vector<16xi32>
      %reduce_sum3A_622 = vector.extract %reduce_sum3A_621[15] : i32 from vector<16xi32>
      %mul3A_623 = arith.constant 16 : i32
      %mul3A_624 = arith.muli %scan3A_232, %mul3A_623 : i32
      %add3A_625 = arith.constant 14 : i32
      %add3A_626 = arith.addi %mul3A_624, %add3A_625 : i32
      %dma_start3A_627 = arith.constant 1 : i32
      %dma_start3A_628 = arith.constant 0 : i32
      %dma_start3A_629 = tpu.memref_slice %arg7[%dma_start3A_627, %add3A_626, %dma_start3A_628] : memref<2x128x64xf32, #tpu.memory_space<vmem>> -> memref<1x1x64xf32, #tpu.memory_space<vmem>>
      %dma_start3A_630 = tpu.memref_squeeze %dma_start3A_629 : memref<1x1x64xf32, #tpu.memory_space<vmem>> -> memref<64xf32, #tpu.memory_space<vmem>>
      %dma_start3A_631 = arith.constant 0 : i32
      %dma_start3A_632 = tpu.memref_slice %arg4[%reduce_sum3A_622, %dma_start3A_631] : memref<1000000x64xf32, #tpu.memory_space<hbm>> -> memref<1x64xf32, #tpu.memory_space<hbm>>
      %dma_start3A_633 = tpu.memref_squeeze %dma_start3A_632 : memref<1x64xf32, #tpu.memory_space<hbm>> -> memref<64xf32, #tpu.memory_space<hbm>>
      %dma_start3A_634 = arith.constant 0 : i32
      %dma_start3A_635 = tpu.memref_slice %arg7[%dma_start3A_627, %add3A_626, %dma_start3A_634] : memref<2x128x64xf32, #tpu.memory_space<vmem>> -> memref<1x1x64xf32, #tpu.memory_space<vmem>>
      %dma_start3A_636 = tpu.memref_squeeze %dma_start3A_635 : memref<1x1x64xf32, #tpu.memory_space<vmem>> -> memref<64xf32, #tpu.memory_space<vmem>>
      %dma_start3A_637 = arith.constant 0 : i32
      %dma_start3A_638 = tpu.memref_slice %arg4[%reduce_sum3A_622, %dma_start3A_637] : memref<1000000x64xf32, #tpu.memory_space<hbm>> -> memref<1x64xf32, #tpu.memory_space<hbm>>
      %dma_start3A_639 = tpu.memref_squeeze %dma_start3A_638 : memref<1x64xf32, #tpu.memory_space<hbm>> -> memref<64xf32, #tpu.memory_space<hbm>>
      tpu.enqueue_dma source(%dma_start3A_639 : memref<64xf32, #tpu.memory_space<hbm>>) target(%dma_start3A_636 : memref<64xf32, #tpu.memory_space<vmem>>) target_semaphore(%arg10 : memref<!tpu.dma_semaphore, #tpu.memory_space<semaphore_mem>>)
      %eq3A_640 = arith.constant 15 : i32
      %eq3A_641 = vector.broadcast %eq3A_640 : i32 to vector<16xi32>
      %eq3A_642 = arith.cmpi eq, %iota3A, %eq3A_641 : vector<16xi32>
      %jit3A_643 = arith.constant 0 : i32
      %broadcast_in_dim3A_644 = vector.broadcast %jit3A_643 : i32 to vector<16xi32>
      %select_n3A_645 = arith.select %eq3A_642, %get3A_238, %broadcast_in_dim3A_644 : vector<16xi1>, vector<16xi32>
      %reduce_sum3A_646 = arith.constant true
      %reduce_sum3A_647 = vector.broadcast %reduce_sum3A_646 : i1 to vector<16xi1>
      %reduce_sum3A_648 = tpu.scan <sum>, %select_n3A_645 masked %reduce_sum3A_647 : vector<16xi32>, vector<16xi1> -> vector<16xi32>
      %reduce_sum3A_649 = vector.extract %reduce_sum3A_648[15] : i32 from vector<16xi32>
      %mul3A_650 = arith.constant 16 : i32
      %mul3A_651 = arith.muli %scan3A_232, %mul3A_650 : i32
      %add3A_652 = arith.constant 15 : i32
      %add3A_653 = arith.addi %mul3A_651, %add3A_652 : i32
      %dma_start3A_654 = arith.constant 1 : i32
      %dma_start3A_655 = arith.constant 0 : i32
      %dma_start3A_656 = tpu.memref_slice %arg7[%dma_start3A_654, %add3A_653, %dma_start3A_655] : memref<2x128x64xf32, #tpu.memory_space<vmem>> -> memref<1x1x64xf32, #tpu.memory_space<vmem>>
      %dma_start3A_657 = tpu.memref_squeeze %dma_start3A_656 : memref<1x1x64xf32, #tpu.memory_space<vmem>> -> memref<64xf32, #tpu.memory_space<vmem>>
      %dma_start3A_658 = arith.constant 0 : i32
      %dma_start3A_659 = tpu.memref_slice %arg4[%reduce_sum3A_649, %dma_start3A_658] : memref<1000000x64xf32, #tpu.memory_space<hbm>> -> memref<1x64xf32, #tpu.memory_space<hbm>>
      %dma_start3A_660 = tpu.memref_squeeze %dma_start3A_659 : memref<1x64xf32, #tpu.memory_space<hbm>> -> memref<64xf32, #tpu.memory_space<hbm>>
      %dma_start3A_661 = arith.constant 0 : i32
      %dma_start3A_662 = tpu.memref_slice %arg7[%dma_start3A_654, %add3A_653, %dma_start3A_661] : memref<2x128x64xf32, #tpu.memory_space<vmem>> -> memref<1x1x64xf32, #tpu.memory_space<vmem>>
      %dma_start3A_663 = tpu.memref_squeeze %dma_start3A_662 : memref<1x1x64xf32, #tpu.memory_space<vmem>> -> memref<64xf32, #tpu.memory_space<vmem>>
      %dma_start3A_664 = arith.constant 0 : i32
      %dma_start3A_665 = tpu.memref_slice %arg4[%reduce_sum3A_649, %dma_start3A_664] : memref<1000000x64xf32, #tpu.memory_space<hbm>> -> memref<1x64xf32, #tpu.memory_space<hbm>>
      %dma_start3A_666 = tpu.memref_squeeze %dma_start3A_665 : memref<1x64xf32, #tpu.memory_space<hbm>> -> memref<64xf32, #tpu.memory_space<hbm>>
      tpu.enqueue_dma source(%dma_start3A_666 : memref<64xf32, #tpu.memory_space<hbm>>) target(%dma_start3A_663 : memref<64xf32, #tpu.memory_space<vmem>>) target_semaphore(%arg10 : memref<!tpu.dma_semaphore, #tpu.memory_space<semaphore_mem>>)
      %scan3A_667 = arith.constant 0 : i32
      scf.yield %scan3A_667 : i32
    }
    %scan3A_45 = arith.constant 8 : i32
    %dma_wait3A = arith.constant 0 : i32
    "tpu.trace_stop"() : () -> ()
    "tpu.trace_start"() <{level = 10 : i32, message = "drain0"}> : () -> ()
    %dma_wait3A_46 = arith.constant 0 : i32
    %dma_wait3A_47 = arith.constant 0 : i32
    %dma_wait3A_48 = tpu.memref_slice %arg7[%dma_wait3A, %dma_wait3A_46, %dma_wait3A_47] : memref<2x128x64xf32, #tpu.memory_space<vmem>> -> memref<1x128x64xf32, #tpu.memory_space<vmem>>
    %dma_wait3A_49 = tpu.memref_squeeze %dma_wait3A_48 : memref<1x128x64xf32, #tpu.memory_space<vmem>> -> memref<128x64xf32, #tpu.memory_space<vmem>>
    %dma_wait3A_50 = arith.constant 0 : i32
    %dma_wait3A_51 = arith.constant 0 : i32
    %dma_wait3A_52 = tpu.memref_slice %arg4[%dma_wait3A_50, %dma_wait3A_51] : memref<1000000x64xf32, #tpu.memory_space<hbm>> -> memref<128x64xf32, #tpu.memory_space<hbm>>
    %dma_wait3A_53 = arith.constant 0 : i32
    %dma_wait3A_54 = arith.constant 0 : i32
    %dma_wait3A_55 = tpu.memref_slice %arg7[%dma_wait3A, %dma_wait3A_53, %dma_wait3A_54] : memref<2x128x64xf32, #tpu.memory_space<vmem>> -> memref<1x128x64xf32, #tpu.memory_space<vmem>>
    %dma_wait3A_56 = tpu.memref_squeeze %dma_wait3A_55 : memref<1x128x64xf32, #tpu.memory_space<vmem>> -> memref<128x64xf32, #tpu.memory_space<vmem>>
    %dma_wait3A_57 = arith.constant 0 : i32
    %dma_wait3A_58 = arith.constant 0 : i32
    %dma_wait3A_59 = tpu.memref_slice %arg4[%dma_wait3A_57, %dma_wait3A_58] : memref<1000000x64xf32, #tpu.memory_space<hbm>> -> memref<128x64xf32, #tpu.memory_space<hbm>>
    tpu.wait_dma2 semaphore(%arg10 : memref<!tpu.dma_semaphore, #tpu.memory_space<semaphore_mem>>) src(%dma_wait3A_59 : memref<128x64xf32, #tpu.memory_space<hbm>>) dst(%dma_wait3A_56 : memref<128x64xf32, #tpu.memory_space<vmem>>)
    %dma_wait3A_60 = arith.constant 0 : i32
    %dma_wait3A_61 = arith.constant 0 : i32
    %dma_wait3A_62 = arith.constant 0 : i32
    %dma_wait3A_63 = tpu.memref_slice %arg8[%dma_wait3A_60, %dma_wait3A_61, %dma_wait3A_62] : memref<2x128x64xf32, #tpu.memory_space<vmem>> -> memref<1x128x64xf32, #tpu.memory_space<vmem>>
    %dma_wait3A_64 = tpu.memref_squeeze %dma_wait3A_63 : memref<1x128x64xf32, #tpu.memory_space<vmem>> -> memref<128x64xf32, #tpu.memory_space<vmem>>
    %dma_wait3A_65 = arith.constant 0 : i32
    %dma_wait3A_66 = tpu.memref_slice %arg2[%add3A_5, %dma_wait3A_65] : memref<16384x64xf32, #tpu.memory_space<hbm>> -> memref<128x64xf32, #tpu.memory_space<hbm>>
    %dma_wait3A_67 = arith.constant 0 : i32
    %dma_wait3A_68 = arith.constant 0 : i32
    %dma_wait3A_69 = tpu.memref_slice %arg8[%dma_wait3A_60, %dma_wait3A_67, %dma_wait3A_68] : memref<2x128x64xf32, #tpu.memory_space<vmem>> -> memref<1x128x64xf32, #tpu.memory_space<vmem>>
    %dma_wait3A_70 = tpu.memref_squeeze %dma_wait3A_69 : memref<1x128x64xf32, #tpu.memory_space<vmem>> -> memref<128x64xf32, #tpu.memory_space<vmem>>
    %dma_wait3A_71 = arith.constant 0 : i32
    %dma_wait3A_72 = tpu.memref_slice %arg2[%add3A_5, %dma_wait3A_71] : memref<16384x64xf32, #tpu.memory_space<hbm>> -> memref<128x64xf32, #tpu.memory_space<hbm>>
    tpu.wait_dma2 semaphore(%arg11 : memref<!tpu.dma_semaphore, #tpu.memory_space<semaphore_mem>>) src(%dma_wait3A_72 : memref<128x64xf32, #tpu.memory_space<hbm>>) dst(%dma_wait3A_70 : memref<128x64xf32, #tpu.memory_space<vmem>>)
    "tpu.trace_stop"() : () -> ()
    "tpu.trace_start"() <{level = 10 : i32, message = "acc0"}> : () -> ()
    %scan3A_73 = arith.constant 0 : i32
    %scan3A_74 = arith.constant 128 : i32
    %scan3A_75 = arith.addi %scan3A_73, %scan3A_74 : i32
    %scan3A_76 = arith.constant 1 : i32
    %scan3A_77:4 = scf.for %scan3A_232 = %scan3A_73 to %scan3A_75 step %scan3A_76 iter_args(%scan3A_233 = %broadcast_in_dim3A_3, %scan3A_234 = %broadcast_in_dim3A_3, %scan3A_235 = %broadcast_in_dim3A_3, %scan3A_236 = %broadcast_in_dim3A_3) -> (vector<16xf32>, vector<16xf32>, vector<16xf32>, vector<16xf32>)  : i32 {
      %get3A = arith.constant 0 : i32
      %get3A_237 = arith.index_cast %get3A : i32 to index
      %get3A_238 = arith.index_cast %scan3A_232 : i32 to index
      %get3A_239 = arith.constant 0 : index
      %get3A_240 = tpu.vector_load %arg8[%get3A_237, %get3A_238, %get3A_239] {strides = array<i32>} : memref<2x128x64xf32, #tpu.memory_space<vmem>>, vector<16xf32>,
      %get3A_241 = arith.constant 0 : i32
      %get3A_242 = arith.index_cast %get3A_241 : i32 to index
      %get3A_243 = arith.index_cast %scan3A_232 : i32 to index
      %get3A_244 = arith.constant 0 : index
      %get3A_245 = tpu.vector_load %arg7[%get3A_242, %get3A_243, %get3A_244] {strides = array<i32>} : memref<2x128x64xf32, #tpu.memory_space<vmem>>, vector<16xf32>,
      %sub3A = arith.subf %get3A_240, %get3A_245 : vector<16xf32>
      %mul3A_246 = arith.mulf %sub3A, %sub3A : vector<16xf32>
      %add3A_247 = arith.addf %scan3A_233, %mul3A_246 : vector<16xf32>
      %get3A_248 = arith.constant 0 : i32
      %get3A_249 = arith.index_cast %get3A_248 : i32 to index
      %get3A_250 = arith.index_cast %scan3A_232 : i32 to index
      %get3A_251 = arith.constant 16 : index
      %get3A_252 = tpu.vector_load %arg8[%get3A_249, %get3A_250, %get3A_251] {strides = array<i32>} : memref<2x128x64xf32, #tpu.memory_space<vmem>>, vector<16xf32>,
      %get3A_253 = arith.constant 0 : i32
      %get3A_254 = arith.index_cast %get3A_253 : i32 to index
      %get3A_255 = arith.index_cast %scan3A_232 : i32 to index
      %get3A_256 = arith.constant 16 : index
      %get3A_257 = tpu.vector_load %arg7[%get3A_254, %get3A_255, %get3A_256] {strides = array<i32>} : memref<2x128x64xf32, #tpu.memory_space<vmem>>, vector<16xf32>,
      %sub3A_258 = arith.subf %get3A_252, %get3A_257 : vector<16xf32>
      %mul3A_259 = arith.mulf %sub3A_258, %sub3A_258 : vector<16xf32>
      %add3A_260 = arith.addf %scan3A_234, %mul3A_259 : vector<16xf32>
      %get3A_261 = arith.constant 0 : i32
      %get3A_262 = arith.index_cast %get3A_261 : i32 to index
      %get3A_263 = arith.index_cast %scan3A_232 : i32 to index
      %get3A_264 = arith.constant 32 : index
      %get3A_265 = tpu.vector_load %arg8[%get3A_262, %get3A_263, %get3A_264] {strides = array<i32>} : memref<2x128x64xf32, #tpu.memory_space<vmem>>, vector<16xf32>,
      %get3A_266 = arith.constant 0 : i32
      %get3A_267 = arith.index_cast %get3A_266 : i32 to index
      %get3A_268 = arith.index_cast %scan3A_232 : i32 to index
      %get3A_269 = arith.constant 32 : index
      %get3A_270 = tpu.vector_load %arg7[%get3A_267, %get3A_268, %get3A_269] {strides = array<i32>} : memref<2x128x64xf32, #tpu.memory_space<vmem>>, vector<16xf32>,
      %sub3A_271 = arith.subf %get3A_265, %get3A_270 : vector<16xf32>
      %mul3A_272 = arith.mulf %sub3A_271, %sub3A_271 : vector<16xf32>
      %add3A_273 = arith.addf %scan3A_235, %mul3A_272 : vector<16xf32>
      %get3A_274 = arith.constant 0 : i32
      %get3A_275 = arith.index_cast %get3A_274 : i32 to index
      %get3A_276 = arith.index_cast %scan3A_232 : i32 to index
      %get3A_277 = arith.constant 48 : index
      %get3A_278 = tpu.vector_load %arg8[%get3A_275, %get3A_276, %get3A_277] {strides = array<i32>} : memref<2x128x64xf32, #tpu.memory_space<vmem>>, vector<16xf32>,
      %get3A_279 = arith.constant 0 : i32
      %get3A_280 = arith.index_cast %get3A_279 : i32 to index
      %get3A_281 = arith.index_cast %scan3A_232 : i32 to index
      %get3A_282 = arith.constant 48 : index
      %get3A_283 = tpu.vector_load %arg7[%get3A_280, %get3A_281, %get3A_282] {strides = array<i32>} : memref<2x128x64xf32, #tpu.memory_space<vmem>>, vector<16xf32>,
      %sub3A_284 = arith.subf %get3A_278, %get3A_283 : vector<16xf32>
      %mul3A_285 = arith.mulf %sub3A_284, %sub3A_284 : vector<16xf32>
      %add3A_286 = arith.addf %scan3A_236, %mul3A_285 : vector<16xf32>
      scf.yield %add3A_247, %add3A_260, %add3A_273, %add3A_286 : vector<16xf32>, vector<16xf32>, vector<16xf32>, vector<16xf32>
    }
    %scan3A_78 = arith.constant 128 : i32
    "tpu.trace_stop"() : () -> ()
    "tpu.trace_start"() <{level = 10 : i32, message = "fire2"}> : () -> ()
    %add3A_79 = arith.constant 256 : i32
    %add3A_80 = arith.addi %mul3A_2, %add3A_79 : i32
    %dma_start3A_81 = arith.constant 0 : i32
    %dma_start3A_82 = arith.constant 0 : i32
    %dma_start3A_83 = arith.constant 0 : i32
    %dma_start3A_84 = tpu.memref_slice %arg8[%dma_start3A_81, %dma_start3A_82, %dma_start3A_83] : memref<2x128x64xf32, #tpu.memory_space<vmem>> -> memref<1x128x64xf32, #tpu.memory_space<vmem>>
    %dma_start3A_85 = tpu.memref_squeeze %dma_start3A_84 : memref<1x128x64xf32, #tpu.memory_space<vmem>> -> memref<128x64xf32, #tpu.memory_space<vmem>>
    %dma_start3A_86 = arith.constant 0 : i32
    %dma_start3A_87 = tpu.memref_slice %arg2[%add3A_80, %dma_start3A_86] : memref<16384x64xf32, #tpu.memory_space<hbm>> -> memref<128x64xf32, #tpu.memory_space<hbm>>
    %dma_start3A_88 = arith.constant 0 : i32
    %dma_start3A_89 = arith.constant 0 : i32
    %dma_start3A_90 = tpu.memref_slice %arg8[%dma_start3A_81, %dma_start3A_88, %dma_start3A_89] : memref<2x128x64xf32, #tpu.memory_space<vmem>> -> memref<1x128x64xf32, #tpu.memory_space<vmem>>
    %dma_start3A_91 = tpu.memref_squeeze %dma_start3A_90 : memref<1x128x64xf32, #tpu.memory_space<vmem>> -> memref<128x64xf32, #tpu.memory_space<vmem>>
    %dma_start3A_92 = arith.constant 0 : i32
    %dma_start3A_93 = tpu.memref_slice %arg2[%add3A_80, %dma_start3A_92] : memref<16384x64xf32, #tpu.memory_space<hbm>> -> memref<128x64xf32, #tpu.memory_space<hbm>>
    tpu.enqueue_dma source(%dma_start3A_93 : memref<128x64xf32, #tpu.memory_space<hbm>>) target(%dma_start3A_91 : memref<128x64xf32, #tpu.memory_space<vmem>>) target_semaphore(%arg11 : memref<!tpu.dma_semaphore, #tpu.memory_space<semaphore_mem>>)
    %scan3A_94 = arith.constant 0 : i32
    %scan3A_95 = arith.constant 0 : i32
    %scan3A_96 = arith.constant 8 : i32
    %scan3A_97 = arith.addi %scan3A_95, %scan3A_96 : i32
    %scan3A_98 = arith.constant 1 : i32
    %scan3A_99 = scf.for %scan3A_232 = %scan3A_95 to %scan3A_97 step %scan3A_98 iter_args(%scan3A_233 = %scan3A_94) -> (i32)  : i32 {
      %mul3A_234 = arith.constant 16 : i32
      %mul3A_235 = arith.muli %scan3A_232, %mul3A_234 : i32
      %add3A_236 = arith.constant 256 : i32
      %add3A_237 = arith.addi %add3A_236, %mul3A_235 : i32
      %get3A = arith.index_cast %add3A_237 : i32 to index
      %get3A_238 = tpu.vector_load %arg6[%get3A] {strides = array<i32>} : memref<512xi32, #tpu.memory_space<vmem>>, vector<16xi32>,
      %eq3A = arith.constant 0 : i32
      %eq3A_239 = vector.broadcast %eq3A : i32 to vector<16xi32>
      %eq3A_240 = arith.cmpi eq, %iota3A, %eq3A_239 : vector<16xi32>
      %jit3A = arith.constant 0 : i32
      %broadcast_in_dim3A_241 = vector.broadcast %jit3A : i32 to vector<16xi32>
      %select_n3A = arith.select %eq3A_240, %get3A_238, %broadcast_in_dim3A_241 : vector<16xi1>, vector<16xi32>
      %reduce_sum3A = arith.constant true
      %reduce_sum3A_242 = vector.broadcast %reduce_sum3A : i1 to vector<16xi1>
      %reduce_sum3A_243 = tpu.scan <sum>, %select_n3A masked %reduce_sum3A_242 : vector<16xi32>, vector<16xi1> -> vector<16xi32>
      %reduce_sum3A_244 = vector.extract %reduce_sum3A_243[15] : i32 from vector<16xi32>
      %mul3A_245 = arith.constant 16 : i32
      %mul3A_246 = arith.muli %scan3A_232, %mul3A_245 : i32
      %add3A_247 = arith.constant 0 : i32
      %add3A_248 = arith.addi %mul3A_246, %add3A_247 : i32
      %dma_start3A_249 = arith.constant 0 : i32
      %dma_start3A_250 = arith.constant 0 : i32
      %dma_start3A_251 = tpu.memref_slice %arg7[%dma_start3A_249, %add3A_248, %dma_start3A_250] : memref<2x128x64xf32, #tpu.memory_space<vmem>> -> memref<1x1x64xf32, #tpu.memory_space<vmem>>
      %dma_start3A_252 = tpu.memref_squeeze %dma_start3A_251 : memref<1x1x64xf32, #tpu.memory_space<vmem>> -> memref<64xf32, #tpu.memory_space<vmem>>
      %dma_start3A_253 = arith.constant 0 : i32
      %dma_start3A_254 = tpu.memref_slice %arg4[%reduce_sum3A_244, %dma_start3A_253] : memref<1000000x64xf32, #tpu.memory_space<hbm>> -> memref<1x64xf32, #tpu.memory_space<hbm>>
      %dma_start3A_255 = tpu.memref_squeeze %dma_start3A_254 : memref<1x64xf32, #tpu.memory_space<hbm>> -> memref<64xf32, #tpu.memory_space<hbm>>
      %dma_start3A_256 = arith.constant 0 : i32
      %dma_start3A_257 = tpu.memref_slice %arg7[%dma_start3A_249, %add3A_248, %dma_start3A_256] : memref<2x128x64xf32, #tpu.memory_space<vmem>> -> memref<1x1x64xf32, #tpu.memory_space<vmem>>
      %dma_start3A_258 = tpu.memref_squeeze %dma_start3A_257 : memref<1x1x64xf32, #tpu.memory_space<vmem>> -> memref<64xf32, #tpu.memory_space<vmem>>
      %dma_start3A_259 = arith.constant 0 : i32
      %dma_start3A_260 = tpu.memref_slice %arg4[%reduce_sum3A_244, %dma_start3A_259] : memref<1000000x64xf32, #tpu.memory_space<hbm>> -> memref<1x64xf32, #tpu.memory_space<hbm>>
      %dma_start3A_261 = tpu.memref_squeeze %dma_start3A_260 : memref<1x64xf32, #tpu.memory_space<hbm>> -> memref<64xf32, #tpu.memory_space<hbm>>
      tpu.enqueue_dma source(%dma_start3A_261 : memref<64xf32, #tpu.memory_space<hbm>>) target(%dma_start3A_258 : memref<64xf32, #tpu.memory_space<vmem>>) target_semaphore(%arg10 : memref<!tpu.dma_semaphore, #tpu.memory_space<semaphore_mem>>)
      %eq3A_262 = arith.constant 1 : i32
      %eq3A_263 = vector.broadcast %eq3A_262 : i32 to vector<16xi32>
      %eq3A_264 = arith.cmpi eq, %iota3A, %eq3A_263 : vector<16xi32>
      %jit3A_265 = arith.constant 0 : i32
      %broadcast_in_dim3A_266 = vector.broadcast %jit3A_265 : i32 to vector<16xi32>
      %select_n3A_267 = arith.select %eq3A_264, %get3A_238, %broadcast_in_dim3A_266 : vector<16xi1>, vector<16xi32>
      %reduce_sum3A_268 = arith.constant true
      %reduce_sum3A_269 = vector.broadcast %reduce_sum3A_268 : i1 to vector<16xi1>
      %reduce_sum3A_270 = tpu.scan <sum>, %select_n3A_267 masked %reduce_sum3A_269 : vector<16xi32>, vector<16xi1> -> vector<16xi32>
      %reduce_sum3A_271 = vector.extract %reduce_sum3A_270[15] : i32 from vector<16xi32>
      %mul3A_272 = arith.constant 16 : i32
      %mul3A_273 = arith.muli %scan3A_232, %mul3A_272 : i32
      %add3A_274 = arith.constant 1 : i32
      %add3A_275 = arith.addi %mul3A_273, %add3A_274 : i32
      %dma_start3A_276 = arith.constant 0 : i32
      %dma_start3A_277 = arith.constant 0 : i32
      %dma_start3A_278 = tpu.memref_slice %arg7[%dma_start3A_276, %add3A_275, %dma_start3A_277] : memref<2x128x64xf32, #tpu.memory_space<vmem>> -> memref<1x1x64xf32, #tpu.memory_space<vmem>>
      %dma_start3A_279 = tpu.memref_squeeze %dma_start3A_278 : memref<1x1x64xf32, #tpu.memory_space<vmem>> -> memref<64xf32, #tpu.memory_space<vmem>>
      %dma_start3A_280 = arith.constant 0 : i32
      %dma_start3A_281 = tpu.memref_slice %arg4[%reduce_sum3A_271, %dma_start3A_280] : memref<1000000x64xf32, #tpu.memory_space<hbm>> -> memref<1x64xf32, #tpu.memory_space<hbm>>
      %dma_start3A_282 = tpu.memref_squeeze %dma_start3A_281 : memref<1x64xf32, #tpu.memory_space<hbm>> -> memref<64xf32, #tpu.memory_space<hbm>>
      %dma_start3A_283 = arith.constant 0 : i32
      %dma_start3A_284 = tpu.memref_slice %arg7[%dma_start3A_276, %add3A_275, %dma_start3A_283] : memref<2x128x64xf32, #tpu.memory_space<vmem>> -> memref<1x1x64xf32, #tpu.memory_space<vmem>>
      %dma_start3A_285 = tpu.memref_squeeze %dma_start3A_284 : memref<1x1x64xf32, #tpu.memory_space<vmem>> -> memref<64xf32, #tpu.memory_space<vmem>>
      %dma_start3A_286 = arith.constant 0 : i32
      %dma_start3A_287 = tpu.memref_slice %arg4[%reduce_sum3A_271, %dma_start3A_286] : memref<1000000x64xf32, #tpu.memory_space<hbm>> -> memref<1x64xf32, #tpu.memory_space<hbm>>
      %dma_start3A_288 = tpu.memref_squeeze %dma_start3A_287 : memref<1x64xf32, #tpu.memory_space<hbm>> -> memref<64xf32, #tpu.memory_space<hbm>>
      tpu.enqueue_dma source(%dma_start3A_288 : memref<64xf32, #tpu.memory_space<hbm>>) target(%dma_start3A_285 : memref<64xf32, #tpu.memory_space<vmem>>) target_semaphore(%arg10 : memref<!tpu.dma_semaphore, #tpu.memory_space<semaphore_mem>>)
      %eq3A_289 = arith.constant 2 : i32
      %eq3A_290 = vector.broadcast %eq3A_289 : i32 to vector<16xi32>
      %eq3A_291 = arith.cmpi eq, %iota3A, %eq3A_290 : vector<16xi32>
      %jit3A_292 = arith.constant 0 : i32
      %broadcast_in_dim3A_293 = vector.broadcast %jit3A_292 : i32 to vector<16xi32>
      %select_n3A_294 = arith.select %eq3A_291, %get3A_238, %broadcast_in_dim3A_293 : vector<16xi1>, vector<16xi32>
      %reduce_sum3A_295 = arith.constant true
      %reduce_sum3A_296 = vector.broadcast %reduce_sum3A_295 : i1 to vector<16xi1>
      %reduce_sum3A_297 = tpu.scan <sum>, %select_n3A_294 masked %reduce_sum3A_296 : vector<16xi32>, vector<16xi1> -> vector<16xi32>
      %reduce_sum3A_298 = vector.extract %reduce_sum3A_297[15] : i32 from vector<16xi32>
      %mul3A_299 = arith.constant 16 : i32
      %mul3A_300 = arith.muli %scan3A_232, %mul3A_299 : i32
      %add3A_301 = arith.constant 2 : i32
      %add3A_302 = arith.addi %mul3A_300, %add3A_301 : i32
      %dma_start3A_303 = arith.constant 0 : i32
      %dma_start3A_304 = arith.constant 0 : i32
      %dma_start3A_305 = tpu.memref_slice %arg7[%dma_start3A_303, %add3A_302, %dma_start3A_304] : memref<2x128x64xf32, #tpu.memory_space<vmem>> -> memref<1x1x64xf32, #tpu.memory_space<vmem>>
      %dma_start3A_306 = tpu.memref_squeeze %dma_start3A_305 : memref<1x1x64xf32, #tpu.memory_space<vmem>> -> memref<64xf32, #tpu.memory_space<vmem>>
      %dma_start3A_307 = arith.constant 0 : i32
      %dma_start3A_308 = tpu.memref_slice %arg4[%reduce_sum3A_298, %dma_start3A_307] : memref<1000000x64xf32, #tpu.memory_space<hbm>> -> memref<1x64xf32, #tpu.memory_space<hbm>>
      %dma_start3A_309 = tpu.memref_squeeze %dma_start3A_308 : memref<1x64xf32, #tpu.memory_space<hbm>> -> memref<64xf32, #tpu.memory_space<hbm>>
      %dma_start3A_310 = arith.constant 0 : i32
      %dma_start3A_311 = tpu.memref_slice %arg7[%dma_start3A_303, %add3A_302, %dma_start3A_310] : memref<2x128x64xf32, #tpu.memory_space<vmem>> -> memref<1x1x64xf32, #tpu.memory_space<vmem>>
      %dma_start3A_312 = tpu.memref_squeeze %dma_start3A_311 : memref<1x1x64xf32, #tpu.memory_space<vmem>> -> memref<64xf32, #tpu.memory_space<vmem>>
      %dma_start3A_313 = arith.constant 0 : i32
      %dma_start3A_314 = tpu.memref_slice %arg4[%reduce_sum3A_298, %dma_start3A_313] : memref<1000000x64xf32, #tpu.memory_space<hbm>> -> memref<1x64xf32, #tpu.memory_space<hbm>>
      %dma_start3A_315 = tpu.memref_squeeze %dma_start3A_314 : memref<1x64xf32, #tpu.memory_space<hbm>> -> memref<64xf32, #tpu.memory_space<hbm>>
      tpu.enqueue_dma source(%dma_start3A_315 : memref<64xf32, #tpu.memory_space<hbm>>) target(%dma_start3A_312 : memref<64xf32, #tpu.memory_space<vmem>>) target_semaphore(%arg10 : memref<!tpu.dma_semaphore, #tpu.memory_space<semaphore_mem>>)
      %eq3A_316 = arith.constant 3 : i32
      %eq3A_317 = vector.broadcast %eq3A_316 : i32 to vector<16xi32>
      %eq3A_318 = arith.cmpi eq, %iota3A, %eq3A_317 : vector<16xi32>
      %jit3A_319 = arith.constant 0 : i32
      %broadcast_in_dim3A_320 = vector.broadcast %jit3A_319 : i32 to vector<16xi32>
      %select_n3A_321 = arith.select %eq3A_318, %get3A_238, %broadcast_in_dim3A_320 : vector<16xi1>, vector<16xi32>
      %reduce_sum3A_322 = arith.constant true
      %reduce_sum3A_323 = vector.broadcast %reduce_sum3A_322 : i1 to vector<16xi1>
      %reduce_sum3A_324 = tpu.scan <sum>, %select_n3A_321 masked %reduce_sum3A_323 : vector<16xi32>, vector<16xi1> -> vector<16xi32>
      %reduce_sum3A_325 = vector.extract %reduce_sum3A_324[15] : i32 from vector<16xi32>
      %mul3A_326 = arith.constant 16 : i32
      %mul3A_327 = arith.muli %scan3A_232, %mul3A_326 : i32
      %add3A_328 = arith.constant 3 : i32
      %add3A_329 = arith.addi %mul3A_327, %add3A_328 : i32
      %dma_start3A_330 = arith.constant 0 : i32
      %dma_start3A_331 = arith.constant 0 : i32
      %dma_start3A_332 = tpu.memref_slice %arg7[%dma_start3A_330, %add3A_329, %dma_start3A_331] : memref<2x128x64xf32, #tpu.memory_space<vmem>> -> memref<1x1x64xf32, #tpu.memory_space<vmem>>
      %dma_start3A_333 = tpu.memref_squeeze %dma_start3A_332 : memref<1x1x64xf32, #tpu.memory_space<vmem>> -> memref<64xf32, #tpu.memory_space<vmem>>
      %dma_start3A_334 = arith.constant 0 : i32
      %dma_start3A_335 = tpu.memref_slice %arg4[%reduce_sum3A_325, %dma_start3A_334] : memref<1000000x64xf32, #tpu.memory_space<hbm>> -> memref<1x64xf32, #tpu.memory_space<hbm>>
      %dma_start3A_336 = tpu.memref_squeeze %dma_start3A_335 : memref<1x64xf32, #tpu.memory_space<hbm>> -> memref<64xf32, #tpu.memory_space<hbm>>
      %dma_start3A_337 = arith.constant 0 : i32
      %dma_start3A_338 = tpu.memref_slice %arg7[%dma_start3A_330, %add3A_329, %dma_start3A_337] : memref<2x128x64xf32, #tpu.memory_space<vmem>> -> memref<1x1x64xf32, #tpu.memory_space<vmem>>
      %dma_start3A_339 = tpu.memref_squeeze %dma_start3A_338 : memref<1x1x64xf32, #tpu.memory_space<vmem>> -> memref<64xf32, #tpu.memory_space<vmem>>
      %dma_start3A_340 = arith.constant 0 : i32
      %dma_start3A_341 = tpu.memref_slice %arg4[%reduce_sum3A_325, %dma_start3A_340] : memref<1000000x64xf32, #tpu.memory_space<hbm>> -> memref<1x64xf32, #tpu.memory_space<hbm>>
      %dma_start3A_342 = tpu.memref_squeeze %dma_start3A_341 : memref<1x64xf32, #tpu.memory_space<hbm>> -> memref<64xf32, #tpu.memory_space<hbm>>
      tpu.enqueue_dma source(%dma_start3A_342 : memref<64xf32, #tpu.memory_space<hbm>>) target(%dma_start3A_339 : memref<64xf32, #tpu.memory_space<vmem>>) target_semaphore(%arg10 : memref<!tpu.dma_semaphore, #tpu.memory_space<semaphore_mem>>)
      %eq3A_343 = arith.constant 4 : i32
      %eq3A_344 = vector.broadcast %eq3A_343 : i32 to vector<16xi32>
      %eq3A_345 = arith.cmpi eq, %iota3A, %eq3A_344 : vector<16xi32>
      %jit3A_346 = arith.constant 0 : i32
      %broadcast_in_dim3A_347 = vector.broadcast %jit3A_346 : i32 to vector<16xi32>
      %select_n3A_348 = arith.select %eq3A_345, %get3A_238, %broadcast_in_dim3A_347 : vector<16xi1>, vector<16xi32>
      %reduce_sum3A_349 = arith.constant true
      %reduce_sum3A_350 = vector.broadcast %reduce_sum3A_349 : i1 to vector<16xi1>
      %reduce_sum3A_351 = tpu.scan <sum>, %select_n3A_348 masked %reduce_sum3A_350 : vector<16xi32>, vector<16xi1> -> vector<16xi32>
      %reduce_sum3A_352 = vector.extract %reduce_sum3A_351[15] : i32 from vector<16xi32>
      %mul3A_353 = arith.constant 16 : i32
      %mul3A_354 = arith.muli %scan3A_232, %mul3A_353 : i32
      %add3A_355 = arith.constant 4 : i32
      %add3A_356 = arith.addi %mul3A_354, %add3A_355 : i32
      %dma_start3A_357 = arith.constant 0 : i32
      %dma_start3A_358 = arith.constant 0 : i32
      %dma_start3A_359 = tpu.memref_slice %arg7[%dma_start3A_357, %add3A_356, %dma_start3A_358] : memref<2x128x64xf32, #tpu.memory_space<vmem>> -> memref<1x1x64xf32, #tpu.memory_space<vmem>>
      %dma_start3A_360 = tpu.memref_squeeze %dma_start3A_359 : memref<1x1x64xf32, #tpu.memory_space<vmem>> -> memref<64xf32, #tpu.memory_space<vmem>>
      %dma_start3A_361 = arith.constant 0 : i32
      %dma_start3A_362 = tpu.memref_slice %arg4[%reduce_sum3A_352, %dma_start3A_361] : memref<1000000x64xf32, #tpu.memory_space<hbm>> -> memref<1x64xf32, #tpu.memory_space<hbm>>
      %dma_start3A_363 = tpu.memref_squeeze %dma_start3A_362 : memref<1x64xf32, #tpu.memory_space<hbm>> -> memref<64xf32, #tpu.memory_space<hbm>>
      %dma_start3A_364 = arith.constant 0 : i32
      %dma_start3A_365 = tpu.memref_slice %arg7[%dma_start3A_357, %add3A_356, %dma_start3A_364] : memref<2x128x64xf32, #tpu.memory_space<vmem>> -> memref<1x1x64xf32, #tpu.memory_space<vmem>>
      %dma_start3A_366 = tpu.memref_squeeze %dma_start3A_365 : memref<1x1x64xf32, #tpu.memory_space<vmem>> -> memref<64xf32, #tpu.memory_space<vmem>>
      %dma_start3A_367 = arith.constant 0 : i32
      %dma_start3A_368 = tpu.memref_slice %arg4[%reduce_sum3A_352, %dma_start3A_367] : memref<1000000x64xf32, #tpu.memory_space<hbm>> -> memref<1x64xf32, #tpu.memory_space<hbm>>
      %dma_start3A_369 = tpu.memref_squeeze %dma_start3A_368 : memref<1x64xf32, #tpu.memory_space<hbm>> -> memref<64xf32, #tpu.memory_space<hbm>>
      tpu.enqueue_dma source(%dma_start3A_369 : memref<64xf32, #tpu.memory_space<hbm>>) target(%dma_start3A_366 : memref<64xf32, #tpu.memory_space<vmem>>) target_semaphore(%arg10 : memref<!tpu.dma_semaphore, #tpu.memory_space<semaphore_mem>>)
      %eq3A_370 = arith.constant 5 : i32
      %eq3A_371 = vector.broadcast %eq3A_370 : i32 to vector<16xi32>
      %eq3A_372 = arith.cmpi eq, %iota3A, %eq3A_371 : vector<16xi32>
      %jit3A_373 = arith.constant 0 : i32
      %broadcast_in_dim3A_374 = vector.broadcast %jit3A_373 : i32 to vector<16xi32>
      %select_n3A_375 = arith.select %eq3A_372, %get3A_238, %broadcast_in_dim3A_374 : vector<16xi1>, vector<16xi32>
      %reduce_sum3A_376 = arith.constant true
      %reduce_sum3A_377 = vector.broadcast %reduce_sum3A_376 : i1 to vector<16xi1>
      %reduce_sum3A_378 = tpu.scan <sum>, %select_n3A_375 masked %reduce_sum3A_377 : vector<16xi32>, vector<16xi1> -> vector<16xi32>
      %reduce_sum3A_379 = vector.extract %reduce_sum3A_378[15] : i32 from vector<16xi32>
      %mul3A_380 = arith.constant 16 : i32
      %mul3A_381 = arith.muli %scan3A_232, %mul3A_380 : i32
      %add3A_382 = arith.constant 5 : i32
      %add3A_383 = arith.addi %mul3A_381, %add3A_382 : i32
      %dma_start3A_384 = arith.constant 0 : i32
      %dma_start3A_385 = arith.constant 0 : i32
      %dma_start3A_386 = tpu.memref_slice %arg7[%dma_start3A_384, %add3A_383, %dma_start3A_385] : memref<2x128x64xf32, #tpu.memory_space<vmem>> -> memref<1x1x64xf32, #tpu.memory_space<vmem>>
      %dma_start3A_387 = tpu.memref_squeeze %dma_start3A_386 : memref<1x1x64xf32, #tpu.memory_space<vmem>> -> memref<64xf32, #tpu.memory_space<vmem>>
      %dma_start3A_388 = arith.constant 0 : i32
      %dma_start3A_389 = tpu.memref_slice %arg4[%reduce_sum3A_379, %dma_start3A_388] : memref<1000000x64xf32, #tpu.memory_space<hbm>> -> memref<1x64xf32, #tpu.memory_space<hbm>>
      %dma_start3A_390 = tpu.memref_squeeze %dma_start3A_389 : memref<1x64xf32, #tpu.memory_space<hbm>> -> memref<64xf32, #tpu.memory_space<hbm>>
      %dma_start3A_391 = arith.constant 0 : i32
      %dma_start3A_392 = tpu.memref_slice %arg7[%dma_start3A_384, %add3A_383, %dma_start3A_391] : memref<2x128x64xf32, #tpu.memory_space<vmem>> -> memref<1x1x64xf32, #tpu.memory_space<vmem>>
      %dma_start3A_393 = tpu.memref_squeeze %dma_start3A_392 : memref<1x1x64xf32, #tpu.memory_space<vmem>> -> memref<64xf32, #tpu.memory_space<vmem>>
      %dma_start3A_394 = arith.constant 0 : i32
      %dma_start3A_395 = tpu.memref_slice %arg4[%reduce_sum3A_379, %dma_start3A_394] : memref<1000000x64xf32, #tpu.memory_space<hbm>> -> memref<1x64xf32, #tpu.memory_space<hbm>>
      %dma_start3A_396 = tpu.memref_squeeze %dma_start3A_395 : memref<1x64xf32, #tpu.memory_space<hbm>> -> memref<64xf32, #tpu.memory_space<hbm>>
      tpu.enqueue_dma source(%dma_start3A_396 : memref<64xf32, #tpu.memory_space<hbm>>) target(%dma_start3A_393 : memref<64xf32, #tpu.memory_space<vmem>>) target_semaphore(%arg10 : memref<!tpu.dma_semaphore, #tpu.memory_space<semaphore_mem>>)
      %eq3A_397 = arith.constant 6 : i32
      %eq3A_398 = vector.broadcast %eq3A_397 : i32 to vector<16xi32>
      %eq3A_399 = arith.cmpi eq, %iota3A, %eq3A_398 : vector<16xi32>
      %jit3A_400 = arith.constant 0 : i32
      %broadcast_in_dim3A_401 = vector.broadcast %jit3A_400 : i32 to vector<16xi32>
      %select_n3A_402 = arith.select %eq3A_399, %get3A_238, %broadcast_in_dim3A_401 : vector<16xi1>, vector<16xi32>
      %reduce_sum3A_403 = arith.constant true
      %reduce_sum3A_404 = vector.broadcast %reduce_sum3A_403 : i1 to vector<16xi1>
      %reduce_sum3A_405 = tpu.scan <sum>, %select_n3A_402 masked %reduce_sum3A_404 : vector<16xi32>, vector<16xi1> -> vector<16xi32>
      %reduce_sum3A_406 = vector.extract %reduce_sum3A_405[15] : i32 from vector<16xi32>
      %mul3A_407 = arith.constant 16 : i32
      %mul3A_408 = arith.muli %scan3A_232, %mul3A_407 : i32
      %add3A_409 = arith.constant 6 : i32
      %add3A_410 = arith.addi %mul3A_408, %add3A_409 : i32
      %dma_start3A_411 = arith.constant 0 : i32
      %dma_start3A_412 = arith.constant 0 : i32
      %dma_start3A_413 = tpu.memref_slice %arg7[%dma_start3A_411, %add3A_410, %dma_start3A_412] : memref<2x128x64xf32, #tpu.memory_space<vmem>> -> memref<1x1x64xf32, #tpu.memory_space<vmem>>
      %dma_start3A_414 = tpu.memref_squeeze %dma_start3A_413 : memref<1x1x64xf32, #tpu.memory_space<vmem>> -> memref<64xf32, #tpu.memory_space<vmem>>
      %dma_start3A_415 = arith.constant 0 : i32
      %dma_start3A_416 = tpu.memref_slice %arg4[%reduce_sum3A_406, %dma_start3A_415] : memref<1000000x64xf32, #tpu.memory_space<hbm>> -> memref<1x64xf32, #tpu.memory_space<hbm>>
      %dma_start3A_417 = tpu.memref_squeeze %dma_start3A_416 : memref<1x64xf32, #tpu.memory_space<hbm>> -> memref<64xf32, #tpu.memory_space<hbm>>
      %dma_start3A_418 = arith.constant 0 : i32
      %dma_start3A_419 = tpu.memref_slice %arg7[%dma_start3A_411, %add3A_410, %dma_start3A_418] : memref<2x128x64xf32, #tpu.memory_space<vmem>> -> memref<1x1x64xf32, #tpu.memory_space<vmem>>
      %dma_start3A_420 = tpu.memref_squeeze %dma_start3A_419 : memref<1x1x64xf32, #tpu.memory_space<vmem>> -> memref<64xf32, #tpu.memory_space<vmem>>
      %dma_start3A_421 = arith.constant 0 : i32
      %dma_start3A_422 = tpu.memref_slice %arg4[%reduce_sum3A_406, %dma_start3A_421] : memref<1000000x64xf32, #tpu.memory_space<hbm>> -> memref<1x64xf32, #tpu.memory_space<hbm>>
      %dma_start3A_423 = tpu.memref_squeeze %dma_start3A_422 : memref<1x64xf32, #tpu.memory_space<hbm>> -> memref<64xf32, #tpu.memory_space<hbm>>
      tpu.enqueue_dma source(%dma_start3A_423 : memref<64xf32, #tpu.memory_space<hbm>>) target(%dma_start3A_420 : memref<64xf32, #tpu.memory_space<vmem>>) target_semaphore(%arg10 : memref<!tpu.dma_semaphore, #tpu.memory_space<semaphore_mem>>)
      %eq3A_424 = arith.constant 7 : i32
      %eq3A_425 = vector.broadcast %eq3A_424 : i32 to vector<16xi32>
      %eq3A_426 = arith.cmpi eq, %iota3A, %eq3A_425 : vector<16xi32>
      %jit3A_427 = arith.constant 0 : i32
      %broadcast_in_dim3A_428 = vector.broadcast %jit3A_427 : i32 to vector<16xi32>
      %select_n3A_429 = arith.select %eq3A_426, %get3A_238, %broadcast_in_dim3A_428 : vector<16xi1>, vector<16xi32>
      %reduce_sum3A_430 = arith.constant true
      %reduce_sum3A_431 = vector.broadcast %reduce_sum3A_430 : i1 to vector<16xi1>
      %reduce_sum3A_432 = tpu.scan <sum>, %select_n3A_429 masked %reduce_sum3A_431 : vector<16xi32>, vector<16xi1> -> vector<16xi32>
      %reduce_sum3A_433 = vector.extract %reduce_sum3A_432[15] : i32 from vector<16xi32>
      %mul3A_434 = arith.constant 16 : i32
      %mul3A_435 = arith.muli %scan3A_232, %mul3A_434 : i32
      %add3A_436 = arith.constant 7 : i32
      %add3A_437 = arith.addi %mul3A_435, %add3A_436 : i32
      %dma_start3A_438 = arith.constant 0 : i32
      %dma_start3A_439 = arith.constant 0 : i32
      %dma_start3A_440 = tpu.memref_slice %arg7[%dma_start3A_438, %add3A_437, %dma_start3A_439] : memref<2x128x64xf32, #tpu.memory_space<vmem>> -> memref<1x1x64xf32, #tpu.memory_space<vmem>>
      %dma_start3A_441 = tpu.memref_squeeze %dma_start3A_440 : memref<1x1x64xf32, #tpu.memory_space<vmem>> -> memref<64xf32, #tpu.memory_space<vmem>>
      %dma_start3A_442 = arith.constant 0 : i32
      %dma_start3A_443 = tpu.memref_slice %arg4[%reduce_sum3A_433, %dma_start3A_442] : memref<1000000x64xf32, #tpu.memory_space<hbm>> -> memref<1x64xf32, #tpu.memory_space<hbm>>
      %dma_start3A_444 = tpu.memref_squeeze %dma_start3A_443 : memref<1x64xf32, #tpu.memory_space<hbm>> -> memref<64xf32, #tpu.memory_space<hbm>>
      %dma_start3A_445 = arith.constant 0 : i32
      %dma_start3A_446 = tpu.memref_slice %arg7[%dma_start3A_438, %add3A_437, %dma_start3A_445] : memref<2x128x64xf32, #tpu.memory_space<vmem>> -> memref<1x1x64xf32, #tpu.memory_space<vmem>>
      %dma_start3A_447 = tpu.memref_squeeze %dma_start3A_446 : memref<1x1x64xf32, #tpu.memory_space<vmem>> -> memref<64xf32, #tpu.memory_space<vmem>>
      %dma_start3A_448 = arith.constant 0 : i32
      %dma_start3A_449 = tpu.memref_slice %arg4[%reduce_sum3A_433, %dma_start3A_448] : memref<1000000x64xf32, #tpu.memory_space<hbm>> -> memref<1x64xf32, #tpu.memory_space<hbm>>
      %dma_start3A_450 = tpu.memref_squeeze %dma_start3A_449 : memref<1x64xf32, #tpu.memory_space<hbm>> -> memref<64xf32, #tpu.memory_space<hbm>>
      tpu.enqueue_dma source(%dma_start3A_450 : memref<64xf32, #tpu.memory_space<hbm>>) target(%dma_start3A_447 : memref<64xf32, #tpu.memory_space<vmem>>) target_semaphore(%arg10 : memref<!tpu.dma_semaphore, #tpu.memory_space<semaphore_mem>>)
      %eq3A_451 = arith.constant 8 : i32
      %eq3A_452 = vector.broadcast %eq3A_451 : i32 to vector<16xi32>
      %eq3A_453 = arith.cmpi eq, %iota3A, %eq3A_452 : vector<16xi32>
      %jit3A_454 = arith.constant 0 : i32
      %broadcast_in_dim3A_455 = vector.broadcast %jit3A_454 : i32 to vector<16xi32>
      %select_n3A_456 = arith.select %eq3A_453, %get3A_238, %broadcast_in_dim3A_455 : vector<16xi1>, vector<16xi32>
      %reduce_sum3A_457 = arith.constant true
      %reduce_sum3A_458 = vector.broadcast %reduce_sum3A_457 : i1 to vector<16xi1>
      %reduce_sum3A_459 = tpu.scan <sum>, %select_n3A_456 masked %reduce_sum3A_458 : vector<16xi32>, vector<16xi1> -> vector<16xi32>
      %reduce_sum3A_460 = vector.extract %reduce_sum3A_459[15] : i32 from vector<16xi32>
      %mul3A_461 = arith.constant 16 : i32
      %mul3A_462 = arith.muli %scan3A_232, %mul3A_461 : i32
      %add3A_463 = arith.constant 8 : i32
      %add3A_464 = arith.addi %mul3A_462, %add3A_463 : i32
      %dma_start3A_465 = arith.constant 0 : i32
      %dma_start3A_466 = arith.constant 0 : i32
      %dma_start3A_467 = tpu.memref_slice %arg7[%dma_start3A_465, %add3A_464, %dma_start3A_466] : memref<2x128x64xf32, #tpu.memory_space<vmem>> -> memref<1x1x64xf32, #tpu.memory_space<vmem>>
      %dma_start3A_468 = tpu.memref_squeeze %dma_start3A_467 : memref<1x1x64xf32, #tpu.memory_space<vmem>> -> memref<64xf32, #tpu.memory_space<vmem>>
      %dma_start3A_469 = arith.constant 0 : i32
      %dma_start3A_470 = tpu.memref_slice %arg4[%reduce_sum3A_460, %dma_start3A_469] : memref<1000000x64xf32, #tpu.memory_space<hbm>> -> memref<1x64xf32, #tpu.memory_space<hbm>>
      %dma_start3A_471 = tpu.memref_squeeze %dma_start3A_470 : memref<1x64xf32, #tpu.memory_space<hbm>> -> memref<64xf32, #tpu.memory_space<hbm>>
      %dma_start3A_472 = arith.constant 0 : i32
      %dma_start3A_473 = tpu.memref_slice %arg7[%dma_start3A_465, %add3A_464, %dma_start3A_472] : memref<2x128x64xf32, #tpu.memory_space<vmem>> -> memref<1x1x64xf32, #tpu.memory_space<vmem>>
      %dma_start3A_474 = tpu.memref_squeeze %dma_start3A_473 : memref<1x1x64xf32, #tpu.memory_space<vmem>> -> memref<64xf32, #tpu.memory_space<vmem>>
      %dma_start3A_475 = arith.constant 0 : i32
      %dma_start3A_476 = tpu.memref_slice %arg4[%reduce_sum3A_460, %dma_start3A_475] : memref<1000000x64xf32, #tpu.memory_space<hbm>> -> memref<1x64xf32, #tpu.memory_space<hbm>>
      %dma_start3A_477 = tpu.memref_squeeze %dma_start3A_476 : memref<1x64xf32, #tpu.memory_space<hbm>> -> memref<64xf32, #tpu.memory_space<hbm>>
      tpu.enqueue_dma source(%dma_start3A_477 : memref<64xf32, #tpu.memory_space<hbm>>) target(%dma_start3A_474 : memref<64xf32, #tpu.memory_space<vmem>>) target_semaphore(%arg10 : memref<!tpu.dma_semaphore, #tpu.memory_space<semaphore_mem>>)
      %eq3A_478 = arith.constant 9 : i32
      %eq3A_479 = vector.broadcast %eq3A_478 : i32 to vector<16xi32>
      %eq3A_480 = arith.cmpi eq, %iota3A, %eq3A_479 : vector<16xi32>
      %jit3A_481 = arith.constant 0 : i32
      %broadcast_in_dim3A_482 = vector.broadcast %jit3A_481 : i32 to vector<16xi32>
      %select_n3A_483 = arith.select %eq3A_480, %get3A_238, %broadcast_in_dim3A_482 : vector<16xi1>, vector<16xi32>
      %reduce_sum3A_484 = arith.constant true
      %reduce_sum3A_485 = vector.broadcast %reduce_sum3A_484 : i1 to vector<16xi1>
      %reduce_sum3A_486 = tpu.scan <sum>, %select_n3A_483 masked %reduce_sum3A_485 : vector<16xi32>, vector<16xi1> -> vector<16xi32>
      %reduce_sum3A_487 = vector.extract %reduce_sum3A_486[15] : i32 from vector<16xi32>
      %mul3A_488 = arith.constant 16 : i32
      %mul3A_489 = arith.muli %scan3A_232, %mul3A_488 : i32
      %add3A_490 = arith.constant 9 : i32
      %add3A_491 = arith.addi %mul3A_489, %add3A_490 : i32
      %dma_start3A_492 = arith.constant 0 : i32
      %dma_start3A_493 = arith.constant 0 : i32
      %dma_start3A_494 = tpu.memref_slice %arg7[%dma_start3A_492, %add3A_491, %dma_start3A_493] : memref<2x128x64xf32, #tpu.memory_space<vmem>> -> memref<1x1x64xf32, #tpu.memory_space<vmem>>
      %dma_start3A_495 = tpu.memref_squeeze %dma_start3A_494 : memref<1x1x64xf32, #tpu.memory_space<vmem>> -> memref<64xf32, #tpu.memory_space<vmem>>
      %dma_start3A_496 = arith.constant 0 : i32
      %dma_start3A_497 = tpu.memref_slice %arg4[%reduce_sum3A_487, %dma_start3A_496] : memref<1000000x64xf32, #tpu.memory_space<hbm>> -> memref<1x64xf32, #tpu.memory_space<hbm>>
      %dma_start3A_498 = tpu.memref_squeeze %dma_start3A_497 : memref<1x64xf32, #tpu.memory_space<hbm>> -> memref<64xf32, #tpu.memory_space<hbm>>
      %dma_start3A_499 = arith.constant 0 : i32
      %dma_start3A_500 = tpu.memref_slice %arg7[%dma_start3A_492, %add3A_491, %dma_start3A_499] : memref<2x128x64xf32, #tpu.memory_space<vmem>> -> memref<1x1x64xf32, #tpu.memory_space<vmem>>
      %dma_start3A_501 = tpu.memref_squeeze %dma_start3A_500 : memref<1x1x64xf32, #tpu.memory_space<vmem>> -> memref<64xf32, #tpu.memory_space<vmem>>
      %dma_start3A_502 = arith.constant 0 : i32
      %dma_start3A_503 = tpu.memref_slice %arg4[%reduce_sum3A_487, %dma_start3A_502] : memref<1000000x64xf32, #tpu.memory_space<hbm>> -> memref<1x64xf32, #tpu.memory_space<hbm>>
      %dma_start3A_504 = tpu.memref_squeeze %dma_start3A_503 : memref<1x64xf32, #tpu.memory_space<hbm>> -> memref<64xf32, #tpu.memory_space<hbm>>
      tpu.enqueue_dma source(%dma_start3A_504 : memref<64xf32, #tpu.memory_space<hbm>>) target(%dma_start3A_501 : memref<64xf32, #tpu.memory_space<vmem>>) target_semaphore(%arg10 : memref<!tpu.dma_semaphore, #tpu.memory_space<semaphore_mem>>)
      %eq3A_505 = arith.constant 10 : i32
      %eq3A_506 = vector.broadcast %eq3A_505 : i32 to vector<16xi32>
      %eq3A_507 = arith.cmpi eq, %iota3A, %eq3A_506 : vector<16xi32>
      %jit3A_508 = arith.constant 0 : i32
      %broadcast_in_dim3A_509 = vector.broadcast %jit3A_508 : i32 to vector<16xi32>
      %select_n3A_510 = arith.select %eq3A_507, %get3A_238, %broadcast_in_dim3A_509 : vector<16xi1>, vector<16xi32>
      %reduce_sum3A_511 = arith.constant true
      %reduce_sum3A_512 = vector.broadcast %reduce_sum3A_511 : i1 to vector<16xi1>
      %reduce_sum3A_513 = tpu.scan <sum>, %select_n3A_510 masked %reduce_sum3A_512 : vector<16xi32>, vector<16xi1> -> vector<16xi32>
      %reduce_sum3A_514 = vector.extract %reduce_sum3A_513[15] : i32 from vector<16xi32>
      %mul3A_515 = arith.constant 16 : i32
      %mul3A_516 = arith.muli %scan3A_232, %mul3A_515 : i32
      %add3A_517 = arith.constant 10 : i32
      %add3A_518 = arith.addi %mul3A_516, %add3A_517 : i32
      %dma_start3A_519 = arith.constant 0 : i32
      %dma_start3A_520 = arith.constant 0 : i32
      %dma_start3A_521 = tpu.memref_slice %arg7[%dma_start3A_519, %add3A_518, %dma_start3A_520] : memref<2x128x64xf32, #tpu.memory_space<vmem>> -> memref<1x1x64xf32, #tpu.memory_space<vmem>>
      %dma_start3A_522 = tpu.memref_squeeze %dma_start3A_521 : memref<1x1x64xf32, #tpu.memory_space<vmem>> -> memref<64xf32, #tpu.memory_space<vmem>>
      %dma_start3A_523 = arith.constant 0 : i32
      %dma_start3A_524 = tpu.memref_slice %arg4[%reduce_sum3A_514, %dma_start3A_523] : memref<1000000x64xf32, #tpu.memory_space<hbm>> -> memref<1x64xf32, #tpu.memory_space<hbm>>
      %dma_start3A_525 = tpu.memref_squeeze %dma_start3A_524 : memref<1x64xf32, #tpu.memory_space<hbm>> -> memref<64xf32, #tpu.memory_space<hbm>>
      %dma_start3A_526 = arith.constant 0 : i32
      %dma_start3A_527 = tpu.memref_slice %arg7[%dma_start3A_519, %add3A_518, %dma_start3A_526] : memref<2x128x64xf32, #tpu.memory_space<vmem>> -> memref<1x1x64xf32, #tpu.memory_space<vmem>>
      %dma_start3A_528 = tpu.memref_squeeze %dma_start3A_527 : memref<1x1x64xf32, #tpu.memory_space<vmem>> -> memref<64xf32, #tpu.memory_space<vmem>>
      %dma_start3A_529 = arith.constant 0 : i32
      %dma_start3A_530 = tpu.memref_slice %arg4[%reduce_sum3A_514, %dma_start3A_529] : memref<1000000x64xf32, #tpu.memory_space<hbm>> -> memref<1x64xf32, #tpu.memory_space<hbm>>
      %dma_start3A_531 = tpu.memref_squeeze %dma_start3A_530 : memref<1x64xf32, #tpu.memory_space<hbm>> -> memref<64xf32, #tpu.memory_space<hbm>>
      tpu.enqueue_dma source(%dma_start3A_531 : memref<64xf32, #tpu.memory_space<hbm>>) target(%dma_start3A_528 : memref<64xf32, #tpu.memory_space<vmem>>) target_semaphore(%arg10 : memref<!tpu.dma_semaphore, #tpu.memory_space<semaphore_mem>>)
      %eq3A_532 = arith.constant 11 : i32
      %eq3A_533 = vector.broadcast %eq3A_532 : i32 to vector<16xi32>
      %eq3A_534 = arith.cmpi eq, %iota3A, %eq3A_533 : vector<16xi32>
      %jit3A_535 = arith.constant 0 : i32
      %broadcast_in_dim3A_536 = vector.broadcast %jit3A_535 : i32 to vector<16xi32>
      %select_n3A_537 = arith.select %eq3A_534, %get3A_238, %broadcast_in_dim3A_536 : vector<16xi1>, vector<16xi32>
      %reduce_sum3A_538 = arith.constant true
      %reduce_sum3A_539 = vector.broadcast %reduce_sum3A_538 : i1 to vector<16xi1>
      %reduce_sum3A_540 = tpu.scan <sum>, %select_n3A_537 masked %reduce_sum3A_539 : vector<16xi32>, vector<16xi1> -> vector<16xi32>
      %reduce_sum3A_541 = vector.extract %reduce_sum3A_540[15] : i32 from vector<16xi32>
      %mul3A_542 = arith.constant 16 : i32
      %mul3A_543 = arith.muli %scan3A_232, %mul3A_542 : i32
      %add3A_544 = arith.constant 11 : i32
      %add3A_545 = arith.addi %mul3A_543, %add3A_544 : i32
      %dma_start3A_546 = arith.constant 0 : i32
      %dma_start3A_547 = arith.constant 0 : i32
      %dma_start3A_548 = tpu.memref_slice %arg7[%dma_start3A_546, %add3A_545, %dma_start3A_547] : memref<2x128x64xf32, #tpu.memory_space<vmem>> -> memref<1x1x64xf32, #tpu.memory_space<vmem>>
      %dma_start3A_549 = tpu.memref_squeeze %dma_start3A_548 : memref<1x1x64xf32, #tpu.memory_space<vmem>> -> memref<64xf32, #tpu.memory_space<vmem>>
      %dma_start3A_550 = arith.constant 0 : i32
      %dma_start3A_551 = tpu.memref_slice %arg4[%reduce_sum3A_541, %dma_start3A_550] : memref<1000000x64xf32, #tpu.memory_space<hbm>> -> memref<1x64xf32, #tpu.memory_space<hbm>>
      %dma_start3A_552 = tpu.memref_squeeze %dma_start3A_551 : memref<1x64xf32, #tpu.memory_space<hbm>> -> memref<64xf32, #tpu.memory_space<hbm>>
      %dma_start3A_553 = arith.constant 0 : i32
      %dma_start3A_554 = tpu.memref_slice %arg7[%dma_start3A_546, %add3A_545, %dma_start3A_553] : memref<2x128x64xf32, #tpu.memory_space<vmem>> -> memref<1x1x64xf32, #tpu.memory_space<vmem>>
      %dma_start3A_555 = tpu.memref_squeeze %dma_start3A_554 : memref<1x1x64xf32, #tpu.memory_space<vmem>> -> memref<64xf32, #tpu.memory_space<vmem>>
      %dma_start3A_556 = arith.constant 0 : i32
      %dma_start3A_557 = tpu.memref_slice %arg4[%reduce_sum3A_541, %dma_start3A_556] : memref<1000000x64xf32, #tpu.memory_space<hbm>> -> memref<1x64xf32, #tpu.memory_space<hbm>>
      %dma_start3A_558 = tpu.memref_squeeze %dma_start3A_557 : memref<1x64xf32, #tpu.memory_space<hbm>> -> memref<64xf32, #tpu.memory_space<hbm>>
      tpu.enqueue_dma source(%dma_start3A_558 : memref<64xf32, #tpu.memory_space<hbm>>) target(%dma_start3A_555 : memref<64xf32, #tpu.memory_space<vmem>>) target_semaphore(%arg10 : memref<!tpu.dma_semaphore, #tpu.memory_space<semaphore_mem>>)
      %eq3A_559 = arith.constant 12 : i32
      %eq3A_560 = vector.broadcast %eq3A_559 : i32 to vector<16xi32>
      %eq3A_561 = arith.cmpi eq, %iota3A, %eq3A_560 : vector<16xi32>
      %jit3A_562 = arith.constant 0 : i32
      %broadcast_in_dim3A_563 = vector.broadcast %jit3A_562 : i32 to vector<16xi32>
      %select_n3A_564 = arith.select %eq3A_561, %get3A_238, %broadcast_in_dim3A_563 : vector<16xi1>, vector<16xi32>
      %reduce_sum3A_565 = arith.constant true
      %reduce_sum3A_566 = vector.broadcast %reduce_sum3A_565 : i1 to vector<16xi1>
      %reduce_sum3A_567 = tpu.scan <sum>, %select_n3A_564 masked %reduce_sum3A_566 : vector<16xi32>, vector<16xi1> -> vector<16xi32>
      %reduce_sum3A_568 = vector.extract %reduce_sum3A_567[15] : i32 from vector<16xi32>
      %mul3A_569 = arith.constant 16 : i32
      %mul3A_570 = arith.muli %scan3A_232, %mul3A_569 : i32
      %add3A_571 = arith.constant 12 : i32
      %add3A_572 = arith.addi %mul3A_570, %add3A_571 : i32
      %dma_start3A_573 = arith.constant 0 : i32
      %dma_start3A_574 = arith.constant 0 : i32
      %dma_start3A_575 = tpu.memref_slice %arg7[%dma_start3A_573, %add3A_572, %dma_start3A_574] : memref<2x128x64xf32, #tpu.memory_space<vmem>> -> memref<1x1x64xf32, #tpu.memory_space<vmem>>
      %dma_start3A_576 = tpu.memref_squeeze %dma_start3A_575 : memref<1x1x64xf32, #tpu.memory_space<vmem>> -> memref<64xf32, #tpu.memory_space<vmem>>
      %dma_start3A_577 = arith.constant 0 : i32
      %dma_start3A_578 = tpu.memref_slice %arg4[%reduce_sum3A_568, %dma_start3A_577] : memref<1000000x64xf32, #tpu.memory_space<hbm>> -> memref<1x64xf32, #tpu.memory_space<hbm>>
      %dma_start3A_579 = tpu.memref_squeeze %dma_start3A_578 : memref<1x64xf32, #tpu.memory_space<hbm>> -> memref<64xf32, #tpu.memory_space<hbm>>
      %dma_start3A_580 = arith.constant 0 : i32
      %dma_start3A_581 = tpu.memref_slice %arg7[%dma_start3A_573, %add3A_572, %dma_start3A_580] : memref<2x128x64xf32, #tpu.memory_space<vmem>> -> memref<1x1x64xf32, #tpu.memory_space<vmem>>
      %dma_start3A_582 = tpu.memref_squeeze %dma_start3A_581 : memref<1x1x64xf32, #tpu.memory_space<vmem>> -> memref<64xf32, #tpu.memory_space<vmem>>
      %dma_start3A_583 = arith.constant 0 : i32
      %dma_start3A_584 = tpu.memref_slice %arg4[%reduce_sum3A_568, %dma_start3A_583] : memref<1000000x64xf32, #tpu.memory_space<hbm>> -> memref<1x64xf32, #tpu.memory_space<hbm>>
      %dma_start3A_585 = tpu.memref_squeeze %dma_start3A_584 : memref<1x64xf32, #tpu.memory_space<hbm>> -> memref<64xf32, #tpu.memory_space<hbm>>
      tpu.enqueue_dma source(%dma_start3A_585 : memref<64xf32, #tpu.memory_space<hbm>>) target(%dma_start3A_582 : memref<64xf32, #tpu.memory_space<vmem>>) target_semaphore(%arg10 : memref<!tpu.dma_semaphore, #tpu.memory_space<semaphore_mem>>)
      %eq3A_586 = arith.constant 13 : i32
      %eq3A_587 = vector.broadcast %eq3A_586 : i32 to vector<16xi32>
      %eq3A_588 = arith.cmpi eq, %iota3A, %eq3A_587 : vector<16xi32>
      %jit3A_589 = arith.constant 0 : i32
      %broadcast_in_dim3A_590 = vector.broadcast %jit3A_589 : i32 to vector<16xi32>
      %select_n3A_591 = arith.select %eq3A_588, %get3A_238, %broadcast_in_dim3A_590 : vector<16xi1>, vector<16xi32>
      %reduce_sum3A_592 = arith.constant true
      %reduce_sum3A_593 = vector.broadcast %reduce_sum3A_592 : i1 to vector<16xi1>
      %reduce_sum3A_594 = tpu.scan <sum>, %select_n3A_591 masked %reduce_sum3A_593 : vector<16xi32>, vector<16xi1> -> vector<16xi32>
      %reduce_sum3A_595 = vector.extract %reduce_sum3A_594[15] : i32 from vector<16xi32>
      %mul3A_596 = arith.constant 16 : i32
      %mul3A_597 = arith.muli %scan3A_232, %mul3A_596 : i32
      %add3A_598 = arith.constant 13 : i32
      %add3A_599 = arith.addi %mul3A_597, %add3A_598 : i32
      %dma_start3A_600 = arith.constant 0 : i32
      %dma_start3A_601 = arith.constant 0 : i32
      %dma_start3A_602 = tpu.memref_slice %arg7[%dma_start3A_600, %add3A_599, %dma_start3A_601] : memref<2x128x64xf32, #tpu.memory_space<vmem>> -> memref<1x1x64xf32, #tpu.memory_space<vmem>>
      %dma_start3A_603 = tpu.memref_squeeze %dma_start3A_602 : memref<1x1x64xf32, #tpu.memory_space<vmem>> -> memref<64xf32, #tpu.memory_space<vmem>>
      %dma_start3A_604 = arith.constant 0 : i32
      %dma_start3A_605 = tpu.memref_slice %arg4[%reduce_sum3A_595, %dma_start3A_604] : memref<1000000x64xf32, #tpu.memory_space<hbm>> -> memref<1x64xf32, #tpu.memory_space<hbm>>
      %dma_start3A_606 = tpu.memref_squeeze %dma_start3A_605 : memref<1x64xf32, #tpu.memory_space<hbm>> -> memref<64xf32, #tpu.memory_space<hbm>>
      %dma_start3A_607 = arith.constant 0 : i32
      %dma_start3A_608 = tpu.memref_slice %arg7[%dma_start3A_600, %add3A_599, %dma_start3A_607] : memref<2x128x64xf32, #tpu.memory_space<vmem>> -> memref<1x1x64xf32, #tpu.memory_space<vmem>>
      %dma_start3A_609 = tpu.memref_squeeze %dma_start3A_608 : memref<1x1x64xf32, #tpu.memory_space<vmem>> -> memref<64xf32, #tpu.memory_space<vmem>>
      %dma_start3A_610 = arith.constant 0 : i32
      %dma_start3A_611 = tpu.memref_slice %arg4[%reduce_sum3A_595, %dma_start3A_610] : memref<1000000x64xf32, #tpu.memory_space<hbm>> -> memref<1x64xf32, #tpu.memory_space<hbm>>
      %dma_start3A_612 = tpu.memref_squeeze %dma_start3A_611 : memref<1x64xf32, #tpu.memory_space<hbm>> -> memref<64xf32, #tpu.memory_space<hbm>>
      tpu.enqueue_dma source(%dma_start3A_612 : memref<64xf32, #tpu.memory_space<hbm>>) target(%dma_start3A_609 : memref<64xf32, #tpu.memory_space<vmem>>) target_semaphore(%arg10 : memref<!tpu.dma_semaphore, #tpu.memory_space<semaphore_mem>>)
      %eq3A_613 = arith.constant 14 : i32
      %eq3A_614 = vector.broadcast %eq3A_613 : i32 to vector<16xi32>
      %eq3A_615 = arith.cmpi eq, %iota3A, %eq3A_614 : vector<16xi32>
      %jit3A_616 = arith.constant 0 : i32
      %broadcast_in_dim3A_617 = vector.broadcast %jit3A_616 : i32 to vector<16xi32>
      %select_n3A_618 = arith.select %eq3A_615, %get3A_238, %broadcast_in_dim3A_617 : vector<16xi1>, vector<16xi32>
      %reduce_sum3A_619 = arith.constant true
      %reduce_sum3A_620 = vector.broadcast %reduce_sum3A_619 : i1 to vector<16xi1>
      %reduce_sum3A_621 = tpu.scan <sum>, %select_n3A_618 masked %reduce_sum3A_620 : vector<16xi32>, vector<16xi1> -> vector<16xi32>
      %reduce_sum3A_622 = vector.extract %reduce_sum3A_621[15] : i32 from vector<16xi32>
      %mul3A_623 = arith.constant 16 : i32
      %mul3A_624 = arith.muli %scan3A_232, %mul3A_623 : i32
      %add3A_625 = arith.constant 14 : i32
      %add3A_626 = arith.addi %mul3A_624, %add3A_625 : i32
      %dma_start3A_627 = arith.constant 0 : i32
      %dma_start3A_628 = arith.constant 0 : i32
      %dma_start3A_629 = tpu.memref_slice %arg7[%dma_start3A_627, %add3A_626, %dma_start3A_628] : memref<2x128x64xf32, #tpu.memory_space<vmem>> -> memref<1x1x64xf32, #tpu.memory_space<vmem>>
      %dma_start3A_630 = tpu.memref_squeeze %dma_start3A_629 : memref<1x1x64xf32, #tpu.memory_space<vmem>> -> memref<64xf32, #tpu.memory_space<vmem>>
      %dma_start3A_631 = arith.constant 0 : i32
      %dma_start3A_632 = tpu.memref_slice %arg4[%reduce_sum3A_622, %dma_start3A_631] : memref<1000000x64xf32, #tpu.memory_space<hbm>> -> memref<1x64xf32, #tpu.memory_space<hbm>>
      %dma_start3A_633 = tpu.memref_squeeze %dma_start3A_632 : memref<1x64xf32, #tpu.memory_space<hbm>> -> memref<64xf32, #tpu.memory_space<hbm>>
      %dma_start3A_634 = arith.constant 0 : i32
      %dma_start3A_635 = tpu.memref_slice %arg7[%dma_start3A_627, %add3A_626, %dma_start3A_634] : memref<2x128x64xf32, #tpu.memory_space<vmem>> -> memref<1x1x64xf32, #tpu.memory_space<vmem>>
      %dma_start3A_636 = tpu.memref_squeeze %dma_start3A_635 : memref<1x1x64xf32, #tpu.memory_space<vmem>> -> memref<64xf32, #tpu.memory_space<vmem>>
      %dma_start3A_637 = arith.constant 0 : i32
      %dma_start3A_638 = tpu.memref_slice %arg4[%reduce_sum3A_622, %dma_start3A_637] : memref<1000000x64xf32, #tpu.memory_space<hbm>> -> memref<1x64xf32, #tpu.memory_space<hbm>>
      %dma_start3A_639 = tpu.memref_squeeze %dma_start3A_638 : memref<1x64xf32, #tpu.memory_space<hbm>> -> memref<64xf32, #tpu.memory_space<hbm>>
      tpu.enqueue_dma source(%dma_start3A_639 : memref<64xf32, #tpu.memory_space<hbm>>) target(%dma_start3A_636 : memref<64xf32, #tpu.memory_space<vmem>>) target_semaphore(%arg10 : memref<!tpu.dma_semaphore, #tpu.memory_space<semaphore_mem>>)
      %eq3A_640 = arith.constant 15 : i32
      %eq3A_641 = vector.broadcast %eq3A_640 : i32 to vector<16xi32>
      %eq3A_642 = arith.cmpi eq, %iota3A, %eq3A_641 : vector<16xi32>
      %jit3A_643 = arith.constant 0 : i32
      %broadcast_in_dim3A_644 = vector.broadcast %jit3A_643 : i32 to vector<16xi32>
      %select_n3A_645 = arith.select %eq3A_642, %get3A_238, %broadcast_in_dim3A_644 : vector<16xi1>, vector<16xi32>
      %reduce_sum3A_646 = arith.constant true
      %reduce_sum3A_647 = vector.broadcast %reduce_sum3A_646 : i1 to vector<16xi1>
      %reduce_sum3A_648 = tpu.scan <sum>, %select_n3A_645 masked %reduce_sum3A_647 : vector<16xi32>, vector<16xi1> -> vector<16xi32>
      %reduce_sum3A_649 = vector.extract %reduce_sum3A_648[15] : i32 from vector<16xi32>
      %mul3A_650 = arith.constant 16 : i32
      %mul3A_651 = arith.muli %scan3A_232, %mul3A_650 : i32
      %add3A_652 = arith.constant 15 : i32
      %add3A_653 = arith.addi %mul3A_651, %add3A_652 : i32
      %dma_start3A_654 = arith.constant 0 : i32
      %dma_start3A_655 = arith.constant 0 : i32
      %dma_start3A_656 = tpu.memref_slice %arg7[%dma_start3A_654, %add3A_653, %dma_start3A_655] : memref<2x128x64xf32, #tpu.memory_space<vmem>> -> memref<1x1x64xf32, #tpu.memory_space<vmem>>
      %dma_start3A_657 = tpu.memref_squeeze %dma_start3A_656 : memref<1x1x64xf32, #tpu.memory_space<vmem>> -> memref<64xf32, #tpu.memory_space<vmem>>
      %dma_start3A_658 = arith.constant 0 : i32
      %dma_start3A_659 = tpu.memref_slice %arg4[%reduce_sum3A_649, %dma_start3A_658] : memref<1000000x64xf32, #tpu.memory_space<hbm>> -> memref<1x64xf32, #tpu.memory_space<hbm>>
      %dma_start3A_660 = tpu.memref_squeeze %dma_start3A_659 : memref<1x64xf32, #tpu.memory_space<hbm>> -> memref<64xf32, #tpu.memory_space<hbm>>
      %dma_start3A_661 = arith.constant 0 : i32
      %dma_start3A_662 = tpu.memref_slice %arg7[%dma_start3A_654, %add3A_653, %dma_start3A_661] : memref<2x128x64xf32, #tpu.memory_space<vmem>> -> memref<1x1x64xf32, #tpu.memory_space<vmem>>
      %dma_start3A_663 = tpu.memref_squeeze %dma_start3A_662 : memref<1x1x64xf32, #tpu.memory_space<vmem>> -> memref<64xf32, #tpu.memory_space<vmem>>
      %dma_start3A_664 = arith.constant 0 : i32
      %dma_start3A_665 = tpu.memref_slice %arg4[%reduce_sum3A_649, %dma_start3A_664] : memref<1000000x64xf32, #tpu.memory_space<hbm>> -> memref<1x64xf32, #tpu.memory_space<hbm>>
      %dma_start3A_666 = tpu.memref_squeeze %dma_start3A_665 : memref<1x64xf32, #tpu.memory_space<hbm>> -> memref<64xf32, #tpu.memory_space<hbm>>
      tpu.enqueue_dma source(%dma_start3A_666 : memref<64xf32, #tpu.memory_space<hbm>>) target(%dma_start3A_663 : memref<64xf32, #tpu.memory_space<vmem>>) target_semaphore(%arg10 : memref<!tpu.dma_semaphore, #tpu.memory_space<semaphore_mem>>)
      %scan3A_667 = arith.constant 0 : i32
      scf.yield %scan3A_667 : i32
    }
    %scan3A_100 = arith.constant 8 : i32
    %dma_wait3A_101 = arith.constant 1 : i32
    "tpu.trace_stop"() : () -> ()
    "tpu.trace_start"() <{level = 10 : i32, message = "drain1"}> : () -> ()
    %dma_wait3A_102 = arith.constant 0 : i32
    %dma_wait3A_103 = arith.constant 0 : i32
    %dma_wait3A_104 = tpu.memref_slice %arg7[%dma_wait3A_101, %dma_wait3A_102, %dma_wait3A_103] : memref<2x128x64xf32, #tpu.memory_space<vmem>> -> memref<1x128x64xf32, #tpu.memory_space<vmem>>
    %dma_wait3A_105 = tpu.memref_squeeze %dma_wait3A_104 : memref<1x128x64xf32, #tpu.memory_space<vmem>> -> memref<128x64xf32, #tpu.memory_space<vmem>>
    %dma_wait3A_106 = arith.constant 0 : i32
    %dma_wait3A_107 = arith.constant 0 : i32
    %dma_wait3A_108 = tpu.memref_slice %arg4[%dma_wait3A_106, %dma_wait3A_107] : memref<1000000x64xf32, #tpu.memory_space<hbm>> -> memref<128x64xf32, #tpu.memory_space<hbm>>
    %dma_wait3A_109 = arith.constant 0 : i32
    %dma_wait3A_110 = arith.constant 0 : i32
    %dma_wait3A_111 = tpu.memref_slice %arg7[%dma_wait3A_101, %dma_wait3A_109, %dma_wait3A_110] : memref<2x128x64xf32, #tpu.memory_space<vmem>> -> memref<1x128x64xf32, #tpu.memory_space<vmem>>
    %dma_wait3A_112 = tpu.memref_squeeze %dma_wait3A_111 : memref<1x128x64xf32, #tpu.memory_space<vmem>> -> memref<128x64xf32, #tpu.memory_space<vmem>>
    %dma_wait3A_113 = arith.constant 0 : i32
    %dma_wait3A_114 = arith.constant 0 : i32
    %dma_wait3A_115 = tpu.memref_slice %arg4[%dma_wait3A_113, %dma_wait3A_114] : memref<1000000x64xf32, #tpu.memory_space<hbm>> -> memref<128x64xf32, #tpu.memory_space<hbm>>
    tpu.wait_dma2 semaphore(%arg10 : memref<!tpu.dma_semaphore, #tpu.memory_space<semaphore_mem>>) src(%dma_wait3A_115 : memref<128x64xf32, #tpu.memory_space<hbm>>) dst(%dma_wait3A_112 : memref<128x64xf32, #tpu.memory_space<vmem>>)
    %dma_wait3A_116 = arith.constant 1 : i32
    %dma_wait3A_117 = arith.constant 0 : i32
    %dma_wait3A_118 = arith.constant 0 : i32
    %dma_wait3A_119 = tpu.memref_slice %arg8[%dma_wait3A_116, %dma_wait3A_117, %dma_wait3A_118] : memref<2x128x64xf32, #tpu.memory_space<vmem>> -> memref<1x128x64xf32, #tpu.memory_space<vmem>>
    %dma_wait3A_120 = tpu.memref_squeeze %dma_wait3A_119 : memref<1x128x64xf32, #tpu.memory_space<vmem>> -> memref<128x64xf32, #tpu.memory_space<vmem>>
    %dma_wait3A_121 = arith.constant 0 : i32
    %dma_wait3A_122 = tpu.memref_slice %arg2[%add3A_25, %dma_wait3A_121] : memref<16384x64xf32, #tpu.memory_space<hbm>> -> memref<128x64xf32, #tpu.memory_space<hbm>>
    %dma_wait3A_123 = arith.constant 0 : i32
    %dma_wait3A_124 = arith.constant 0 : i32
    %dma_wait3A_125 = tpu.memref_slice %arg8[%dma_wait3A_116, %dma_wait3A_123, %dma_wait3A_124] : memref<2x128x64xf32, #tpu.memory_space<vmem>> -> memref<1x128x64xf32, #tpu.memory_space<vmem>>
    %dma_wait3A_126 = tpu.memref_squeeze %dma_wait3A_125 : memref<1x128x64xf32, #tpu.memory_space<vmem>> -> memref<128x64xf32, #tpu.memory_space<vmem>>
    %dma_wait3A_127 = arith.constant 0 : i32
    %dma_wait3A_128 = tpu.memref_slice %arg2[%add3A_25, %dma_wait3A_127] : memref<16384x64xf32, #tpu.memory_space<hbm>> -> memref<128x64xf32, #tpu.memory_space<hbm>>
    tpu.wait_dma2 semaphore(%arg11 : memref<!tpu.dma_semaphore, #tpu.memory_space<semaphore_mem>>) src(%dma_wait3A_128 : memref<128x64xf32, #tpu.memory_space<hbm>>) dst(%dma_wait3A_126 : memref<128x64xf32, #tpu.memory_space<vmem>>)
    "tpu.trace_stop"() : () -> ()
    "tpu.trace_start"() <{level = 10 : i32, message = "acc1"}> : () -> ()
    %scan3A_129 = arith.constant 0 : i32
    %scan3A_130 = arith.constant 128 : i32
    %scan3A_131 = arith.addi %scan3A_129, %scan3A_130 : i32
    %scan3A_132 = arith.constant 1 : i32
    %scan3A_133:4 = scf.for %scan3A_232 = %scan3A_129 to %scan3A_131 step %scan3A_132 iter_args(%scan3A_233 = %scan3A_77#0, %scan3A_234 = %scan3A_77#1, %scan3A_235 = %scan3A_77#2, %scan3A_236 = %scan3A_77#3) -> (vector<16xf32>, vector<16xf32>, vector<16xf32>, vector<16xf32>)  : i32 {
      %get3A = arith.constant 1 : i32
      %get3A_237 = arith.index_cast %get3A : i32 to index
      %get3A_238 = arith.index_cast %scan3A_232 : i32 to index
      %get3A_239 = arith.constant 0 : index
      %get3A_240 = tpu.vector_load %arg8[%get3A_237, %get3A_238, %get3A_239] {strides = array<i32>} : memref<2x128x64xf32, #tpu.memory_space<vmem>>, vector<16xf32>,
      %get3A_241 = arith.constant 1 : i32
      %get3A_242 = arith.index_cast %get3A_241 : i32 to index
      %get3A_243 = arith.index_cast %scan3A_232 : i32 to index
      %get3A_244 = arith.constant 0 : index
      %get3A_245 = tpu.vector_load %arg7[%get3A_242, %get3A_243, %get3A_244] {strides = array<i32>} : memref<2x128x64xf32, #tpu.memory_space<vmem>>, vector<16xf32>,
      %sub3A = arith.subf %get3A_240, %get3A_245 : vector<16xf32>
      %mul3A_246 = arith.mulf %sub3A, %sub3A : vector<16xf32>
      %add3A_247 = arith.addf %scan3A_233, %mul3A_246 : vector<16xf32>
      %get3A_248 = arith.constant 1 : i32
      %get3A_249 = arith.index_cast %get3A_248 : i32 to index
      %get3A_250 = arith.index_cast %scan3A_232 : i32 to index
      %get3A_251 = arith.constant 16 : index
      %get3A_252 = tpu.vector_load %arg8[%get3A_249, %get3A_250, %get3A_251] {strides = array<i32>} : memref<2x128x64xf32, #tpu.memory_space<vmem>>, vector<16xf32>,
      %get3A_253 = arith.constant 1 : i32
      %get3A_254 = arith.index_cast %get3A_253 : i32 to index
      %get3A_255 = arith.index_cast %scan3A_232 : i32 to index
      %get3A_256 = arith.constant 16 : index
      %get3A_257 = tpu.vector_load %arg7[%get3A_254, %get3A_255, %get3A_256] {strides = array<i32>} : memref<2x128x64xf32, #tpu.memory_space<vmem>>, vector<16xf32>,
      %sub3A_258 = arith.subf %get3A_252, %get3A_257 : vector<16xf32>
      %mul3A_259 = arith.mulf %sub3A_258, %sub3A_258 : vector<16xf32>
      %add3A_260 = arith.addf %scan3A_234, %mul3A_259 : vector<16xf32>
      %get3A_261 = arith.constant 1 : i32
      %get3A_262 = arith.index_cast %get3A_261 : i32 to index
      %get3A_263 = arith.index_cast %scan3A_232 : i32 to index
      %get3A_264 = arith.constant 32 : index
      %get3A_265 = tpu.vector_load %arg8[%get3A_262, %get3A_263, %get3A_264] {strides = array<i32>} : memref<2x128x64xf32, #tpu.memory_space<vmem>>, vector<16xf32>,
      %get3A_266 = arith.constant 1 : i32
      %get3A_267 = arith.index_cast %get3A_266 : i32 to index
      %get3A_268 = arith.index_cast %scan3A_232 : i32 to index
      %get3A_269 = arith.constant 32 : index
      %get3A_270 = tpu.vector_load %arg7[%get3A_267, %get3A_268, %get3A_269] {strides = array<i32>} : memref<2x128x64xf32, #tpu.memory_space<vmem>>, vector<16xf32>,
      %sub3A_271 = arith.subf %get3A_265, %get3A_270 : vector<16xf32>
      %mul3A_272 = arith.mulf %sub3A_271, %sub3A_271 : vector<16xf32>
      %add3A_273 = arith.addf %scan3A_235, %mul3A_272 : vector<16xf32>
      %get3A_274 = arith.constant 1 : i32
      %get3A_275 = arith.index_cast %get3A_274 : i32 to index
      %get3A_276 = arith.index_cast %scan3A_232 : i32 to index
      %get3A_277 = arith.constant 48 : index
      %get3A_278 = tpu.vector_load %arg8[%get3A_275, %get3A_276, %get3A_277] {strides = array<i32>} : memref<2x128x64xf32, #tpu.memory_space<vmem>>, vector<16xf32>,
      %get3A_279 = arith.constant 1 : i32
      %get3A_280 = arith.index_cast %get3A_279 : i32 to index
      %get3A_281 = arith.index_cast %scan3A_232 : i32 to index
      %get3A_282 = arith.constant 48 : index
      %get3A_283 = tpu.vector_load %arg7[%get3A_280, %get3A_281, %get3A_282] {strides = array<i32>} : memref<2x128x64xf32, #tpu.memory_space<vmem>>, vector<16xf32>,
      %sub3A_284 = arith.subf %get3A_278, %get3A_283 : vector<16xf32>
      %mul3A_285 = arith.mulf %sub3A_284, %sub3A_284 : vector<16xf32>
      %add3A_286 = arith.addf %scan3A_236, %mul3A_285 : vector<16xf32>
      scf.yield %add3A_247, %add3A_260, %add3A_273, %add3A_286 : vector<16xf32>, vector<16xf32>, vector<16xf32>, vector<16xf32>
    }
    %scan3A_134 = arith.constant 128 : i32
    "tpu.trace_stop"() : () -> ()
    "tpu.trace_start"() <{level = 10 : i32, message = "fire3"}> : () -> ()
    %add3A_135 = arith.constant 384 : i32
    %add3A_136 = arith.addi %mul3A_2, %add3A_135 : i32
    %dma_start3A_137 = arith.constant 1 : i32
    %dma_start3A_138 = arith.constant 0 : i32
    %dma_start3A_139 = arith.constant 0 : i32
    %dma_start3A_140 = tpu.memref_slice %arg8[%dma_start3A_137, %dma_start3A_138, %dma_start3A_139] : memref<2x128x64xf32, #tpu.memory_space<vmem>> -> memref<1x128x64xf32, #tpu.memory_space<vmem>>
    %dma_start3A_141 = tpu.memref_squeeze %dma_start3A_140 : memref<1x128x64xf32, #tpu.memory_space<vmem>> -> memref<128x64xf32, #tpu.memory_space<vmem>>
    %dma_start3A_142 = arith.constant 0 : i32
    %dma_start3A_143 = tpu.memref_slice %arg2[%add3A_136, %dma_start3A_142] : memref<16384x64xf32, #tpu.memory_space<hbm>> -> memref<128x64xf32, #tpu.memory_space<hbm>>
    %dma_start3A_144 = arith.constant 0 : i32
    %dma_start3A_145 = arith.constant 0 : i32
    %dma_start3A_146 = tpu.memref_slice %arg8[%dma_start3A_137, %dma_start3A_144, %dma_start3A_145] : memref<2x128x64xf32, #tpu.memory_space<vmem>> -> memref<1x128x64xf32, #tpu.memory_space<vmem>>
    %dma_start3A_147 = tpu.memref_squeeze %dma_start3A_146 : memref<1x128x64xf32, #tpu.memory_space<vmem>> -> memref<128x64xf32, #tpu.memory_space<vmem>>
    %dma_start3A_148 = arith.constant 0 : i32
    %dma_start3A_149 = tpu.memref_slice %arg2[%add3A_136, %dma_start3A_148] : memref<16384x64xf32, #tpu.memory_space<hbm>> -> memref<128x64xf32, #tpu.memory_space<hbm>>
    tpu.enqueue_dma source(%dma_start3A_149 : memref<128x64xf32, #tpu.memory_space<hbm>>) target(%dma_start3A_147 : memref<128x64xf32, #tpu.memory_space<vmem>>) target_semaphore(%arg11 : memref<!tpu.dma_semaphore, #tpu.memory_space<semaphore_mem>>)
    %scan3A_150 = arith.constant 0 : i32
    %scan3A_151 = arith.constant 0 : i32
    %scan3A_152 = arith.constant 8 : i32
    %scan3A_153 = arith.addi %scan3A_151, %scan3A_152 : i32
    %scan3A_154 = arith.constant 1 : i32
    %scan3A_155 = scf.for %scan3A_232 = %scan3A_151 to %scan3A_153 step %scan3A_154 iter_args(%scan3A_233 = %scan3A_150) -> (i32)  : i32 {
      %mul3A_234 = arith.constant 16 : i32
      %mul3A_235 = arith.muli %scan3A_232, %mul3A_234 : i32
      %add3A_236 = arith.constant 384 : i32
      %add3A_237 = arith.addi %add3A_236, %mul3A_235 : i32
      %get3A = arith.index_cast %add3A_237 : i32 to index
      %get3A_238 = tpu.vector_load %arg6[%get3A] {strides = array<i32>} : memref<512xi32, #tpu.memory_space<vmem>>, vector<16xi32>,
      %eq3A = arith.constant 0 : i32
      %eq3A_239 = vector.broadcast %eq3A : i32 to vector<16xi32>
      %eq3A_240 = arith.cmpi eq, %iota3A, %eq3A_239 : vector<16xi32>
      %jit3A = arith.constant 0 : i32
      %broadcast_in_dim3A_241 = vector.broadcast %jit3A : i32 to vector<16xi32>
      %select_n3A = arith.select %eq3A_240, %get3A_238, %broadcast_in_dim3A_241 : vector<16xi1>, vector<16xi32>
      %reduce_sum3A = arith.constant true
      %reduce_sum3A_242 = vector.broadcast %reduce_sum3A : i1 to vector<16xi1>
      %reduce_sum3A_243 = tpu.scan <sum>, %select_n3A masked %reduce_sum3A_242 : vector<16xi32>, vector<16xi1> -> vector<16xi32>
      %reduce_sum3A_244 = vector.extract %reduce_sum3A_243[15] : i32 from vector<16xi32>
      %mul3A_245 = arith.constant 16 : i32
      %mul3A_246 = arith.muli %scan3A_232, %mul3A_245 : i32
      %add3A_247 = arith.constant 0 : i32
      %add3A_248 = arith.addi %mul3A_246, %add3A_247 : i32
      %dma_start3A_249 = arith.constant 1 : i32
      %dma_start3A_250 = arith.constant 0 : i32
      %dma_start3A_251 = tpu.memref_slice %arg7[%dma_start3A_249, %add3A_248, %dma_start3A_250] : memref<2x128x64xf32, #tpu.memory_space<vmem>> -> memref<1x1x64xf32, #tpu.memory_space<vmem>>
      %dma_start3A_252 = tpu.memref_squeeze %dma_start3A_251 : memref<1x1x64xf32, #tpu.memory_space<vmem>> -> memref<64xf32, #tpu.memory_space<vmem>>
      %dma_start3A_253 = arith.constant 0 : i32
      %dma_start3A_254 = tpu.memref_slice %arg4[%reduce_sum3A_244, %dma_start3A_253] : memref<1000000x64xf32, #tpu.memory_space<hbm>> -> memref<1x64xf32, #tpu.memory_space<hbm>>
      %dma_start3A_255 = tpu.memref_squeeze %dma_start3A_254 : memref<1x64xf32, #tpu.memory_space<hbm>> -> memref<64xf32, #tpu.memory_space<hbm>>
      %dma_start3A_256 = arith.constant 0 : i32
      %dma_start3A_257 = tpu.memref_slice %arg7[%dma_start3A_249, %add3A_248, %dma_start3A_256] : memref<2x128x64xf32, #tpu.memory_space<vmem>> -> memref<1x1x64xf32, #tpu.memory_space<vmem>>
      %dma_start3A_258 = tpu.memref_squeeze %dma_start3A_257 : memref<1x1x64xf32, #tpu.memory_space<vmem>> -> memref<64xf32, #tpu.memory_space<vmem>>
      %dma_start3A_259 = arith.constant 0 : i32
      %dma_start3A_260 = tpu.memref_slice %arg4[%reduce_sum3A_244, %dma_start3A_259] : memref<1000000x64xf32, #tpu.memory_space<hbm>> -> memref<1x64xf32, #tpu.memory_space<hbm>>
      %dma_start3A_261 = tpu.memref_squeeze %dma_start3A_260 : memref<1x64xf32, #tpu.memory_space<hbm>> -> memref<64xf32, #tpu.memory_space<hbm>>
      tpu.enqueue_dma source(%dma_start3A_261 : memref<64xf32, #tpu.memory_space<hbm>>) target(%dma_start3A_258 : memref<64xf32, #tpu.memory_space<vmem>>) target_semaphore(%arg10 : memref<!tpu.dma_semaphore, #tpu.memory_space<semaphore_mem>>)
      %eq3A_262 = arith.constant 1 : i32
      %eq3A_263 = vector.broadcast %eq3A_262 : i32 to vector<16xi32>
      %eq3A_264 = arith.cmpi eq, %iota3A, %eq3A_263 : vector<16xi32>
      %jit3A_265 = arith.constant 0 : i32
      %broadcast_in_dim3A_266 = vector.broadcast %jit3A_265 : i32 to vector<16xi32>
      %select_n3A_267 = arith.select %eq3A_264, %get3A_238, %broadcast_in_dim3A_266 : vector<16xi1>, vector<16xi32>
      %reduce_sum3A_268 = arith.constant true
      %reduce_sum3A_269 = vector.broadcast %reduce_sum3A_268 : i1 to vector<16xi1>
      %reduce_sum3A_270 = tpu.scan <sum>, %select_n3A_267 masked %reduce_sum3A_269 : vector<16xi32>, vector<16xi1> -> vector<16xi32>
      %reduce_sum3A_271 = vector.extract %reduce_sum3A_270[15] : i32 from vector<16xi32>
      %mul3A_272 = arith.constant 16 : i32
      %mul3A_273 = arith.muli %scan3A_232, %mul3A_272 : i32
      %add3A_274 = arith.constant 1 : i32
      %add3A_275 = arith.addi %mul3A_273, %add3A_274 : i32
      %dma_start3A_276 = arith.constant 1 : i32
      %dma_start3A_277 = arith.constant 0 : i32
      %dma_start3A_278 = tpu.memref_slice %arg7[%dma_start3A_276, %add3A_275, %dma_start3A_277] : memref<2x128x64xf32, #tpu.memory_space<vmem>> -> memref<1x1x64xf32, #tpu.memory_space<vmem>>
      %dma_start3A_279 = tpu.memref_squeeze %dma_start3A_278 : memref<1x1x64xf32, #tpu.memory_space<vmem>> -> memref<64xf32, #tpu.memory_space<vmem>>
      %dma_start3A_280 = arith.constant 0 : i32
      %dma_start3A_281 = tpu.memref_slice %arg4[%reduce_sum3A_271, %dma_start3A_280] : memref<1000000x64xf32, #tpu.memory_space<hbm>> -> memref<1x64xf32, #tpu.memory_space<hbm>>
      %dma_start3A_282 = tpu.memref_squeeze %dma_start3A_281 : memref<1x64xf32, #tpu.memory_space<hbm>> -> memref<64xf32, #tpu.memory_space<hbm>>
      %dma_start3A_283 = arith.constant 0 : i32
      %dma_start3A_284 = tpu.memref_slice %arg7[%dma_start3A_276, %add3A_275, %dma_start3A_283] : memref<2x128x64xf32, #tpu.memory_space<vmem>> -> memref<1x1x64xf32, #tpu.memory_space<vmem>>
      %dma_start3A_285 = tpu.memref_squeeze %dma_start3A_284 : memref<1x1x64xf32, #tpu.memory_space<vmem>> -> memref<64xf32, #tpu.memory_space<vmem>>
      %dma_start3A_286 = arith.constant 0 : i32
      %dma_start3A_287 = tpu.memref_slice %arg4[%reduce_sum3A_271, %dma_start3A_286] : memref<1000000x64xf32, #tpu.memory_space<hbm>> -> memref<1x64xf32, #tpu.memory_space<hbm>>
      %dma_start3A_288 = tpu.memref_squeeze %dma_start3A_287 : memref<1x64xf32, #tpu.memory_space<hbm>> -> memref<64xf32, #tpu.memory_space<hbm>>
      tpu.enqueue_dma source(%dma_start3A_288 : memref<64xf32, #tpu.memory_space<hbm>>) target(%dma_start3A_285 : memref<64xf32, #tpu.memory_space<vmem>>) target_semaphore(%arg10 : memref<!tpu.dma_semaphore, #tpu.memory_space<semaphore_mem>>)
      %eq3A_289 = arith.constant 2 : i32
      %eq3A_290 = vector.broadcast %eq3A_289 : i32 to vector<16xi32>
      %eq3A_291 = arith.cmpi eq, %iota3A, %eq3A_290 : vector<16xi32>
      %jit3A_292 = arith.constant 0 : i32
      %broadcast_in_dim3A_293 = vector.broadcast %jit3A_292 : i32 to vector<16xi32>
      %select_n3A_294 = arith.select %eq3A_291, %get3A_238, %broadcast_in_dim3A_293 : vector<16xi1>, vector<16xi32>
      %reduce_sum3A_295 = arith.constant true
      %reduce_sum3A_296 = vector.broadcast %reduce_sum3A_295 : i1 to vector<16xi1>
      %reduce_sum3A_297 = tpu.scan <sum>, %select_n3A_294 masked %reduce_sum3A_296 : vector<16xi32>, vector<16xi1> -> vector<16xi32>
      %reduce_sum3A_298 = vector.extract %reduce_sum3A_297[15] : i32 from vector<16xi32>
      %mul3A_299 = arith.constant 16 : i32
      %mul3A_300 = arith.muli %scan3A_232, %mul3A_299 : i32
      %add3A_301 = arith.constant 2 : i32
      %add3A_302 = arith.addi %mul3A_300, %add3A_301 : i32
      %dma_start3A_303 = arith.constant 1 : i32
      %dma_start3A_304 = arith.constant 0 : i32
      %dma_start3A_305 = tpu.memref_slice %arg7[%dma_start3A_303, %add3A_302, %dma_start3A_304] : memref<2x128x64xf32, #tpu.memory_space<vmem>> -> memref<1x1x64xf32, #tpu.memory_space<vmem>>
      %dma_start3A_306 = tpu.memref_squeeze %dma_start3A_305 : memref<1x1x64xf32, #tpu.memory_space<vmem>> -> memref<64xf32, #tpu.memory_space<vmem>>
      %dma_start3A_307 = arith.constant 0 : i32
      %dma_start3A_308 = tpu.memref_slice %arg4[%reduce_sum3A_298, %dma_start3A_307] : memref<1000000x64xf32, #tpu.memory_space<hbm>> -> memref<1x64xf32, #tpu.memory_space<hbm>>
      %dma_start3A_309 = tpu.memref_squeeze %dma_start3A_308 : memref<1x64xf32, #tpu.memory_space<hbm>> -> memref<64xf32, #tpu.memory_space<hbm>>
      %dma_start3A_310 = arith.constant 0 : i32
      %dma_start3A_311 = tpu.memref_slice %arg7[%dma_start3A_303, %add3A_302, %dma_start3A_310] : memref<2x128x64xf32, #tpu.memory_space<vmem>> -> memref<1x1x64xf32, #tpu.memory_space<vmem>>
      %dma_start3A_312 = tpu.memref_squeeze %dma_start3A_311 : memref<1x1x64xf32, #tpu.memory_space<vmem>> -> memref<64xf32, #tpu.memory_space<vmem>>
      %dma_start3A_313 = arith.constant 0 : i32
      %dma_start3A_314 = tpu.memref_slice %arg4[%reduce_sum3A_298, %dma_start3A_313] : memref<1000000x64xf32, #tpu.memory_space<hbm>> -> memref<1x64xf32, #tpu.memory_space<hbm>>
      %dma_start3A_315 = tpu.memref_squeeze %dma_start3A_314 : memref<1x64xf32, #tpu.memory_space<hbm>> -> memref<64xf32, #tpu.memory_space<hbm>>
      tpu.enqueue_dma source(%dma_start3A_315 : memref<64xf32, #tpu.memory_space<hbm>>) target(%dma_start3A_312 : memref<64xf32, #tpu.memory_space<vmem>>) target_semaphore(%arg10 : memref<!tpu.dma_semaphore, #tpu.memory_space<semaphore_mem>>)
      %eq3A_316 = arith.constant 3 : i32
      %eq3A_317 = vector.broadcast %eq3A_316 : i32 to vector<16xi32>
      %eq3A_318 = arith.cmpi eq, %iota3A, %eq3A_317 : vector<16xi32>
      %jit3A_319 = arith.constant 0 : i32
      %broadcast_in_dim3A_320 = vector.broadcast %jit3A_319 : i32 to vector<16xi32>
      %select_n3A_321 = arith.select %eq3A_318, %get3A_238, %broadcast_in_dim3A_320 : vector<16xi1>, vector<16xi32>
      %reduce_sum3A_322 = arith.constant true
      %reduce_sum3A_323 = vector.broadcast %reduce_sum3A_322 : i1 to vector<16xi1>
      %reduce_sum3A_324 = tpu.scan <sum>, %select_n3A_321 masked %reduce_sum3A_323 : vector<16xi32>, vector<16xi1> -> vector<16xi32>
      %reduce_sum3A_325 = vector.extract %reduce_sum3A_324[15] : i32 from vector<16xi32>
      %mul3A_326 = arith.constant 16 : i32
      %mul3A_327 = arith.muli %scan3A_232, %mul3A_326 : i32
      %add3A_328 = arith.constant 3 : i32
      %add3A_329 = arith.addi %mul3A_327, %add3A_328 : i32
      %dma_start3A_330 = arith.constant 1 : i32
      %dma_start3A_331 = arith.constant 0 : i32
      %dma_start3A_332 = tpu.memref_slice %arg7[%dma_start3A_330, %add3A_329, %dma_start3A_331] : memref<2x128x64xf32, #tpu.memory_space<vmem>> -> memref<1x1x64xf32, #tpu.memory_space<vmem>>
      %dma_start3A_333 = tpu.memref_squeeze %dma_start3A_332 : memref<1x1x64xf32, #tpu.memory_space<vmem>> -> memref<64xf32, #tpu.memory_space<vmem>>
      %dma_start3A_334 = arith.constant 0 : i32
      %dma_start3A_335 = tpu.memref_slice %arg4[%reduce_sum3A_325, %dma_start3A_334] : memref<1000000x64xf32, #tpu.memory_space<hbm>> -> memref<1x64xf32, #tpu.memory_space<hbm>>
      %dma_start3A_336 = tpu.memref_squeeze %dma_start3A_335 : memref<1x64xf32, #tpu.memory_space<hbm>> -> memref<64xf32, #tpu.memory_space<hbm>>
      %dma_start3A_337 = arith.constant 0 : i32
      %dma_start3A_338 = tpu.memref_slice %arg7[%dma_start3A_330, %add3A_329, %dma_start3A_337] : memref<2x128x64xf32, #tpu.memory_space<vmem>> -> memref<1x1x64xf32, #tpu.memory_space<vmem>>
      %dma_start3A_339 = tpu.memref_squeeze %dma_start3A_338 : memref<1x1x64xf32, #tpu.memory_space<vmem>> -> memref<64xf32, #tpu.memory_space<vmem>>
      %dma_start3A_340 = arith.constant 0 : i32
      %dma_start3A_341 = tpu.memref_slice %arg4[%reduce_sum3A_325, %dma_start3A_340] : memref<1000000x64xf32, #tpu.memory_space<hbm>> -> memref<1x64xf32, #tpu.memory_space<hbm>>
      %dma_start3A_342 = tpu.memref_squeeze %dma_start3A_341 : memref<1x64xf32, #tpu.memory_space<hbm>> -> memref<64xf32, #tpu.memory_space<hbm>>
      tpu.enqueue_dma source(%dma_start3A_342 : memref<64xf32, #tpu.memory_space<hbm>>) target(%dma_start3A_339 : memref<64xf32, #tpu.memory_space<vmem>>) target_semaphore(%arg10 : memref<!tpu.dma_semaphore, #tpu.memory_space<semaphore_mem>>)
      %eq3A_343 = arith.constant 4 : i32
      %eq3A_344 = vector.broadcast %eq3A_343 : i32 to vector<16xi32>
      %eq3A_345 = arith.cmpi eq, %iota3A, %eq3A_344 : vector<16xi32>
      %jit3A_346 = arith.constant 0 : i32
      %broadcast_in_dim3A_347 = vector.broadcast %jit3A_346 : i32 to vector<16xi32>
      %select_n3A_348 = arith.select %eq3A_345, %get3A_238, %broadcast_in_dim3A_347 : vector<16xi1>, vector<16xi32>
      %reduce_sum3A_349 = arith.constant true
      %reduce_sum3A_350 = vector.broadcast %reduce_sum3A_349 : i1 to vector<16xi1>
      %reduce_sum3A_351 = tpu.scan <sum>, %select_n3A_348 masked %reduce_sum3A_350 : vector<16xi32>, vector<16xi1> -> vector<16xi32>
      %reduce_sum3A_352 = vector.extract %reduce_sum3A_351[15] : i32 from vector<16xi32>
      %mul3A_353 = arith.constant 16 : i32
      %mul3A_354 = arith.muli %scan3A_232, %mul3A_353 : i32
      %add3A_355 = arith.constant 4 : i32
      %add3A_356 = arith.addi %mul3A_354, %add3A_355 : i32
      %dma_start3A_357 = arith.constant 1 : i32
      %dma_start3A_358 = arith.constant 0 : i32
      %dma_start3A_359 = tpu.memref_slice %arg7[%dma_start3A_357, %add3A_356, %dma_start3A_358] : memref<2x128x64xf32, #tpu.memory_space<vmem>> -> memref<1x1x64xf32, #tpu.memory_space<vmem>>
      %dma_start3A_360 = tpu.memref_squeeze %dma_start3A_359 : memref<1x1x64xf32, #tpu.memory_space<vmem>> -> memref<64xf32, #tpu.memory_space<vmem>>
      %dma_start3A_361 = arith.constant 0 : i32
      %dma_start3A_362 = tpu.memref_slice %arg4[%reduce_sum3A_352, %dma_start3A_361] : memref<1000000x64xf32, #tpu.memory_space<hbm>> -> memref<1x64xf32, #tpu.memory_space<hbm>>
      %dma_start3A_363 = tpu.memref_squeeze %dma_start3A_362 : memref<1x64xf32, #tpu.memory_space<hbm>> -> memref<64xf32, #tpu.memory_space<hbm>>
      %dma_start3A_364 = arith.constant 0 : i32
      %dma_start3A_365 = tpu.memref_slice %arg7[%dma_start3A_357, %add3A_356, %dma_start3A_364] : memref<2x128x64xf32, #tpu.memory_space<vmem>> -> memref<1x1x64xf32, #tpu.memory_space<vmem>>
      %dma_start3A_366 = tpu.memref_squeeze %dma_start3A_365 : memref<1x1x64xf32, #tpu.memory_space<vmem>> -> memref<64xf32, #tpu.memory_space<vmem>>
      %dma_start3A_367 = arith.constant 0 : i32
      %dma_start3A_368 = tpu.memref_slice %arg4[%reduce_sum3A_352, %dma_start3A_367] : memref<1000000x64xf32, #tpu.memory_space<hbm>> -> memref<1x64xf32, #tpu.memory_space<hbm>>
      %dma_start3A_369 = tpu.memref_squeeze %dma_start3A_368 : memref<1x64xf32, #tpu.memory_space<hbm>> -> memref<64xf32, #tpu.memory_space<hbm>>
      tpu.enqueue_dma source(%dma_start3A_369 : memref<64xf32, #tpu.memory_space<hbm>>) target(%dma_start3A_366 : memref<64xf32, #tpu.memory_space<vmem>>) target_semaphore(%arg10 : memref<!tpu.dma_semaphore, #tpu.memory_space<semaphore_mem>>)
      %eq3A_370 = arith.constant 5 : i32
      %eq3A_371 = vector.broadcast %eq3A_370 : i32 to vector<16xi32>
      %eq3A_372 = arith.cmpi eq, %iota3A, %eq3A_371 : vector<16xi32>
      %jit3A_373 = arith.constant 0 : i32
      %broadcast_in_dim3A_374 = vector.broadcast %jit3A_373 : i32 to vector<16xi32>
      %select_n3A_375 = arith.select %eq3A_372, %get3A_238, %broadcast_in_dim3A_374 : vector<16xi1>, vector<16xi32>
      %reduce_sum3A_376 = arith.constant true
      %reduce_sum3A_377 = vector.broadcast %reduce_sum3A_376 : i1 to vector<16xi1>
      %reduce_sum3A_378 = tpu.scan <sum>, %select_n3A_375 masked %reduce_sum3A_377 : vector<16xi32>, vector<16xi1> -> vector<16xi32>
      %reduce_sum3A_379 = vector.extract %reduce_sum3A_378[15] : i32 from vector<16xi32>
      %mul3A_380 = arith.constant 16 : i32
      %mul3A_381 = arith.muli %scan3A_232, %mul3A_380 : i32
      %add3A_382 = arith.constant 5 : i32
      %add3A_383 = arith.addi %mul3A_381, %add3A_382 : i32
      %dma_start3A_384 = arith.constant 1 : i32
      %dma_start3A_385 = arith.constant 0 : i32
      %dma_start3A_386 = tpu.memref_slice %arg7[%dma_start3A_384, %add3A_383, %dma_start3A_385] : memref<2x128x64xf32, #tpu.memory_space<vmem>> -> memref<1x1x64xf32, #tpu.memory_space<vmem>>
      %dma_start3A_387 = tpu.memref_squeeze %dma_start3A_386 : memref<1x1x64xf32, #tpu.memory_space<vmem>> -> memref<64xf32, #tpu.memory_space<vmem>>
      %dma_start3A_388 = arith.constant 0 : i32
      %dma_start3A_389 = tpu.memref_slice %arg4[%reduce_sum3A_379, %dma_start3A_388] : memref<1000000x64xf32, #tpu.memory_space<hbm>> -> memref<1x64xf32, #tpu.memory_space<hbm>>
      %dma_start3A_390 = tpu.memref_squeeze %dma_start3A_389 : memref<1x64xf32, #tpu.memory_space<hbm>> -> memref<64xf32, #tpu.memory_space<hbm>>
      %dma_start3A_391 = arith.constant 0 : i32
      %dma_start3A_392 = tpu.memref_slice %arg7[%dma_start3A_384, %add3A_383, %dma_start3A_391] : memref<2x128x64xf32, #tpu.memory_space<vmem>> -> memref<1x1x64xf32, #tpu.memory_space<vmem>>
      %dma_start3A_393 = tpu.memref_squeeze %dma_start3A_392 : memref<1x1x64xf32, #tpu.memory_space<vmem>> -> memref<64xf32, #tpu.memory_space<vmem>>
      %dma_start3A_394 = arith.constant 0 : i32
      %dma_start3A_395 = tpu.memref_slice %arg4[%reduce_sum3A_379, %dma_start3A_394] : memref<1000000x64xf32, #tpu.memory_space<hbm>> -> memref<1x64xf32, #tpu.memory_space<hbm>>
      %dma_start3A_396 = tpu.memref_squeeze %dma_start3A_395 : memref<1x64xf32, #tpu.memory_space<hbm>> -> memref<64xf32, #tpu.memory_space<hbm>>
      tpu.enqueue_dma source(%dma_start3A_396 : memref<64xf32, #tpu.memory_space<hbm>>) target(%dma_start3A_393 : memref<64xf32, #tpu.memory_space<vmem>>) target_semaphore(%arg10 : memref<!tpu.dma_semaphore, #tpu.memory_space<semaphore_mem>>)
      %eq3A_397 = arith.constant 6 : i32
      %eq3A_398 = vector.broadcast %eq3A_397 : i32 to vector<16xi32>
      %eq3A_399 = arith.cmpi eq, %iota3A, %eq3A_398 : vector<16xi32>
      %jit3A_400 = arith.constant 0 : i32
      %broadcast_in_dim3A_401 = vector.broadcast %jit3A_400 : i32 to vector<16xi32>
      %select_n3A_402 = arith.select %eq3A_399, %get3A_238, %broadcast_in_dim3A_401 : vector<16xi1>, vector<16xi32>
      %reduce_sum3A_403 = arith.constant true
      %reduce_sum3A_404 = vector.broadcast %reduce_sum3A_403 : i1 to vector<16xi1>
      %reduce_sum3A_405 = tpu.scan <sum>, %select_n3A_402 masked %reduce_sum3A_404 : vector<16xi32>, vector<16xi1> -> vector<16xi32>
      %reduce_sum3A_406 = vector.extract %reduce_sum3A_405[15] : i32 from vector<16xi32>
      %mul3A_407 = arith.constant 16 : i32
      %mul3A_408 = arith.muli %scan3A_232, %mul3A_407 : i32
      %add3A_409 = arith.constant 6 : i32
      %add3A_410 = arith.addi %mul3A_408, %add3A_409 : i32
      %dma_start3A_411 = arith.constant 1 : i32
      %dma_start3A_412 = arith.constant 0 : i32
      %dma_start3A_413 = tpu.memref_slice %arg7[%dma_start3A_411, %add3A_410, %dma_start3A_412] : memref<2x128x64xf32, #tpu.memory_space<vmem>> -> memref<1x1x64xf32, #tpu.memory_space<vmem>>
      %dma_start3A_414 = tpu.memref_squeeze %dma_start3A_413 : memref<1x1x64xf32, #tpu.memory_space<vmem>> -> memref<64xf32, #tpu.memory_space<vmem>>
      %dma_start3A_415 = arith.constant 0 : i32
      %dma_start3A_416 = tpu.memref_slice %arg4[%reduce_sum3A_406, %dma_start3A_415] : memref<1000000x64xf32, #tpu.memory_space<hbm>> -> memref<1x64xf32, #tpu.memory_space<hbm>>
      %dma_start3A_417 = tpu.memref_squeeze %dma_start3A_416 : memref<1x64xf32, #tpu.memory_space<hbm>> -> memref<64xf32, #tpu.memory_space<hbm>>
      %dma_start3A_418 = arith.constant 0 : i32
      %dma_start3A_419 = tpu.memref_slice %arg7[%dma_start3A_411, %add3A_410, %dma_start3A_418] : memref<2x128x64xf32, #tpu.memory_space<vmem>> -> memref<1x1x64xf32, #tpu.memory_space<vmem>>
      %dma_start3A_420 = tpu.memref_squeeze %dma_start3A_419 : memref<1x1x64xf32, #tpu.memory_space<vmem>> -> memref<64xf32, #tpu.memory_space<vmem>>
      %dma_start3A_421 = arith.constant 0 : i32
      %dma_start3A_422 = tpu.memref_slice %arg4[%reduce_sum3A_406, %dma_start3A_421] : memref<1000000x64xf32, #tpu.memory_space<hbm>> -> memref<1x64xf32, #tpu.memory_space<hbm>>
      %dma_start3A_423 = tpu.memref_squeeze %dma_start3A_422 : memref<1x64xf32, #tpu.memory_space<hbm>> -> memref<64xf32, #tpu.memory_space<hbm>>
      tpu.enqueue_dma source(%dma_start3A_423 : memref<64xf32, #tpu.memory_space<hbm>>) target(%dma_start3A_420 : memref<64xf32, #tpu.memory_space<vmem>>) target_semaphore(%arg10 : memref<!tpu.dma_semaphore, #tpu.memory_space<semaphore_mem>>)
      %eq3A_424 = arith.constant 7 : i32
      %eq3A_425 = vector.broadcast %eq3A_424 : i32 to vector<16xi32>
      %eq3A_426 = arith.cmpi eq, %iota3A, %eq3A_425 : vector<16xi32>
      %jit3A_427 = arith.constant 0 : i32
      %broadcast_in_dim3A_428 = vector.broadcast %jit3A_427 : i32 to vector<16xi32>
      %select_n3A_429 = arith.select %eq3A_426, %get3A_238, %broadcast_in_dim3A_428 : vector<16xi1>, vector<16xi32>
      %reduce_sum3A_430 = arith.constant true
      %reduce_sum3A_431 = vector.broadcast %reduce_sum3A_430 : i1 to vector<16xi1>
      %reduce_sum3A_432 = tpu.scan <sum>, %select_n3A_429 masked %reduce_sum3A_431 : vector<16xi32>, vector<16xi1> -> vector<16xi32>
      %reduce_sum3A_433 = vector.extract %reduce_sum3A_432[15] : i32 from vector<16xi32>
      %mul3A_434 = arith.constant 16 : i32
      %mul3A_435 = arith.muli %scan3A_232, %mul3A_434 : i32
      %add3A_436 = arith.constant 7 : i32
      %add3A_437 = arith.addi %mul3A_435, %add3A_436 : i32
      %dma_start3A_438 = arith.constant 1 : i32
      %dma_start3A_439 = arith.constant 0 : i32
      %dma_start3A_440 = tpu.memref_slice %arg7[%dma_start3A_438, %add3A_437, %dma_start3A_439] : memref<2x128x64xf32, #tpu.memory_space<vmem>> -> memref<1x1x64xf32, #tpu.memory_space<vmem>>
      %dma_start3A_441 = tpu.memref_squeeze %dma_start3A_440 : memref<1x1x64xf32, #tpu.memory_space<vmem>> -> memref<64xf32, #tpu.memory_space<vmem>>
      %dma_start3A_442 = arith.constant 0 : i32
      %dma_start3A_443 = tpu.memref_slice %arg4[%reduce_sum3A_433, %dma_start3A_442] : memref<1000000x64xf32, #tpu.memory_space<hbm>> -> memref<1x64xf32, #tpu.memory_space<hbm>>
      %dma_start3A_444 = tpu.memref_squeeze %dma_start3A_443 : memref<1x64xf32, #tpu.memory_space<hbm>> -> memref<64xf32, #tpu.memory_space<hbm>>
      %dma_start3A_445 = arith.constant 0 : i32
      %dma_start3A_446 = tpu.memref_slice %arg7[%dma_start3A_438, %add3A_437, %dma_start3A_445] : memref<2x128x64xf32, #tpu.memory_space<vmem>> -> memref<1x1x64xf32, #tpu.memory_space<vmem>>
      %dma_start3A_447 = tpu.memref_squeeze %dma_start3A_446 : memref<1x1x64xf32, #tpu.memory_space<vmem>> -> memref<64xf32, #tpu.memory_space<vmem>>
      %dma_start3A_448 = arith.constant 0 : i32
      %dma_start3A_449 = tpu.memref_slice %arg4[%reduce_sum3A_433, %dma_start3A_448] : memref<1000000x64xf32, #tpu.memory_space<hbm>> -> memref<1x64xf32, #tpu.memory_space<hbm>>
      %dma_start3A_450 = tpu.memref_squeeze %dma_start3A_449 : memref<1x64xf32, #tpu.memory_space<hbm>> -> memref<64xf32, #tpu.memory_space<hbm>>
      tpu.enqueue_dma source(%dma_start3A_450 : memref<64xf32, #tpu.memory_space<hbm>>) target(%dma_start3A_447 : memref<64xf32, #tpu.memory_space<vmem>>) target_semaphore(%arg10 : memref<!tpu.dma_semaphore, #tpu.memory_space<semaphore_mem>>)
      %eq3A_451 = arith.constant 8 : i32
      %eq3A_452 = vector.broadcast %eq3A_451 : i32 to vector<16xi32>
      %eq3A_453 = arith.cmpi eq, %iota3A, %eq3A_452 : vector<16xi32>
      %jit3A_454 = arith.constant 0 : i32
      %broadcast_in_dim3A_455 = vector.broadcast %jit3A_454 : i32 to vector<16xi32>
      %select_n3A_456 = arith.select %eq3A_453, %get3A_238, %broadcast_in_dim3A_455 : vector<16xi1>, vector<16xi32>
      %reduce_sum3A_457 = arith.constant true
      %reduce_sum3A_458 = vector.broadcast %reduce_sum3A_457 : i1 to vector<16xi1>
      %reduce_sum3A_459 = tpu.scan <sum>, %select_n3A_456 masked %reduce_sum3A_458 : vector<16xi32>, vector<16xi1> -> vector<16xi32>
      %reduce_sum3A_460 = vector.extract %reduce_sum3A_459[15] : i32 from vector<16xi32>
      %mul3A_461 = arith.constant 16 : i32
      %mul3A_462 = arith.muli %scan3A_232, %mul3A_461 : i32
      %add3A_463 = arith.constant 8 : i32
      %add3A_464 = arith.addi %mul3A_462, %add3A_463 : i32
      %dma_start3A_465 = arith.constant 1 : i32
      %dma_start3A_466 = arith.constant 0 : i32
      %dma_start3A_467 = tpu.memref_slice %arg7[%dma_start3A_465, %add3A_464, %dma_start3A_466] : memref<2x128x64xf32, #tpu.memory_space<vmem>> -> memref<1x1x64xf32, #tpu.memory_space<vmem>>
      %dma_start3A_468 = tpu.memref_squeeze %dma_start3A_467 : memref<1x1x64xf32, #tpu.memory_space<vmem>> -> memref<64xf32, #tpu.memory_space<vmem>>
      %dma_start3A_469 = arith.constant 0 : i32
      %dma_start3A_470 = tpu.memref_slice %arg4[%reduce_sum3A_460, %dma_start3A_469] : memref<1000000x64xf32, #tpu.memory_space<hbm>> -> memref<1x64xf32, #tpu.memory_space<hbm>>
      %dma_start3A_471 = tpu.memref_squeeze %dma_start3A_470 : memref<1x64xf32, #tpu.memory_space<hbm>> -> memref<64xf32, #tpu.memory_space<hbm>>
      %dma_start3A_472 = arith.constant 0 : i32
      %dma_start3A_473 = tpu.memref_slice %arg7[%dma_start3A_465, %add3A_464, %dma_start3A_472] : memref<2x128x64xf32, #tpu.memory_space<vmem>> -> memref<1x1x64xf32, #tpu.memory_space<vmem>>
      %dma_start3A_474 = tpu.memref_squeeze %dma_start3A_473 : memref<1x1x64xf32, #tpu.memory_space<vmem>> -> memref<64xf32, #tpu.memory_space<vmem>>
      %dma_start3A_475 = arith.constant 0 : i32
      %dma_start3A_476 = tpu.memref_slice %arg4[%reduce_sum3A_460, %dma_start3A_475] : memref<1000000x64xf32, #tpu.memory_space<hbm>> -> memref<1x64xf32, #tpu.memory_space<hbm>>
      %dma_start3A_477 = tpu.memref_squeeze %dma_start3A_476 : memref<1x64xf32, #tpu.memory_space<hbm>> -> memref<64xf32, #tpu.memory_space<hbm>>
      tpu.enqueue_dma source(%dma_start3A_477 : memref<64xf32, #tpu.memory_space<hbm>>) target(%dma_start3A_474 : memref<64xf32, #tpu.memory_space<vmem>>) target_semaphore(%arg10 : memref<!tpu.dma_semaphore, #tpu.memory_space<semaphore_mem>>)
      %eq3A_478 = arith.constant 9 : i32
      %eq3A_479 = vector.broadcast %eq3A_478 : i32 to vector<16xi32>
      %eq3A_480 = arith.cmpi eq, %iota3A, %eq3A_479 : vector<16xi32>
      %jit3A_481 = arith.constant 0 : i32
      %broadcast_in_dim3A_482 = vector.broadcast %jit3A_481 : i32 to vector<16xi32>
      %select_n3A_483 = arith.select %eq3A_480, %get3A_238, %broadcast_in_dim3A_482 : vector<16xi1>, vector<16xi32>
      %reduce_sum3A_484 = arith.constant true
      %reduce_sum3A_485 = vector.broadcast %reduce_sum3A_484 : i1 to vector<16xi1>
      %reduce_sum3A_486 = tpu.scan <sum>, %select_n3A_483 masked %reduce_sum3A_485 : vector<16xi32>, vector<16xi1> -> vector<16xi32>
      %reduce_sum3A_487 = vector.extract %reduce_sum3A_486[15] : i32 from vector<16xi32>
      %mul3A_488 = arith.constant 16 : i32
      %mul3A_489 = arith.muli %scan3A_232, %mul3A_488 : i32
      %add3A_490 = arith.constant 9 : i32
      %add3A_491 = arith.addi %mul3A_489, %add3A_490 : i32
      %dma_start3A_492 = arith.constant 1 : i32
      %dma_start3A_493 = arith.constant 0 : i32
      %dma_start3A_494 = tpu.memref_slice %arg7[%dma_start3A_492, %add3A_491, %dma_start3A_493] : memref<2x128x64xf32, #tpu.memory_space<vmem>> -> memref<1x1x64xf32, #tpu.memory_space<vmem>>
      %dma_start3A_495 = tpu.memref_squeeze %dma_start3A_494 : memref<1x1x64xf32, #tpu.memory_space<vmem>> -> memref<64xf32, #tpu.memory_space<vmem>>
      %dma_start3A_496 = arith.constant 0 : i32
      %dma_start3A_497 = tpu.memref_slice %arg4[%reduce_sum3A_487, %dma_start3A_496] : memref<1000000x64xf32, #tpu.memory_space<hbm>> -> memref<1x64xf32, #tpu.memory_space<hbm>>
      %dma_start3A_498 = tpu.memref_squeeze %dma_start3A_497 : memref<1x64xf32, #tpu.memory_space<hbm>> -> memref<64xf32, #tpu.memory_space<hbm>>
      %dma_start3A_499 = arith.constant 0 : i32
      %dma_start3A_500 = tpu.memref_slice %arg7[%dma_start3A_492, %add3A_491, %dma_start3A_499] : memref<2x128x64xf32, #tpu.memory_space<vmem>> -> memref<1x1x64xf32, #tpu.memory_space<vmem>>
      %dma_start3A_501 = tpu.memref_squeeze %dma_start3A_500 : memref<1x1x64xf32, #tpu.memory_space<vmem>> -> memref<64xf32, #tpu.memory_space<vmem>>
      %dma_start3A_502 = arith.constant 0 : i32
      %dma_start3A_503 = tpu.memref_slice %arg4[%reduce_sum3A_487, %dma_start3A_502] : memref<1000000x64xf32, #tpu.memory_space<hbm>> -> memref<1x64xf32, #tpu.memory_space<hbm>>
      %dma_start3A_504 = tpu.memref_squeeze %dma_start3A_503 : memref<1x64xf32, #tpu.memory_space<hbm>> -> memref<64xf32, #tpu.memory_space<hbm>>
      tpu.enqueue_dma source(%dma_start3A_504 : memref<64xf32, #tpu.memory_space<hbm>>) target(%dma_start3A_501 : memref<64xf32, #tpu.memory_space<vmem>>) target_semaphore(%arg10 : memref<!tpu.dma_semaphore, #tpu.memory_space<semaphore_mem>>)
      %eq3A_505 = arith.constant 10 : i32
      %eq3A_506 = vector.broadcast %eq3A_505 : i32 to vector<16xi32>
      %eq3A_507 = arith.cmpi eq, %iota3A, %eq3A_506 : vector<16xi32>
      %jit3A_508 = arith.constant 0 : i32
      %broadcast_in_dim3A_509 = vector.broadcast %jit3A_508 : i32 to vector<16xi32>
      %select_n3A_510 = arith.select %eq3A_507, %get3A_238, %broadcast_in_dim3A_509 : vector<16xi1>, vector<16xi32>
      %reduce_sum3A_511 = arith.constant true
      %reduce_sum3A_512 = vector.broadcast %reduce_sum3A_511 : i1 to vector<16xi1>
      %reduce_sum3A_513 = tpu.scan <sum>, %select_n3A_510 masked %reduce_sum3A_512 : vector<16xi32>, vector<16xi1> -> vector<16xi32>
      %reduce_sum3A_514 = vector.extract %reduce_sum3A_513[15] : i32 from vector<16xi32>
      %mul3A_515 = arith.constant 16 : i32
      %mul3A_516 = arith.muli %scan3A_232, %mul3A_515 : i32
      %add3A_517 = arith.constant 10 : i32
      %add3A_518 = arith.addi %mul3A_516, %add3A_517 : i32
      %dma_start3A_519 = arith.constant 1 : i32
      %dma_start3A_520 = arith.constant 0 : i32
      %dma_start3A_521 = tpu.memref_slice %arg7[%dma_start3A_519, %add3A_518, %dma_start3A_520] : memref<2x128x64xf32, #tpu.memory_space<vmem>> -> memref<1x1x64xf32, #tpu.memory_space<vmem>>
      %dma_start3A_522 = tpu.memref_squeeze %dma_start3A_521 : memref<1x1x64xf32, #tpu.memory_space<vmem>> -> memref<64xf32, #tpu.memory_space<vmem>>
      %dma_start3A_523 = arith.constant 0 : i32
      %dma_start3A_524 = tpu.memref_slice %arg4[%reduce_sum3A_514, %dma_start3A_523] : memref<1000000x64xf32, #tpu.memory_space<hbm>> -> memref<1x64xf32, #tpu.memory_space<hbm>>
      %dma_start3A_525 = tpu.memref_squeeze %dma_start3A_524 : memref<1x64xf32, #tpu.memory_space<hbm>> -> memref<64xf32, #tpu.memory_space<hbm>>
      %dma_start3A_526 = arith.constant 0 : i32
      %dma_start3A_527 = tpu.memref_slice %arg7[%dma_start3A_519, %add3A_518, %dma_start3A_526] : memref<2x128x64xf32, #tpu.memory_space<vmem>> -> memref<1x1x64xf32, #tpu.memory_space<vmem>>
      %dma_start3A_528 = tpu.memref_squeeze %dma_start3A_527 : memref<1x1x64xf32, #tpu.memory_space<vmem>> -> memref<64xf32, #tpu.memory_space<vmem>>
      %dma_start3A_529 = arith.constant 0 : i32
      %dma_start3A_530 = tpu.memref_slice %arg4[%reduce_sum3A_514, %dma_start3A_529] : memref<1000000x64xf32, #tpu.memory_space<hbm>> -> memref<1x64xf32, #tpu.memory_space<hbm>>
      %dma_start3A_531 = tpu.memref_squeeze %dma_start3A_530 : memref<1x64xf32, #tpu.memory_space<hbm>> -> memref<64xf32, #tpu.memory_space<hbm>>
      tpu.enqueue_dma source(%dma_start3A_531 : memref<64xf32, #tpu.memory_space<hbm>>) target(%dma_start3A_528 : memref<64xf32, #tpu.memory_space<vmem>>) target_semaphore(%arg10 : memref<!tpu.dma_semaphore, #tpu.memory_space<semaphore_mem>>)
      %eq3A_532 = arith.constant 11 : i32
      %eq3A_533 = vector.broadcast %eq3A_532 : i32 to vector<16xi32>
      %eq3A_534 = arith.cmpi eq, %iota3A, %eq3A_533 : vector<16xi32>
      %jit3A_535 = arith.constant 0 : i32
      %broadcast_in_dim3A_536 = vector.broadcast %jit3A_535 : i32 to vector<16xi32>
      %select_n3A_537 = arith.select %eq3A_534, %get3A_238, %broadcast_in_dim3A_536 : vector<16xi1>, vector<16xi32>
      %reduce_sum3A_538 = arith.constant true
      %reduce_sum3A_539 = vector.broadcast %reduce_sum3A_538 : i1 to vector<16xi1>
      %reduce_sum3A_540 = tpu.scan <sum>, %select_n3A_537 masked %reduce_sum3A_539 : vector<16xi32>, vector<16xi1> -> vector<16xi32>
      %reduce_sum3A_541 = vector.extract %reduce_sum3A_540[15] : i32 from vector<16xi32>
      %mul3A_542 = arith.constant 16 : i32
      %mul3A_543 = arith.muli %scan3A_232, %mul3A_542 : i32
      %add3A_544 = arith.constant 11 : i32
      %add3A_545 = arith.addi %mul3A_543, %add3A_544 : i32
      %dma_start3A_546 = arith.constant 1 : i32
      %dma_start3A_547 = arith.constant 0 : i32
      %dma_start3A_548 = tpu.memref_slice %arg7[%dma_start3A_546, %add3A_545, %dma_start3A_547] : memref<2x128x64xf32, #tpu.memory_space<vmem>> -> memref<1x1x64xf32, #tpu.memory_space<vmem>>
      %dma_start3A_549 = tpu.memref_squeeze %dma_start3A_548 : memref<1x1x64xf32, #tpu.memory_space<vmem>> -> memref<64xf32, #tpu.memory_space<vmem>>
      %dma_start3A_550 = arith.constant 0 : i32
      %dma_start3A_551 = tpu.memref_slice %arg4[%reduce_sum3A_541, %dma_start3A_550] : memref<1000000x64xf32, #tpu.memory_space<hbm>> -> memref<1x64xf32, #tpu.memory_space<hbm>>
      %dma_start3A_552 = tpu.memref_squeeze %dma_start3A_551 : memref<1x64xf32, #tpu.memory_space<hbm>> -> memref<64xf32, #tpu.memory_space<hbm>>
      %dma_start3A_553 = arith.constant 0 : i32
      %dma_start3A_554 = tpu.memref_slice %arg7[%dma_start3A_546, %add3A_545, %dma_start3A_553] : memref<2x128x64xf32, #tpu.memory_space<vmem>> -> memref<1x1x64xf32, #tpu.memory_space<vmem>>
      %dma_start3A_555 = tpu.memref_squeeze %dma_start3A_554 : memref<1x1x64xf32, #tpu.memory_space<vmem>> -> memref<64xf32, #tpu.memory_space<vmem>>
      %dma_start3A_556 = arith.constant 0 : i32
      %dma_start3A_557 = tpu.memref_slice %arg4[%reduce_sum3A_541, %dma_start3A_556] : memref<1000000x64xf32, #tpu.memory_space<hbm>> -> memref<1x64xf32, #tpu.memory_space<hbm>>
      %dma_start3A_558 = tpu.memref_squeeze %dma_start3A_557 : memref<1x64xf32, #tpu.memory_space<hbm>> -> memref<64xf32, #tpu.memory_space<hbm>>
      tpu.enqueue_dma source(%dma_start3A_558 : memref<64xf32, #tpu.memory_space<hbm>>) target(%dma_start3A_555 : memref<64xf32, #tpu.memory_space<vmem>>) target_semaphore(%arg10 : memref<!tpu.dma_semaphore, #tpu.memory_space<semaphore_mem>>)
      %eq3A_559 = arith.constant 12 : i32
      %eq3A_560 = vector.broadcast %eq3A_559 : i32 to vector<16xi32>
      %eq3A_561 = arith.cmpi eq, %iota3A, %eq3A_560 : vector<16xi32>
      %jit3A_562 = arith.constant 0 : i32
      %broadcast_in_dim3A_563 = vector.broadcast %jit3A_562 : i32 to vector<16xi32>
      %select_n3A_564 = arith.select %eq3A_561, %get3A_238, %broadcast_in_dim3A_563 : vector<16xi1>, vector<16xi32>
      %reduce_sum3A_565 = arith.constant true
      %reduce_sum3A_566 = vector.broadcast %reduce_sum3A_565 : i1 to vector<16xi1>
      %reduce_sum3A_567 = tpu.scan <sum>, %select_n3A_564 masked %reduce_sum3A_566 : vector<16xi32>, vector<16xi1> -> vector<16xi32>
      %reduce_sum3A_568 = vector.extract %reduce_sum3A_567[15] : i32 from vector<16xi32>
      %mul3A_569 = arith.constant 16 : i32
      %mul3A_570 = arith.muli %scan3A_232, %mul3A_569 : i32
      %add3A_571 = arith.constant 12 : i32
      %add3A_572 = arith.addi %mul3A_570, %add3A_571 : i32
      %dma_start3A_573 = arith.constant 1 : i32
      %dma_start3A_574 = arith.constant 0 : i32
      %dma_start3A_575 = tpu.memref_slice %arg7[%dma_start3A_573, %add3A_572, %dma_start3A_574] : memref<2x128x64xf32, #tpu.memory_space<vmem>> -> memref<1x1x64xf32, #tpu.memory_space<vmem>>
      %dma_start3A_576 = tpu.memref_squeeze %dma_start3A_575 : memref<1x1x64xf32, #tpu.memory_space<vmem>> -> memref<64xf32, #tpu.memory_space<vmem>>
      %dma_start3A_577 = arith.constant 0 : i32
      %dma_start3A_578 = tpu.memref_slice %arg4[%reduce_sum3A_568, %dma_start3A_577] : memref<1000000x64xf32, #tpu.memory_space<hbm>> -> memref<1x64xf32, #tpu.memory_space<hbm>>
      %dma_start3A_579 = tpu.memref_squeeze %dma_start3A_578 : memref<1x64xf32, #tpu.memory_space<hbm>> -> memref<64xf32, #tpu.memory_space<hbm>>
      %dma_start3A_580 = arith.constant 0 : i32
      %dma_start3A_581 = tpu.memref_slice %arg7[%dma_start3A_573, %add3A_572, %dma_start3A_580] : memref<2x128x64xf32, #tpu.memory_space<vmem>> -> memref<1x1x64xf32, #tpu.memory_space<vmem>>
      %dma_start3A_582 = tpu.memref_squeeze %dma_start3A_581 : memref<1x1x64xf32, #tpu.memory_space<vmem>> -> memref<64xf32, #tpu.memory_space<vmem>>
      %dma_start3A_583 = arith.constant 0 : i32
      %dma_start3A_584 = tpu.memref_slice %arg4[%reduce_sum3A_568, %dma_start3A_583] : memref<1000000x64xf32, #tpu.memory_space<hbm>> -> memref<1x64xf32, #tpu.memory_space<hbm>>
      %dma_start3A_585 = tpu.memref_squeeze %dma_start3A_584 : memref<1x64xf32, #tpu.memory_space<hbm>> -> memref<64xf32, #tpu.memory_space<hbm>>
      tpu.enqueue_dma source(%dma_start3A_585 : memref<64xf32, #tpu.memory_space<hbm>>) target(%dma_start3A_582 : memref<64xf32, #tpu.memory_space<vmem>>) target_semaphore(%arg10 : memref<!tpu.dma_semaphore, #tpu.memory_space<semaphore_mem>>)
      %eq3A_586 = arith.constant 13 : i32
      %eq3A_587 = vector.broadcast %eq3A_586 : i32 to vector<16xi32>
      %eq3A_588 = arith.cmpi eq, %iota3A, %eq3A_587 : vector<16xi32>
      %jit3A_589 = arith.constant 0 : i32
      %broadcast_in_dim3A_590 = vector.broadcast %jit3A_589 : i32 to vector<16xi32>
      %select_n3A_591 = arith.select %eq3A_588, %get3A_238, %broadcast_in_dim3A_590 : vector<16xi1>, vector<16xi32>
      %reduce_sum3A_592 = arith.constant true
      %reduce_sum3A_593 = vector.broadcast %reduce_sum3A_592 : i1 to vector<16xi1>
      %reduce_sum3A_594 = tpu.scan <sum>, %select_n3A_591 masked %reduce_sum3A_593 : vector<16xi32>, vector<16xi1> -> vector<16xi32>
      %reduce_sum3A_595 = vector.extract %reduce_sum3A_594[15] : i32 from vector<16xi32>
      %mul3A_596 = arith.constant 16 : i32
      %mul3A_597 = arith.muli %scan3A_232, %mul3A_596 : i32
      %add3A_598 = arith.constant 13 : i32
      %add3A_599 = arith.addi %mul3A_597, %add3A_598 : i32
      %dma_start3A_600 = arith.constant 1 : i32
      %dma_start3A_601 = arith.constant 0 : i32
      %dma_start3A_602 = tpu.memref_slice %arg7[%dma_start3A_600, %add3A_599, %dma_start3A_601] : memref<2x128x64xf32, #tpu.memory_space<vmem>> -> memref<1x1x64xf32, #tpu.memory_space<vmem>>
      %dma_start3A_603 = tpu.memref_squeeze %dma_start3A_602 : memref<1x1x64xf32, #tpu.memory_space<vmem>> -> memref<64xf32, #tpu.memory_space<vmem>>
      %dma_start3A_604 = arith.constant 0 : i32
      %dma_start3A_605 = tpu.memref_slice %arg4[%reduce_sum3A_595, %dma_start3A_604] : memref<1000000x64xf32, #tpu.memory_space<hbm>> -> memref<1x64xf32, #tpu.memory_space<hbm>>
      %dma_start3A_606 = tpu.memref_squeeze %dma_start3A_605 : memref<1x64xf32, #tpu.memory_space<hbm>> -> memref<64xf32, #tpu.memory_space<hbm>>
      %dma_start3A_607 = arith.constant 0 : i32
      %dma_start3A_608 = tpu.memref_slice %arg7[%dma_start3A_600, %add3A_599, %dma_start3A_607] : memref<2x128x64xf32, #tpu.memory_space<vmem>> -> memref<1x1x64xf32, #tpu.memory_space<vmem>>
      %dma_start3A_609 = tpu.memref_squeeze %dma_start3A_608 : memref<1x1x64xf32, #tpu.memory_space<vmem>> -> memref<64xf32, #tpu.memory_space<vmem>>
      %dma_start3A_610 = arith.constant 0 : i32
      %dma_start3A_611 = tpu.memref_slice %arg4[%reduce_sum3A_595, %dma_start3A_610] : memref<1000000x64xf32, #tpu.memory_space<hbm>> -> memref<1x64xf32, #tpu.memory_space<hbm>>
      %dma_start3A_612 = tpu.memref_squeeze %dma_start3A_611 : memref<1x64xf32, #tpu.memory_space<hbm>> -> memref<64xf32, #tpu.memory_space<hbm>>
      tpu.enqueue_dma source(%dma_start3A_612 : memref<64xf32, #tpu.memory_space<hbm>>) target(%dma_start3A_609 : memref<64xf32, #tpu.memory_space<vmem>>) target_semaphore(%arg10 : memref<!tpu.dma_semaphore, #tpu.memory_space<semaphore_mem>>)
      %eq3A_613 = arith.constant 14 : i32
      %eq3A_614 = vector.broadcast %eq3A_613 : i32 to vector<16xi32>
      %eq3A_615 = arith.cmpi eq, %iota3A, %eq3A_614 : vector<16xi32>
      %jit3A_616 = arith.constant 0 : i32
      %broadcast_in_dim3A_617 = vector.broadcast %jit3A_616 : i32 to vector<16xi32>
      %select_n3A_618 = arith.select %eq3A_615, %get3A_238, %broadcast_in_dim3A_617 : vector<16xi1>, vector<16xi32>
      %reduce_sum3A_619 = arith.constant true
      %reduce_sum3A_620 = vector.broadcast %reduce_sum3A_619 : i1 to vector<16xi1>
      %reduce_sum3A_621 = tpu.scan <sum>, %select_n3A_618 masked %reduce_sum3A_620 : vector<16xi32>, vector<16xi1> -> vector<16xi32>
      %reduce_sum3A_622 = vector.extract %reduce_sum3A_621[15] : i32 from vector<16xi32>
      %mul3A_623 = arith.constant 16 : i32
      %mul3A_624 = arith.muli %scan3A_232, %mul3A_623 : i32
      %add3A_625 = arith.constant 14 : i32
      %add3A_626 = arith.addi %mul3A_624, %add3A_625 : i32
      %dma_start3A_627 = arith.constant 1 : i32
      %dma_start3A_628 = arith.constant 0 : i32
      %dma_start3A_629 = tpu.memref_slice %arg7[%dma_start3A_627, %add3A_626, %dma_start3A_628] : memref<2x128x64xf32, #tpu.memory_space<vmem>> -> memref<1x1x64xf32, #tpu.memory_space<vmem>>
      %dma_start3A_630 = tpu.memref_squeeze %dma_start3A_629 : memref<1x1x64xf32, #tpu.memory_space<vmem>> -> memref<64xf32, #tpu.memory_space<vmem>>
      %dma_start3A_631 = arith.constant 0 : i32
      %dma_start3A_632 = tpu.memref_slice %arg4[%reduce_sum3A_622, %dma_start3A_631] : memref<1000000x64xf32, #tpu.memory_space<hbm>> -> memref<1x64xf32, #tpu.memory_space<hbm>>
      %dma_start3A_633 = tpu.memref_squeeze %dma_start3A_632 : memref<1x64xf32, #tpu.memory_space<hbm>> -> memref<64xf32, #tpu.memory_space<hbm>>
      %dma_start3A_634 = arith.constant 0 : i32
      %dma_start3A_635 = tpu.memref_slice %arg7[%dma_start3A_627, %add3A_626, %dma_start3A_634] : memref<2x128x64xf32, #tpu.memory_space<vmem>> -> memref<1x1x64xf32, #tpu.memory_space<vmem>>
      %dma_start3A_636 = tpu.memref_squeeze %dma_start3A_635 : memref<1x1x64xf32, #tpu.memory_space<vmem>> -> memref<64xf32, #tpu.memory_space<vmem>>
      %dma_start3A_637 = arith.constant 0 : i32
      %dma_start3A_638 = tpu.memref_slice %arg4[%reduce_sum3A_622, %dma_start3A_637] : memref<1000000x64xf32, #tpu.memory_space<hbm>> -> memref<1x64xf32, #tpu.memory_space<hbm>>
      %dma_start3A_639 = tpu.memref_squeeze %dma_start3A_638 : memref<1x64xf32, #tpu.memory_space<hbm>> -> memref<64xf32, #tpu.memory_space<hbm>>
      tpu.enqueue_dma source(%dma_start3A_639 : memref<64xf32, #tpu.memory_space<hbm>>) target(%dma_start3A_636 : memref<64xf32, #tpu.memory_space<vmem>>) target_semaphore(%arg10 : memref<!tpu.dma_semaphore, #tpu.memory_space<semaphore_mem>>)
      %eq3A_640 = arith.constant 15 : i32
      %eq3A_641 = vector.broadcast %eq3A_640 : i32 to vector<16xi32>
      %eq3A_642 = arith.cmpi eq, %iota3A, %eq3A_641 : vector<16xi32>
      %jit3A_643 = arith.constant 0 : i32
      %broadcast_in_dim3A_644 = vector.broadcast %jit3A_643 : i32 to vector<16xi32>
      %select_n3A_645 = arith.select %eq3A_642, %get3A_238, %broadcast_in_dim3A_644 : vector<16xi1>, vector<16xi32>
      %reduce_sum3A_646 = arith.constant true
      %reduce_sum3A_647 = vector.broadcast %reduce_sum3A_646 : i1 to vector<16xi1>
      %reduce_sum3A_648 = tpu.scan <sum>, %select_n3A_645 masked %reduce_sum3A_647 : vector<16xi32>, vector<16xi1> -> vector<16xi32>
      %reduce_sum3A_649 = vector.extract %reduce_sum3A_648[15] : i32 from vector<16xi32>
      %mul3A_650 = arith.constant 16 : i32
      %mul3A_651 = arith.muli %scan3A_232, %mul3A_650 : i32
      %add3A_652 = arith.constant 15 : i32
      %add3A_653 = arith.addi %mul3A_651, %add3A_652 : i32
      %dma_start3A_654 = arith.constant 1 : i32
      %dma_start3A_655 = arith.constant 0 : i32
      %dma_start3A_656 = tpu.memref_slice %arg7[%dma_start3A_654, %add3A_653, %dma_start3A_655] : memref<2x128x64xf32, #tpu.memory_space<vmem>> -> memref<1x1x64xf32, #tpu.memory_space<vmem>>
      %dma_start3A_657 = tpu.memref_squeeze %dma_start3A_656 : memref<1x1x64xf32, #tpu.memory_space<vmem>> -> memref<64xf32, #tpu.memory_space<vmem>>
      %dma_start3A_658 = arith.constant 0 : i32
      %dma_start3A_659 = tpu.memref_slice %arg4[%reduce_sum3A_649, %dma_start3A_658] : memref<1000000x64xf32, #tpu.memory_space<hbm>> -> memref<1x64xf32, #tpu.memory_space<hbm>>
      %dma_start3A_660 = tpu.memref_squeeze %dma_start3A_659 : memref<1x64xf32, #tpu.memory_space<hbm>> -> memref<64xf32, #tpu.memory_space<hbm>>
      %dma_start3A_661 = arith.constant 0 : i32
      %dma_start3A_662 = tpu.memref_slice %arg7[%dma_start3A_654, %add3A_653, %dma_start3A_661] : memref<2x128x64xf32, #tpu.memory_space<vmem>> -> memref<1x1x64xf32, #tpu.memory_space<vmem>>
      %dma_start3A_663 = tpu.memref_squeeze %dma_start3A_662 : memref<1x1x64xf32, #tpu.memory_space<vmem>> -> memref<64xf32, #tpu.memory_space<vmem>>
      %dma_start3A_664 = arith.constant 0 : i32
      %dma_start3A_665 = tpu.memref_slice %arg4[%reduce_sum3A_649, %dma_start3A_664] : memref<1000000x64xf32, #tpu.memory_space<hbm>> -> memref<1x64xf32, #tpu.memory_space<hbm>>
      %dma_start3A_666 = tpu.memref_squeeze %dma_start3A_665 : memref<1x64xf32, #tpu.memory_space<hbm>> -> memref<64xf32, #tpu.memory_space<hbm>>
      tpu.enqueue_dma source(%dma_start3A_666 : memref<64xf32, #tpu.memory_space<hbm>>) target(%dma_start3A_663 : memref<64xf32, #tpu.memory_space<vmem>>) target_semaphore(%arg10 : memref<!tpu.dma_semaphore, #tpu.memory_space<semaphore_mem>>)
      %scan3A_667 = arith.constant 0 : i32
      scf.yield %scan3A_667 : i32
    }
    %scan3A_156 = arith.constant 8 : i32
    %dma_wait3A_157 = arith.constant 0 : i32
    "tpu.trace_stop"() : () -> ()
    "tpu.trace_start"() <{level = 10 : i32, message = "drain2"}> : () -> ()
    %dma_wait3A_158 = arith.constant 0 : i32
    %dma_wait3A_159 = arith.constant 0 : i32
    %dma_wait3A_160 = tpu.memref_slice %arg7[%dma_wait3A_157, %dma_wait3A_158, %dma_wait3A_159] : memref<2x128x64xf32, #tpu.memory_space<vmem>> -> memref<1x128x64xf32, #tpu.memory_space<vmem>>
    %dma_wait3A_161 = tpu.memref_squeeze %dma_wait3A_160 : memref<1x128x64xf32, #tpu.memory_space<vmem>> -> memref<128x64xf32, #tpu.memory_space<vmem>>
    %dma_wait3A_162 = arith.constant 0 : i32
    %dma_wait3A_163 = arith.constant 0 : i32
    %dma_wait3A_164 = tpu.memref_slice %arg4[%dma_wait3A_162, %dma_wait3A_163] : memref<1000000x64xf32, #tpu.memory_space<hbm>> -> memref<128x64xf32, #tpu.memory_space<hbm>>
    %dma_wait3A_165 = arith.constant 0 : i32
    %dma_wait3A_166 = arith.constant 0 : i32
    %dma_wait3A_167 = tpu.memref_slice %arg7[%dma_wait3A_157, %dma_wait3A_165, %dma_wait3A_166] : memref<2x128x64xf32, #tpu.memory_space<vmem>> -> memref<1x128x64xf32, #tpu.memory_space<vmem>>
    %dma_wait3A_168 = tpu.memref_squeeze %dma_wait3A_167 : memref<1x128x64xf32, #tpu.memory_space<vmem>> -> memref<128x64xf32, #tpu.memory_space<vmem>>
    %dma_wait3A_169 = arith.constant 0 : i32
    %dma_wait3A_170 = arith.constant 0 : i32
    %dma_wait3A_171 = tpu.memref_slice %arg4[%dma_wait3A_169, %dma_wait3A_170] : memref<1000000x64xf32, #tpu.memory_space<hbm>> -> memref<128x64xf32, #tpu.memory_space<hbm>>
    tpu.wait_dma2 semaphore(%arg10 : memref<!tpu.dma_semaphore, #tpu.memory_space<semaphore_mem>>) src(%dma_wait3A_171 : memref<128x64xf32, #tpu.memory_space<hbm>>) dst(%dma_wait3A_168 : memref<128x64xf32, #tpu.memory_space<vmem>>)
    %dma_wait3A_172 = arith.constant 0 : i32
    %dma_wait3A_173 = arith.constant 0 : i32
    %dma_wait3A_174 = arith.constant 0 : i32
    %dma_wait3A_175 = tpu.memref_slice %arg8[%dma_wait3A_172, %dma_wait3A_173, %dma_wait3A_174] : memref<2x128x64xf32, #tpu.memory_space<vmem>> -> memref<1x128x64xf32, #tpu.memory_space<vmem>>
    %dma_wait3A_176 = tpu.memref_squeeze %dma_wait3A_175 : memref<1x128x64xf32, #tpu.memory_space<vmem>> -> memref<128x64xf32, #tpu.memory_space<vmem>>
    %dma_wait3A_177 = arith.constant 0 : i32
    %dma_wait3A_178 = tpu.memref_slice %arg2[%add3A_80, %dma_wait3A_177] : memref<16384x64xf32, #tpu.memory_space<hbm>> -> memref<128x64xf32, #tpu.memory_space<hbm>>
    %dma_wait3A_179 = arith.constant 0 : i32
    %dma_wait3A_180 = arith.constant 0 : i32
    %dma_wait3A_181 = tpu.memref_slice %arg8[%dma_wait3A_172, %dma_wait3A_179, %dma_wait3A_180] : memref<2x128x64xf32, #tpu.memory_space<vmem>> -> memref<1x128x64xf32, #tpu.memory_space<vmem>>
    %dma_wait3A_182 = tpu.memref_squeeze %dma_wait3A_181 : memref<1x128x64xf32, #tpu.memory_space<vmem>> -> memref<128x64xf32, #tpu.memory_space<vmem>>
    %dma_wait3A_183 = arith.constant 0 : i32
    %dma_wait3A_184 = tpu.memref_slice %arg2[%add3A_80, %dma_wait3A_183] : memref<16384x64xf32, #tpu.memory_space<hbm>> -> memref<128x64xf32, #tpu.memory_space<hbm>>
    tpu.wait_dma2 semaphore(%arg11 : memref<!tpu.dma_semaphore, #tpu.memory_space<semaphore_mem>>) src(%dma_wait3A_184 : memref<128x64xf32, #tpu.memory_space<hbm>>) dst(%dma_wait3A_182 : memref<128x64xf32, #tpu.memory_space<vmem>>)
    "tpu.trace_stop"() : () -> ()
    "tpu.trace_start"() <{level = 10 : i32, message = "acc2"}> : () -> ()
    %scan3A_185 = arith.constant 0 : i32
    %scan3A_186 = arith.constant 128 : i32
    %scan3A_187 = arith.addi %scan3A_185, %scan3A_186 : i32
    %scan3A_188 = arith.constant 1 : i32
    %scan3A_189:4 = scf.for %scan3A_232 = %scan3A_185 to %scan3A_187 step %scan3A_188 iter_args(%scan3A_233 = %scan3A_133#0, %scan3A_234 = %scan3A_133#1, %scan3A_235 = %scan3A_133#2, %scan3A_236 = %scan3A_133#3) -> (vector<16xf32>, vector<16xf32>, vector<16xf32>, vector<16xf32>)  : i32 {
      %get3A = arith.constant 0 : i32
      %get3A_237 = arith.index_cast %get3A : i32 to index
      %get3A_238 = arith.index_cast %scan3A_232 : i32 to index
      %get3A_239 = arith.constant 0 : index
      %get3A_240 = tpu.vector_load %arg8[%get3A_237, %get3A_238, %get3A_239] {strides = array<i32>} : memref<2x128x64xf32, #tpu.memory_space<vmem>>, vector<16xf32>,
      %get3A_241 = arith.constant 0 : i32
      %get3A_242 = arith.index_cast %get3A_241 : i32 to index
      %get3A_243 = arith.index_cast %scan3A_232 : i32 to index
      %get3A_244 = arith.constant 0 : index
      %get3A_245 = tpu.vector_load %arg7[%get3A_242, %get3A_243, %get3A_244] {strides = array<i32>} : memref<2x128x64xf32, #tpu.memory_space<vmem>>, vector<16xf32>,
      %sub3A = arith.subf %get3A_240, %get3A_245 : vector<16xf32>
      %mul3A_246 = arith.mulf %sub3A, %sub3A : vector<16xf32>
      %add3A_247 = arith.addf %scan3A_233, %mul3A_246 : vector<16xf32>
      %get3A_248 = arith.constant 0 : i32
      %get3A_249 = arith.index_cast %get3A_248 : i32 to index
      %get3A_250 = arith.index_cast %scan3A_232 : i32 to index
      %get3A_251 = arith.constant 16 : index
      %get3A_252 = tpu.vector_load %arg8[%get3A_249, %get3A_250, %get3A_251] {strides = array<i32>} : memref<2x128x64xf32, #tpu.memory_space<vmem>>, vector<16xf32>,
      %get3A_253 = arith.constant 0 : i32
      %get3A_254 = arith.index_cast %get3A_253 : i32 to index
      %get3A_255 = arith.index_cast %scan3A_232 : i32 to index
      %get3A_256 = arith.constant 16 : index
      %get3A_257 = tpu.vector_load %arg7[%get3A_254, %get3A_255, %get3A_256] {strides = array<i32>} : memref<2x128x64xf32, #tpu.memory_space<vmem>>, vector<16xf32>,
      %sub3A_258 = arith.subf %get3A_252, %get3A_257 : vector<16xf32>
      %mul3A_259 = arith.mulf %sub3A_258, %sub3A_258 : vector<16xf32>
      %add3A_260 = arith.addf %scan3A_234, %mul3A_259 : vector<16xf32>
      %get3A_261 = arith.constant 0 : i32
      %get3A_262 = arith.index_cast %get3A_261 : i32 to index
      %get3A_263 = arith.index_cast %scan3A_232 : i32 to index
      %get3A_264 = arith.constant 32 : index
      %get3A_265 = tpu.vector_load %arg8[%get3A_262, %get3A_263, %get3A_264] {strides = array<i32>} : memref<2x128x64xf32, #tpu.memory_space<vmem>>, vector<16xf32>,
      %get3A_266 = arith.constant 0 : i32
      %get3A_267 = arith.index_cast %get3A_266 : i32 to index
      %get3A_268 = arith.index_cast %scan3A_232 : i32 to index
      %get3A_269 = arith.constant 32 : index
      %get3A_270 = tpu.vector_load %arg7[%get3A_267, %get3A_268, %get3A_269] {strides = array<i32>} : memref<2x128x64xf32, #tpu.memory_space<vmem>>, vector<16xf32>,
      %sub3A_271 = arith.subf %get3A_265, %get3A_270 : vector<16xf32>
      %mul3A_272 = arith.mulf %sub3A_271, %sub3A_271 : vector<16xf32>
      %add3A_273 = arith.addf %scan3A_235, %mul3A_272 : vector<16xf32>
      %get3A_274 = arith.constant 0 : i32
      %get3A_275 = arith.index_cast %get3A_274 : i32 to index
      %get3A_276 = arith.index_cast %scan3A_232 : i32 to index
      %get3A_277 = arith.constant 48 : index
      %get3A_278 = tpu.vector_load %arg8[%get3A_275, %get3A_276, %get3A_277] {strides = array<i32>} : memref<2x128x64xf32, #tpu.memory_space<vmem>>, vector<16xf32>,
      %get3A_279 = arith.constant 0 : i32
      %get3A_280 = arith.index_cast %get3A_279 : i32 to index
      %get3A_281 = arith.index_cast %scan3A_232 : i32 to index
      %get3A_282 = arith.constant 48 : index
      %get3A_283 = tpu.vector_load %arg7[%get3A_280, %get3A_281, %get3A_282] {strides = array<i32>} : memref<2x128x64xf32, #tpu.memory_space<vmem>>, vector<16xf32>,
      %sub3A_284 = arith.subf %get3A_278, %get3A_283 : vector<16xf32>
      %mul3A_285 = arith.mulf %sub3A_284, %sub3A_284 : vector<16xf32>
      %add3A_286 = arith.addf %scan3A_236, %mul3A_285 : vector<16xf32>
      scf.yield %add3A_247, %add3A_260, %add3A_273, %add3A_286 : vector<16xf32>, vector<16xf32>, vector<16xf32>, vector<16xf32>
    }
    %scan3A_190 = arith.constant 128 : i32
    %dma_wait3A_191 = arith.constant 1 : i32
    "tpu.trace_stop"() : () -> ()
    "tpu.trace_start"() <{level = 10 : i32, message = "drain3"}> : () -> ()
    %dma_wait3A_192 = arith.constant 0 : i32
    %dma_wait3A_193 = arith.constant 0 : i32
    %dma_wait3A_194 = tpu.memref_slice %arg7[%dma_wait3A_191, %dma_wait3A_192, %dma_wait3A_193] : memref<2x128x64xf32, #tpu.memory_space<vmem>> -> memref<1x128x64xf32, #tpu.memory_space<vmem>>
    %dma_wait3A_195 = tpu.memref_squeeze %dma_wait3A_194 : memref<1x128x64xf32, #tpu.memory_space<vmem>> -> memref<128x64xf32, #tpu.memory_space<vmem>>
    %dma_wait3A_196 = arith.constant 0 : i32
    %dma_wait3A_197 = arith.constant 0 : i32
    %dma_wait3A_198 = tpu.memref_slice %arg4[%dma_wait3A_196, %dma_wait3A_197] : memref<1000000x64xf32, #tpu.memory_space<hbm>> -> memref<128x64xf32, #tpu.memory_space<hbm>>
    %dma_wait3A_199 = arith.constant 0 : i32
    %dma_wait3A_200 = arith.constant 0 : i32
    %dma_wait3A_201 = tpu.memref_slice %arg7[%dma_wait3A_191, %dma_wait3A_199, %dma_wait3A_200] : memref<2x128x64xf32, #tpu.memory_space<vmem>> -> memref<1x128x64xf32, #tpu.memory_space<vmem>>
    %dma_wait3A_202 = tpu.memref_squeeze %dma_wait3A_201 : memref<1x128x64xf32, #tpu.memory_space<vmem>> -> memref<128x64xf32, #tpu.memory_space<vmem>>
    %dma_wait3A_203 = arith.constant 0 : i32
    %dma_wait3A_204 = arith.constant 0 : i32
    %dma_wait3A_205 = tpu.memref_slice %arg4[%dma_wait3A_203, %dma_wait3A_204] : memref<1000000x64xf32, #tpu.memory_space<hbm>> -> memref<128x64xf32, #tpu.memory_space<hbm>>
    tpu.wait_dma2 semaphore(%arg10 : memref<!tpu.dma_semaphore, #tpu.memory_space<semaphore_mem>>) src(%dma_wait3A_205 : memref<128x64xf32, #tpu.memory_space<hbm>>) dst(%dma_wait3A_202 : memref<128x64xf32, #tpu.memory_space<vmem>>)
    %dma_wait3A_206 = arith.constant 1 : i32
    %dma_wait3A_207 = arith.constant 0 : i32
    %dma_wait3A_208 = arith.constant 0 : i32
    %dma_wait3A_209 = tpu.memref_slice %arg8[%dma_wait3A_206, %dma_wait3A_207, %dma_wait3A_208] : memref<2x128x64xf32, #tpu.memory_space<vmem>> -> memref<1x128x64xf32, #tpu.memory_space<vmem>>
    %dma_wait3A_210 = tpu.memref_squeeze %dma_wait3A_209 : memref<1x128x64xf32, #tpu.memory_space<vmem>> -> memref<128x64xf32, #tpu.memory_space<vmem>>
    %dma_wait3A_211 = arith.constant 0 : i32
    %dma_wait3A_212 = tpu.memref_slice %arg2[%add3A_136, %dma_wait3A_211] : memref<16384x64xf32, #tpu.memory_space<hbm>> -> memref<128x64xf32, #tpu.memory_space<hbm>>
    %dma_wait3A_213 = arith.constant 0 : i32
    %dma_wait3A_214 = arith.constant 0 : i32
    %dma_wait3A_215 = tpu.memref_slice %arg8[%dma_wait3A_206, %dma_wait3A_213, %dma_wait3A_214] : memref<2x128x64xf32, #tpu.memory_space<vmem>> -> memref<1x128x64xf32, #tpu.memory_space<vmem>>
    %dma_wait3A_216 = tpu.memref_squeeze %dma_wait3A_215 : memref<1x128x64xf32, #tpu.memory_space<vmem>> -> memref<128x64xf32, #tpu.memory_space<vmem>>
    %dma_wait3A_217 = arith.constant 0 : i32
    %dma_wait3A_218 = tpu.memref_slice %arg2[%add3A_136, %dma_wait3A_217] : memref<16384x64xf32, #tpu.memory_space<hbm>> -> memref<128x64xf32, #tpu.memory_space<hbm>>
    tpu.wait_dma2 semaphore(%arg11 : memref<!tpu.dma_semaphore, #tpu.memory_space<semaphore_mem>>) src(%dma_wait3A_218 : memref<128x64xf32, #tpu.memory_space<hbm>>) dst(%dma_wait3A_216 : memref<128x64xf32, #tpu.memory_space<vmem>>)
    "tpu.trace_stop"() : () -> ()
    "tpu.trace_start"() <{level = 10 : i32, message = "acc3"}> : () -> ()
    %scan3A_219 = arith.constant 0 : i32
    %scan3A_220 = arith.constant 128 : i32
    %scan3A_221 = arith.addi %scan3A_219, %scan3A_220 : i32
    %scan3A_222 = arith.constant 1 : i32
    %scan3A_223:4 = scf.for %scan3A_232 = %scan3A_219 to %scan3A_221 step %scan3A_222 iter_args(%scan3A_233 = %scan3A_189#0, %scan3A_234 = %scan3A_189#1, %scan3A_235 = %scan3A_189#2, %scan3A_236 = %scan3A_189#3) -> (vector<16xf32>, vector<16xf32>, vector<16xf32>, vector<16xf32>)  : i32 {
      %get3A = arith.constant 1 : i32
      %get3A_237 = arith.index_cast %get3A : i32 to index
      %get3A_238 = arith.index_cast %scan3A_232 : i32 to index
      %get3A_239 = arith.constant 0 : index
      %get3A_240 = tpu.vector_load %arg8[%get3A_237, %get3A_238, %get3A_239] {strides = array<i32>} : memref<2x128x64xf32, #tpu.memory_space<vmem>>, vector<16xf32>,
      %get3A_241 = arith.constant 1 : i32
      %get3A_242 = arith.index_cast %get3A_241 : i32 to index
      %get3A_243 = arith.index_cast %scan3A_232 : i32 to index
      %get3A_244 = arith.constant 0 : index
      %get3A_245 = tpu.vector_load %arg7[%get3A_242, %get3A_243, %get3A_244] {strides = array<i32>} : memref<2x128x64xf32, #tpu.memory_space<vmem>>, vector<16xf32>,
      %sub3A = arith.subf %get3A_240, %get3A_245 : vector<16xf32>
      %mul3A_246 = arith.mulf %sub3A, %sub3A : vector<16xf32>
      %add3A_247 = arith.addf %scan3A_233, %mul3A_246 : vector<16xf32>
      %get3A_248 = arith.constant 1 : i32
      %get3A_249 = arith.index_cast %get3A_248 : i32 to index
      %get3A_250 = arith.index_cast %scan3A_232 : i32 to index
      %get3A_251 = arith.constant 16 : index
      %get3A_252 = tpu.vector_load %arg8[%get3A_249, %get3A_250, %get3A_251] {strides = array<i32>} : memref<2x128x64xf32, #tpu.memory_space<vmem>>, vector<16xf32>,
      %get3A_253 = arith.constant 1 : i32
      %get3A_254 = arith.index_cast %get3A_253 : i32 to index
      %get3A_255 = arith.index_cast %scan3A_232 : i32 to index
      %get3A_256 = arith.constant 16 : index
      %get3A_257 = tpu.vector_load %arg7[%get3A_254, %get3A_255, %get3A_256] {strides = array<i32>} : memref<2x128x64xf32, #tpu.memory_space<vmem>>, vector<16xf32>,
      %sub3A_258 = arith.subf %get3A_252, %get3A_257 : vector<16xf32>
      %mul3A_259 = arith.mulf %sub3A_258, %sub3A_258 : vector<16xf32>
      %add3A_260 = arith.addf %scan3A_234, %mul3A_259 : vector<16xf32>
      %get3A_261 = arith.constant 1 : i32
      %get3A_262 = arith.index_cast %get3A_261 : i32 to index
      %get3A_263 = arith.index_cast %scan3A_232 : i32 to index
      %get3A_264 = arith.constant 32 : index
      %get3A_265 = tpu.vector_load %arg8[%get3A_262, %get3A_263, %get3A_264] {strides = array<i32>} : memref<2x128x64xf32, #tpu.memory_space<vmem>>, vector<16xf32>,
      %get3A_266 = arith.constant 1 : i32
      %get3A_267 = arith.index_cast %get3A_266 : i32 to index
      %get3A_268 = arith.index_cast %scan3A_232 : i32 to index
      %get3A_269 = arith.constant 32 : index
      %get3A_270 = tpu.vector_load %arg7[%get3A_267, %get3A_268, %get3A_269] {strides = array<i32>} : memref<2x128x64xf32, #tpu.memory_space<vmem>>, vector<16xf32>,
      %sub3A_271 = arith.subf %get3A_265, %get3A_270 : vector<16xf32>
      %mul3A_272 = arith.mulf %sub3A_271, %sub3A_271 : vector<16xf32>
      %add3A_273 = arith.addf %scan3A_235, %mul3A_272 : vector<16xf32>
      %get3A_274 = arith.constant 1 : i32
      %get3A_275 = arith.index_cast %get3A_274 : i32 to index
      %get3A_276 = arith.index_cast %scan3A_232 : i32 to index
      %get3A_277 = arith.constant 48 : index
      %get3A_278 = tpu.vector_load %arg8[%get3A_275, %get3A_276, %get3A_277] {strides = array<i32>} : memref<2x128x64xf32, #tpu.memory_space<vmem>>, vector<16xf32>,
      %get3A_279 = arith.constant 1 : i32
      %get3A_280 = arith.index_cast %get3A_279 : i32 to index
      %get3A_281 = arith.index_cast %scan3A_232 : i32 to index
      %get3A_282 = arith.constant 48 : index
      %get3A_283 = tpu.vector_load %arg7[%get3A_280, %get3A_281, %get3A_282] {strides = array<i32>} : memref<2x128x64xf32, #tpu.memory_space<vmem>>, vector<16xf32>,
      %sub3A_284 = arith.subf %get3A_278, %get3A_283 : vector<16xf32>
      %mul3A_285 = arith.mulf %sub3A_284, %sub3A_284 : vector<16xf32>
      %add3A_286 = arith.addf %scan3A_236, %mul3A_285 : vector<16xf32>
      scf.yield %add3A_247, %add3A_260, %add3A_273, %add3A_286 : vector<16xf32>, vector<16xf32>, vector<16xf32>, vector<16xf32>
    }
    %scan3A_224 = arith.constant 128 : i32
    "tpu.trace_stop"() : () -> ()
    %add3A_225 = arith.addf %scan3A_223#0, %scan3A_223#1 : vector<16xf32>
    %add3A_226 = arith.addf %add3A_225, %scan3A_223#2 : vector<16xf32>
    %add3A_227 = arith.addf %add3A_226, %scan3A_223#3 : vector<16xf32>
    %mul3A_228 = arith.constant 9.53674316E-7 : f32
    %mul3A_229 = vector.broadcast %mul3A_228 : f32 to vector<16xf32>
    %mul3A_230 = arith.mulf %add3A_227, %mul3A_229 : vector<16xf32>
    %swap3A = arith.constant 0 : index
    %swap3A_231 = tpu.vector_load %arg9[%swap3A] {strides = array<i32>} : memref<16xf32, #tpu.memory_space<vmem>>, vector<16xf32>,
    tpu.vector_store %arg9[%swap3A], %mul3A_230 {strides = array<i32>} : memref<16xf32, #tpu.memory_space<vmem>>, vector<16xf32>,
    "tpu.region"() ({
      %run_scoped3A = tpu.sem_alloc : memref<!tpu.dma_semaphore, #tpu.memory_space<semaphore_mem>>
      %dma_start3A_232 = arith.constant 0 : i32
      %dma_start3A_233 = tpu.memref_slice %arg5[%add3A, %dma_start3A_232] : memref<32x16xf32, #tpu.memory_space<hbm>> -> memref<1x16xf32, #tpu.memory_space<hbm>>
      %dma_start3A_234 = tpu.memref_squeeze %dma_start3A_233 : memref<1x16xf32, #tpu.memory_space<hbm>> -> memref<16xf32, #tpu.memory_space<hbm>>
      %dma_start3A_235 = arith.constant 0 : i32
      %dma_start3A_236 = tpu.memref_slice %arg5[%add3A, %dma_start3A_235] : memref<32x16xf32, #tpu.memory_space<hbm>> -> memref<1x16xf32, #tpu.memory_space<hbm>>
      %dma_start3A_237 = tpu.memref_squeeze %dma_start3A_236 : memref<1x16xf32, #tpu.memory_space<hbm>> -> memref<16xf32, #tpu.memory_space<hbm>>
      tpu.enqueue_dma source(%arg9 : memref<16xf32, #tpu.memory_space<vmem>>) target(%dma_start3A_237 : memref<16xf32, #tpu.memory_space<hbm>>) target_semaphore(%run_scoped3A : memref<!tpu.dma_semaphore, #tpu.memory_space<semaphore_mem>>)
      %dma_wait3A_238 = arith.constant 0 : i32
      %dma_wait3A_239 = tpu.memref_slice %arg5[%add3A, %dma_wait3A_238] : memref<32x16xf32, #tpu.memory_space<hbm>> -> memref<1x16xf32, #tpu.memory_space<hbm>>
      %dma_wait3A_240 = tpu.memref_squeeze %dma_wait3A_239 : memref<1x16xf32, #tpu.memory_space<hbm>> -> memref<16xf32, #tpu.memory_space<hbm>>
      %dma_wait3A_241 = arith.constant 0 : i32
      %dma_wait3A_242 = tpu.memref_slice %arg5[%add3A, %dma_wait3A_241] : memref<32x16xf32, #tpu.memory_space<hbm>> -> memref<1x16xf32, #tpu.memory_space<hbm>>
      %dma_wait3A_243 = tpu.memref_squeeze %dma_wait3A_242 : memref<1x16xf32, #tpu.memory_space<hbm>> -> memref<16xf32, #tpu.memory_space<hbm>>
      tpu.wait_dma2 semaphore(%run_scoped3A : memref<!tpu.dma_semaphore, #tpu.memory_space<semaphore_mem>>) src(%arg9 : memref<16xf32, #tpu.memory_space<vmem>>) dst(%dma_wait3A_243 : memref<16xf32, #tpu.memory_space<hbm>>)
      tpu.yield
    }) : () -> ()
    return
  }
}

</mosaic_0001>

<sc_bundles>
// kernel: _center_loss_sc.3.cloned.1.call-start
scs
__scs_entry_jumppad:
0x0: {  	(pc) =	sbr.rel $0x88, $3  }
0x1: {  	(tag) =	ssettag $0x0;
	lr =	simm.s32 $0x1  }
0x2: {  	[smem:$0x3F9E] =	sst lr;
	_ =	strace $0xD0000000  }
0x3: {  	_ = 	snop  }
0x4: {  	_ = 	snop  }
0x5: {  	_ = 	snop  }
0x6: {  	_ = 	snop  }
0x7: {  	_ = 	snop  }
__scs_overlays_trampoline_lowered:
0x8: {  	[smem:$0x3FAD] =	sst s0  }
0x9: {  	[smem:$0x3FAE] =	sst s1  }
0xa: {  	[smem:$0x3FAF] =	sst s2  }
0xb: {  	[smem:$0x3FB0] =	sst s3  }
0xc: {  	[smem:$0x3FB1] =	sst s4  }
0xd: {  	[smem:$0x3FB2] =	sst s5  }
0xe: {  	[smem:$0x3FB3] =	sst s6  }
0xf: {  	[smem:$0x3FB4] =	sst s7  }
0x10: {  	[smem:$0x3FB5] =	sst s8  }
0x11: {  	[smem:$0x3FB6] =	sst s9;
	s0 =	simm.s32 @!p0 $0x0  }
0x12: {  	s1 =	sld [smem:$0x3F9C];
	s0 =	simm.s32 @p0 $0x1  }
0x13: {  	[smem:$0x3FB7] =	sst s0;
	s0 =	simm.s32 @!p1 $0x0  }
0x14: {  	s2 =	sld [smem:$0x3F9B];
	s0 =	simm.s32 @p1 $0x1  }
0x15: {  	[smem:$0x3FB8] =	sst s0;
	s0 =	simm.s32 @!p2 $0x0  }
0x16: {  	s3 =	sld [smem:$0x3FDB];
	s0 =	simm.s32 @p2 $0x1  }
0x17: {  	s4 =	simm.s32 $0x1BF5;
	[smem:$0x3FBA] =	sst s0  }
0x18: {  	s0 =	sld [smem:$0x3F9D];
	_ =	swait.ge [sflag:s4], $0x0  }
0x19: {  	s7 =	sld [smem:$0x3F9E]  }
0x1a: {  	s8 =	sadd.s32 $0xFFFFE003, lr  }
0x1b: {  	s9 =	sadd.s32 $0xFFFFFEF7, lr;
	s5 =	simm.s32 $0xFFFFFFFF;
	p2 =	slt.u32 s8, $0xFFFFF086  }
0x1c: {  	p1 =	slt.u32 s9, $0xF7A;
	s5 =	simm.s32 @!p2 $0x0  }
0x1d: {  	s5 =	simm.s32 @p1 $0x1;
	p0 =	seq.s32 s7, s2  }
0x1e: {  	s7 =	smul.u32 @!p0 $0xF7A, s2;
	p2 =	seq.s32 @!p0 s5, $0x0  }
0x1f: {  	s9 =	smul.u32 $0xF7A, s1;
	s8 =	simm.s32 @!p0 $0x1BF5;
	p2 =	por !p2, p0  }
0x20: {  	[sflag:s8] =	ssyncset.s32 @!p0 $0xFFFFF086;
	s6 =	sadd.s32 @!p0 s3, s7;
	s7 =	simm.s32 @!p0 $0x108  }
0x21: {  	s3 =	sadd.s32 s3, s9;
	s6 =	sadd.s32 @!p0 $0x88, s6;
	s7 =	simm.s32 @p2 $0x1082  }
0x22: {  	[simem:s7], [sflag:s8] =	dma.local @!p0 [hbm:s6], $0xF7A  }
0x23: {  	s9 =	sor.u32 $0xD0000000, s2;
	s6 =	simm.s32 $0x108;
	_ =	swait.ge @!p0 [sflag:s8], $0x0  }
0x24: {  	s3 =	sadd.s32 $0x88, s3;
	s6 =	simm.s32 @!p1 $0x1082;
	[sflag:s4] =	ssyncset.s32 $0xFFFFF086  }
0x25: {  	[simem:s6], [sflag:s4] =	dma.local [hbm:s3], $0xF7A  }
0x26: {  	[smem:$0x3F9E] =	sst s1;
	(tag) =	ssettag s2;
	_ =	strace s9  }
0x27: {  	s1 =	sld [smem:$0x3FAE]  }
0x28: {  	s2 =	sld [smem:$0x3FAF]  }
0x29: {  	s4 =	sld [smem:$0x3FB1]  }
0x2a: {  	p0 =	seq.s32 s5, $0x0;
	s5 =	sld [smem:$0x3FB2]  }
0x2b: {  	s6 =	sld [smem:$0x3FB3]  }
0x2c: {  	s7 =	sld [smem:$0x3FB4]  }
0x2d: {  	s3 =	simm.s32 $0x108;
	s8 =	sld [smem:$0x3FB5]  }
0x2e: {  	s3 =	simm.s32 @!p0 $0x1082;
	s9 =	sld [smem:$0x3FB6]  }
0x2f: {  	lr =	sadd.s32 s0, s3;
	s0 =	sld [smem:$0x3FAD]  }
0x30: {  	s3 =	sld [smem:$0x3FB0]  }
0x31: {  	[smem:$0x3FB9] =	sst s10  }
0x32: {  	s10 =	sld [smem:$0x3FB7];
	_ =	sdelay $0x3  }
0x33: {  	p0 =	seq.s32 s10, $0x1;
	s10 =	sld [smem:$0x3FB9];
	_ =	sdelay $0x3  }
0x34: {  	[smem:$0x3FB9] =	sst s10  }
0x35: {  	s10 =	sld [smem:$0x3FB8];
	_ =	sdelay $0x3  }
0x36: {  	p1 =	seq.s32 s10, $0x1;
	s10 =	sld [smem:$0x3FB9];
	_ =	sdelay $0x3  }
0x37: {  	[smem:$0x3FB9] =	sst s10  }
0x38: {  	s10 =	sld [smem:$0x3FBA]  }
0x39: {  	_ = 	snop;
	(pc) =	sbr.ind lr, $3  }
0x3a: {  	_ = 	snop  }
0x3b: {  	_ = 	snop  }
0x3c: {  	p2 =	seq.s32 s10, $0x1;
	s10 =	sld [smem:$0x3FB9]  }
0x3d: {  	_ =	shalt  }
0x3e: {  	_ =	shalt  }
0x3f: {  	_ =	shalt  }
0x40: {  	_ =	shalt  }
0x41: {  	_ =	shalt  }
0x42: {  	_ =	shalt  }
0x43: {  	_ =	shalt  }
0x44: {  	_ =	shalt  }
0x45: {  	_ =	shalt  }
0x46: {  	_ =	shalt  }
0x47: {  	_ =	shalt  }
0x48: {  	_ =	shalt  }
0x49: {  	_ =	shalt  }
0x4a: {  	_ =	shalt  }
0x4b: {  	_ =	shalt  }
0x4c: {  	_ =	shalt  }
0x4d: {  	_ =	shalt  }
0x4e: {  	_ =	shalt  }
0x4f: {  	_ =	shalt  }
0x50: {  	_ =	shalt  }
0x51: {  	_ =	shalt  }
0x52: {  	_ =	shalt  }
0x53: {  	_ =	shalt  }
0x54: {  	_ =	shalt  }
0x55: {  	_ =	shalt  }
0x56: {  	_ =	shalt  }
0x57: {  	_ =	shalt  }
0x58: {  	_ =	shalt  }
0x59: {  	_ =	shalt  }
0x5a: {  	_ =	shalt  }
0x5b: {  	_ =	shalt  }
0x5c: {  	_ =	shalt  }
0x5d: {  	_ =	shalt  }
0x5e: {  	_ =	shalt  }
0x5f: {  	_ =	shalt  }
0x60: {  	_ =	shalt  }
0x61: {  	_ =	shalt  }
0x62: {  	_ =	shalt  }
0x63: {  	_ =	shalt  }
0x64: {  	_ =	shalt  }
0x65: {  	_ =	shalt  }
0x66: {  	_ =	shalt  }
0x67: {  	_ =	shalt  }
0x68: {  	_ =	shalt  }
0x69: {  	_ =	shalt  }
0x6a: {  	_ =	shalt  }
0x6b: {  	_ =	shalt  }
0x6c: {  	_ =	shalt  }
0x6d: {  	_ =	shalt  }
0x6e: {  	_ =	shalt  }
0x6f: {  	_ =	shalt  }
0x70: {  	_ =	shalt  }
0x71: {  	_ =	shalt  }
0x72: {  	_ =	shalt  }
0x73: {  	_ =	shalt  }
0x74: {  	_ =	shalt  }
0x75: {  	_ =	shalt  }
0x76: {  	_ =	shalt  }
0x77: {  	_ =	shalt  }
0x78: {  	_ =	shalt  }
0x79: {  	_ =	shalt  }
0x7a: {  	_ =	shalt  }
0x7b: {  	_ =	shalt  }
0x7c: {  	_ =	shalt  }
0x7d: {  	_ =	shalt  }
0x7e: {  	_ =	shalt  }
0x7f: {  	_ =	shalt  }
0x80: {  	_ =	shalt  }
0x81: {  	_ =	shalt  }
0x82: {  	_ =	shalt  }
0x83: {  	_ =	shalt  }
0x84: {  	_ =	shalt  }
0x85: {  	_ =	shalt  }
0x86: {  	_ =	shalt  }
0x87: {  	_ =	shalt  }
.Lfunc_end0:
.L_simem_size_0:
called_computation_lowered:
.L_overlay_start_0:
0x88: {  	s2 =	sld [smem:$0x3FD9]  }
0x89: {  	s3 =	sld [smem:$0x3FFE];
	_ =	sdelay $0x1  }
0x8a: {  	s1 =	srdreg.scid  }
0x8b: {  	s0 =	sand.u32 $0x1, s1  }
0x8c: {  	s17 =	sshll.u32 s0, $0xA;
	s2 =	sadd.s32 s3, s2  }
0x8d: {  	s2 =	sadd.s32 s2, s17  }
0x8e: {  	[smem:$0x3FC5] =	sst s2  }
0x8f: {  	_ = 	snop  }
0x90: {  	s2 =	sld [smem:$0x3FC8];
	(tm) =	ssettm $0x1  }
0x91: {  	s18 =	sld [smem:$0x3FFB];
	_ =	sdelay $0x3  }
0x92: {  	_ =	strace s18  }
0x93: {  	s3 =	sld [smem:$0x3FFC];
	_ =	sdelay $0x3  }
0x94: {  	_ =	strace s3  }
0x95: {  	s3 =	sld [smem:$0x3FFD];
	_ =	sdelay $0x3  }
0x96: {  	_ =	strace s3  }
0x97: {  	_ =	strace $0x8FFFFFFF  }
0x98: {  	s19 =	sld [smem:$0x3FDB];
	_ =	sdelay $0x1  }
0x99: {  	s4 =	simm.s32 $_scs_section_size  }
0x9a: {  	s5 =	simm.s32 $_size__tile_overlayer_lowered;
	s6 =	simm.s32 $_tile_overlayer_lowered  }
0x9b: {  	s22 =	simm.s32 $0x1BFF;
	s21 =	sshll.u32 s6, $0x1;
	s3 =	sadd.s32 s4, s19  }
0x9c: {  	s7 =	simm.s32 $0x0;
	s20 =	sshll.u32 s5, $0x1;
	s5 =	sadd.s32 s21, s3  }
0x9d: {  	[timem:s7], [sflag:s22] =	dma.local [hbm:s5], s20  }
0x9e: {  	_ =	swait.ge [sflag:s22], s20  }
0x9f: {  	s4 =	ssub.s32 $0x0, s20;
	[sflag:s22] =	ssyncset.done $0x0  }
0xa0: {  	[sflag:s22] =	ssyncadd.s32 s4;
	_ =	sdelay $0x1  }
0xa1: {  	s23 =	simm.s32 $0x1B8B  }
0xa2: {  	_ =	swait.ge [sflag:s23], $0x1  }
0xa3: {  	[sflag:s23] =	ssyncset.done $0x0  }
0xa4: {  	s25 =	simm.s32 $0x1B8E;
	s24 =	sld [smem:$0x3FFE];
	[sflag:s23] =	ssyncadd.s32 $0xFFFFFFFF  }
0xa5: {  	s26 =	simm.s32 $execute0_lowered;
	[smem:$0x3FD2] =	sst s25  }
0xa6: {  	s5 =	sshll.u32 s26, $0x1;
	_ =	strace $0x80000046;
	[dreg:$0x1] =	wrdreg $0xFFFFFFFF  }
0xa7: {  	s28 =	simm.s32 $_size_execute0_lowered;
	s3 =	sadd.s32 s3, s5;
	[dreg:$0x0] =	wrdreg $0x0  }
0xa8: {  	s5 =	sshll.u32 s28, $0x1;
	[dreg:$0x2] =	wrdreg s3  }
0xa9: {  	[dreg:$0x3] =	wrdreg s5  }
0xaa: {  	[dreg:$0x4] =	wrdreg $0xC0  }
0xab: {  	_ =	task [dreg:s7], $0x5FFFF  }
0xac: {  	[dreg:$0x1] =	wrdreg $0xFFFFFFFF  }
0xad: {  	[dreg:$0x0] =	wrdreg $0x60  }
0xae: {  	[dreg:$0x2] =	wrdreg s24  }
0xaf: {  	[dreg:$0x3] =	wrdreg s2  }
0xb0: {  	[dreg:$0x4] =	wrdreg $0x9  }
0xb1: {  	_ =	task.clear_ibuf [dreg:s7], $0x5FFFF;
	_ =	strace $0x90000046  }
0xb2: {  	s29 =	simm.s32 $0x9;
	_ =	strace $0x80000053  }
0xb3: {  	_ =	swait.ge [sflag:s29], $0x1  }
0xb4: {  	[sflag:s29] =	ssyncadd.s32 $0xFFFFFFFF  }
0xb5: {  	_ =	strace $0x90000053  }
0xb6: {  	_ =	sfence  }
0xb7: {  	s30 =	sld [smem:$0x0];
	_ =	sdelay $0x2  }
0xb8: {  	s31 =	sshll.u32 s1, $0xD;
	s1 =	sshrl.u32 s1, $0x2  }
0xb9: {  	s3 =	sand.u32 $0x4000, s31;
	s1 =	sadd.s32 s1, s30  }
0xba: {  	s0 =	sor.u32 s3, s0;
	s1 =	sshll.u32 s1, $0x11  }
0xbb: {  	s0 =	sor.u32 s1, s0  }
0xbc: {  	s0 =	sadd.s32 $0x8F2B, s0  }
0xbd: {  	[sflag:s0] =	ssyncadd.remote.s32 $0x1  }
0xbe: {  	_ =	sfence.sel $0xFFFF  }
0xbf: {  	[dreg:$0x0] =	wrdreg $0xFFFFFFFF;
	(pc) =	sbr.abs _section_cstart, $3  }
0xc0: {  	[dreg:$0x1] =	wrdreg $0xFFFFFFFF  }
0xc1: {  	_ =	task.clear_ibuf [dreg:s7], $0x2FFFF;
	_ =	strace $0x9FFFFFFF  }
0xc2: {  	(tm) =	ssettm $0x7FFFFFFF  }
0xc3: {  	_ =	shalt  }
tec
execute0_lowered:
.L_overlay_start_1:
0x0: {  	(tag) =	ssettag $0x1  }
0x1: {  	s0 =	srdreg.scid;
	s1 =	rddreg [dreg:$0x0]  }
0x2: {  	s3 =	stileid.u32;
	s5 =	rddreg [dreg:$0x1];
	s13 =	simm.s32 $0x3  }
0x3: {  	s16 =	simm.s32 $0x1;
	s17 =	simm.s32 $0x2;
	s19 =	simm.s32 $0x0  }
0x4: {  	s0 =	sand.u32 $0x1, s0;
	s2 =	sshll.u32 s3, $0x1;
	s6 =	sshrl.u32 s3, $0x2  }
0x5: {  	s4 =	sor.u32 s0, s2;
	s2 =	simm.s32 $0x0;
	s24 =	sshll.u32 s6, $0xA  }
0x6: {  	s0 =	ssub.s32 $0x2, s0;
	s6 =	sshll.u32 s6, $0xC;
	s23 =	sshll.u32 s4, $0x7  }
0x7: {  	[smem:$0x7FF] =	sst s2;
	s25 =	sshrl.u32 s0, $0x1;
	s4 =	sshll.u32 s4, $0xD  }
0x8: {  	s7 =	sand.u32 $0x380, s23;
	_ =	strace $0x80000047;
	s4 =	sadd.s32 s1, s4  }
0x9: {  	vm0 =	vmmov $0x1;
	s8 =	sor.u32 s24, s7;
	s6 =	sor.u32 s6, s7;
	s28 =	sadd.s32 $0x800, s4  }
0xa: {  	vm1 =	vcmask $0x308;
	vm2 =	vcmask $0x70C;
	vm3 =	vcmask $0xB10;
	s29 =	sadd.s32 $0x1000, s4;
	s30 =	sadd.s32 $0x1800, s4;
	[dreg:$0x4] =	wrdreg s28  }
0xb: {  	vm4 =	vcmask $0xF14;
	vm5 =	vcmask $0x1318;
	vm6 =	vcmask $0x171C;
	s8 =	sshrl.u32 s8, $0x3;
	s6 =	sshrl.u32 s6, $0x3;
	[dreg:$0x5] =	wrdreg s29  }
0xc: {  	vm7 =	vcmask $0x1B20;
	vm8 =	vcmask $0x1F24;
	vm9 =	vcmask $0x2328;
	[dreg:$0x6] =	wrdreg s30;
	s9 =	sadd.s32 s8, s1;
	s26 =	sadd.s32 s5, s6  }
0xd: {  	vm10 =	vcmask $0x272C;
	vm11 =	vcmask $0x2B30;
	vm12 =	vcmask $0x2F34;
	s0 =	ssub.s32 s0, s25;
	[dreg:$0x3] =	wrdreg s26;
	s31 =	sadd.s32 $0xF82400, s9  }
0xe: {  	vm13 =	vcmask $0x3338;
	vm14 =	vcmask $0x373C;
	vm15 =	vmmov $0x7fff;
	s3 =	sadd.s32 $0x40000, s1;
	s10 =	smax.u32 s0, $0x1;
	[dreg:$0x7] =	wrdreg s31  }
.LBB2_1:
0xf: {  	s0 =	rddreg [dreg:$0x3];
	s1 =	simm.s32 $0x80;
	s5 =	simm.s32 $0x400  }
0x10: {  	[tilespmem:s2], [sflag:$0x3] =	stream.strided.gather [hbm4b:s0+s1], $0x200, s5, s1, $0x38;
	[tilespmem:$0x10280] =	vst v63  }
0x11: {  	_ =	swait.ge [sflag:s13], $0x200  }
0x12: {  	[sflag:s13] =	ssyncset.done $0x0  }
0x13: {  	[sflag:s13] =	ssyncadd.s32 $0xFFFFFE00  }
0x14: {  	s1 =	simm.s32 $0x8200;
	_ =	strace $0x80000048  }
0x15: {  	[tilespmem:s1], [sflag:$0x2] =	stream.linear.gather [hbm4b:s4+s2], $0x4000, $0x200038;
	[tilespmem:$0x10280] =	vst v63  }
0x16: {  	v0 =	vld [tilespmem:s2+$0x0];
	_ =	sdelay $0x4  }
0x17: {  	v1 =	vnsel vm0, $0x0, v0  }
0x18: {  	v2 =	vsel vm2, $0x0, v0;
	(xrf0) =	vadd.scan.msk.s32 $0xffff, v1  }
0x19: {  	v40 =	vsel vm3, $0x0, v0;
	(xrf0) =	vadd.scan.msk.s32 $0xffff, v2  }
0x1a: {  	v41 =	vsel vm1, $0x0, v0;
	(xrf0) =	vadd.scan.msk.s32 $0xffff, v40  }
0x1b: {  	(xrf0) =	vadd.scan.msk.s32 $0xffff, v41;
	_ =	sdelay $0x2  }
0x1c: {  	v42, _, _ =	vpop (xrf0)  }
0x1d: {  	v43 =	vsel vm8, $0x0, v0;
	(v2sf) =	vpush v42, $0xF;
	v44, _, _ =	vpop (xrf0)  }
0x1e: {  	v3 =	vsel vm9, $0x0, v0;
	(xrf0) =	vadd.scan.msk.s32 $0xffff, v43;
	(v2sf) =	vpush v44, $0xF;
	v45, _, _ =	vpop (xrf0)  }
0x1f: {  	v46 =	vsel vm5, $0x0, v0;
	(xrf0) =	vadd.scan.msk.s32 $0xffff, v3;
	v47, _, _ =	vpop (xrf0);
	(v2sf) =	vpush v45, $0xF  }
0x20: {  	v48 =	vsel vm4, $0x0, v0;
	(xrf0) =	vadd.scan.msk.s32 $0xffff, v46;
	(v2sf) =	vpush v47, $0xF  }
0x21: {  	(xrf0) =	vadd.scan.msk.s32 $0xffff, v48;
	_ =	sdelay $0x1  }
0x22: {  	v49 =	vsel vm10, $0x0, v0  }
0x23: {  	v50 =	vsel vm11, $0x0, v0;
	(xrf0) =	vadd.scan.msk.s32 $0xffff, v49;
	v51, _, _ =	vpop (xrf0)  }
0x24: {  	v52 =	vsel vm12, $0x0, v0;
	(xrf0) =	vadd.scan.msk.s32 $0xffff, v50;
	v53, _, _ =	vpop (xrf0)  }
0x25: {  	v4 =	vsel vm13, $0x0, v0;
	(xrf0) =	vadd.scan.msk.s32 $0xffff, v52;
	(v2sf) =	vpush v51, $0xF;
	v54, _, _ =	vpop (xrf0)  }
0x26: {  	v55 =	vsel vm14, $0x0, v0;
	(xrf0) =	vadd.scan.msk.s32 $0xffff, v4;
	v56, _, _ =	vpop (xrf0)  }
0x27: {  	v5 =	vsel vm6, $0x0, v0;
	(xrf0) =	vadd.scan.msk.s32 $0xffff, v55;
	(v2sf) =	vpush v56, $0xF  }
0x28: {  	v57 =	vsel vm7, $0x0, v0;
	(xrf0) =	vadd.scan.msk.s32 $0xffff, v5  }
0x29: {  	s20 =	simm.s32 $0x2000;
	s21 =	simm.s32 $0x0;
	s25 =	simm.s32 $0x580;
	(xrf0) =	vadd.scan.msk.s32 $0xffff, v57;
	v58, _, _ =	vpop (xrf0);
	(v2sf) =	vpush v54, $0xF  }
0x2a: {  	s11 =	simm.s32 $0x200;
	s12 =	simm.s32 $0x280;
	s26 =	simm.s32 $0x500;
	v59, _, _ =	vpop (xrf0)  }
0x2b: {  	s18 =	simm.s32 $0x480;
	s24 =	simm.s32 $0x800;
	(v2sf) =	vpush v58, $0xF;
	v60, _, _ =	vpop (xrf0);
	s14 =	spop (v2sf)  }
0x2c: {  	s23 =	simm.s32 $0x880;
	v61, _, _ =	vpop (xrf0);
	s14 =	sshll.u32 s14, $0x4;
	s30 =	spop (v2sf)  }
0x2d: {  	s22 =	simm.s32 $0x10;
	v62, _, _ =	vpop (xrf0);
	(v2sf) =	vpush v53, $0xF;
	s14 =	sand.u32 $0x1FFFFFF0, s14;
	s31 =	spop (v2sf)  }
0x2e: {  	s29 =	simm.s32 $0x700;
	v63, _, _ =	vpop (xrf0);
	s14 =	sadd.s32 s3, s14;
	s28 =	spop (v2sf)  }
0x2f: {  	v6, _, _ =	vpop (xrf0);
	(v2sf) =	vpush v63, $0xF;
	[tilespmem:s11], [sflag:$0x1] =	stream.linear.gather [hbm4b:s14+s2], $0x80, $0x200038;
	[tilespmem:$0x10280] =	vst v63  }
0x30: {  	s5 =	simm.s32 $0x300;
	s1 =	simm.s32 $0x400;
	(v2sf) =	vpush v6, $0xF;
	s6 =	sshll.u32 s28, $0x4  }
0x31: {  	s7 =	sshll.u32 s30, $0x4;
	s30 =	sshll.u32 s31, $0x4;
	s11 =	sand.u32 $0x1FFFFFF0, s6  }
0x32: {  	(v2sf) =	vpush v59, $0xF;
	s28 =	simm.s32 $0x780;
	s14 =	sand.u32 $0x1FFFFFF0, s7;
	s11 =	sadd.s32 s3, s11  }
0x33: {  	[tilespmem:s12], [sflag:$0x1] =	stream.linear.gather [hbm4b:s11+s2], $0x80, $0x200038;
	[tilespmem:$0x10280] =	vst v63  }
0x34: {  	s9 =	sand.u32 $0x1FFFFFF0, s30;
	s14 =	sadd.s32 s3, s14;
	s8 =	spop (v2sf)  }
0x35: {  	v0 =	vsel vm15, $0x0, v0;
	[tilespmem:s5], [sflag:$0x1] =	stream.linear.gather [hbm4b:s14+s2], $0x80, $0x200038;
	[tilespmem:$0x10280] =	vst v63  }
0x36: {  	(xrf0) =	vadd.scan.msk.s32 $0xffff, v0;
	(v2sf) =	vpush v60, $0xF;
	s12 =	sadd.s32 s3, s9;
	s5 =	simm.s32 $0x380;
	s15 =	spop (v2sf)  }
0x37: {  	[tilespmem:s5], [sflag:$0x1] =	stream.linear.gather [hbm4b:s12+s2], $0x80, $0x200038;
	[tilespmem:$0x10280] =	vst v63  }
0x38: {  	s30 =	simm.s32 $0x680;
	(v2sf) =	vpush v61, $0xF;
	s0 =	sshll.u32 s15, $0x4;
	s6 =	spop (v2sf)  }
0x39: {  	s7 =	sshll.u32 s8, $0x4;
	s0 =	sand.u32 $0x1FFFFFF0, s0;
	s8 =	sshll.u32 s6, $0x4  }
0x3a: {  	s31 =	spop (v2sf);
	s12 =	sand.u32 $0x1FFFFFF0, s8;
	s0 =	sadd.s32 s3, s0  }
0x3b: {  	[tilespmem:s1], [sflag:$0x1] =	stream.linear.gather [hbm4b:s0+s2], $0x80, $0x200038;
	[tilespmem:$0x10280] =	vst v63  }
0x3c: {  	s11 =	simm.s32 $0x600;
	s12 =	sadd.s32 s3, s12;
	s9 =	spop (v2sf);
	(v2sf) =	vpush v62, $0xF  }
0x3d: {  	v0, _, _ =	vpop (xrf0);
	[tilespmem:s18], [sflag:$0x1] =	stream.linear.gather [hbm4b:s12+s2], $0x80, $0x200038;
	[tilespmem:$0x10280] =	vst v63  }
0x3e: {  	s14 =	sshll.u32 s31, $0x4;
	s12 =	sand.u32 $0x1FFFFFF0, s7;
	s15 =	spop (v2sf);
	(v2sf) =	vpush v0, $0xF  }
0x3f: {  	s18 =	sand.u32 $0x1FFFFFF0, s14;
	s14 =	sshll.u32 s15, $0x4;
	s15 =	spop (v2sf)  }
0x40: {  	s1 =	sshll.u32 s9, $0x4;
	s31 =	sand.u32 $0x1FFFFFF0, s14;
	s14 =	sshll.u32 s15, $0x4  }
.LBB2_2:
0x41: {  	s0 =	sadd.s32 s3, s31;
	s14 =	sand.u32 $0x1FFFFFF0, s14;
	s15 =	spop (v2sf)  }
0x42: {  	[tilespmem:s26], [sflag:$0x1] =	stream.linear.gather [hbm4b:s0+s2], $0x80, $0x200038;
	[tilespmem:$0x10280] =	vst v63  }
0x43: {  	s1 =	sand.u32 $0x1FFFFFF0, s1;
	s0 =	sadd.s32 s3, s14;
	s14 =	sshll.u32 s15, $0x4  }
0x44: {  	[tilespmem:s25], [sflag:$0x1] =	stream.linear.gather [hbm4b:s0+s2], $0x80, $0x200038;
	[tilespmem:$0x10280] =	vst v63  }
0x45: {  	s0 =	sadd.s32 s3, s12;
	s12 =	sand.u32 $0x1FFFFFF0, s14;
	s14 =	spop (v2sf)  }
0x46: {  	[tilespmem:s11], [sflag:$0x1] =	stream.linear.gather [hbm4b:s0+s2], $0x80, $0x200038;
	[tilespmem:$0x10280] =	vst v63  }
0x47: {  	s0 =	sadd.s32 s3, s1;
	s1 =	sshll.u32 s14, $0x4;
	s11 =	spop (v2sf)  }
0x48: {  	[tilespmem:s30], [sflag:$0x1] =	stream.linear.gather [hbm4b:s0+s2], $0x80, $0x200038;
	[tilespmem:$0x10280] =	vst v63  }
0x49: {  	s1 =	sand.u32 $0x1FFFFFF0, s1;
	s0 =	sadd.s32 s3, s18;
	s11 =	sshll.u32 s11, $0x4  }
0x4a: {  	[tilespmem:s29], [sflag:$0x1] =	stream.linear.gather [hbm4b:s0+s2], $0x80, $0x200038;
	[tilespmem:$0x10280] =	vst v63  }
0x4b: {  	s11 =	sand.u32 $0x1FFFFFF0, s11;
	s0 =	sadd.s32 s3, s12;
	s12 =	spop (v2sf)  }
0x4c: {  	[tilespmem:s28], [sflag:$0x1] =	stream.linear.gather [hbm4b:s0+s2], $0x80, $0x200038;
	[tilespmem:$0x10280] =	vst v63  }
0x4d: {  	s0 =	sadd.s32 s3, s1;
	s1 =	sshll.u32 s12, $0x4;
	s12 =	spop (v2sf)  }
0x4e: {  	[tilespmem:s24], [sflag:$0x1] =	stream.linear.gather [hbm4b:s0+s2], $0x80, $0x200038;
	[tilespmem:$0x10280] =	vst v63  }
0x4f: {  	s1 =	sand.u32 $0x1FFFFFF0, s1;
	s0 =	sadd.s32 s3, s11;
	s11 =	sshll.u32 s12, $0x4  }
0x50: {  	[tilespmem:s23], [sflag:$0x1] =	stream.linear.gather [hbm4b:s0+s2], $0x80, $0x200038;
	[tilespmem:$0x10280] =	vst v63  }
0x51: {  	s1 =	sadd.s32 s3, s1;
	s11 =	sand.u32 $0x1FFFFFF0, s11;
	s0 =	sadd.s32 $0x900, s21  }
0x52: {  	[tilespmem:s0], [sflag:$0x1] =	stream.linear.gather [hbm4b:s1+s2], $0x80, $0x200038;
	[tilespmem:$0x10280] =	vst v63  }
0x53: {  	p0 =	sne.s32 s20, $0xE000;
	s0 =	sadd.s32 $0x980, s21;
	s1 =	sadd.s32 s3, s11  }
0x54: {  	[tilespmem:s0], [sflag:$0x1] =	stream.linear.gather [hbm4b:s1+s2], $0x80, $0x200038;
	[tilespmem:$0x10280] =	vst v63  }
0x55: {  	s0 =	smov.u32 s20;
	s20 =	sadd.s32 $0x2000, s20;
	v0 =	vld [tilespmem:s22+$0x0];
	_ =	sdelay $0x4  }
0x56: {  	v1 =	vnsel vm0, $0x0, v0;
	v2 =	vsel vm3, $0x0, v0;
	v3 =	vsel vm14, $0x0, v0  }
0x57: {  	v4 =	vsel vm2, $0x0, v0;
	v5 =	vsel vm15, $0x0, v0;
	(xrf0) =	vadd.scan.msk.s32 $0xffff, v1  }
0x58: {  	v6 =	vsel vm6, $0x0, v0;
	v1 =	vsel vm1, $0x0, v0;
	(xrf0) =	vadd.scan.msk.s32 $0xffff, v4  }
0x59: {  	v4 =	vsel vm7, $0x0, v0;
	(xrf0) =	vadd.scan.msk.s32 $0xffff, v2  }
0x5a: {  	v2 =	vsel vm8, $0x0, v0;
	(xrf0) =	vadd.scan.msk.s32 $0xffff, v1  }
0x5b: {  	v1 =	vsel vm9, $0x0, v0;
	(xrf0) =	vadd.scan.msk.s32 $0xffff, v2  }
0x5c: {  	v2 =	vsel vm5, $0x0, v0;
	(xrf0) =	vadd.scan.msk.s32 $0xffff, v1  }
0x5d: {  	v1 =	vsel vm4, $0x0, v0;
	v7, _, _ =	vpop (xrf0);
	(xrf0) =	vadd.scan.msk.s32 $0xffff, v2  }
0x5e: {  	v2 =	vsel vm10, $0x0, v0;
	(v2sf) =	vpush v7, $0xF;
	v7, _, _ =	vpop (xrf0);
	(xrf0) =	vadd.scan.msk.s32 $0xffff, v1  }
0x5f: {  	v9 =	vsel vm11, $0x0, v0;
	(v2sf) =	vpush v7, $0xF;
	v7, _, _ =	vpop (xrf0);
	(xrf0) =	vadd.scan.msk.s32 $0xffff, v2  }
0x60: {  	s21 =	sshra.s32 s0, $0x2;
	v2 =	vsel vm12, $0x0, v0;
	v8, _, _ =	vpop (xrf0);
	(v2sf) =	vpush v7, $0xF;
	(xrf0) =	vadd.scan.msk.s32 $0xffff, v9  }
0x61: {  	s1 =	sadd.s32 $0x300, s21;
	v7 =	vsel vm13, $0x0, v0;
	(v2sf) =	vpush v8, $0xF;
	v1, _, _ =	vpop (xrf0);
	(xrf0) =	vadd.scan.msk.s32 $0xffff, v2  }
0x62: {  	s31 =	sadd.s32 $0x400, s21;
	s25 =	sadd.s32 $0x580, s21;
	(v2sf) =	vpush v1, $0xF;
	v1, _, _ =	vpop (xrf0);
	(xrf0) =	vadd.scan.msk.s32 $0xffff, v7  }
0x63: {  	s11 =	sadd.s32 $0x200, s21;
	s18 =	sadd.s32 $0x280, s21;
	v0, _, _ =	vpop (xrf0);
	(xrf0) =	vadd.scan.msk.s32 $0xffff, v3  }
0x64: {  	s26 =	sadd.s32 $0x500, s21;
	v2, _, _ =	vpop (xrf0);
	(xrf0) =	vadd.scan.msk.s32 $0xffff, v6  }
0x65: {  	s0 =	sadd.s32 $0x480, s21;
	(v2sf) =	vpush v2, $0xF;
	(xrf0) =	vadd.scan.msk.s32 $0xffff, v4;
	v2, _, _ =	vpop (xrf0)  }
0x66: {  	(v2sf) =	vpush v0, $0xF;
	v0, _, _ =	vpop (xrf0);
	(xrf0) =	vadd.scan.msk.s32 $0xffff, v5  }
0x67: {  	(v2sf) =	vpush v2, $0xF;
	v2, _, _ =	vpop (xrf0)  }
0x68: {  	v3, _, _ =	vpop (xrf0)  }
0x69: {  	v4, _, _ =	vpop (xrf0)  }
0x6a: {  	v5, _, _ =	vpop (xrf0);
	(v2sf) =	vpush v1, $0xF  }
0x6b: {  	v1, _, _ =	vpop (xrf0)  }
0x6c: {  	s22 =	sadd.s32 $0x10, s22;
	s24 =	sadd.s32 $0x800, s21;
	s23 =	sadd.s32 $0x880, s21;
	(v2sf) =	vpush v5, $0xF;
	v5, _, _ =	vpop (xrf0)  }
0x6d: {  	s29 =	sadd.s32 $0x700, s21;
	s28 =	sadd.s32 $0x780, s21;
	s12 =	spop (v2sf)  }
0x6e: {  	s30 =	sadd.s32 $0x680, s21;
	s12 =	sshll.u32 s12, $0x4;
	s14 =	spop (v2sf);
	(v2sf) =	vpush v1, $0xF  }
0x6f: {  	s12 =	sand.u32 $0x1FFFFFF0, s12;
	s14 =	sshll.u32 s14, $0x4;
	s15 =	spop (v2sf)  }
0x70: {  	s12 =	sadd.s32 s3, s12;
	s14 =	sand.u32 $0x1FFFFFF0, s14;
	s5 =	spop (v2sf)  }
0x71: {  	s15 =	sshll.u32 s15, $0x4;
	s5 =	sshll.u32 s5, $0x4;
	s6 =	spop (v2sf)  }
0x72: {  	s15 =	sand.u32 $0x1FFFFFF0, s15;
	s5 =	sand.u32 $0x1FFFFFF0, s5;
	s6 =	sshll.u32 s6, $0x4;
	(v2sf) =	vpush v0, $0xF  }
0x73: {  	[tilespmem:s11], [sflag:$0x1] =	stream.linear.gather [hbm4b:s12+s2], $0x80, $0x200038;
	[tilespmem:$0x10280] =	vst v63  }
0x74: {  	s11 =	sadd.s32 $0x600, s21;
	s12 =	sand.u32 $0x1FFFFFF0, s6;
	s6 =	spop (v2sf)  }
0x75: {  	s7 =	sadd.s32 $0x380, s21;
	s6 =	sshll.u32 s6, $0x4;
	s8 =	spop (v2sf)  }
0x76: {  	s6 =	sand.u32 $0x1FFFFFF0, s6;
	s8 =	sshll.u32 s8, $0x4;
	s9 =	spop (v2sf);
	(v2sf) =	vpush v2, $0xF  }
0x77: {  	s5 =	sadd.s32 s3, s5;
	s8 =	sand.u32 $0x1FFFFFF0, s8;
	s9 =	sshll.u32 s9, $0x4  }
0x78: {  	[tilespmem:s18], [sflag:$0x1] =	stream.linear.gather [hbm4b:s5+s2], $0x80, $0x200038;
	(v2sf) =	vpush v3, $0xF;
	[tilespmem:$0x10280] =	vst v63  }
0x79: {  	s5 =	sadd.s32 s3, s14;
	s18 =	sand.u32 $0x1FFFFFF0, s9;
	s9 =	spop (v2sf)  }
0x7a: {  	[tilespmem:s1], [sflag:$0x1] =	stream.linear.gather [hbm4b:s5+s2], $0x80, $0x200038;
	[tilespmem:$0x10280] =	vst v63  }
0x7b: {  	s5 =	sadd.s32 s3, s15;
	s1 =	sshll.u32 s9, $0x4;
	s9 =	spop (v2sf)  }
0x7c: {  	[tilespmem:s7], [sflag:$0x1] =	stream.linear.gather [hbm4b:s5+s2], $0x80, $0x200038;
	[tilespmem:$0x10280] =	vst v63  }
.Ltmp0:
0x7d: {  	(v2sf) =	vpush v4, $0xF;
	(pc) =	sbr.rel @p0 .LBB2_2-.Ltmp0, $4  }
0x7e: {  	s5 =	sadd.s32 s3, s6;
	s6 =	sshll.u32 s9, $0x4;
	s7 =	spop (v2sf)  }
0x7f: {  	[tilespmem:s31], [sflag:$0x1] =	stream.linear.gather [hbm4b:s5+s2], $0x80, $0x200038;
	(v2sf) =	vpush v5, $0xF;
	[tilespmem:$0x10280] =	vst v63  }
0x80: {  	s5 =	sadd.s32 s3, s8;
	s31 =	sand.u32 $0x1FFFFFF0, s6;
	s14 =	sshll.u32 s7, $0x4  }
0x81: {  	[tilespmem:s0], [sflag:$0x1] =	stream.linear.gather [hbm4b:s5+s2], $0x80, $0x200038;
	[tilespmem:$0x10280] =	vst v63  }
0x82: {  	s0 =	sadd.s32 s3, s31;
	s5 =	sand.u32 $0x1FFFFFF0, s14;
	s6 =	spop (v2sf)  }
0x83: {  	[tilespmem:s26], [sflag:$0x1] =	stream.linear.gather [hbm4b:s0+s2], $0x80, $0x200038;
	[tilespmem:$0x10280] =	vst v63  }
0x84: {  	s1 =	sand.u32 $0x1FFFFFF0, s1;
	s20 =	sadd.s32 s3, s5;
	s22 =	sshll.u32 s6, $0x4  }
0x85: {  	[tilespmem:s25], [sflag:$0x1] =	stream.linear.gather [hbm4b:s20+s2], $0x80, $0x200038;
	[tilespmem:$0x10280] =	vst v63  }
0x86: {  	s5 =	sand.u32 $0x1FFFFFF0, s22;
	s25 =	sadd.s32 s3, s12;
	s26 =	spop (v2sf)  }
0x87: {  	[tilespmem:s11], [sflag:$0x1] =	stream.linear.gather [hbm4b:s25+s2], $0x80, $0x200038;
	[tilespmem:$0x10280] =	vst v63  }
0x88: {  	s7 =	sadd.s32 s3, s1;
	s12 =	sadd.s32 s3, s5;
	s8 =	sshll.u32 s26, $0x4  }
0x89: {  	[tilespmem:s30], [sflag:$0x1] =	stream.linear.gather [hbm4b:s7+s2], $0x80, $0x200038;
	[tilespmem:$0x10280] =	vst v63  }
0x8a: {  	s9 =	spop (v2sf);
	s11 =	sadd.s32 s3, s18;
	s1 =	sand.u32 $0x1FFFFFF0, s8  }
0x8b: {  	[tilespmem:s29], [sflag:$0x1] =	stream.linear.gather [hbm4b:s11+s2], $0x80, $0x200038;
	[tilespmem:$0x10280] =	vst v63  }
0x8c: {  	s6 =	sshll.u32 s9, $0x4;
	s18 =	sadd.s32 s3, s1;
	s15 =	spop (v2sf)  }
0x8d: {  	[tilespmem:s28], [sflag:$0x1] =	stream.linear.gather [hbm4b:s12+s2], $0x80, $0x200038;
	[tilespmem:$0x10280] =	vst v63  }
0x8e: {  	s14 =	sand.u32 $0x1FFFFFF0, s6;
	s20 =	sshll.u32 s15, $0x4;
	s22 =	spop (v2sf)  }
0x8f: {  	[tilespmem:s24], [sflag:$0x1] =	stream.linear.gather [hbm4b:s18+s2], $0x80, $0x200038;
	[tilespmem:$0x10280] =	vst v63  }
0x90: {  	s1 =	sand.u32 $0x1FFFFFF0, s20;
	s24 =	sadd.s32 s3, s14;
	s25 =	sshll.u32 s22, $0x4  }
0x91: {  	[tilespmem:s23], [sflag:$0x1] =	stream.linear.gather [hbm4b:s24+s2], $0x80, $0x200038;
	[tilespmem:$0x10280] =	vst v63  }
0x92: {  	s26 =	sadd.s32 $0x900, s21;
	s1 =	sadd.s32 s3, s1;
	s5 =	sand.u32 $0x1FFFFFF0, s25  }
0x93: {  	[tilespmem:s26], [sflag:$0x1] =	stream.linear.gather [hbm4b:s1+s2], $0x80, $0x200038;
	[tilespmem:$0x10280] =	vst v63  }
0x94: {  	s8 =	simm.s32 $0x0;
	s6 =	sadd.s32 $0x980, s21;
	s7 =	sadd.s32 s3, s5  }
0x95: {  	[tilespmem:s6], [sflag:$0x1] =	stream.linear.gather [hbm4b:s7+s2], $0x80, $0x200038;
	[tilespmem:$0x10280] =	vst v63  }
0x96: {  	s9 =	rddreg [dreg:$0x4];
	s11 =	simm.s32 $0xC200;
	s12 =	simm.s32 $0x80  }
0x97: {  	[tilespmem:s11], [sflag:$0x2] =	stream.linear.gather [hbm4b:s9+s8], $0x4000, $0x200038;
	[tilespmem:$0x10280] =	vst v63  }
0x98: {  	v0 =	vld [tilespmem:s12+$0x0];
	_ =	sdelay $0x4  }
0x99: {  	v1 =	vnsel vm0, $0x0, v0  }
0x9a: {  	v2 =	vsel vm2, $0x0, v0;
	(xrf0) =	vadd.scan.msk.s32 $0xffff, v1  }
0x9b: {  	v40 =	vsel vm3, $0x0, v0;
	(xrf0) =	vadd.scan.msk.s32 $0xffff, v2  }
0x9c: {  	v41 =	vsel vm1, $0x0, v0;
	(xrf0) =	vadd.scan.msk.s32 $0xffff, v40  }
0x9d: {  	(xrf0) =	vadd.scan.msk.s32 $0xffff, v41;
	_ =	sdelay $0x2  }
0x9e: {  	v42, _, _ =	vpop (xrf0)  }
0x9f: {  	v43 =	vsel vm8, $0x0, v0;
	(v2sf) =	vpush v42, $0xF;
	v44, _, _ =	vpop (xrf0)  }
0xa0: {  	v3 =	vsel vm9, $0x0, v0;
	(xrf0) =	vadd.scan.msk.s32 $0xffff, v43;
	(v2sf) =	vpush v44, $0xF;
	v45, _, _ =	vpop (xrf0)  }
0xa1: {  	v46 =	vsel vm5, $0x0, v0;
	(xrf0) =	vadd.scan.msk.s32 $0xffff, v3;
	v47, _, _ =	vpop (xrf0);
	(v2sf) =	vpush v45, $0xF  }
0xa2: {  	v48 =	vsel vm4, $0x0, v0;
	(xrf0) =	vadd.scan.msk.s32 $0xffff, v46;
	(v2sf) =	vpush v47, $0xF  }
0xa3: {  	(xrf0) =	vadd.scan.msk.s32 $0xffff, v48;
	_ =	sdelay $0x1  }
0xa4: {  	v49 =	vsel vm10, $0x0, v0  }
0xa5: {  	v50 =	vsel vm11, $0x0, v0;
	(xrf0) =	vadd.scan.msk.s32 $0xffff, v49;
	v51, _, _ =	vpop (xrf0)  }
0xa6: {  	v52 =	vsel vm12, $0x0, v0;
	(xrf0) =	vadd.scan.msk.s32 $0xffff, v50;
	v53, _, _ =	vpop (xrf0)  }
0xa7: {  	v4 =	vsel vm13, $0x0, v0;
	(xrf0) =	vadd.scan.msk.s32 $0xffff, v52;
	(v2sf) =	vpush v51, $0xF;
	v54, _, _ =	vpop (xrf0)  }
0xa8: {  	v55 =	vsel vm14, $0x0, v0;
	(xrf0) =	vadd.scan.msk.s32 $0xffff, v4;
	v56, _, _ =	vpop (xrf0)  }
0xa9: {  	v5 =	vsel vm6, $0x0, v0;
	(xrf0) =	vadd.scan.msk.s32 $0xffff, v55;
	(v2sf) =	vpush v56, $0xF  }
0xaa: {  	v57 =	vsel vm7, $0x0, v0;
	(xrf0) =	vadd.scan.msk.s32 $0xffff, v5  }
0xab: {  	s0 =	simm.s32 $0x4300;
	s21 =	simm.s32 $0x0;
	s30 =	simm.s32 $0x4680;
	(xrf0) =	vadd.scan.msk.s32 $0xffff, v57;
	v58, _, _ =	vpop (xrf0);
	(v2sf) =	vpush v54, $0xF  }
0xac: {  	s29 =	simm.s32 $0x4700;
	s28 =	simm.s32 $0x4780;
	s20 =	simm.s32 $0x2000;
	v59, _, _ =	vpop (xrf0)  }
0xad: {  	s14 =	simm.s32 $0x4200;
	s22 =	simm.s32 $0x90;
	(v2sf) =	vpush v58, $0xF;
	v60, _, _ =	vpop (xrf0);
	s7 =	spop (v2sf)  }
0xae: {  	s25 =	simm.s32 $0x4580;
	v61, _, _ =	vpop (xrf0);
	s7 =	sshll.u32 s7, $0x4;
	s9 =	spop (v2sf)  }
0xaf: {  	s24 =	simm.s32 $0x4800;
	(v2sf) =	vpush v53, $0xF;
	v62, _, _ =	vpop (xrf0);
	s7 =	sand.u32 $0x1FFFFFF0, s7;
	s15 =	spop (v2sf)  }
0xb0: {  	s23 =	simm.s32 $0x4880;
	v63, _, _ =	vpop (xrf0);
	s7 =	sadd.s32 s3, s7;
	s18 =	spop (v2sf)  }
0xb1: {  	v6, _, _ =	vpop (xrf0);
	(v2sf) =	vpush v63, $0xF;
	[tilespmem:s14], [sflag:$0x1] =	stream.linear.gather [hbm4b:s7+s2], $0x80, $0x200038;
	[tilespmem:$0x10280] =	vst v63  }
0xb2: {  	s1 =	simm.s32 $0x4400;
	s26 =	simm.s32 $0x4500;
	(v2sf) =	vpush v6, $0xF;
	s12 =	sshll.u32 s18, $0x4  }
0xb3: {  	s6 =	simm.s32 $0x4280;
	s14 =	sshll.u32 s9, $0x4;
	s5 =	sand.u32 $0x1FFFFFF0, s12  }
0xb4: {  	s15 =	sshll.u32 s15, $0x4;
	(v2sf) =	vpush v59, $0xF;
	s7 =	sand.u32 $0x1FFFFFF0, s14;
	s5 =	sadd.s32 s3, s5  }
0xb5: {  	[tilespmem:s6], [sflag:$0x1] =	stream.linear.gather [hbm4b:s5+s2], $0x80, $0x200038;
	[tilespmem:$0x10280] =	vst v63  }
0xb6: {  	s11 =	sand.u32 $0x1FFFFFF0, s15;
	s7 =	sadd.s32 s3, s7;
	s18 =	spop (v2sf)  }
0xb7: {  	v0 =	vsel vm15, $0x0, v0;
	[tilespmem:s0], [sflag:$0x1] =	stream.linear.gather [hbm4b:s7+s2], $0x80, $0x200038;
	[tilespmem:$0x10280] =	vst v63  }
0xb8: {  	(xrf0) =	vadd.scan.msk.s32 $0xffff, v0;
	s14 =	simm.s32 $0x4380;
	(v2sf) =	vpush v60, $0xF;
	s6 =	sadd.s32 s3, s11;
	s12 =	spop (v2sf)  }
0xb9: {  	[tilespmem:s14], [sflag:$0x1] =	stream.linear.gather [hbm4b:s6+s2], $0x80, $0x200038;
	[tilespmem:$0x10280] =	vst v63  }
0xba: {  	s8 =	simm.s32 $0x4480;
	(v2sf) =	vpush v61, $0xF;
	s0 =	sshll.u32 s12, $0x4;
	s15 =	spop (v2sf)  }
0xbb: {  	s5 =	sshll.u32 s18, $0x4;
	s0 =	sand.u32 $0x1FFFFFF0, s0;
	s6 =	sshll.u32 s15, $0x4  }
0xbc: {  	s18 =	spop (v2sf);
	s6 =	sand.u32 $0x1FFFFFF0, s6;
	s0 =	sadd.s32 s3, s0  }
0xbd: {  	[tilespmem:s1], [sflag:$0x1] =	stream.linear.gather [hbm4b:s0+s2], $0x80, $0x200038;
	[tilespmem:$0x10280] =	vst v63  }
0xbe: {  	s11 =	simm.s32 $0x4600;
	s0 =	spop (v2sf);
	s6 =	sadd.s32 s3, s6;
	(v2sf) =	vpush v62, $0xF  }
0xbf: {  	v0, _, _ =	vpop (xrf0);
	[tilespmem:s8], [sflag:$0x1] =	stream.linear.gather [hbm4b:s6+s2], $0x80, $0x200038;
	[tilespmem:$0x10280] =	vst v63  }
0xc0: {  	s12 =	sand.u32 $0x1FFFFFF0, s5;
	s9 =	sshll.u32 s18, $0x4;
	s14 =	spop (v2sf);
	(v2sf) =	vpush v0, $0xF  }
0xc1: {  	s18 =	sand.u32 $0x1FFFFFF0, s9;
	s5 =	sshll.u32 s14, $0x4;
	s15 =	spop (v2sf)  }
0xc2: {  	s1 =	sshll.u32 s0, $0x4;
	s14 =	sand.u32 $0x1FFFFFF0, s5;
	s31 =	sshll.u32 s15, $0x4  }
.LBB2_4:
0xc3: {  	s0 =	sadd.s32 s3, s14;
	s5 =	sand.u32 $0x1FFFFFF0, s31;
	s6 =	spop (v2sf)  }
0xc4: {  	[tilespmem:s26], [sflag:$0x1] =	stream.linear.gather [hbm4b:s0+s2], $0x80, $0x200038;
	[tilespmem:$0x10280] =	vst v63  }
0xc5: {  	s1 =	sand.u32 $0x1FFFFFF0, s1;
	s0 =	sadd.s32 s3, s5;
	s5 =	sshll.u32 s6, $0x4  }
0xc6: {  	[tilespmem:s25], [sflag:$0x1] =	stream.linear.gather [hbm4b:s0+s2], $0x80, $0x200038;
	[tilespmem:$0x10280] =	vst v63  }
0xc7: {  	s5 =	sand.u32 $0x1FFFFFF0, s5;
	s0 =	sadd.s32 s3, s12;
	s6 =	spop (v2sf)  }
0xc8: {  	[tilespmem:s11], [sflag:$0x1] =	stream.linear.gather [hbm4b:s0+s2], $0x80, $0x200038;
	[tilespmem:$0x10280] =	vst v63  }
0xc9: {  	s0 =	sadd.s32 s3, s1;
	s1 =	sshll.u32 s6, $0x4;
	s6 =	spop (v2sf)  }
0xca: {  	[tilespmem:s30], [sflag:$0x1] =	stream.linear.gather [hbm4b:s0+s2], $0x80, $0x200038;
	[tilespmem:$0x10280] =	vst v63  }
0xcb: {  	s1 =	sand.u32 $0x1FFFFFF0, s1;
	s0 =	sadd.s32 s3, s18;
	s6 =	sshll.u32 s6, $0x4  }
0xcc: {  	[tilespmem:s29], [sflag:$0x1] =	stream.linear.gather [hbm4b:s0+s2], $0x80, $0x200038;
	[tilespmem:$0x10280] =	vst v63  }
0xcd: {  	s0 =	sadd.s32 s3, s5;
	s5 =	sand.u32 $0x1FFFFFF0, s6;
	s6 =	spop (v2sf)  }
0xce: {  	[tilespmem:s28], [sflag:$0x1] =	stream.linear.gather [hbm4b:s0+s2], $0x80, $0x200038;
	[tilespmem:$0x10280] =	vst v63  }
0xcf: {  	s0 =	sadd.s32 s3, s1;
	s1 =	sshll.u32 s6, $0x4;
	s6 =	spop (v2sf)  }
0xd0: {  	[tilespmem:s24], [sflag:$0x1] =	stream.linear.gather [hbm4b:s0+s2], $0x80, $0x200038;
	[tilespmem:$0x10280] =	vst v63  }
0xd1: {  	s1 =	sand.u32 $0x1FFFFFF0, s1;
	s0 =	sadd.s32 s3, s5;
	s5 =	sshll.u32 s6, $0x4  }
0xd2: {  	[tilespmem:s23], [sflag:$0x1] =	stream.linear.gather [hbm4b:s0+s2], $0x80, $0x200038;
	[tilespmem:$0x10280] =	vst v63  }
0xd3: {  	s1 =	sadd.s32 s3, s1;
	s5 =	sand.u32 $0x1FFFFFF0, s5;
	s0 =	sadd.s32 $0x4900, s21  }
0xd4: {  	[tilespmem:s0], [sflag:$0x1] =	stream.linear.gather [hbm4b:s1+s2], $0x80, $0x200038;
	[tilespmem:$0x10280] =	vst v63  }
0xd5: {  	p0 =	sne.s32 s20, $0xE000;
	s0 =	sadd.s32 $0x4980, s21;
	s1 =	sadd.s32 s3, s5  }
0xd6: {  	[tilespmem:s0], [sflag:$0x1] =	stream.linear.gather [hbm4b:s1+s2], $0x80, $0x200038;
	[tilespmem:$0x10280] =	vst v63  }
0xd7: {  	s0 =	smov.u32 s20;
	s20 =	sadd.s32 $0x2000, s20;
	v0 =	vld [tilespmem:s22+$0x0];
	_ =	sdelay $0x4  }
0xd8: {  	v1 =	vnsel vm0, $0x0, v0;
	v2 =	vsel vm3, $0x0, v0;
	v3 =	vsel vm14, $0x0, v0  }
0xd9: {  	v4 =	vsel vm2, $0x0, v0;
	v5 =	vsel vm15, $0x0, v0;
	(xrf0) =	vadd.scan.msk.s32 $0xffff, v1  }
0xda: {  	v6 =	vsel vm6, $0x0, v0;
	v1 =	vsel vm1, $0x0, v0;
	(xrf0) =	vadd.scan.msk.s32 $0xffff, v4  }
0xdb: {  	v4 =	vsel vm7, $0x0, v0;
	(xrf0) =	vadd.scan.msk.s32 $0xffff, v2  }
0xdc: {  	v2 =	vsel vm8, $0x0, v0;
	(xrf0) =	vadd.scan.msk.s32 $0xffff, v1  }
0xdd: {  	v1 =	vsel vm9, $0x0, v0;
	(xrf0) =	vadd.scan.msk.s32 $0xffff, v2  }
0xde: {  	v2 =	vsel vm5, $0x0, v0;
	(xrf0) =	vadd.scan.msk.s32 $0xffff, v1  }
0xdf: {  	v1 =	vsel vm4, $0x0, v0;
	v7, _, _ =	vpop (xrf0);
	(xrf0) =	vadd.scan.msk.s32 $0xffff, v2  }
0xe0: {  	v2 =	vsel vm10, $0x0, v0;
	(v2sf) =	vpush v7, $0xF;
	v7, _, _ =	vpop (xrf0);
	(xrf0) =	vadd.scan.msk.s32 $0xffff, v1  }
0xe1: {  	v9 =	vsel vm11, $0x0, v0;
	(v2sf) =	vpush v7, $0xF;
	v7, _, _ =	vpop (xrf0);
	(xrf0) =	vadd.scan.msk.s32 $0xffff, v2  }
0xe2: {  	s21 =	sshra.s32 s0, $0x2;
	v2 =	vsel vm12, $0x0, v0;
	v8, _, _ =	vpop (xrf0);
	(v2sf) =	vpush v7, $0xF;
	(xrf0) =	vadd.scan.msk.s32 $0xffff, v9  }
0xe3: {  	s1 =	sadd.s32 $0x4300, s21;
	v7 =	vsel vm13, $0x0, v0;
	(v2sf) =	vpush v8, $0xF;
	v1, _, _ =	vpop (xrf0);
	(xrf0) =	vadd.scan.msk.s32 $0xffff, v2  }
0xe4: {  	s31 =	sadd.s32 $0x4400, s21;
	s25 =	sadd.s32 $0x4580, s21;
	(v2sf) =	vpush v1, $0xF;
	v1, _, _ =	vpop (xrf0);
	(xrf0) =	vadd.scan.msk.s32 $0xffff, v7  }
0xe5: {  	s5 =	sadd.s32 $0x4200, s21;
	s18 =	sadd.s32 $0x4280, s21;
	v0, _, _ =	vpop (xrf0);
	(xrf0) =	vadd.scan.msk.s32 $0xffff, v3  }
0xe6: {  	s26 =	sadd.s32 $0x4500, s21;
	v2, _, _ =	vpop (xrf0);
	(xrf0) =	vadd.scan.msk.s32 $0xffff, v6  }
0xe7: {  	s0 =	sadd.s32 $0x4480, s21;
	(v2sf) =	vpush v2, $0xF;
	(xrf0) =	vadd.scan.msk.s32 $0xffff, v4;
	v2, _, _ =	vpop (xrf0)  }
0xe8: {  	(v2sf) =	vpush v0, $0xF;
	v0, _, _ =	vpop (xrf0);
	(xrf0) =	vadd.scan.msk.s32 $0xffff, v5  }
0xe9: {  	(v2sf) =	vpush v2, $0xF;
	v2, _, _ =	vpop (xrf0)  }
0xea: {  	v3, _, _ =	vpop (xrf0)  }
0xeb: {  	v4, _, _ =	vpop (xrf0)  }
0xec: {  	v5, _, _ =	vpop (xrf0);
	(v2sf) =	vpush v1, $0xF  }
0xed: {  	v1, _, _ =	vpop (xrf0)  }
0xee: {  	s22 =	sadd.s32 $0x10, s22;
	s24 =	sadd.s32 $0x4800, s21;
	s23 =	sadd.s32 $0x4880, s21;
	(v2sf) =	vpush v5, $0xF;
	v5, _, _ =	vpop (xrf0)  }
0xef: {  	s29 =	sadd.s32 $0x4700, s21;
	s28 =	sadd.s32 $0x4780, s21;
	s6 =	spop (v2sf)  }
0xf0: {  	s30 =	sadd.s32 $0x4680, s21;
	s6 =	sshll.u32 s6, $0x4;
	s7 =	spop (v2sf);
	(v2sf) =	vpush v1, $0xF  }
0xf1: {  	s6 =	sand.u32 $0x1FFFFFF0, s6;
	s7 =	sshll.u32 s7, $0x4;
	s8 =	spop (v2sf)  }
0xf2: {  	s6 =	sadd.s32 s3, s6;
	s7 =	sand.u32 $0x1FFFFFF0, s7;
	s9 =	spop (v2sf)  }
0xf3: {  	s8 =	sshll.u32 s8, $0x4;
	s9 =	sshll.u32 s9, $0x4;
	s11 =	spop (v2sf)  }
0xf4: {  	s8 =	sand.u32 $0x1FFFFFF0, s8;
	s9 =	sand.u32 $0x1FFFFFF0, s9;
	s12 =	sshll.u32 s11, $0x4;
	(v2sf) =	vpush v0, $0xF  }
0xf5: {  	[tilespmem:s5], [sflag:$0x1] =	stream.linear.gather [hbm4b:s6+s2], $0x80, $0x200038;
	[tilespmem:$0x10280] =	vst v63  }
0xf6: {  	s11 =	sadd.s32 $0x4600, s21;
	s12 =	sand.u32 $0x1FFFFFF0, s12;
	s5 =	spop (v2sf)  }
0xf7: {  	s6 =	sadd.s32 $0x4380, s21;
	s5 =	sshll.u32 s5, $0x4;
	s14 =	spop (v2sf)  }
0xf8: {  	s5 =	sand.u32 $0x1FFFFFF0, s5;
	s14 =	sshll.u32 s14, $0x4;
	s15 =	spop (v2sf);
	(v2sf) =	vpush v2, $0xF  }
0xf9: {  	s9 =	sadd.s32 s3, s9;
	s14 =	sand.u32 $0x1FFFFFF0, s14;
	s15 =	sshll.u32 s15, $0x4  }
0xfa: {  	[tilespmem:s18], [sflag:$0x1] =	stream.linear.gather [hbm4b:s9+s2], $0x80, $0x200038;
	(v2sf) =	vpush v3, $0xF;
	[tilespmem:$0x10280] =	vst v63  }
0xfb: {  	s7 =	sadd.s32 s3, s7;
	s18 =	sand.u32 $0x1FFFFFF0, s15;
	s9 =	spop (v2sf)  }
0xfc: {  	[tilespmem:s1], [sflag:$0x1] =	stream.linear.gather [hbm4b:s7+s2], $0x80, $0x200038;
	[tilespmem:$0x10280] =	vst v63  }
0xfd: {  	s7 =	sadd.s32 s3, s8;
	s1 =	sshll.u32 s9, $0x4;
	s8 =	spop (v2sf)  }
0xfe: {  	[tilespmem:s6], [sflag:$0x1] =	stream.linear.gather [hbm4b:s7+s2], $0x80, $0x200038;
	[tilespmem:$0x10280] =	vst v63  }
.Ltmp1:
0xff: {  	(v2sf) =	vpush v4, $0xF;
	(pc) =	sbr.rel @p0 .LBB2_4-.Ltmp1, $4  }
0x100: {  	s5 =	sadd.s32 s3, s5;
	s6 =	sshll.u32 s8, $0x4;
	s7 =	spop (v2sf)  }
0x101: {  	[tilespmem:s31], [sflag:$0x1] =	stream.linear.gather [hbm4b:s5+s2], $0x80, $0x200038;
	(v2sf) =	vpush v5, $0xF;
	[tilespmem:$0x10280] =	vst v63  }
0x102: {  	s5 =	sadd.s32 s3, s14;
	s14 =	sand.u32 $0x1FFFFFF0, s6;
	s31 =	sshll.u32 s7, $0x4  }
0x103: {  	[tilespmem:s0], [sflag:$0x1] =	stream.linear.gather [hbm4b:s5+s2], $0x80, $0x200038;
	[tilespmem:$0x10280] =	vst v63  }
0x104: {  	s0 =	sadd.s32 s3, s14;
	s5 =	sand.u32 $0x1FFFFFF0, s31;
	s6 =	spop (v2sf)  }
0x105: {  	[tilespmem:s26], [sflag:$0x1] =	stream.linear.gather [hbm4b:s0+s2], $0x80, $0x200038;
	[tilespmem:$0x10280] =	vst v63  }
0x106: {  	s1 =	sand.u32 $0x1FFFFFF0, s1;
	s20 =	sadd.s32 s3, s5;
	s22 =	sshll.u32 s6, $0x4  }
0x107: {  	[tilespmem:s25], [sflag:$0x1] =	stream.linear.gather [hbm4b:s20+s2], $0x80, $0x200038;
	[tilespmem:$0x10280] =	vst v63  }
0x108: {  	s26 =	sadd.s32 s3, s12;
	s5 =	sand.u32 $0x1FFFFFF0, s22;
	s31 =	spop (v2sf)  }
0x109: {  	[tilespmem:s11], [sflag:$0x1] =	stream.linear.gather [hbm4b:s26+s2], $0x80, $0x200038;
	[tilespmem:$0x10280] =	vst v63  }
0x10a: {  	s7 =	sadd.s32 s3, s1;
	s12 =	sadd.s32 s3, s5;
	s8 =	sshll.u32 s31, $0x4  }
0x10b: {  	[tilespmem:s30], [sflag:$0x1] =	stream.linear.gather [hbm4b:s7+s2], $0x80, $0x200038;
	[tilespmem:$0x10280] =	vst v63  }
0x10c: {  	s9 =	spop (v2sf);
	s11 =	sadd.s32 s3, s18;
	s1 =	sand.u32 $0x1FFFFFF0, s8  }
0x10d: {  	[tilespmem:s29], [sflag:$0x1] =	stream.linear.gather [hbm4b:s11+s2], $0x80, $0x200038;
	[tilespmem:$0x10280] =	vst v63  }
0x10e: {  	s6 =	sshll.u32 s9, $0x4;
	s18 =	sadd.s32 s3, s1;
	s15 =	spop (v2sf)  }
0x10f: {  	[tilespmem:s28], [sflag:$0x1] =	stream.linear.gather [hbm4b:s12+s2], $0x80, $0x200038;
	[tilespmem:$0x10280] =	vst v63  }
0x110: {  	s14 =	sand.u32 $0x1FFFFFF0, s6;
	s20 =	sshll.u32 s15, $0x4;
	s22 =	spop (v2sf)  }
0x111: {  	[tilespmem:s24], [sflag:$0x1] =	stream.linear.gather [hbm4b:s18+s2], $0x80, $0x200038;
	[tilespmem:$0x10280] =	vst v63  }
0x112: {  	s25 =	sadd.s32 s3, s14;
	s1 =	sand.u32 $0x1FFFFFF0, s20;
	s26 =	sshll.u32 s22, $0x4  }
0x113: {  	[tilespmem:s23], [sflag:$0x1] =	stream.linear.gather [hbm4b:s25+s2], $0x80, $0x200038;
	[tilespmem:$0x10280] =	vst v63  }
0x114: {  	s28 =	sadd.s32 $0x4900, s21;
	s1 =	sadd.s32 s3, s1;
	s5 =	sand.u32 $0x1FFFFFF0, s26  }
0x115: {  	[tilespmem:s28], [sflag:$0x1] =	stream.linear.gather [hbm4b:s1+s2], $0x80, $0x200038;
	[tilespmem:$0x10280] =	vst v63  }
0x116: {  	s29 =	sadd.s32 $0x4980, s21;
	s30 =	sadd.s32 s3, s5  }
0x117: {  	[tilespmem:s29], [sflag:$0x1] =	stream.linear.gather [hbm4b:s30+s2], $0x80, $0x200038;
	[tilespmem:$0x10280] =	vst v63  }
0x118: {  	_ =	strace $0x90000048  }
0x119: {  	_ =	strace $0x80000049  }
0x11a: {  	_ =	swait.ge [sflag:s16], $0x4000  }
0x11b: {  	[sflag:s16] =	ssyncset.done $0x0  }
0x11c: {  	[sflag:s16] =	ssyncadd.s32 $0xFFFFC000  }
0x11d: {  	_ =	swait.ge [sflag:s17], $0x4000  }
0x11e: {  	[sflag:s17] =	ssyncset.done $0x0  }
0x11f: {  	[sflag:s17] =	ssyncadd.s32 $0xFFFFC000  }
0x120: {  	_ =	strace $0x90000049  }
0x121: {  	s31 =	simm.s32 $0x0;
	_ =	strace $0x8000004A  }
0x122: {  	v0 =	vld [tilespmem:s31+$0x8230]  }
0x123: {  	v1 =	vld [tilespmem:s31+$0x230]  }
0x124: {  	v3 =	vld [tilespmem:s31+$0x8200]  }
0x125: {  	v4 =	vld [tilespmem:s31+$0x200];
	_ =	sdelay $0x1  }
0x126: {  	v6 =	vld [tilespmem:s31+$0x8210]  }
0x127: {  	v7 =	vld [tilespmem:s31+$0x210]  }
0x128: {  	v5 =	vld [tilespmem:s31+$0x8220];
	v0 =	vsub.f32 v0, v1  }
0x129: {  	v2 =	vimm.f32 $0.0e+00;
	s0 =	simm.s32 $0x80;
	v8 =	vld [tilespmem:s31+$0x220];
	v10 =	vsub.f32 v3, v4;
	v3 =	vimm.f32 $0.0e+00  }
0x12a: {  	s1 =	simm.s32 $0x400;
	v4 =	vld [tilespmem:s0+$0x8230];
	v1 =	vimm.f32 $0.0e+00;
	v9 =	vmul.f32 v0, v0;
	v0 =	vimm.f32 $0.0e+00  }
.LBB2_6:
0x12b: {  	p0 =	sne.s32 s1, $0xFE00;
	v11 =	vld [tilespmem:s0+$0x230]  }
0x12c: {  	v12 =	vld [tilespmem:s0+$0x8200];
	v10 =	vmul.f32 v10, v10;
	v7 =	vsub.f32 v6, v7;
	v2 =	vadd.f32 v9, v2  }
0x12d: {  	v9 =	vld [tilespmem:s0+$0x200]  }
.Ltmp2:
0x12e: {  	v6 =	vld [tilespmem:s0+$0x8210];
	v3 =	vadd.f32 v10, v3;
	v10 =	vmul.f32 v7, v7;
	v8 =	vsub.f32 v5, v8;
	(pc) =	sbr.rel @p0 .LBB2_6-.Ltmp2, $4  }
0x12f: {  	v7 =	vld [tilespmem:s0+$0x210]  }
0x130: {  	v5 =	vld [tilespmem:s0+$0x8220];
	v11 =	vsub.f32 v4, v11;
	v1 =	vadd.f32 v10, v1;
	v13 =	vmul.f32 v8, v8  }
0x131: {  	v8 =	vld [tilespmem:s0+$0x220];
	s0 =	sshra.s32 s1, $0x2  }
0x132: {  	s1 =	sadd.s32 $0x200, s1;
	v4 =	vld [tilespmem:s0+$0x8230];
	v10 =	vsub.f32 v12, v9;
	v9 =	vmul.f32 v11, v11;
	v0 =	vadd.f32 v13, v0  }
0x133: {  	v11 =	vld [tilespmem:s0+$0x230]  }
0x134: {  	v12 =	vld [tilespmem:s0+$0x8200]  }
0x135: {  	v13 =	vld [tilespmem:s0+$0x200]  }
0x136: {  	v14 =	vld [tilespmem:s0+$0x8210]  }
0x137: {  	v15 =	vld [tilespmem:s0+$0x210]  }
0x138: {  	v16 =	vld [tilespmem:s0+$0x8220]  }
0x139: {  	v17 =	vld [tilespmem:s0+$0x220];
	_ =	strace $0x9000004A  }
0x13a: {  	s9 =	simm.s32 $0x0;
	_ =	strace $0x8000004B  }
0x13b: {  	s5 =	simm.s32 $0x8200;
	s11 =	simm.s32 $0x100;
	s1 =	rddreg [dreg:$0x5]  }
0x13c: {  	[tilespmem:s5], [sflag:$0x2] =	stream.linear.gather [hbm4b:s1+s9], $0x4000, $0x200038;
	[tilespmem:$0x10280] =	vst v63  }
0x13d: {  	v18 =	vld [tilespmem:s11+$0x0];
	_ =	sdelay $0x4  }
0x13e: {  	v19 =	vnsel vm0, $0x0, v18  }
0x13f: {  	v20 =	vsel vm2, $0x0, v18;
	(xrf0) =	vadd.scan.msk.s32 $0xffff, v19  }
0x140: {  	(xrf0) =	vadd.scan.msk.s32 $0xffff, v20;
	_ =	sdelay $0x1  }
0x141: {  	v36 =	vsel vm3, $0x0, v18  }
0x142: {  	v37 =	vsel vm1, $0x0, v18;
	(xrf0) =	vadd.scan.msk.s32 $0xffff, v36  }
0x143: {  	(xrf0) =	vadd.scan.msk.s32 $0xffff, v37  }
0x144: {  	v38, _, _ =	vpop (xrf0)  }
0x145: {  	(v2sf) =	vpush v38, $0xF;
	v40, _, _ =	vpop (xrf0)  }
0x146: {  	(v2sf) =	vpush v40, $0xF  }
0x147: {  	v39 =	vsel vm8, $0x0, v18  }
0x148: {  	v21 =	vsel vm9, $0x0, v18;
	(xrf0) =	vadd.scan.msk.s32 $0xffff, v39;
	v41, _, _ =	vpop (xrf0)  }
0x149: {  	v42 =	vsel vm5, $0x0, v18;
	(xrf0) =	vadd.scan.msk.s32 $0xffff, v21;
	v43, _, _ =	vpop (xrf0);
	(v2sf) =	vpush v41, $0xF  }
0x14a: {  	v44 =	vsel vm4, $0x0, v18;
	(xrf0) =	vadd.scan.msk.s32 $0xffff, v42;
	(v2sf) =	vpush v43, $0xF  }
0x14b: {  	(xrf0) =	vadd.scan.msk.s32 $0xffff, v44  }
0x14c: {  	v45 =	vsel vm10, $0x0, v18  }
0x14d: {  	(xrf0) =	vadd.scan.msk.s32 $0xffff, v45  }
0x14e: {  	v47, _, _ =	vpop (xrf0)  }
0x14f: {  	v46 =	vsel vm11, $0x0, v18;
	v49, _, _ =	vpop (xrf0)  }
0x150: {  	v48 =	vsel vm12, $0x0, v18;
	(xrf0) =	vadd.scan.msk.s32 $0xffff, v46;
	(v2sf) =	vpush v47, $0xF;
	v50, _, _ =	vpop (xrf0)  }
0x151: {  	v22 =	vsel vm13, $0x0, v18;
	(xrf0) =	vadd.scan.msk.s32 $0xffff, v48;
	v52, _, _ =	vpop (xrf0)  }
0x152: {  	v51 =	vsel vm14, $0x0, v18;
	(xrf0) =	vadd.scan.msk.s32 $0xffff, v22;
	(v2sf) =	vpush v52, $0xF  }
0x153: {  	v23 =	vsel vm6, $0x0, v18;
	(xrf0) =	vadd.scan.msk.s32 $0xffff, v51;
	v54, _, _ =	vpop (xrf0);
	(v2sf) =	vpush v50, $0xF  }
0x154: {  	(xrf0) =	vadd.scan.msk.s32 $0xffff, v23;
	(v2sf) =	vpush v54, $0xF;
	s8 =	spop (v2sf)  }
0x155: {  	s9 =	spop (v2sf);
	(v2sf) =	vpush v49, $0xF  }
0x156: {  	v53 =	vsel vm7, $0x0, v18;
	v55, _, _ =	vpop (xrf0)  }
0x157: {  	(xrf0) =	vadd.scan.msk.s32 $0xffff, v53;
	v56, _, _ =	vpop (xrf0);
	s8 =	sshll.u32 s8, $0x4  }
0x158: {  	s20 =	simm.s32 $0x2000;
	v57, _, _ =	vpop (xrf0);
	s8 =	sand.u32 $0x1FFFFFF0, s8;
	s11 =	spop (v2sf)  }
0x159: {  	s6 =	simm.s32 $0x200;
	v58, _, _ =	vpop (xrf0);
	s8 =	sadd.s32 s3, s8;
	s12 =	spop (v2sf)  }
0x15a: {  	v59, _, _ =	vpop (xrf0);
	[tilespmem:s6], [sflag:$0x1] =	stream.linear.gather [hbm4b:s8+s2], $0x80, $0x200038;
	[tilespmem:$0x10280] =	vst v63  }
0x15b: {  	s21 =	simm.s32 $0x0;
	s25 =	simm.s32 $0x580;
	(v2sf) =	vpush v59, $0xF;
	s12 =	sshll.u32 s12, $0x4  }
0x15c: {  	s7 =	simm.s32 $0x280;
	s14 =	sshll.u32 s9, $0x4;
	s6 =	sand.u32 $0x1FFFFFF0, s12  }
0x15d: {  	s26 =	simm.s32 $0x500;
	v60, _, _ =	vpop (xrf0);
	s8 =	sand.u32 $0x1FFFFFF0, s14;
	s6 =	sadd.s32 s3, s6  }
0x15e: {  	(v2sf) =	vpush v60, $0xF;
	[tilespmem:s7], [sflag:$0x1] =	stream.linear.gather [hbm4b:s6+s2], $0x80, $0x200038;
	[tilespmem:$0x10280] =	vst v63  }
0x15f: {  	s5 =	simm.s32 $0x300;
	s8 =	sadd.s32 s3, s8;
	s18 =	spop (v2sf)  }
0x160: {  	(v2sf) =	vpush v55, $0xF;
	[tilespmem:s5], [sflag:$0x1] =	stream.linear.gather [hbm4b:s8+s2], $0x80, $0x200038;
	[tilespmem:$0x10280] =	vst v63  }
0x161: {  	s0 =	simm.s32 $0x480;
	s15 =	sshll.u32 s11, $0x4;
	s12 =	spop (v2sf)  }
0x162: {  	s24 =	simm.s32 $0x800;
	v6 =	vsub.f32 v6, v7;
	s11 =	sand.u32 $0x1FFFFFF0, s15;
	s15 =	spop (v2sf)  }
0x163: {  	s23 =	simm.s32 $0x880;
	v61 =	vmul.f32 v10, v10;
	v5 =	vsub.f32 v5, v8;
	v62 =	vsel vm15, $0x0, v18;
	s6 =	sshll.u32 s18, $0x4;
	s18 =	spop (v2sf)  }
0x164: {  	v6 =	vmul.f32 v6, v6;
	(xrf0) =	vadd.scan.msk.s32 $0xffff, v62;
	s14 =	simm.s32 $0x380;
	s7 =	sadd.s32 s3, s11;
	s9 =	spop (v2sf);
	(v2sf) =	vpush v56, $0xF  }
0x165: {  	v7 =	vadd.f32 v61, v3;
	v3 =	vsub.f32 v4, v11;
	v4 =	vmul.f32 v5, v5;
	[tilespmem:s14], [sflag:$0x1] =	stream.linear.gather [hbm4b:s7+s2], $0x80, $0x200038;
	[tilespmem:$0x10280] =	vst v63  }
0x166: {  	s22 =	simm.s32 $0x110;
	s29 =	simm.s32 $0x700;
	v5 =	vadd.f32 v6, v1;
	s5 =	sshll.u32 s12, $0x4;
	(v2sf) =	vpush v57, $0xF  }
0x167: {  	s28 =	simm.s32 $0x780;
	s30 =	simm.s32 $0x680;
	v4 =	vadd.f32 v4, v0;
	v0 =	vsub.f32 v14, v15;
	s5 =	sand.u32 $0x1FFFFFF0, s5  }
0x168: {  	s1 =	simm.s32 $0x400;
	s7 =	sshll.u32 s15, $0x4;
	s5 =	sadd.s32 s3, s5  }
0x169: {  	v2 =	vadd.f32 v9, v2;
	v1 =	vsub.f32 v12, v13;
	v0 =	vmul.f32 v0, v0;
	[tilespmem:s1], [sflag:$0x1] =	stream.linear.gather [hbm4b:s5+s2], $0x80, $0x200038;
	[tilespmem:$0x10280] =	vst v63  }
0x16a: {  	v63 =	vsub.f32 v16, v17;
	v3 =	vmul.f32 v3, v3;
	s12 =	sand.u32 $0x1FFFFFF0, s6;
	s7 =	sand.u32 $0x1FFFFFF0, s7;
	s14 =	spop (v2sf);
	(v2sf) =	vpush v58, $0xF  }
0x16b: {  	v1 =	vmul.f32 v1, v1;
	v0 =	vadd.f32 v0, v5;
	v5, _, _ =	vpop (xrf0);
	s11 =	sshll.u32 s18, $0x4;
	s1 =	simm.s32 $0x600;
	s7 =	sadd.s32 s3, s7  }
0x16c: {  	v3 =	vadd.f32 v3, v2;
	v2 =	vmul.f32 v63, v63;
	[tilespmem:s0], [sflag:$0x1] =	stream.linear.gather [hbm4b:s7+s2], $0x80, $0x200038;
	(v2sf) =	vpush v5, $0xF;
	[tilespmem:$0x10280] =	vst v63  }
0x16d: {  	s18 =	sand.u32 $0x1FFFFFF0, s11;
	s6 =	sshll.u32 s14, $0x4;
	s15 =	spop (v2sf)  }
0x16e: {  	v1 =	vadd.f32 v1, v7;
	v2 =	vadd.f32 v2, v4;
	s0 =	sshll.u32 s9, $0x4;
	s14 =	sand.u32 $0x1FFFFFF0, s6;
	s31 =	sshll.u32 s15, $0x4  }
.LBB2_8:
0x16f: {  	s5 =	sadd.s32 s3, s14;
	s6 =	sand.u32 $0x1FFFFFF0, s31;
	s7 =	spop (v2sf)  }
0x170: {  	[tilespmem:s26], [sflag:$0x1] =	stream.linear.gather [hbm4b:s5+s2], $0x80, $0x200038;
	[tilespmem:$0x10280] =	vst v63  }
0x171: {  	s0 =	sand.u32 $0x1FFFFFF0, s0;
	s5 =	sadd.s32 s3, s6;
	s6 =	sshll.u32 s7, $0x4  }
0x172: {  	[tilespmem:s25], [sflag:$0x1] =	stream.linear.gather [hbm4b:s5+s2], $0x80, $0x200038;
	[tilespmem:$0x10280] =	vst v63  }
0x173: {  	s6 =	sand.u32 $0x1FFFFFF0, s6;
	s5 =	sadd.s32 s3, s12;
	s7 =	spop (v2sf)  }
0x174: {  	[tilespmem:s1], [sflag:$0x1] =	stream.linear.gather [hbm4b:s5+s2], $0x80, $0x200038;
	[tilespmem:$0x10280] =	vst v63  }
0x175: {  	s0 =	sadd.s32 s3, s0;
	s1 =	sshll.u32 s7, $0x4;
	s5 =	spop (v2sf)  }
0x176: {  	[tilespmem:s30], [sflag:$0x1] =	stream.linear.gather [hbm4b:s0+s2], $0x80, $0x200038;
	[tilespmem:$0x10280] =	vst v63  }
0x177: {  	s1 =	sand.u32 $0x1FFFFFF0, s1;
	s0 =	sadd.s32 s3, s18;
	s5 =	sshll.u32 s5, $0x4  }
0x178: {  	[tilespmem:s29], [sflag:$0x1] =	stream.linear.gather [hbm4b:s0+s2], $0x80, $0x200038;
	[tilespmem:$0x10280] =	vst v63  }
0x179: {  	s5 =	sand.u32 $0x1FFFFFF0, s5;
	s0 =	sadd.s32 s3, s6;
	s6 =	spop (v2sf)  }
0x17a: {  	[tilespmem:s28], [sflag:$0x1] =	stream.linear.gather [hbm4b:s0+s2], $0x80, $0x200038;
	[tilespmem:$0x10280] =	vst v63  }
0x17b: {  	s0 =	sadd.s32 s3, s1;
	s1 =	sshll.u32 s6, $0x4;
	s6 =	spop (v2sf)  }
0x17c: {  	[tilespmem:s24], [sflag:$0x1] =	stream.linear.gather [hbm4b:s0+s2], $0x80, $0x200038;
	[tilespmem:$0x10280] =	vst v63  }
0x17d: {  	s1 =	sand.u32 $0x1FFFFFF0, s1;
	s0 =	sadd.s32 s3, s5;
	s5 =	sshll.u32 s6, $0x4  }
0x17e: {  	[tilespmem:s23], [sflag:$0x1] =	stream.linear.gather [hbm4b:s0+s2], $0x80, $0x200038;
	[tilespmem:$0x10280] =	vst v63  }
0x17f: {  	s1 =	sadd.s32 s3, s1;
	s5 =	sand.u32 $0x1FFFFFF0, s5;
	s0 =	sadd.s32 $0x900, s21  }
0x180: {  	[tilespmem:s0], [sflag:$0x1] =	stream.linear.gather [hbm4b:s1+s2], $0x80, $0x200038;
	[tilespmem:$0x10280] =	vst v63  }
0x181: {  	p0 =	sne.s32 s20, $0xE000;
	s0 =	sadd.s32 $0x980, s21;
	s1 =	sadd.s32 s3, s5  }
0x182: {  	[tilespmem:s0], [sflag:$0x1] =	stream.linear.gather [hbm4b:s1+s2], $0x80, $0x200038;
	[tilespmem:$0x10280] =	vst v63  }
0x183: {  	s0 =	smov.u32 s20;
	s20 =	sadd.s32 $0x2000, s20;
	v4 =	vld [tilespmem:s22+$0x0];
	_ =	sdelay $0x4  }
0x184: {  	v5 =	vnsel vm0, $0x0, v4;
	v6 =	vsel vm3, $0x0, v4;
	v7 =	vsel vm14, $0x0, v4  }
0x185: {  	v8 =	vsel vm2, $0x0, v4;
	v9 =	vsel vm15, $0x0, v4;
	(xrf0) =	vadd.scan.msk.s32 $0xffff, v5  }
0x186: {  	v10 =	vsel vm6, $0x0, v4;
	v5 =	vsel vm1, $0x0, v4;
	(xrf0) =	vadd.scan.msk.s32 $0xffff, v8  }
0x187: {  	v8 =	vsel vm7, $0x0, v4;
	(xrf0) =	vadd.scan.msk.s32 $0xffff, v6  }
0x188: {  	v6 =	vsel vm8, $0x0, v4;
	(xrf0) =	vadd.scan.msk.s32 $0xffff, v5  }
0x189: {  	v5 =	vsel vm9, $0x0, v4;
	(xrf0) =	vadd.scan.msk.s32 $0xffff, v6  }
0x18a: {  	v6 =	vsel vm5, $0x0, v4;
	(xrf0) =	vadd.scan.msk.s32 $0xffff, v5  }
0x18b: {  	v5 =	vsel vm4, $0x0, v4;
	v11, _, _ =	vpop (xrf0);
	(xrf0) =	vadd.scan.msk.s32 $0xffff, v6  }
0x18c: {  	v6 =	vsel vm10, $0x0, v4;
	(v2sf) =	vpush v11, $0xF;
	v11, _, _ =	vpop (xrf0);
	(xrf0) =	vadd.scan.msk.s32 $0xffff, v5  }
0x18d: {  	v13 =	vsel vm11, $0x0, v4;
	(v2sf) =	vpush v11, $0xF;
	v11, _, _ =	vpop (xrf0);
	(xrf0) =	vadd.scan.msk.s32 $0xffff, v6  }
0x18e: {  	s21 =	sshra.s32 s0, $0x2;
	v6 =	vsel vm12, $0x0, v4;
	v12, _, _ =	vpop (xrf0);
	(v2sf) =	vpush v11, $0xF;
	(xrf0) =	vadd.scan.msk.s32 $0xffff, v13  }
0x18f: {  	s0 =	sadd.s32 $0x300, s21;
	v11 =	vsel vm13, $0x0, v4;
	(v2sf) =	vpush v12, $0xF;
	v5, _, _ =	vpop (xrf0);
	(xrf0) =	vadd.scan.msk.s32 $0xffff, v6  }
0x190: {  	s31 =	sadd.s32 $0x400, s21;
	s25 =	sadd.s32 $0x580, s21;
	(v2sf) =	vpush v5, $0xF;
	v5, _, _ =	vpop (xrf0);
	(xrf0) =	vadd.scan.msk.s32 $0xffff, v11  }
0x191: {  	s1 =	sadd.s32 $0x200, s21;
	s18 =	sadd.s32 $0x280, s21;
	v4, _, _ =	vpop (xrf0);
	(xrf0) =	vadd.scan.msk.s32 $0xffff, v7  }
0x192: {  	s26 =	sadd.s32 $0x500, s21;
	v6, _, _ =	vpop (xrf0);
	(xrf0) =	vadd.scan.msk.s32 $0xffff, v10  }
0x193: {  	s11 =	sadd.s32 $0x480, s21;
	(v2sf) =	vpush v6, $0xF;
	(xrf0) =	vadd.scan.msk.s32 $0xffff, v8;
	v6, _, _ =	vpop (xrf0)  }
0x194: {  	(v2sf) =	vpush v4, $0xF;
	v4, _, _ =	vpop (xrf0);
	(xrf0) =	vadd.scan.msk.s32 $0xffff, v9  }
0x195: {  	(v2sf) =	vpush v6, $0xF;
	v6, _, _ =	vpop (xrf0)  }
0x196: {  	v7, _, _ =	vpop (xrf0)  }
0x197: {  	v8, _, _ =	vpop (xrf0)  }
0x198: {  	v9, _, _ =	vpop (xrf0);
	(v2sf) =	vpush v5, $0xF  }
0x199: {  	v5, _, _ =	vpop (xrf0)  }
0x19a: {  	s22 =	sadd.s32 $0x10, s22;
	s24 =	sadd.s32 $0x800, s21;
	s23 =	sadd.s32 $0x880, s21;
	(v2sf) =	vpush v9, $0xF;
	v9, _, _ =	vpop (xrf0)  }
0x19b: {  	s29 =	sadd.s32 $0x700, s21;
	s28 =	sadd.s32 $0x780, s21;
	s5 =	spop (v2sf)  }
0x19c: {  	s30 =	sadd.s32 $0x680, s21;
	s5 =	sshll.u32 s5, $0x4;
	s6 =	spop (v2sf);
	(v2sf) =	vpush v5, $0xF  }
0x19d: {  	s5 =	sand.u32 $0x1FFFFFF0, s5;
	s6 =	sshll.u32 s6, $0x4;
	s7 =	spop (v2sf)  }
0x19e: {  	s5 =	sadd.s32 s3, s5;
	s6 =	sand.u32 $0x1FFFFFF0, s6;
	s8 =	spop (v2sf)  }
0x19f: {  	s7 =	sshll.u32 s7, $0x4;
	s8 =	sshll.u32 s8, $0x4;
	s9 =	spop (v2sf)  }
0x1a0: {  	s7 =	sand.u32 $0x1FFFFFF0, s7;
	s8 =	sand.u32 $0x1FFFFFF0, s8;
	s9 =	sshll.u32 s9, $0x4;
	(v2sf) =	vpush v4, $0xF  }
0x1a1: {  	[tilespmem:s1], [sflag:$0x1] =	stream.linear.gather [hbm4b:s5+s2], $0x80, $0x200038;
	[tilespmem:$0x10280] =	vst v63  }
0x1a2: {  	s1 =	sadd.s32 $0x600, s21;
	s12 =	sand.u32 $0x1FFFFFF0, s9;
	s5 =	spop (v2sf)  }
0x1a3: {  	s9 =	sadd.s32 $0x380, s21;
	s5 =	sshll.u32 s5, $0x4;
	s14 =	spop (v2sf)  }
0x1a4: {  	s5 =	sand.u32 $0x1FFFFFF0, s5;
	s14 =	sshll.u32 s14, $0x4;
	s15 =	spop (v2sf);
	(v2sf) =	vpush v6, $0xF  }
0x1a5: {  	s8 =	sadd.s32 s3, s8;
	s14 =	sand.u32 $0x1FFFFFF0, s14;
	s15 =	sshll.u32 s15, $0x4  }
0x1a6: {  	[tilespmem:s18], [sflag:$0x1] =	stream.linear.gather [hbm4b:s8+s2], $0x80, $0x200038;
	(v2sf) =	vpush v7, $0xF;
	[tilespmem:$0x10280] =	vst v63  }
0x1a7: {  	s6 =	sadd.s32 s3, s6;
	s18 =	sand.u32 $0x1FFFFFF0, s15;
	s8 =	spop (v2sf)  }
0x1a8: {  	[tilespmem:s0], [sflag:$0x1] =	stream.linear.gather [hbm4b:s6+s2], $0x80, $0x200038;
	[tilespmem:$0x10280] =	vst v63  }
0x1a9: {  	s6 =	sadd.s32 s3, s7;
	s0 =	sshll.u32 s8, $0x4;
	s7 =	spop (v2sf)  }
0x1aa: {  	[tilespmem:s9], [sflag:$0x1] =	stream.linear.gather [hbm4b:s6+s2], $0x80, $0x200038;
	[tilespmem:$0x10280] =	vst v63  }
.Ltmp3:
0x1ab: {  	(v2sf) =	vpush v8, $0xF;
	(pc) =	sbr.rel @p0 .LBB2_8-.Ltmp3, $4  }
0x1ac: {  	s5 =	sadd.s32 s3, s5;
	s6 =	sshll.u32 s7, $0x4;
	s7 =	spop (v2sf)  }
0x1ad: {  	[tilespmem:s31], [sflag:$0x1] =	stream.linear.gather [hbm4b:s5+s2], $0x80, $0x200038;
	(v2sf) =	vpush v9, $0xF;
	[tilespmem:$0x10280] =	vst v63  }
0x1ae: {  	s5 =	sadd.s32 s3, s14;
	s14 =	sand.u32 $0x1FFFFFF0, s6;
	s31 =	sshll.u32 s7, $0x4  }
0x1af: {  	[tilespmem:s11], [sflag:$0x1] =	stream.linear.gather [hbm4b:s5+s2], $0x80, $0x200038;
	[tilespmem:$0x10280] =	vst v63  }
0x1b0: {  	s5 =	sadd.s32 s3, s14;
	s6 =	sand.u32 $0x1FFFFFF0, s31;
	s7 =	spop (v2sf)  }
0x1b1: {  	[tilespmem:s26], [sflag:$0x1] =	stream.linear.gather [hbm4b:s5+s2], $0x80, $0x200038;
	[tilespmem:$0x10280] =	vst v63  }
0x1b2: {  	s0 =	sand.u32 $0x1FFFFFF0, s0;
	s26 =	sadd.s32 s3, s6;
	s31 =	sshll.u32 s7, $0x4  }
0x1b3: {  	[tilespmem:s25], [sflag:$0x1] =	stream.linear.gather [hbm4b:s26+s2], $0x80, $0x200038;
	[tilespmem:$0x10280] =	vst v63  }
0x1b4: {  	s7 =	sadd.s32 s3, s12;
	s0 =	sadd.s32 s3, s0;
	s8 =	spop (v2sf)  }
0x1b5: {  	[tilespmem:s1], [sflag:$0x1] =	stream.linear.gather [hbm4b:s7+s2], $0x80, $0x200038;
	[tilespmem:$0x10280] =	vst v63  }
0x1b6: {  	s12 =	sadd.s32 s3, s18;
	s6 =	sand.u32 $0x1FFFFFF0, s31;
	s9 =	sshll.u32 s8, $0x4  }
0x1b7: {  	[tilespmem:s30], [sflag:$0x1] =	stream.linear.gather [hbm4b:s0+s2], $0x80, $0x200038;
	[tilespmem:$0x10280] =	vst v63  }
0x1b8: {  	s14 =	sadd.s32 s3, s6;
	s11 =	spop (v2sf);
	s1 =	sand.u32 $0x1FFFFFF0, s9  }
0x1b9: {  	[tilespmem:s29], [sflag:$0x1] =	stream.linear.gather [hbm4b:s12+s2], $0x80, $0x200038;
	[tilespmem:$0x10280] =	vst v63  }
0x1ba: {  	s5 =	sshll.u32 s11, $0x4;
	s18 =	sadd.s32 s3, s1;
	s15 =	spop (v2sf)  }
0x1bb: {  	[tilespmem:s28], [sflag:$0x1] =	stream.linear.gather [hbm4b:s14+s2], $0x80, $0x200038;
	[tilespmem:$0x10280] =	vst v63  }
0x1bc: {  	s5 =	sand.u32 $0x1FFFFFF0, s5;
	s20 =	sshll.u32 s15, $0x4;
	s22 =	spop (v2sf)  }
0x1bd: {  	[tilespmem:s24], [sflag:$0x1] =	stream.linear.gather [hbm4b:s18+s2], $0x80, $0x200038;
	[tilespmem:$0x10280] =	vst v63  }
0x1be: {  	s25 =	sadd.s32 s3, s5;
	s1 =	sand.u32 $0x1FFFFFF0, s20;
	s26 =	sshll.u32 s22, $0x4  }
0x1bf: {  	[tilespmem:s23], [sflag:$0x1] =	stream.linear.gather [hbm4b:s25+s2], $0x80, $0x200038;
	[tilespmem:$0x10280] =	vst v63  }
0x1c0: {  	s28 =	sadd.s32 $0x900, s21;
	s1 =	sadd.s32 s3, s1;
	s5 =	sand.u32 $0x1FFFFFF0, s26  }
0x1c1: {  	[tilespmem:s28], [sflag:$0x1] =	stream.linear.gather [hbm4b:s1+s2], $0x80, $0x200038;
	[tilespmem:$0x10280] =	vst v63  }
0x1c2: {  	s29 =	sadd.s32 $0x980, s21;
	s30 =	sadd.s32 s3, s5  }
0x1c3: {  	[tilespmem:s29], [sflag:$0x1] =	stream.linear.gather [hbm4b:s30+s2], $0x80, $0x200038;
	[tilespmem:$0x10280] =	vst v63  }
0x1c4: {  	_ =	strace $0x9000004B  }
0x1c5: {  	_ =	strace $0x8000004C  }
0x1c6: {  	_ =	swait.ge [sflag:s16], $0x4000  }
0x1c7: {  	[sflag:s16] =	ssyncset.done $0x0  }
0x1c8: {  	[sflag:s16] =	ssyncadd.s32 $0xFFFFC000  }
0x1c9: {  	_ =	swait.ge [sflag:s17], $0x4000  }
0x1ca: {  	[sflag:s17] =	ssyncset.done $0x0  }
0x1cb: {  	[sflag:s17] =	ssyncadd.s32 $0xFFFFC000  }
0x1cc: {  	_ =	strace $0x9000004C  }
0x1cd: {  	s31 =	simm.s32 $0x0;
	_ =	strace $0x8000004D  }
0x1ce: {  	v4 =	vld [tilespmem:s31+$0xC230]  }
0x1cf: {  	v7 =	vld [tilespmem:s31+$0x4230]  }
0x1d0: {  	v9 =	vld [tilespmem:s31+$0xC200]  }
0x1d1: {  	v10 =	vld [tilespmem:s31+$0x4200]  }
0x1d2: {  	v6 =	vld [tilespmem:s31+$0xC210]  }
0x1d3: {  	v8 =	vld [tilespmem:s31+$0x4210]  }
0x1d4: {  	v5 =	vld [tilespmem:s31+$0xC220];
	v11 =	vsub.f32 v4, v7  }
0x1d5: {  	s0 =	simm.s32 $0x80;
	v7 =	vld [tilespmem:s31+$0x4220]  }
0x1d6: {  	s1 =	simm.s32 $0x400;
	v4 =	vld [tilespmem:s0+$0xC230];
	v10 =	vsub.f32 v9, v10;
	v9 =	vmul.f32 v11, v11  }
.LBB2_10:
0x1d7: {  	p0 =	sne.s32 s1, $0xFE00;
	v11 =	vld [tilespmem:s0+$0x4230]  }
0x1d8: {  	v12 =	vld [tilespmem:s0+$0xC200];
	v10 =	vmul.f32 v10, v10;
	v8 =	vsub.f32 v6, v8;
	v3 =	vadd.f32 v9, v3  }
0x1d9: {  	v9 =	vld [tilespmem:s0+$0x4200]  }
.Ltmp4:
0x1da: {  	v6 =	vld [tilespmem:s0+$0xC210];
	v1 =	vadd.f32 v10, v1;
	v10 =	vmul.f32 v8, v8;
	v7 =	vsub.f32 v5, v7;
	(pc) =	sbr.rel @p0 .LBB2_10-.Ltmp4, $4  }
0x1db: {  	v8 =	vld [tilespmem:s0+$0x4210]  }
0x1dc: {  	v5 =	vld [tilespmem:s0+$0xC220];
	v11 =	vsub.f32 v4, v11;
	v0 =	vadd.f32 v10, v0;
	v13 =	vmul.f32 v7, v7  }
0x1dd: {  	v7 =	vld [tilespmem:s0+$0x4220];
	s0 =	sshra.s32 s1, $0x2  }
0x1de: {  	s1 =	sadd.s32 $0x200, s1;
	v4 =	vld [tilespmem:s0+$0xC230];
	v10 =	vsub.f32 v12, v9;
	v9 =	vmul.f32 v11, v11;
	v2 =	vadd.f32 v13, v2  }
0x1df: {  	v11 =	vld [tilespmem:s0+$0x4230]  }
0x1e0: {  	v12 =	vld [tilespmem:s0+$0xC200]  }
0x1e1: {  	v13 =	vld [tilespmem:s0+$0x4200]  }
0x1e2: {  	v14 =	vld [tilespmem:s0+$0xC210]  }
0x1e3: {  	v15 =	vld [tilespmem:s0+$0x4210]  }
0x1e4: {  	v16 =	vld [tilespmem:s0+$0xC220]  }
0x1e5: {  	v17 =	vld [tilespmem:s0+$0x4220];
	_ =	strace $0x9000004D  }
0x1e6: {  	s9 =	simm.s32 $0x0;
	_ =	strace $0x8000004E  }
0x1e7: {  	s5 =	simm.s32 $0xC200;
	s11 =	simm.s32 $0x180;
	s1 =	rddreg [dreg:$0x6]  }
0x1e8: {  	[tilespmem:s5], [sflag:$0x2] =	stream.linear.gather [hbm4b:s1+s9], $0x4000, $0x200038;
	[tilespmem:$0x10280] =	vst v63  }
0x1e9: {  	v18 =	vld [tilespmem:s11+$0x0];
	_ =	sdelay $0x4  }
0x1ea: {  	v19 =	vnsel vm0, $0x0, v18  }
0x1eb: {  	v20 =	vsel vm2, $0x0, v18;
	(xrf0) =	vadd.scan.msk.s32 $0xffff, v19  }
0x1ec: {  	(xrf0) =	vadd.scan.msk.s32 $0xffff, v20;
	_ =	sdelay $0x1  }
0x1ed: {  	v35 =	vsel vm3, $0x0, v18  }
0x1ee: {  	v36 =	vsel vm1, $0x0, v18;
	(xrf0) =	vadd.scan.msk.s32 $0xffff, v35  }
0x1ef: {  	(xrf0) =	vadd.scan.msk.s32 $0xffff, v36  }
0x1f0: {  	v37, _, _ =	vpop (xrf0)  }
0x1f1: {  	(v2sf) =	vpush v37, $0xF;
	v39, _, _ =	vpop (xrf0)  }
0x1f2: {  	(v2sf) =	vpush v39, $0xF  }
0x1f3: {  	v38 =	vsel vm8, $0x0, v18  }
0x1f4: {  	v21 =	vsel vm9, $0x0, v18;
	(xrf0) =	vadd.scan.msk.s32 $0xffff, v38;
	v40, _, _ =	vpop (xrf0)  }
0x1f5: {  	v41 =	vsel vm5, $0x0, v18;
	(xrf0) =	vadd.scan.msk.s32 $0xffff, v21;
	v42, _, _ =	vpop (xrf0);
	(v2sf) =	vpush v40, $0xF  }
0x1f6: {  	v43 =	vsel vm4, $0x0, v18;
	(xrf0) =	vadd.scan.msk.s32 $0xffff, v41;
	(v2sf) =	vpush v42, $0xF  }
0x1f7: {  	(xrf0) =	vadd.scan.msk.s32 $0xffff, v43  }
0x1f8: {  	v44 =	vsel vm10, $0x0, v18  }
0x1f9: {  	(xrf0) =	vadd.scan.msk.s32 $0xffff, v44  }
0x1fa: {  	v46, _, _ =	vpop (xrf0)  }
0x1fb: {  	v45 =	vsel vm11, $0x0, v18;
	v48, _, _ =	vpop (xrf0)  }
0x1fc: {  	v47 =	vsel vm12, $0x0, v18;
	(xrf0) =	vadd.scan.msk.s32 $0xffff, v45;
	(v2sf) =	vpush v46, $0xF;
	v49, _, _ =	vpop (xrf0)  }
0x1fd: {  	v22 =	vsel vm13, $0x0, v18;
	(xrf0) =	vadd.scan.msk.s32 $0xffff, v47;
	v51, _, _ =	vpop (xrf0)  }
0x1fe: {  	v50 =	vsel vm14, $0x0, v18;
	(xrf0) =	vadd.scan.msk.s32 $0xffff, v22;
	(v2sf) =	vpush v51, $0xF  }
0x1ff: {  	v23 =	vsel vm6, $0x0, v18;
	(xrf0) =	vadd.scan.msk.s32 $0xffff, v50;
	v53, _, _ =	vpop (xrf0);
	(v2sf) =	vpush v49, $0xF  }
0x200: {  	(xrf0) =	vadd.scan.msk.s32 $0xffff, v23;
	(v2sf) =	vpush v53, $0xF;
	s8 =	spop (v2sf)  }
0x201: {  	s9 =	spop (v2sf);
	(v2sf) =	vpush v48, $0xF  }
0x202: {  	v52 =	vsel vm7, $0x0, v18;
	v54, _, _ =	vpop (xrf0)  }
0x203: {  	(xrf0) =	vadd.scan.msk.s32 $0xffff, v52;
	v55, _, _ =	vpop (xrf0);
	s8 =	sshll.u32 s8, $0x4  }
0x204: {  	s20 =	simm.s32 $0x2000;
	v56, _, _ =	vpop (xrf0);
	s8 =	sand.u32 $0x1FFFFFF0, s8;
	s11 =	spop (v2sf)  }
0x205: {  	s6 =	simm.s32 $0x4200;
	v57, _, _ =	vpop (xrf0);
	s8 =	sadd.s32 s3, s8;
	s12 =	spop (v2sf)  }
0x206: {  	v58, _, _ =	vpop (xrf0);
	[tilespmem:s6], [sflag:$0x1] =	stream.linear.gather [hbm4b:s8+s2], $0x80, $0x200038;
	[tilespmem:$0x10280] =	vst v63  }
0x207: {  	s21 =	simm.s32 $0x0;
	s25 =	simm.s32 $0x4580;
	(v2sf) =	vpush v58, $0xF;
	s12 =	sshll.u32 s12, $0x4  }
0x208: {  	s7 =	simm.s32 $0x4280;
	s14 =	sshll.u32 s9, $0x4;
	s6 =	sand.u32 $0x1FFFFFF0, s12  }
0x209: {  	s26 =	simm.s32 $0x4500;
	v59, _, _ =	vpop (xrf0);
	s8 =	sand.u32 $0x1FFFFFF0, s14;
	s6 =	sadd.s32 s3, s6  }
0x20a: {  	(v2sf) =	vpush v59, $0xF;
	[tilespmem:s7], [sflag:$0x1] =	stream.linear.gather [hbm4b:s6+s2], $0x80, $0x200038;
	[tilespmem:$0x10280] =	vst v63  }
0x20b: {  	s5 =	simm.s32 $0x4300;
	s8 =	sadd.s32 s3, s8;
	s18 =	spop (v2sf)  }
0x20c: {  	(v2sf) =	vpush v54, $0xF;
	[tilespmem:s5], [sflag:$0x1] =	stream.linear.gather [hbm4b:s8+s2], $0x80, $0x200038;
	[tilespmem:$0x10280] =	vst v63  }
0x20d: {  	s0 =	simm.s32 $0x4480;
	s15 =	sshll.u32 s11, $0x4;
	s12 =	spop (v2sf)  }
0x20e: {  	s24 =	simm.s32 $0x4800;
	s11 =	sand.u32 $0x1FFFFFF0, s15;
	s15 =	spop (v2sf)  }
0x20f: {  	s23 =	simm.s32 $0x4880;
	v61 =	vsel vm15, $0x0, v18;
	s6 =	sshll.u32 s18, $0x4;
	s18 =	spop (v2sf)  }
0x210: {  	(xrf0) =	vadd.scan.msk.s32 $0xffff, v61;
	s14 =	simm.s32 $0x4380;
	s7 =	sadd.s32 s3, s11;
	s9 =	spop (v2sf);
	(v2sf) =	vpush v55, $0xF  }
0x211: {  	v60 =	vmul.f32 v10, v10;
	v5 =	vsub.f32 v5, v7;
	[tilespmem:s14], [sflag:$0x1] =	stream.linear.gather [hbm4b:s7+s2], $0x80, $0x200038;
	[tilespmem:$0x10280] =	vst v63  }
0x212: {  	s22 =	simm.s32 $0x190;
	s29 =	simm.s32 $0x4700;
	v6 =	vsub.f32 v6, v8;
	s5 =	sshll.u32 s12, $0x4;
	(v2sf) =	vpush v56, $0xF  }
0x213: {  	s28 =	simm.s32 $0x4780;
	s30 =	simm.s32 $0x4680;
	v7 =	vadd.f32 v60, v1;
	v1 =	vsub.f32 v4, v11;
	v4 =	vmul.f32 v5, v5;
	s5 =	sand.u32 $0x1FFFFFF0, s5  }
0x214: {  	v3 =	vadd.f32 v9, v3;
	s1 =	simm.s32 $0x4400;
	v6 =	vmul.f32 v6, v6;
	v5 =	vsub.f32 v12, v13;
	s7 =	sshll.u32 s15, $0x4;
	s5 =	sadd.s32 s3, s5  }
0x215: {  	v4 =	vadd.f32 v4, v2;
	v2 =	vsub.f32 v14, v15;
	v1 =	vmul.f32 v1, v1;
	[tilespmem:s1], [sflag:$0x1] =	stream.linear.gather [hbm4b:s5+s2], $0x80, $0x200038;
	[tilespmem:$0x10280] =	vst v63  }
0x216: {  	v62 =	vsub.f32 v16, v17;
	v5 =	vmul.f32 v5, v5;
	s12 =	sand.u32 $0x1FFFFFF0, s6;
	s7 =	sand.u32 $0x1FFFFFF0, s7;
	s14 =	spop (v2sf);
	(v2sf) =	vpush v57, $0xF  }
0x217: {  	v0 =	vadd.f32 v6, v0;
	v1 =	vadd.f32 v1, v3;
	v3 =	vmul.f32 v2, v2;
	v63, _, _ =	vpop (xrf0);
	s11 =	sshll.u32 s18, $0x4;
	s1 =	simm.s32 $0x4600;
	s7 =	sadd.s32 s3, s7  }
0x218: {  	v2 =	vadd.f32 v5, v7;
	v5 =	vmul.f32 v62, v62;
	[tilespmem:s0], [sflag:$0x1] =	stream.linear.gather [hbm4b:s7+s2], $0x80, $0x200038;
	(v2sf) =	vpush v63, $0xF;
	[tilespmem:$0x10280] =	vst v63  }
0x219: {  	s18 =	sand.u32 $0x1FFFFFF0, s11;
	s6 =	sshll.u32 s14, $0x4;
	s15 =	spop (v2sf)  }
0x21a: {  	v0 =	vadd.f32 v3, v0;
	v3 =	vadd.f32 v5, v4;
	s0 =	sshll.u32 s9, $0x4;
	s14 =	sand.u32 $0x1FFFFFF0, s6;
	s31 =	sshll.u32 s15, $0x4  }
.LBB2_12:
0x21b: {  	s5 =	sadd.s32 s3, s14;
	s6 =	sand.u32 $0x1FFFFFF0, s31;
	s7 =	spop (v2sf)  }
0x21c: {  	[tilespmem:s26], [sflag:$0x1] =	stream.linear.gather [hbm4b:s5+s2], $0x80, $0x200038;
	[tilespmem:$0x10280] =	vst v63  }
0x21d: {  	s0 =	sand.u32 $0x1FFFFFF0, s0;
	s5 =	sadd.s32 s3, s6;
	s6 =	sshll.u32 s7, $0x4  }
0x21e: {  	[tilespmem:s25], [sflag:$0x1] =	stream.linear.gather [hbm4b:s5+s2], $0x80, $0x200038;
	[tilespmem:$0x10280] =	vst v63  }
0x21f: {  	s6 =	sand.u32 $0x1FFFFFF0, s6;
	s5 =	sadd.s32 s3, s12;
	s7 =	spop (v2sf)  }
0x220: {  	[tilespmem:s1], [sflag:$0x1] =	stream.linear.gather [hbm4b:s5+s2], $0x80, $0x200038;
	[tilespmem:$0x10280] =	vst v63  }
0x221: {  	s0 =	sadd.s32 s3, s0;
	s1 =	sshll.u32 s7, $0x4;
	s5 =	spop (v2sf)  }
0x222: {  	[tilespmem:s30], [sflag:$0x1] =	stream.linear.gather [hbm4b:s0+s2], $0x80, $0x200038;
	[tilespmem:$0x10280] =	vst v63  }
0x223: {  	s1 =	sand.u32 $0x1FFFFFF0, s1;
	s0 =	sadd.s32 s3, s18;
	s5 =	sshll.u32 s5, $0x4  }
0x224: {  	[tilespmem:s29], [sflag:$0x1] =	stream.linear.gather [hbm4b:s0+s2], $0x80, $0x200038;
	[tilespmem:$0x10280] =	vst v63  }
0x225: {  	s5 =	sand.u32 $0x1FFFFFF0, s5;
	s0 =	sadd.s32 s3, s6;
	s6 =	spop (v2sf)  }
0x226: {  	[tilespmem:s28], [sflag:$0x1] =	stream.linear.gather [hbm4b:s0+s2], $0x80, $0x200038;
	[tilespmem:$0x10280] =	vst v63  }
0x227: {  	s0 =	sadd.s32 s3, s1;
	s1 =	sshll.u32 s6, $0x4;
	s6 =	spop (v2sf)  }
0x228: {  	[tilespmem:s24], [sflag:$0x1] =	stream.linear.gather [hbm4b:s0+s2], $0x80, $0x200038;
	[tilespmem:$0x10280] =	vst v63  }
0x229: {  	s1 =	sand.u32 $0x1FFFFFF0, s1;
	s0 =	sadd.s32 s3, s5;
	s5 =	sshll.u32 s6, $0x4  }
0x22a: {  	[tilespmem:s23], [sflag:$0x1] =	stream.linear.gather [hbm4b:s0+s2], $0x80, $0x200038;
	[tilespmem:$0x10280] =	vst v63  }
0x22b: {  	s1 =	sadd.s32 s3, s1;
	s5 =	sand.u32 $0x1FFFFFF0, s5;
	s0 =	sadd.s32 $0x4900, s21  }
0x22c: {  	[tilespmem:s0], [sflag:$0x1] =	stream.linear.gather [hbm4b:s1+s2], $0x80, $0x200038;
	[tilespmem:$0x10280] =	vst v63  }
0x22d: {  	p0 =	sne.s32 s20, $0xE000;
	s0 =	sadd.s32 $0x4980, s21;
	s1 =	sadd.s32 s3, s5  }
0x22e: {  	[tilespmem:s0], [sflag:$0x1] =	stream.linear.gather [hbm4b:s1+s2], $0x80, $0x200038;
	[tilespmem:$0x10280] =	vst v63  }
0x22f: {  	s0 =	smov.u32 s20;
	s20 =	sadd.s32 $0x2000, s20;
	v4 =	vld [tilespmem:s22+$0x0];
	_ =	sdelay $0x4  }
0x230: {  	v5 =	vnsel vm0, $0x0, v4;
	v6 =	vsel vm3, $0x0, v4;
	v7 =	vsel vm14, $0x0, v4  }
0x231: {  	v8 =	vsel vm2, $0x0, v4;
	v9 =	vsel vm15, $0x0, v4;
	(xrf0) =	vadd.scan.msk.s32 $0xffff, v5  }
0x232: {  	v10 =	vsel vm6, $0x0, v4;
	v5 =	vsel vm1, $0x0, v4;
	(xrf0) =	vadd.scan.msk.s32 $0xffff, v8  }
0x233: {  	v8 =	vsel vm7, $0x0, v4;
	(xrf0) =	vadd.scan.msk.s32 $0xffff, v6  }
0x234: {  	v6 =	vsel vm8, $0x0, v4;
	(xrf0) =	vadd.scan.msk.s32 $0xffff, v5  }
0x235: {  	v5 =	vsel vm9, $0x0, v4;
	(xrf0) =	vadd.scan.msk.s32 $0xffff, v6  }
0x236: {  	v6 =	vsel vm5, $0x0, v4;
	(xrf0) =	vadd.scan.msk.s32 $0xffff, v5  }
0x237: {  	v5 =	vsel vm4, $0x0, v4;
	v11, _, _ =	vpop (xrf0);
	(xrf0) =	vadd.scan.msk.s32 $0xffff, v6  }
0x238: {  	v6 =	vsel vm10, $0x0, v4;
	(v2sf) =	vpush v11, $0xF;
	v11, _, _ =	vpop (xrf0);
	(xrf0) =	vadd.scan.msk.s32 $0xffff, v5  }
0x239: {  	v13 =	vsel vm11, $0x0, v4;
	(v2sf) =	vpush v11, $0xF;
	v11, _, _ =	vpop (xrf0);
	(xrf0) =	vadd.scan.msk.s32 $0xffff, v6  }
0x23a: {  	s21 =	sshra.s32 s0, $0x2;
	v6 =	vsel vm12, $0x0, v4;
	v12, _, _ =	vpop (xrf0);
	(v2sf) =	vpush v11, $0xF;
	(xrf0) =	vadd.scan.msk.s32 $0xffff, v13  }
0x23b: {  	s0 =	sadd.s32 $0x4300, s21;
	v11 =	vsel vm13, $0x0, v4;
	(v2sf) =	vpush v12, $0xF;
	v5, _, _ =	vpop (xrf0);
	(xrf0) =	vadd.scan.msk.s32 $0xffff, v6  }
0x23c: {  	s31 =	sadd.s32 $0x4400, s21;
	s25 =	sadd.s32 $0x4580, s21;
	(v2sf) =	vpush v5, $0xF;
	v5, _, _ =	vpop (xrf0);
	(xrf0) =	vadd.scan.msk.s32 $0xffff, v11  }
0x23d: {  	s1 =	sadd.s32 $0x4200, s21;
	s18 =	sadd.s32 $0x4280, s21;
	v4, _, _ =	vpop (xrf0);
	(xrf0) =	vadd.scan.msk.s32 $0xffff, v7  }
0x23e: {  	s26 =	sadd.s32 $0x4500, s21;
	v6, _, _ =	vpop (xrf0);
	(xrf0) =	vadd.scan.msk.s32 $0xffff, v10  }
0x23f: {  	s11 =	sadd.s32 $0x4480, s21;
	(v2sf) =	vpush v6, $0xF;
	(xrf0) =	vadd.scan.msk.s32 $0xffff, v8;
	v6, _, _ =	vpop (xrf0)  }
0x240: {  	(v2sf) =	vpush v4, $0xF;
	v4, _, _ =	vpop (xrf0);
	(xrf0) =	vadd.scan.msk.s32 $0xffff, v9  }
0x241: {  	(v2sf) =	vpush v6, $0xF;
	v6, _, _ =	vpop (xrf0)  }
0x242: {  	v7, _, _ =	vpop (xrf0)  }
0x243: {  	v8, _, _ =	vpop (xrf0)  }
0x244: {  	v9, _, _ =	vpop (xrf0);
	(v2sf) =	vpush v5, $0xF  }
0x245: {  	v5, _, _ =	vpop (xrf0)  }
0x246: {  	s22 =	sadd.s32 $0x10, s22;
	s24 =	sadd.s32 $0x4800, s21;
	s23 =	sadd.s32 $0x4880, s21;
	(v2sf) =	vpush v9, $0xF;
	v9, _, _ =	vpop (xrf0)  }
0x247: {  	s29 =	sadd.s32 $0x4700, s21;
	s28 =	sadd.s32 $0x4780, s21;
	s5 =	spop (v2sf)  }
0x248: {  	s30 =	sadd.s32 $0x4680, s21;
	s5 =	sshll.u32 s5, $0x4;
	s6 =	spop (v2sf);
	(v2sf) =	vpush v5, $0xF  }
0x249: {  	s5 =	sand.u32 $0x1FFFFFF0, s5;
	s6 =	sshll.u32 s6, $0x4;
	s7 =	spop (v2sf)  }
0x24a: {  	s5 =	sadd.s32 s3, s5;
	s6 =	sand.u32 $0x1FFFFFF0, s6;
	s8 =	spop (v2sf)  }
0x24b: {  	s7 =	sshll.u32 s7, $0x4;
	s8 =	sshll.u32 s8, $0x4;
	s9 =	spop (v2sf)  }
0x24c: {  	s7 =	sand.u32 $0x1FFFFFF0, s7;
	s8 =	sand.u32 $0x1FFFFFF0, s8;
	s9 =	sshll.u32 s9, $0x4;
	(v2sf) =	vpush v4, $0xF  }
0x24d: {  	[tilespmem:s1], [sflag:$0x1] =	stream.linear.gather [hbm4b:s5+s2], $0x80, $0x200038;
	[tilespmem:$0x10280] =	vst v63  }
0x24e: {  	s1 =	sadd.s32 $0x4600, s21;
	s12 =	sand.u32 $0x1FFFFFF0, s9;
	s5 =	spop (v2sf)  }
0x24f: {  	s9 =	sadd.s32 $0x4380, s21;
	s5 =	sshll.u32 s5, $0x4;
	s14 =	spop (v2sf)  }
0x250: {  	s5 =	sand.u32 $0x1FFFFFF0, s5;
	s14 =	sshll.u32 s14, $0x4;
	s15 =	spop (v2sf);
	(v2sf) =	vpush v6, $0xF  }
0x251: {  	s8 =	sadd.s32 s3, s8;
	s14 =	sand.u32 $0x1FFFFFF0, s14;
	s15 =	sshll.u32 s15, $0x4  }
0x252: {  	[tilespmem:s18], [sflag:$0x1] =	stream.linear.gather [hbm4b:s8+s2], $0x80, $0x200038;
	(v2sf) =	vpush v7, $0xF;
	[tilespmem:$0x10280] =	vst v63  }
0x253: {  	s6 =	sadd.s32 s3, s6;
	s18 =	sand.u32 $0x1FFFFFF0, s15;
	s8 =	spop (v2sf)  }
0x254: {  	[tilespmem:s0], [sflag:$0x1] =	stream.linear.gather [hbm4b:s6+s2], $0x80, $0x200038;
	[tilespmem:$0x10280] =	vst v63  }
0x255: {  	s6 =	sadd.s32 s3, s7;
	s0 =	sshll.u32 s8, $0x4;
	s7 =	spop (v2sf)  }
0x256: {  	[tilespmem:s9], [sflag:$0x1] =	stream.linear.gather [hbm4b:s6+s2], $0x80, $0x200038;
	[tilespmem:$0x10280] =	vst v63  }
.Ltmp5:
0x257: {  	(v2sf) =	vpush v8, $0xF;
	(pc) =	sbr.rel @p0 .LBB2_12-.Ltmp5, $4  }
0x258: {  	s5 =	sadd.s32 s3, s5;
	s6 =	sshll.u32 s7, $0x4;
	s7 =	spop (v2sf)  }
0x259: {  	[tilespmem:s31], [sflag:$0x1] =	stream.linear.gather [hbm4b:s5+s2], $0x80, $0x200038;
	(v2sf) =	vpush v9, $0xF;
	[tilespmem:$0x10280] =	vst v63  }
0x25a: {  	s5 =	sadd.s32 s3, s14;
	s14 =	sand.u32 $0x1FFFFFF0, s6;
	s31 =	sshll.u32 s7, $0x4  }
0x25b: {  	[tilespmem:s11], [sflag:$0x1] =	stream.linear.gather [hbm4b:s5+s2], $0x80, $0x200038;
	[tilespmem:$0x10280] =	vst v63  }
0x25c: {  	s5 =	sadd.s32 s3, s14;
	s6 =	sand.u32 $0x1FFFFFF0, s31;
	s7 =	spop (v2sf)  }
0x25d: {  	[tilespmem:s26], [sflag:$0x1] =	stream.linear.gather [hbm4b:s5+s2], $0x80, $0x200038;
	[tilespmem:$0x10280] =	vst v63  }
0x25e: {  	s0 =	sand.u32 $0x1FFFFFF0, s0;
	s26 =	sadd.s32 s3, s6;
	s31 =	sshll.u32 s7, $0x4  }
0x25f: {  	[tilespmem:s25], [sflag:$0x1] =	stream.linear.gather [hbm4b:s26+s2], $0x80, $0x200038;
	[tilespmem:$0x10280] =	vst v63  }
0x260: {  	s7 =	sadd.s32 s3, s12;
	s0 =	sadd.s32 s3, s0;
	s8 =	spop (v2sf)  }
0x261: {  	[tilespmem:s1], [sflag:$0x1] =	stream.linear.gather [hbm4b:s7+s2], $0x80, $0x200038;
	[tilespmem:$0x10280] =	vst v63  }
0x262: {  	s12 =	sadd.s32 s3, s18;
	s6 =	sand.u32 $0x1FFFFFF0, s31;
	s9 =	sshll.u32 s8, $0x4  }
0x263: {  	[tilespmem:s30], [sflag:$0x1] =	stream.linear.gather [hbm4b:s0+s2], $0x80, $0x200038;
	[tilespmem:$0x10280] =	vst v63  }
0x264: {  	s14 =	sadd.s32 s3, s6;
	s11 =	spop (v2sf);
	s1 =	sand.u32 $0x1FFFFFF0, s9  }
0x265: {  	[tilespmem:s29], [sflag:$0x1] =	stream.linear.gather [hbm4b:s12+s2], $0x80, $0x200038;
	[tilespmem:$0x10280] =	vst v63  }
0x266: {  	s5 =	sshll.u32 s11, $0x4;
	s18 =	sadd.s32 s3, s1;
	s15 =	spop (v2sf)  }
0x267: {  	[tilespmem:s28], [sflag:$0x1] =	stream.linear.gather [hbm4b:s14+s2], $0x80, $0x200038;
	[tilespmem:$0x10280] =	vst v63  }
0x268: {  	s5 =	sand.u32 $0x1FFFFFF0, s5;
	s20 =	sshll.u32 s15, $0x4;
	s22 =	spop (v2sf)  }
0x269: {  	[tilespmem:s24], [sflag:$0x1] =	stream.linear.gather [hbm4b:s18+s2], $0x80, $0x200038;
	[tilespmem:$0x10280] =	vst v63  }
0x26a: {  	s25 =	sadd.s32 s3, s5;
	s1 =	sand.u32 $0x1FFFFFF0, s20;
	s26 =	sshll.u32 s22, $0x4  }
0x26b: {  	[tilespmem:s23], [sflag:$0x1] =	stream.linear.gather [hbm4b:s25+s2], $0x80, $0x200038;
	[tilespmem:$0x10280] =	vst v63  }
0x26c: {  	s28 =	sadd.s32 $0x4900, s21;
	s1 =	sadd.s32 s3, s1;
	s5 =	sand.u32 $0x1FFFFFF0, s26  }
0x26d: {  	[tilespmem:s28], [sflag:$0x1] =	stream.linear.gather [hbm4b:s1+s2], $0x80, $0x200038;
	[tilespmem:$0x10280] =	vst v63  }
0x26e: {  	s29 =	sadd.s32 $0x4980, s21;
	s30 =	sadd.s32 s3, s5  }
0x26f: {  	[tilespmem:s29], [sflag:$0x1] =	stream.linear.gather [hbm4b:s30+s2], $0x80, $0x200038;
	[tilespmem:$0x10280] =	vst v63  }
0x270: {  	_ =	strace $0x9000004E  }
0x271: {  	_ =	strace $0x8000004F  }
0x272: {  	_ =	swait.ge [sflag:s16], $0x4000  }
0x273: {  	[sflag:s16] =	ssyncset.done $0x0  }
0x274: {  	[sflag:s16] =	ssyncadd.s32 $0xFFFFC000  }
0x275: {  	_ =	swait.ge [sflag:s17], $0x4000  }
0x276: {  	[sflag:s17] =	ssyncset.done $0x0  }
0x277: {  	[sflag:s17] =	ssyncadd.s32 $0xFFFFC000  }
0x278: {  	_ =	strace $0x9000004F  }
0x279: {  	s31 =	simm.s32 $0x0;
	_ =	strace $0x80000050  }
0x27a: {  	v6 =	vld [tilespmem:s31+$0x8230]  }
0x27b: {  	v8 =	vld [tilespmem:s31+$0x230]  }
0x27c: {  	v9 =	vld [tilespmem:s31+$0x8200]  }
0x27d: {  	v10 =	vld [tilespmem:s31+$0x200]  }
0x27e: {  	v5 =	vld [tilespmem:s31+$0x8210]  }
0x27f: {  	v7 =	vld [tilespmem:s31+$0x210]  }
0x280: {  	v4 =	vld [tilespmem:s31+$0x8220];
	v11 =	vsub.f32 v6, v8  }
0x281: {  	s0 =	simm.s32 $0x80;
	v8 =	vld [tilespmem:s31+$0x220]  }
0x282: {  	s1 =	simm.s32 $0x400;
	v6 =	vld [tilespmem:s0+$0x8230];
	v10 =	vsub.f32 v9, v10;
	v9 =	vmul.f32 v11, v11  }
.LBB2_14:
0x283: {  	p0 =	sne.s32 s1, $0xFE00;
	v11 =	vld [tilespmem:s0+$0x230]  }
0x284: {  	v12 =	vld [tilespmem:s0+$0x8200];
	v10 =	vmul.f32 v10, v10;
	v7 =	vsub.f32 v5, v7;
	v1 =	vadd.f32 v9, v1  }
0x285: {  	v9 =	vld [tilespmem:s0+$0x200]  }
.Ltmp6:
0x286: {  	v5 =	vld [tilespmem:s0+$0x8210];
	v2 =	vadd.f32 v10, v2;
	v10 =	vmul.f32 v7, v7;
	v8 =	vsub.f32 v4, v8;
	(pc) =	sbr.rel @p0 .LBB2_14-.Ltmp6, $4  }
0x287: {  	v7 =	vld [tilespmem:s0+$0x210]  }
0x288: {  	v4 =	vld [tilespmem:s0+$0x8220];
	v11 =	vsub.f32 v6, v11;
	v0 =	vadd.f32 v10, v0;
	v13 =	vmul.f32 v8, v8  }
0x289: {  	v8 =	vld [tilespmem:s0+$0x220];
	s0 =	sshra.s32 s1, $0x2  }
0x28a: {  	s1 =	sadd.s32 $0x200, s1;
	v6 =	vld [tilespmem:s0+$0x8230];
	v10 =	vsub.f32 v12, v9;
	v9 =	vmul.f32 v11, v11;
	v3 =	vadd.f32 v13, v3  }
0x28b: {  	v11 =	vld [tilespmem:s0+$0x230]  }
0x28c: {  	v12 =	vld [tilespmem:s0+$0x8200]  }
0x28d: {  	v13 =	vld [tilespmem:s0+$0x200]  }
0x28e: {  	v14 =	vld [tilespmem:s0+$0x8210]  }
0x28f: {  	v15 =	vld [tilespmem:s0+$0x210]  }
0x290: {  	v16 =	vld [tilespmem:s0+$0x8220]  }
0x291: {  	v17 =	vld [tilespmem:s0+$0x220];
	_ =	strace $0x90000050  }
0x292: {  	_ =	strace $0x80000051  }
0x293: {  	_ =	swait.ge [sflag:s16], $0x4000  }
0x294: {  	[sflag:s16] =	ssyncset.done $0x0  }
0x295: {  	[sflag:s16] =	ssyncadd.s32 $0xFFFFC000  }
0x296: {  	_ =	swait.ge [sflag:s17], $0x4000  }
0x297: {  	[sflag:s17] =	ssyncset.done $0x0  }
0x298: {  	[sflag:s17] =	ssyncadd.s32 $0xFFFFC000  }
0x299: {  	_ =	strace $0x90000051  }
0x29a: {  	s1 =	simm.s32 $0x0;
	_ =	strace $0x80000052  }
0x29b: {  	v10 =	vmul.f32 v10, v10;
	v5 =	vsub.f32 v5, v7;
	v18 =	vld [tilespmem:s1+$0xC230]  }
0x29c: {  	v1 =	vadd.f32 v9, v1;
	v4 =	vsub.f32 v4, v8;
	v8 =	vld [tilespmem:s1+$0x4230]  }
0x29d: {  	v2 =	vadd.f32 v10, v2;
	v5 =	vmul.f32 v5, v5;
	v6 =	vsub.f32 v6, v11;
	v9 =	vld [tilespmem:s1+$0xC200]  }
0x29e: {  	v7 =	vsub.f32 v12, v13;
	v10 =	vmul.f32 v4, v4;
	v11 =	vsub.f32 v14, v15;
	v62 =	vld [tilespmem:s1+$0x4200]  }
0x29f: {  	v5 =	vadd.f32 v5, v0;
	v0 =	vmul.f32 v6, v6;
	v6 =	vsub.f32 v16, v17;
	v4 =	vld [tilespmem:s1+$0xC210]  }
0x2a0: {  	v10 =	vadd.f32 v10, v3;
	v3 =	vmul.f32 v7, v7;
	v11 =	vmul.f32 v11, v11;
	v7 =	vld [tilespmem:s1+$0x4210]  }
0x2a1: {  	v0 =	vadd.f32 v0, v1;
	v1 =	vmul.f32 v6, v6;
	v6 =	vld [tilespmem:s1+$0xC220];
	v63 =	vsub.f32 v18, v8  }
0x2a2: {  	s0 =	simm.s32 $0x80;
	v2 =	vadd.f32 v3, v2;
	v3 =	vadd.f32 v11, v5;
	v8 =	vld [tilespmem:s1+$0x4220]  }
0x2a3: {  	v5 =	vld [tilespmem:s0+$0xC230];
	v1 =	vadd.f32 v1, v10;
	s1 =	simm.s32 $0x400;
	v10 =	vsub.f32 v9, v62;
	v9 =	vmul.f32 v63, v63  }
.LBB2_16:
0x2a4: {  	p0 =	sne.s32 s1, $0xFE00;
	v11 =	vld [tilespmem:s0+$0x4230]  }
0x2a5: {  	v12 =	vld [tilespmem:s0+$0xC200];
	v10 =	vmul.f32 v10, v10;
	v7 =	vsub.f32 v4, v7;
	v0 =	vadd.f32 v9, v0  }
0x2a6: {  	v9 =	vld [tilespmem:s0+$0x4200]  }
.Ltmp7:
0x2a7: {  	v4 =	vld [tilespmem:s0+$0xC210];
	v2 =	vadd.f32 v10, v2;
	v10 =	vmul.f32 v7, v7;
	v8 =	vsub.f32 v6, v8;
	(pc) =	sbr.rel @p0 .LBB2_16-.Ltmp7, $4  }
0x2a8: {  	v7 =	vld [tilespmem:s0+$0x4210]  }
0x2a9: {  	v6 =	vld [tilespmem:s0+$0xC220];
	v11 =	vsub.f32 v5, v11;
	v3 =	vadd.f32 v10, v3;
	v13 =	vmul.f32 v8, v8  }
0x2aa: {  	v8 =	vld [tilespmem:s0+$0x4220];
	s0 =	sshra.s32 s1, $0x2  }
0x2ab: {  	s1 =	sadd.s32 $0x200, s1;
	v5 =	vld [tilespmem:s0+$0xC230];
	v10 =	vsub.f32 v12, v9;
	v9 =	vmul.f32 v11, v11;
	v1 =	vadd.f32 v13, v1  }
0x2ac: {  	v11 =	vld [tilespmem:s0+$0xC200]  }
0x2ad: {  	v12 =	vld [tilespmem:s0+$0x4200]  }
0x2ae: {  	v13 =	vld [tilespmem:s0+$0xC210]  }
0x2af: {  	v14 =	vld [tilespmem:s0+$0x4210]  }
0x2b0: {  	v15 =	vld [tilespmem:s0+$0xC220]  }
0x2b1: {  	v56 =	vld [tilespmem:s0+$0x4220];
	v4 =	vsub.f32 v4, v7  }
0x2b2: {  	v16 =	vld [tilespmem:s0+$0x4230]  }
0x2b3: {  	v57 =	vmul.f32 v10, v10;
	v6 =	vsub.f32 v6, v8;
	v4 =	vmul.f32 v4, v4  }
0x2b4: {  	v58 =	vsub.f32 v11, v12;
	v59 =	vsub.f32 v13, v14  }
0x2b5: {  	v2 =	vadd.f32 v57, v2;
	v3 =	vadd.f32 v4, v3;
	v60 =	vmul.f32 v6, v6  }
0x2b6: {  	v7 =	vsub.f32 v15, v56;
	v61 =	vmul.f32 v58, v58;
	v62 =	vmul.f32 v59, v59  }
0x2b7: {  	v5 =	vsub.f32 v5, v16;
	v1 =	vadd.f32 v60, v1  }
0x2b8: {  	v63 =	vmul.f32 v7, v7;
	v2 =	vadd.f32 v61, v2;
	v3 =	vadd.f32 v62, v3  }
0x2b9: {  	v0 =	vadd.f32 v9, v0  }
0x2ba: {  	v5 =	vmul.f32 v5, v5;
	v1 =	vadd.f32 v63, v1;
	v2 =	vadd.f32 v3, v2;
	_ =	sdelay $0x1  }
0x2bb: {  	v0 =	vadd.f32 v5, v0;
	v1 =	vadd.f32 v1, v2;
	_ =	sdelay $0x1  }
0x2bc: {  	v0 =	vadd.f32 v0, v1;
	_ =	sdelay $0x1  }
0x2bd: {  	s19 =	sadd.s32 $0x1, s19;
	v0 =	vmul.f32 $9.536743160e-07, v0  }
0x2be: {  	_ =	strace $0x90000052;
	p0 =	sne.s32 s19, s10  }
.Ltmp8:
0x2bf: {  	s1 =	simm.s32 $0x10200;
	s31 =	rddreg [dreg:$0x7];
	[tilespmem:$0x10200] =	vst v0;
	(pc) =	sbr.rel @p0 .LBB2_1-.Ltmp8, $4  }
0x2c0: {  	[hbm4b:s31+s2] =	stream.linear.scatter [tilespmem:s1], [sflag:$0x3], $0x80, $0x38;
	[tilespmem:$0x10280] =	vst v63  }
0x2c1: {  	_ =	swait.ge [sflag:s13], $0x80  }
0x2c2: {  	[sflag:s13] =	ssyncset.done $0x0  }
0x2c3: {  	[sflag:s13] =	ssyncadd.s32 $0xFFFFFF80  }
0x2c4: {  	_ =	sfence.sel $0x180000  }
0x2c5: {  	[bflag:$0x0] =	sbarrier.arrive $0xFFFF  }
0x2c6: {  	_ =	strace $0x90000047  }
0x2c7: {  	s0 =	stileid.u32;
	[bflag:$0x2] =	sbarrier.arrive $0xFFFF  }
0x2c8: {  	p0 =	sne.s32 s0, $0x0;
	s0 =	rddreg [dreg:$0x2]  }
0x2c9: {  	s0 =	sadd.s32 @!p0 $0x100000, s0  }
0x2ca: {  	[sflag:s0] =	ssyncadd.tile.s32 @!p0 $0x1;
	_ =	shalt  }
.Lfunc_end2:
_tile_overlayer_lowered:
.L_overlay_start_2:
0x2cb: {  	(tag) =	ssettag $0x2  }
0x2cc: {  	s0 =	rddreg [dreg:$0x0];
	s2 =	stileid.u32  }
0x2cd: {  	s1 =	rddreg [dreg:$0x1];
	p0 =	sne.s32 s2, $0x0  }
0x2ce: {  	s3 =	rddreg [dreg:$0x2];
	[bflag:$0x3] =	sbarrier.arrive $0xFFFF;
	s2 =	simm.s32 @!p0 $0x1C03  }
0x2cf: {  	[timem:s3], [sflag:s2] =	dma.local @!p0 [hbm:s0], s1  }
0x2d0: {  	s0 =	simm.s32 @!p0 $0x3  }
0x2d1: {  	_ =	swait.ge @!p0 [sflag:s0], s1  }
0x2d2: {  	s1 =	ssub.s32 @!p0 $0x0, s1;
	[sflag:s0] =	ssyncset.done @!p0 $0x0  }
0x2d3: {  	[sflag:s0] =	ssyncadd.s32 @!p0 s1  }
0x2d4: {  	[bflag:$0x3] =	sbarrier.arrive $0xFFFF  }
0x2d5: {  	_ =	shalt  }

</sc_bundles>
